<compile_context>
chip_gen: v7x
topology: tpu7x:2x2x1
jax: 0.10.2.dev20260603
libtpu: 0.0.44.dev20260713+nightly
codegen_flags: <defaults>
</compile_context>

<pallas_src>
import functools
import jax
import jax.numpy as jnp
from jax import lax
from jax.experimental import pallas as pl
from jax.experimental.pallas import tpu as pltpu
from jax.experimental.pallas import tpu_sc as plsc

_M, _N = 128, 32768
_NC, _NS, _L = 2, 16, 16
_NW = _NC * _NS
_RPW = _M // _NW
_Q = 4
_QLEN = _N // _Q
_UNROLL = 8


def _sc_body(x_hbm, o_hbm, buf0, buf1, si0, si1, so0, so1):
    bufs = (buf0, buf1)
    sins = (si0, si1)
    souts = (so0, so1)
    wid = lax.axis_index("s") * _NC + lax.axis_index("c")
    r0 = wid * _RPW

    def compute(buf):
        def body(i, cs):
            cs = list(cs)
            base = i * (_L * _UNROLL)
            for u in range(_UNROLL):
                for q in range(_Q):
                    off = q * _QLEN + base + u * _L
                    v = buf[0, pl.ds(off, _L)]
                    s = plsc.cumsum(v)
                    buf[0, pl.ds(off, _L)] = s + cs[q]
                    cs[q] = cs[q] + s[_L - 1]
            return tuple(cs)

        totals = lax.fori_loop(0, _QLEN // (_L * _UNROLL), body,
                               (jnp.float32(0),) * _Q)

        offs = []
        acc = totals[0]
        for q in range(1, _Q):
            offs.append(acc)
            acc = acc + totals[q]

        def fix(i, _):
            base = i * (_L * _UNROLL)
            for u in range(_UNROLL):
                for q in range(1, _Q):
                    off = q * _QLEN + base + u * _L
                    buf[0, pl.ds(off, _L)] = buf[0, pl.ds(off, _L)] + offs[q - 1]
            return 0

        lax.fori_loop(0, _QLEN // (_L * _UNROLL), fix, 0)

    def start_in(ri):
        return pltpu.async_copy(
            x_hbm.at[pl.ds(r0 + ri, 1), :], bufs[ri % 2], sins[ri % 2])

    descs_in = {0: start_in(0)}
    descs_out = {}
    for ri in range(_RPW):
        b = ri % 2
        descs_in[ri].wait()
        if ri + 1 < _RPW:
            if ri - 1 >= 0:
                descs_out[ri - 1].wait()
            descs_in[ri + 1] = start_in(ri + 1)
        compute(bufs[b])
        descs_out[ri] = pltpu.async_copy(
            bufs[b], o_hbm.at[pl.ds(r0 + ri, 1), :], souts[b])
    descs_out[_RPW - 2].wait()
    descs_out[_RPW - 1].wait()


def kernel(x):
    mesh = plsc.VectorSubcoreMesh(core_axis_name="c", subcore_axis_name="s")
    f = functools.partial(
        pl.kernel,
        mesh=mesh,
        out_type=jax.ShapeDtypeStruct((_M, _N), jnp.float32),
        scratch_types=[
            pltpu.VMEM((1, _N), jnp.float32),
            pltpu.VMEM((1, _N), jnp.float32),
            pltpu.SemaphoreType.DMA,
            pltpu.SemaphoreType.DMA,
            pltpu.SemaphoreType.DMA,
            pltpu.SemaphoreType.DMA,
        ],
        compiler_params=pltpu.CompilerParams(needs_layout_passes=False),
    )(_sc_body)
    return f(x)

# --- scband reference (transcript-rebuilt; emitter-appended) ---
"""Pipeline reference for scband-model-new-23656679866810 (READ-ONLY COPY).

The authoritative reference and input builder live on the scoring server;
editing this copy changes nothing except your own understanding.
"""

import jax, jax.numpy as jnp
import numpy as np

def setup_inputs(seed: int = 0) -> dict:
    key = jax.random.key(seed)
    x = jax.random.normal(key, (128, 32768), dtype=jnp.float32)
    return {"x": x}

def reference(x) -> jnp.ndarray:
    # Inclusive cumulative sum along dim=1, matching the custom CUDA kernel.
    return jnp.cumsum(x, axis=1)

if __name__ == "__main__":
    import jax
    _d = setup_inputs()
    print(jax.jit(kernel)(*tuple(_d.values())))

</pallas_src>

<mosaic_0001>
#map = affine_map<(d0, d1) -> (0, 0)>
module attributes {stable_mosaic.version = 14 : i64} {
  func.func @_sc_body(%arg0: i32, %arg1: i32, %arg2: memref<128x32768xf32, #tpu.memory_space<hbm>>, %arg3: memref<128x32768xf32, #tpu.memory_space<hbm>>, %arg4: memref<1x32768xf32, #tpu.memory_space<vmem>>, %arg5: memref<1x32768xf32, #tpu.memory_space<vmem>>, %arg6: memref<!tpu.dma_semaphore, #tpu.memory_space<semaphore_mem>>, %arg7: memref<!tpu.dma_semaphore, #tpu.memory_space<semaphore_mem>>, %arg8: memref<!tpu.dma_semaphore, #tpu.memory_space<semaphore_mem>>, %arg9: memref<!tpu.dma_semaphore, #tpu.memory_space<semaphore_mem>>) attributes {dimension_semantics = [#tpu.dimension_semantics<core_parallel>, #tpu.dimension_semantics<subcore_parallel>], iteration_bounds = array<i64: 2, 16>, scalar_prefetch = 0 : i64, scratch_operands = 6 : i64, tpu.core_type = #tpu.core_type<sc_vector_subcore>, window_params = [{transform_indices = #map}, {transform_indices = #map}]} {
    %mul3A = arith.constant 2 : i32
    %mul3A_0 = arith.muli %arg1, %mul3A : i32
    %add3A = arith.addi %mul3A_0, %arg0 : i32
    %mul3A_1 = arith.constant 4 : i32
    %mul3A_2 = arith.muli %add3A, %mul3A_1 : i32
    %add3A_3 = arith.constant 0 : i32
    %add3A_4 = arith.addi %mul3A_2, %add3A_3 : i32
    %dma_start3A = arith.constant 0 : i32
    %dma_start3A_5 = tpu.memref_slice %arg2[%add3A_4, %dma_start3A] : memref<128x32768xf32, #tpu.memory_space<hbm>> -> memref<1x32768xf32, #tpu.memory_space<hbm>>
    %dma_start3A_6 = arith.constant 0 : i32
    %dma_start3A_7 = tpu.memref_slice %arg2[%add3A_4, %dma_start3A_6] : memref<128x32768xf32, #tpu.memory_space<hbm>> -> memref<1x32768xf32, #tpu.memory_space<hbm>>
    tpu.enqueue_dma source(%dma_start3A_7 : memref<1x32768xf32, #tpu.memory_space<hbm>>) target(%arg4 : memref<1x32768xf32, #tpu.memory_space<vmem>>) target_semaphore(%arg6 : memref<!tpu.dma_semaphore, #tpu.memory_space<semaphore_mem>>)
    %dma_wait3A = arith.constant 0 : i32
    %dma_wait3A_8 = tpu.memref_slice %arg2[%add3A_4, %dma_wait3A] : memref<128x32768xf32, #tpu.memory_space<hbm>> -> memref<1x32768xf32, #tpu.memory_space<hbm>>
    %dma_wait3A_9 = arith.constant 0 : i32
    %dma_wait3A_10 = tpu.memref_slice %arg2[%add3A_4, %dma_wait3A_9] : memref<128x32768xf32, #tpu.memory_space<hbm>> -> memref<1x32768xf32, #tpu.memory_space<hbm>>
    tpu.wait_dma2 semaphore(%arg6 : memref<!tpu.dma_semaphore, #tpu.memory_space<semaphore_mem>>) src(%dma_wait3A_10 : memref<1x32768xf32, #tpu.memory_space<hbm>>) dst(%arg4 : memref<1x32768xf32, #tpu.memory_space<vmem>>)
    %add3A_11 = arith.constant 1 : i32
    %add3A_12 = arith.addi %mul3A_2, %add3A_11 : i32
    %dma_start3A_13 = arith.constant 0 : i32
    %dma_start3A_14 = tpu.memref_slice %arg2[%add3A_12, %dma_start3A_13] : memref<128x32768xf32, #tpu.memory_space<hbm>> -> memref<1x32768xf32, #tpu.memory_space<hbm>>
    %dma_start3A_15 = arith.constant 0 : i32
    %dma_start3A_16 = tpu.memref_slice %arg2[%add3A_12, %dma_start3A_15] : memref<128x32768xf32, #tpu.memory_space<hbm>> -> memref<1x32768xf32, #tpu.memory_space<hbm>>
    tpu.enqueue_dma source(%dma_start3A_16 : memref<1x32768xf32, #tpu.memory_space<hbm>>) target(%arg5 : memref<1x32768xf32, #tpu.memory_space<vmem>>) target_semaphore(%arg7 : memref<!tpu.dma_semaphore, #tpu.memory_space<semaphore_mem>>)
    %scan3A = arith.constant 0.000000e+00 : f32
    %scan3A_17 = arith.constant 0.000000e+00 : f32
    %scan3A_18 = arith.constant 0.000000e+00 : f32
    %scan3A_19 = arith.constant 0.000000e+00 : f32
    %scan3A_20 = arith.constant 0 : i32
    %scan3A_21 = arith.constant 64 : i32
    %scan3A_22 = arith.addi %scan3A_20, %scan3A_21 : i32
    %scan3A_23 = arith.constant 1 : i32
    %scan3A_24:4 = scf.for %scan3A_160 = %scan3A_20 to %scan3A_22 step %scan3A_23 iter_args(%scan3A_161 = %scan3A, %scan3A_162 = %scan3A_17, %scan3A_163 = %scan3A_18, %scan3A_164 = %scan3A_19) -> (f32, f32, f32, f32)  : i32 {
      %mul3A_165 = arith.constant 128 : i32
      %mul3A_166 = arith.muli %scan3A_160, %mul3A_165 : i32
      %add3A_167 = arith.constant 0 : i32
      %add3A_168 = arith.addi %add3A_167, %mul3A_166 : i32
      %add3A_169 = arith.constant 0 : i32
      %add3A_170 = arith.addi %add3A_168, %add3A_169 : i32
      %get3A = arith.constant 0 : i32
      %get3A_171 = arith.index_cast %get3A : i32 to index
      %get3A_172 = arith.index_cast %add3A_170 : i32 to index
      %get3A_173 = tpu.vector_load %arg4[%get3A_171, %get3A_172] {strides = array<i32>} : memref<1x32768xf32, #tpu.memory_space<vmem>>, vector<16xf32>,
      %broadcast_in_dim3A = arith.constant true
      %broadcast_in_dim3A_174 = vector.broadcast %broadcast_in_dim3A : i1 to vector<16xi1>
      %masked_cumsum3A = tpu.scan <sum>, %get3A_173 masked %broadcast_in_dim3A_174 : vector<16xf32>, vector<16xi1> -> vector<16xf32>
      %add3A_175 = vector.broadcast %scan3A_161 : f32 to vector<16xf32>
      %add3A_176 = arith.addf %masked_cumsum3A, %add3A_175 : vector<16xf32>
      %swap3A = arith.constant 0 : i32
      %swap3A_177 = arith.index_cast %swap3A : i32 to index
      %swap3A_178 = arith.index_cast %add3A_170 : i32 to index
      %swap3A_179 = tpu.vector_load %arg4[%swap3A_177, %swap3A_178] {strides = array<i32>} : memref<1x32768xf32, #tpu.memory_space<vmem>>, vector<16xf32>,
      tpu.vector_store %arg4[%swap3A_177, %swap3A_178], %add3A_176 {strides = array<i32>} : memref<1x32768xf32, #tpu.memory_space<vmem>>, vector<16xf32>,
      %slice3A = vector.extract_strided_slice %masked_cumsum3A {offsets = [15], sizes = [1], strides = [1]} : vector<16xf32> to vector<1xf32>
      %squeeze3A = vector.extract %slice3A[0] : f32 from vector<1xf32>
      %add3A_180 = arith.addf %scan3A_161, %squeeze3A : f32
      %add3A_181 = arith.constant 8192 : i32
      %add3A_182 = arith.addi %add3A_181, %mul3A_166 : i32
      %add3A_183 = arith.constant 0 : i32
      %add3A_184 = arith.addi %add3A_182, %add3A_183 : i32
      %get3A_185 = arith.constant 0 : i32
      %get3A_186 = arith.index_cast %get3A_185 : i32 to index
      %get3A_187 = arith.index_cast %add3A_184 : i32 to index
      %get3A_188 = tpu.vector_load %arg4[%get3A_186, %get3A_187] {strides = array<i32>} : memref<1x32768xf32, #tpu.memory_space<vmem>>, vector<16xf32>,
      %broadcast_in_dim3A_189 = arith.constant true
      %broadcast_in_dim3A_190 = vector.broadcast %broadcast_in_dim3A_189 : i1 to vector<16xi1>
      %masked_cumsum3A_191 = tpu.scan <sum>, %get3A_188 masked %broadcast_in_dim3A_190 : vector<16xf32>, vector<16xi1> -> vector<16xf32>
      %add3A_192 = vector.broadcast %scan3A_162 : f32 to vector<16xf32>
      %add3A_193 = arith.addf %masked_cumsum3A_191, %add3A_192 : vector<16xf32>
      %swap3A_194 = arith.constant 0 : i32
      %swap3A_195 = arith.index_cast %swap3A_194 : i32 to index
      %swap3A_196 = arith.index_cast %add3A_184 : i32 to index
      %swap3A_197 = tpu.vector_load %arg4[%swap3A_195, %swap3A_196] {strides = array<i32>} : memref<1x32768xf32, #tpu.memory_space<vmem>>, vector<16xf32>,
      tpu.vector_store %arg4[%swap3A_195, %swap3A_196], %add3A_193 {strides = array<i32>} : memref<1x32768xf32, #tpu.memory_space<vmem>>, vector<16xf32>,
      %slice3A_198 = vector.extract_strided_slice %masked_cumsum3A_191 {offsets = [15], sizes = [1], strides = [1]} : vector<16xf32> to vector<1xf32>
      %squeeze3A_199 = vector.extract %slice3A_198[0] : f32 from vector<1xf32>
      %add3A_200 = arith.addf %scan3A_162, %squeeze3A_199 : f32
      %add3A_201 = arith.constant 16384 : i32
      %add3A_202 = arith.addi %add3A_201, %mul3A_166 : i32
      %add3A_203 = arith.constant 0 : i32
      %add3A_204 = arith.addi %add3A_202, %add3A_203 : i32
      %get3A_205 = arith.constant 0 : i32
      %get3A_206 = arith.index_cast %get3A_205 : i32 to index
      %get3A_207 = arith.index_cast %add3A_204 : i32 to index
      %get3A_208 = tpu.vector_load %arg4[%get3A_206, %get3A_207] {strides = array<i32>} : memref<1x32768xf32, #tpu.memory_space<vmem>>, vector<16xf32>,
      %broadcast_in_dim3A_209 = arith.constant true
      %broadcast_in_dim3A_210 = vector.broadcast %broadcast_in_dim3A_209 : i1 to vector<16xi1>
      %masked_cumsum3A_211 = tpu.scan <sum>, %get3A_208 masked %broadcast_in_dim3A_210 : vector<16xf32>, vector<16xi1> -> vector<16xf32>
      %add3A_212 = vector.broadcast %scan3A_163 : f32 to vector<16xf32>
      %add3A_213 = arith.addf %masked_cumsum3A_211, %add3A_212 : vector<16xf32>
      %swap3A_214 = arith.constant 0 : i32
      %swap3A_215 = arith.index_cast %swap3A_214 : i32 to index
      %swap3A_216 = arith.index_cast %add3A_204 : i32 to index
      %swap3A_217 = tpu.vector_load %arg4[%swap3A_215, %swap3A_216] {strides = array<i32>} : memref<1x32768xf32, #tpu.memory_space<vmem>>, vector<16xf32>,
      tpu.vector_store %arg4[%swap3A_215, %swap3A_216], %add3A_213 {strides = array<i32>} : memref<1x32768xf32, #tpu.memory_space<vmem>>, vector<16xf32>,
      %slice3A_218 = vector.extract_strided_slice %masked_cumsum3A_211 {offsets = [15], sizes = [1], strides = [1]} : vector<16xf32> to vector<1xf32>
      %squeeze3A_219 = vector.extract %slice3A_218[0] : f32 from vector<1xf32>
      %add3A_220 = arith.addf %scan3A_163, %squeeze3A_219 : f32
      %add3A_221 = arith.constant 24576 : i32
      %add3A_222 = arith.addi %add3A_221, %mul3A_166 : i32
      %add3A_223 = arith.constant 0 : i32
      %add3A_224 = arith.addi %add3A_222, %add3A_223 : i32
      %get3A_225 = arith.constant 0 : i32
      %get3A_226 = arith.index_cast %get3A_225 : i32 to index
      %get3A_227 = arith.index_cast %add3A_224 : i32 to index
      %get3A_228 = tpu.vector_load %arg4[%get3A_226, %get3A_227] {strides = array<i32>} : memref<1x32768xf32, #tpu.memory_space<vmem>>, vector<16xf32>,
      %broadcast_in_dim3A_229 = arith.constant true
      %broadcast_in_dim3A_230 = vector.broadcast %broadcast_in_dim3A_229 : i1 to vector<16xi1>
      %masked_cumsum3A_231 = tpu.scan <sum>, %get3A_228 masked %broadcast_in_dim3A_230 : vector<16xf32>, vector<16xi1> -> vector<16xf32>
      %add3A_232 = vector.broadcast %scan3A_164 : f32 to vector<16xf32>
      %add3A_233 = arith.addf %masked_cumsum3A_231, %add3A_232 : vector<16xf32>
      %swap3A_234 = arith.constant 0 : i32
      %swap3A_235 = arith.index_cast %swap3A_234 : i32 to index
      %swap3A_236 = arith.index_cast %add3A_224 : i32 to index
      %swap3A_237 = tpu.vector_load %arg4[%swap3A_235, %swap3A_236] {strides = array<i32>} : memref<1x32768xf32, #tpu.memory_space<vmem>>, vector<16xf32>,
      tpu.vector_store %arg4[%swap3A_235, %swap3A_236], %add3A_233 {strides = array<i32>} : memref<1x32768xf32, #tpu.memory_space<vmem>>, vector<16xf32>,
      %slice3A_238 = vector.extract_strided_slice %masked_cumsum3A_231 {offsets = [15], sizes = [1], strides = [1]} : vector<16xf32> to vector<1xf32>
      %squeeze3A_239 = vector.extract %slice3A_238[0] : f32 from vector<1xf32>
      %add3A_240 = arith.addf %scan3A_164, %squeeze3A_239 : f32
      %add3A_241 = arith.constant 0 : i32
      %add3A_242 = arith.addi %add3A_241, %mul3A_166 : i32
      %add3A_243 = arith.constant 16 : i32
      %add3A_244 = arith.addi %add3A_242, %add3A_243 : i32
      %get3A_245 = arith.constant 0 : i32
      %get3A_246 = arith.index_cast %get3A_245 : i32 to index
      %get3A_247 = arith.index_cast %add3A_244 : i32 to index
      %get3A_248 = tpu.vector_load %arg4[%get3A_246, %get3A_247] {strides = array<i32>} : memref<1x32768xf32, #tpu.memory_space<vmem>>, vector<16xf32>,
      %broadcast_in_dim3A_249 = arith.constant true
      %broadcast_in_dim3A_250 = vector.broadcast %broadcast_in_dim3A_249 : i1 to vector<16xi1>
      %masked_cumsum3A_251 = tpu.scan <sum>, %get3A_248 masked %broadcast_in_dim3A_250 : vector<16xf32>, vector<16xi1> -> vector<16xf32>
      %add3A_252 = vector.broadcast %add3A_180 : f32 to vector<16xf32>
      %add3A_253 = arith.addf %masked_cumsum3A_251, %add3A_252 : vector<16xf32>
      %swap3A_254 = arith.constant 0 : i32
      %swap3A_255 = arith.index_cast %swap3A_254 : i32 to index
      %swap3A_256 = arith.index_cast %add3A_244 : i32 to index
      %swap3A_257 = tpu.vector_load %arg4[%swap3A_255, %swap3A_256] {strides = array<i32>} : memref<1x32768xf32, #tpu.memory_space<vmem>>, vector<16xf32>,
      tpu.vector_store %arg4[%swap3A_255, %swap3A_256], %add3A_253 {strides = array<i32>} : memref<1x32768xf32, #tpu.memory_space<vmem>>, vector<16xf32>,
      %slice3A_258 = vector.extract_strided_slice %masked_cumsum3A_251 {offsets = [15], sizes = [1], strides = [1]} : vector<16xf32> to vector<1xf32>
      %squeeze3A_259 = vector.extract %slice3A_258[0] : f32 from vector<1xf32>
      %add3A_260 = arith.addf %add3A_180, %squeeze3A_259 : f32
      %add3A_261 = arith.constant 8192 : i32
      %add3A_262 = arith.addi %add3A_261, %mul3A_166 : i32
      %add3A_263 = arith.constant 16 : i32
      %add3A_264 = arith.addi %add3A_262, %add3A_263 : i32
      %get3A_265 = arith.constant 0 : i32
      %get3A_266 = arith.index_cast %get3A_265 : i32 to index
      %get3A_267 = arith.index_cast %add3A_264 : i32 to index
      %get3A_268 = tpu.vector_load %arg4[%get3A_266, %get3A_267] {strides = array<i32>} : memref<1x32768xf32, #tpu.memory_space<vmem>>, vector<16xf32>,
      %broadcast_in_dim3A_269 = arith.constant true
      %broadcast_in_dim3A_270 = vector.broadcast %broadcast_in_dim3A_269 : i1 to vector<16xi1>
      %masked_cumsum3A_271 = tpu.scan <sum>, %get3A_268 masked %broadcast_in_dim3A_270 : vector<16xf32>, vector<16xi1> -> vector<16xf32>
      %add3A_272 = vector.broadcast %add3A_200 : f32 to vector<16xf32>
      %add3A_273 = arith.addf %masked_cumsum3A_271, %add3A_272 : vector<16xf32>
      %swap3A_274 = arith.constant 0 : i32
      %swap3A_275 = arith.index_cast %swap3A_274 : i32 to index
      %swap3A_276 = arith.index_cast %add3A_264 : i32 to index
      %swap3A_277 = tpu.vector_load %arg4[%swap3A_275, %swap3A_276] {strides = array<i32>} : memref<1x32768xf32, #tpu.memory_space<vmem>>, vector<16xf32>,
      tpu.vector_store %arg4[%swap3A_275, %swap3A_276], %add3A_273 {strides = array<i32>} : memref<1x32768xf32, #tpu.memory_space<vmem>>, vector<16xf32>,
      %slice3A_278 = vector.extract_strided_slice %masked_cumsum3A_271 {offsets = [15], sizes = [1], strides = [1]} : vector<16xf32> to vector<1xf32>
      %squeeze3A_279 = vector.extract %slice3A_278[0] : f32 from vector<1xf32>
      %add3A_280 = arith.addf %add3A_200, %squeeze3A_279 : f32
      %add3A_281 = arith.constant 16384 : i32
      %add3A_282 = arith.addi %add3A_281, %mul3A_166 : i32
      %add3A_283 = arith.constant 16 : i32
      %add3A_284 = arith.addi %add3A_282, %add3A_283 : i32
      %get3A_285 = arith.constant 0 : i32
      %get3A_286 = arith.index_cast %get3A_285 : i32 to index
      %get3A_287 = arith.index_cast %add3A_284 : i32 to index
      %get3A_288 = tpu.vector_load %arg4[%get3A_286, %get3A_287] {strides = array<i32>} : memref<1x32768xf32, #tpu.memory_space<vmem>>, vector<16xf32>,
      %broadcast_in_dim3A_289 = arith.constant true
      %broadcast_in_dim3A_290 = vector.broadcast %broadcast_in_dim3A_289 : i1 to vector<16xi1>
      %masked_cumsum3A_291 = tpu.scan <sum>, %get3A_288 masked %broadcast_in_dim3A_290 : vector<16xf32>, vector<16xi1> -> vector<16xf32>
      %add3A_292 = vector.broadcast %add3A_220 : f32 to vector<16xf32>
      %add3A_293 = arith.addf %masked_cumsum3A_291, %add3A_292 : vector<16xf32>
      %swap3A_294 = arith.constant 0 : i32
      %swap3A_295 = arith.index_cast %swap3A_294 : i32 to index
      %swap3A_296 = arith.index_cast %add3A_284 : i32 to index
      %swap3A_297 = tpu.vector_load %arg4[%swap3A_295, %swap3A_296] {strides = array<i32>} : memref<1x32768xf32, #tpu.memory_space<vmem>>, vector<16xf32>,
      tpu.vector_store %arg4[%swap3A_295, %swap3A_296], %add3A_293 {strides = array<i32>} : memref<1x32768xf32, #tpu.memory_space<vmem>>, vector<16xf32>,
      %slice3A_298 = vector.extract_strided_slice %masked_cumsum3A_291 {offsets = [15], sizes = [1], strides = [1]} : vector<16xf32> to vector<1xf32>
      %squeeze3A_299 = vector.extract %slice3A_298[0] : f32 from vector<1xf32>
      %add3A_300 = arith.addf %add3A_220, %squeeze3A_299 : f32
      %add3A_301 = arith.constant 24576 : i32
      %add3A_302 = arith.addi %add3A_301, %mul3A_166 : i32
      %add3A_303 = arith.constant 16 : i32
      %add3A_304 = arith.addi %add3A_302, %add3A_303 : i32
      %get3A_305 = arith.constant 0 : i32
      %get3A_306 = arith.index_cast %get3A_305 : i32 to index
      %get3A_307 = arith.index_cast %add3A_304 : i32 to index
      %get3A_308 = tpu.vector_load %arg4[%get3A_306, %get3A_307] {strides = array<i32>} : memref<1x32768xf32, #tpu.memory_space<vmem>>, vector<16xf32>,
      %broadcast_in_dim3A_309 = arith.constant true
      %broadcast_in_dim3A_310 = vector.broadcast %broadcast_in_dim3A_309 : i1 to vector<16xi1>
      %masked_cumsum3A_311 = tpu.scan <sum>, %get3A_308 masked %broadcast_in_dim3A_310 : vector<16xf32>, vector<16xi1> -> vector<16xf32>
      %add3A_312 = vector.broadcast %add3A_240 : f32 to vector<16xf32>
      %add3A_313 = arith.addf %masked_cumsum3A_311, %add3A_312 : vector<16xf32>
      %swap3A_314 = arith.constant 0 : i32
      %swap3A_315 = arith.index_cast %swap3A_314 : i32 to index
      %swap3A_316 = arith.index_cast %add3A_304 : i32 to index
      %swap3A_317 = tpu.vector_load %arg4[%swap3A_315, %swap3A_316] {strides = array<i32>} : memref<1x32768xf32, #tpu.memory_space<vmem>>, vector<16xf32>,
      tpu.vector_store %arg4[%swap3A_315, %swap3A_316], %add3A_313 {strides = array<i32>} : memref<1x32768xf32, #tpu.memory_space<vmem>>, vector<16xf32>,
      %slice3A_318 = vector.extract_strided_slice %masked_cumsum3A_311 {offsets = [15], sizes = [1], strides = [1]} : vector<16xf32> to vector<1xf32>
      %squeeze3A_319 = vector.extract %slice3A_318[0] : f32 from vector<1xf32>
      %add3A_320 = arith.addf %add3A_240, %squeeze3A_319 : f32
      %add3A_321 = arith.constant 0 : i32
      %add3A_322 = arith.addi %add3A_321, %mul3A_166 : i32
      %add3A_323 = arith.constant 32 : i32
      %add3A_324 = arith.addi %add3A_322, %add3A_323 : i32
      %get3A_325 = arith.constant 0 : i32
      %get3A_326 = arith.index_cast %get3A_325 : i32 to index
      %get3A_327 = arith.index_cast %add3A_324 : i32 to index
      %get3A_328 = tpu.vector_load %arg4[%get3A_326, %get3A_327] {strides = array<i32>} : memref<1x32768xf32, #tpu.memory_space<vmem>>, vector<16xf32>,
      %broadcast_in_dim3A_329 = arith.constant true
      %broadcast_in_dim3A_330 = vector.broadcast %broadcast_in_dim3A_329 : i1 to vector<16xi1>
      %masked_cumsum3A_331 = tpu.scan <sum>, %get3A_328 masked %broadcast_in_dim3A_330 : vector<16xf32>, vector<16xi1> -> vector<16xf32>
      %add3A_332 = vector.broadcast %add3A_260 : f32 to vector<16xf32>
      %add3A_333 = arith.addf %masked_cumsum3A_331, %add3A_332 : vector<16xf32>
      %swap3A_334 = arith.constant 0 : i32
      %swap3A_335 = arith.index_cast %swap3A_334 : i32 to index
      %swap3A_336 = arith.index_cast %add3A_324 : i32 to index
      %swap3A_337 = tpu.vector_load %arg4[%swap3A_335, %swap3A_336] {strides = array<i32>} : memref<1x32768xf32, #tpu.memory_space<vmem>>, vector<16xf32>,
      tpu.vector_store %arg4[%swap3A_335, %swap3A_336], %add3A_333 {strides = array<i32>} : memref<1x32768xf32, #tpu.memory_space<vmem>>, vector<16xf32>,
      %slice3A_338 = vector.extract_strided_slice %masked_cumsum3A_331 {offsets = [15], sizes = [1], strides = [1]} : vector<16xf32> to vector<1xf32>
      %squeeze3A_339 = vector.extract %slice3A_338[0] : f32 from vector<1xf32>
      %add3A_340 = arith.addf %add3A_260, %squeeze3A_339 : f32
      %add3A_341 = arith.constant 8192 : i32
      %add3A_342 = arith.addi %add3A_341, %mul3A_166 : i32
      %add3A_343 = arith.constant 32 : i32
      %add3A_344 = arith.addi %add3A_342, %add3A_343 : i32
      %get3A_345 = arith.constant 0 : i32
      %get3A_346 = arith.index_cast %get3A_345 : i32 to index
      %get3A_347 = arith.index_cast %add3A_344 : i32 to index
      %get3A_348 = tpu.vector_load %arg4[%get3A_346, %get3A_347] {strides = array<i32>} : memref<1x32768xf32, #tpu.memory_space<vmem>>, vector<16xf32>,
      %broadcast_in_dim3A_349 = arith.constant true
      %broadcast_in_dim3A_350 = vector.broadcast %broadcast_in_dim3A_349 : i1 to vector<16xi1>
      %masked_cumsum3A_351 = tpu.scan <sum>, %get3A_348 masked %broadcast_in_dim3A_350 : vector<16xf32>, vector<16xi1> -> vector<16xf32>
      %add3A_352 = vector.broadcast %add3A_280 : f32 to vector<16xf32>
      %add3A_353 = arith.addf %masked_cumsum3A_351, %add3A_352 : vector<16xf32>
      %swap3A_354 = arith.constant 0 : i32
      %swap3A_355 = arith.index_cast %swap3A_354 : i32 to index
      %swap3A_356 = arith.index_cast %add3A_344 : i32 to index
      %swap3A_357 = tpu.vector_load %arg4[%swap3A_355, %swap3A_356] {strides = array<i32>} : memref<1x32768xf32, #tpu.memory_space<vmem>>, vector<16xf32>,
      tpu.vector_store %arg4[%swap3A_355, %swap3A_356], %add3A_353 {strides = array<i32>} : memref<1x32768xf32, #tpu.memory_space<vmem>>, vector<16xf32>,
      %slice3A_358 = vector.extract_strided_slice %masked_cumsum3A_351 {offsets = [15], sizes = [1], strides = [1]} : vector<16xf32> to vector<1xf32>
      %squeeze3A_359 = vector.extract %slice3A_358[0] : f32 from vector<1xf32>
      %add3A_360 = arith.addf %add3A_280, %squeeze3A_359 : f32
      %add3A_361 = arith.constant 16384 : i32
      %add3A_362 = arith.addi %add3A_361, %mul3A_166 : i32
      %add3A_363 = arith.constant 32 : i32
      %add3A_364 = arith.addi %add3A_362, %add3A_363 : i32
      %get3A_365 = arith.constant 0 : i32
      %get3A_366 = arith.index_cast %get3A_365 : i32 to index
      %get3A_367 = arith.index_cast %add3A_364 : i32 to index
      %get3A_368 = tpu.vector_load %arg4[%get3A_366, %get3A_367] {strides = array<i32>} : memref<1x32768xf32, #tpu.memory_space<vmem>>, vector<16xf32>,
      %broadcast_in_dim3A_369 = arith.constant true
      %broadcast_in_dim3A_370 = vector.broadcast %broadcast_in_dim3A_369 : i1 to vector<16xi1>
      %masked_cumsum3A_371 = tpu.scan <sum>, %get3A_368 masked %broadcast_in_dim3A_370 : vector<16xf32>, vector<16xi1> -> vector<16xf32>
      %add3A_372 = vector.broadcast %add3A_300 : f32 to vector<16xf32>
      %add3A_373 = arith.addf %masked_cumsum3A_371, %add3A_372 : vector<16xf32>
      %swap3A_374 = arith.constant 0 : i32
      %swap3A_375 = arith.index_cast %swap3A_374 : i32 to index
      %swap3A_376 = arith.index_cast %add3A_364 : i32 to index
      %swap3A_377 = tpu.vector_load %arg4[%swap3A_375, %swap3A_376] {strides = array<i32>} : memref<1x32768xf32, #tpu.memory_space<vmem>>, vector<16xf32>,
      tpu.vector_store %arg4[%swap3A_375, %swap3A_376], %add3A_373 {strides = array<i32>} : memref<1x32768xf32, #tpu.memory_space<vmem>>, vector<16xf32>,
      %slice3A_378 = vector.extract_strided_slice %masked_cumsum3A_371 {offsets = [15], sizes = [1], strides = [1]} : vector<16xf32> to vector<1xf32>
      %squeeze3A_379 = vector.extract %slice3A_378[0] : f32 from vector<1xf32>
      %add3A_380 = arith.addf %add3A_300, %squeeze3A_379 : f32
      %add3A_381 = arith.constant 24576 : i32
      %add3A_382 = arith.addi %add3A_381, %mul3A_166 : i32
      %add3A_383 = arith.constant 32 : i32
      %add3A_384 = arith.addi %add3A_382, %add3A_383 : i32
      %get3A_385 = arith.constant 0 : i32
      %get3A_386 = arith.index_cast %get3A_385 : i32 to index
      %get3A_387 = arith.index_cast %add3A_384 : i32 to index
      %get3A_388 = tpu.vector_load %arg4[%get3A_386, %get3A_387] {strides = array<i32>} : memref<1x32768xf32, #tpu.memory_space<vmem>>, vector<16xf32>,
      %broadcast_in_dim3A_389 = arith.constant true
      %broadcast_in_dim3A_390 = vector.broadcast %broadcast_in_dim3A_389 : i1 to vector<16xi1>
      %masked_cumsum3A_391 = tpu.scan <sum>, %get3A_388 masked %broadcast_in_dim3A_390 : vector<16xf32>, vector<16xi1> -> vector<16xf32>
      %add3A_392 = vector.broadcast %add3A_320 : f32 to vector<16xf32>
      %add3A_393 = arith.addf %masked_cumsum3A_391, %add3A_392 : vector<16xf32>
      %swap3A_394 = arith.constant 0 : i32
      %swap3A_395 = arith.index_cast %swap3A_394 : i32 to index
      %swap3A_396 = arith.index_cast %add3A_384 : i32 to index
      %swap3A_397 = tpu.vector_load %arg4[%swap3A_395, %swap3A_396] {strides = array<i32>} : memref<1x32768xf32, #tpu.memory_space<vmem>>, vector<16xf32>,
      tpu.vector_store %arg4[%swap3A_395, %swap3A_396], %add3A_393 {strides = array<i32>} : memref<1x32768xf32, #tpu.memory_space<vmem>>, vector<16xf32>,
      %slice3A_398 = vector.extract_strided_slice %masked_cumsum3A_391 {offsets = [15], sizes = [1], strides = [1]} : vector<16xf32> to vector<1xf32>
      %squeeze3A_399 = vector.extract %slice3A_398[0] : f32 from vector<1xf32>
      %add3A_400 = arith.addf %add3A_320, %squeeze3A_399 : f32
      %add3A_401 = arith.constant 0 : i32
      %add3A_402 = arith.addi %add3A_401, %mul3A_166 : i32
      %add3A_403 = arith.constant 48 : i32
      %add3A_404 = arith.addi %add3A_402, %add3A_403 : i32
      %get3A_405 = arith.constant 0 : i32
      %get3A_406 = arith.index_cast %get3A_405 : i32 to index
      %get3A_407 = arith.index_cast %add3A_404 : i32 to index
      %get3A_408 = tpu.vector_load %arg4[%get3A_406, %get3A_407] {strides = array<i32>} : memref<1x32768xf32, #tpu.memory_space<vmem>>, vector<16xf32>,
      %broadcast_in_dim3A_409 = arith.constant true
      %broadcast_in_dim3A_410 = vector.broadcast %broadcast_in_dim3A_409 : i1 to vector<16xi1>
      %masked_cumsum3A_411 = tpu.scan <sum>, %get3A_408 masked %broadcast_in_dim3A_410 : vector<16xf32>, vector<16xi1> -> vector<16xf32>
      %add3A_412 = vector.broadcast %add3A_340 : f32 to vector<16xf32>
      %add3A_413 = arith.addf %masked_cumsum3A_411, %add3A_412 : vector<16xf32>
      %swap3A_414 = arith.constant 0 : i32
      %swap3A_415 = arith.index_cast %swap3A_414 : i32 to index
      %swap3A_416 = arith.index_cast %add3A_404 : i32 to index
      %swap3A_417 = tpu.vector_load %arg4[%swap3A_415, %swap3A_416] {strides = array<i32>} : memref<1x32768xf32, #tpu.memory_space<vmem>>, vector<16xf32>,
      tpu.vector_store %arg4[%swap3A_415, %swap3A_416], %add3A_413 {strides = array<i32>} : memref<1x32768xf32, #tpu.memory_space<vmem>>, vector<16xf32>,
      %slice3A_418 = vector.extract_strided_slice %masked_cumsum3A_411 {offsets = [15], sizes = [1], strides = [1]} : vector<16xf32> to vector<1xf32>
      %squeeze3A_419 = vector.extract %slice3A_418[0] : f32 from vector<1xf32>
      %add3A_420 = arith.addf %add3A_340, %squeeze3A_419 : f32
      %add3A_421 = arith.constant 8192 : i32
      %add3A_422 = arith.addi %add3A_421, %mul3A_166 : i32
      %add3A_423 = arith.constant 48 : i32
      %add3A_424 = arith.addi %add3A_422, %add3A_423 : i32
      %get3A_425 = arith.constant 0 : i32
      %get3A_426 = arith.index_cast %get3A_425 : i32 to index
      %get3A_427 = arith.index_cast %add3A_424 : i32 to index
      %get3A_428 = tpu.vector_load %arg4[%get3A_426, %get3A_427] {strides = array<i32>} : memref<1x32768xf32, #tpu.memory_space<vmem>>, vector<16xf32>,
      %broadcast_in_dim3A_429 = arith.constant true
      %broadcast_in_dim3A_430 = vector.broadcast %broadcast_in_dim3A_429 : i1 to vector<16xi1>
      %masked_cumsum3A_431 = tpu.scan <sum>, %get3A_428 masked %broadcast_in_dim3A_430 : vector<16xf32>, vector<16xi1> -> vector<16xf32>
      %add3A_432 = vector.broadcast %add3A_360 : f32 to vector<16xf32>
      %add3A_433 = arith.addf %masked_cumsum3A_431, %add3A_432 : vector<16xf32>
      %swap3A_434 = arith.constant 0 : i32
      %swap3A_435 = arith.index_cast %swap3A_434 : i32 to index
      %swap3A_436 = arith.index_cast %add3A_424 : i32 to index
      %swap3A_437 = tpu.vector_load %arg4[%swap3A_435, %swap3A_436] {strides = array<i32>} : memref<1x32768xf32, #tpu.memory_space<vmem>>, vector<16xf32>,
      tpu.vector_store %arg4[%swap3A_435, %swap3A_436], %add3A_433 {strides = array<i32>} : memref<1x32768xf32, #tpu.memory_space<vmem>>, vector<16xf32>,
      %slice3A_438 = vector.extract_strided_slice %masked_cumsum3A_431 {offsets = [15], sizes = [1], strides = [1]} : vector<16xf32> to vector<1xf32>
      %squeeze3A_439 = vector.extract %slice3A_438[0] : f32 from vector<1xf32>
      %add3A_440 = arith.addf %add3A_360, %squeeze3A_439 : f32
      %add3A_441 = arith.constant 16384 : i32
      %add3A_442 = arith.addi %add3A_441, %mul3A_166 : i32
      %add3A_443 = arith.constant 48 : i32
      %add3A_444 = arith.addi %add3A_442, %add3A_443 : i32
      %get3A_445 = arith.constant 0 : i32
      %get3A_446 = arith.index_cast %get3A_445 : i32 to index
      %get3A_447 = arith.index_cast %add3A_444 : i32 to index
      %get3A_448 = tpu.vector_load %arg4[%get3A_446, %get3A_447] {strides = array<i32>} : memref<1x32768xf32, #tpu.memory_space<vmem>>, vector<16xf32>,
      %broadcast_in_dim3A_449 = arith.constant true
      %broadcast_in_dim3A_450 = vector.broadcast %broadcast_in_dim3A_449 : i1 to vector<16xi1>
      %masked_cumsum3A_451 = tpu.scan <sum>, %get3A_448 masked %broadcast_in_dim3A_450 : vector<16xf32>, vector<16xi1> -> vector<16xf32>
      %add3A_452 = vector.broadcast %add3A_380 : f32 to vector<16xf32>
      %add3A_453 = arith.addf %masked_cumsum3A_451, %add3A_452 : vector<16xf32>
      %swap3A_454 = arith.constant 0 : i32
      %swap3A_455 = arith.index_cast %swap3A_454 : i32 to index
      %swap3A_456 = arith.index_cast %add3A_444 : i32 to index
      %swap3A_457 = tpu.vector_load %arg4[%swap3A_455, %swap3A_456] {strides = array<i32>} : memref<1x32768xf32, #tpu.memory_space<vmem>>, vector<16xf32>,
      tpu.vector_store %arg4[%swap3A_455, %swap3A_456], %add3A_453 {strides = array<i32>} : memref<1x32768xf32, #tpu.memory_space<vmem>>, vector<16xf32>,
      %slice3A_458 = vector.extract_strided_slice %masked_cumsum3A_451 {offsets = [15], sizes = [1], strides = [1]} : vector<16xf32> to vector<1xf32>
      %squeeze3A_459 = vector.extract %slice3A_458[0] : f32 from vector<1xf32>
      %add3A_460 = arith.addf %add3A_380, %squeeze3A_459 : f32
      %add3A_461 = arith.constant 24576 : i32
      %add3A_462 = arith.addi %add3A_461, %mul3A_166 : i32
      %add3A_463 = arith.constant 48 : i32
      %add3A_464 = arith.addi %add3A_462, %add3A_463 : i32
      %get3A_465 = arith.constant 0 : i32
      %get3A_466 = arith.index_cast %get3A_465 : i32 to index
      %get3A_467 = arith.index_cast %add3A_464 : i32 to index
      %get3A_468 = tpu.vector_load %arg4[%get3A_466, %get3A_467] {strides = array<i32>} : memref<1x32768xf32, #tpu.memory_space<vmem>>, vector<16xf32>,
      %broadcast_in_dim3A_469 = arith.constant true
      %broadcast_in_dim3A_470 = vector.broadcast %broadcast_in_dim3A_469 : i1 to vector<16xi1>
      %masked_cumsum3A_471 = tpu.scan <sum>, %get3A_468 masked %broadcast_in_dim3A_470 : vector<16xf32>, vector<16xi1> -> vector<16xf32>
      %add3A_472 = vector.broadcast %add3A_400 : f32 to vector<16xf32>
      %add3A_473 = arith.addf %masked_cumsum3A_471, %add3A_472 : vector<16xf32>
      %swap3A_474 = arith.constant 0 : i32
      %swap3A_475 = arith.index_cast %swap3A_474 : i32 to index
      %swap3A_476 = arith.index_cast %add3A_464 : i32 to index
      %swap3A_477 = tpu.vector_load %arg4[%swap3A_475, %swap3A_476] {strides = array<i32>} : memref<1x32768xf32, #tpu.memory_space<vmem>>, vector<16xf32>,
      tpu.vector_store %arg4[%swap3A_475, %swap3A_476], %add3A_473 {strides = array<i32>} : memref<1x32768xf32, #tpu.memory_space<vmem>>, vector<16xf32>,
      %slice3A_478 = vector.extract_strided_slice %masked_cumsum3A_471 {offsets = [15], sizes = [1], strides = [1]} : vector<16xf32> to vector<1xf32>
      %squeeze3A_479 = vector.extract %slice3A_478[0] : f32 from vector<1xf32>
      %add3A_480 = arith.addf %add3A_400, %squeeze3A_479 : f32
      %add3A_481 = arith.constant 0 : i32
      %add3A_482 = arith.addi %add3A_481, %mul3A_166 : i32
      %add3A_483 = arith.constant 64 : i32
      %add3A_484 = arith.addi %add3A_482, %add3A_483 : i32
      %get3A_485 = arith.constant 0 : i32
      %get3A_486 = arith.index_cast %get3A_485 : i32 to index
      %get3A_487 = arith.index_cast %add3A_484 : i32 to index
      %get3A_488 = tpu.vector_load %arg4[%get3A_486, %get3A_487] {strides = array<i32>} : memref<1x32768xf32, #tpu.memory_space<vmem>>, vector<16xf32>,
      %broadcast_in_dim3A_489 = arith.constant true
      %broadcast_in_dim3A_490 = vector.broadcast %broadcast_in_dim3A_489 : i1 to vector<16xi1>
      %masked_cumsum3A_491 = tpu.scan <sum>, %get3A_488 masked %broadcast_in_dim3A_490 : vector<16xf32>, vector<16xi1> -> vector<16xf32>
      %add3A_492 = vector.broadcast %add3A_420 : f32 to vector<16xf32>
      %add3A_493 = arith.addf %masked_cumsum3A_491, %add3A_492 : vector<16xf32>
      %swap3A_494 = arith.constant 0 : i32
      %swap3A_495 = arith.index_cast %swap3A_494 : i32 to index
      %swap3A_496 = arith.index_cast %add3A_484 : i32 to index
      %swap3A_497 = tpu.vector_load %arg4[%swap3A_495, %swap3A_496] {strides = array<i32>} : memref<1x32768xf32, #tpu.memory_space<vmem>>, vector<16xf32>,
      tpu.vector_store %arg4[%swap3A_495, %swap3A_496], %add3A_493 {strides = array<i32>} : memref<1x32768xf32, #tpu.memory_space<vmem>>, vector<16xf32>,
      %slice3A_498 = vector.extract_strided_slice %masked_cumsum3A_491 {offsets = [15], sizes = [1], strides = [1]} : vector<16xf32> to vector<1xf32>
      %squeeze3A_499 = vector.extract %slice3A_498[0] : f32 from vector<1xf32>
      %add3A_500 = arith.addf %add3A_420, %squeeze3A_499 : f32
      %add3A_501 = arith.constant 8192 : i32
      %add3A_502 = arith.addi %add3A_501, %mul3A_166 : i32
      %add3A_503 = arith.constant 64 : i32
      %add3A_504 = arith.addi %add3A_502, %add3A_503 : i32
      %get3A_505 = arith.constant 0 : i32
      %get3A_506 = arith.index_cast %get3A_505 : i32 to index
      %get3A_507 = arith.index_cast %add3A_504 : i32 to index
      %get3A_508 = tpu.vector_load %arg4[%get3A_506, %get3A_507] {strides = array<i32>} : memref<1x32768xf32, #tpu.memory_space<vmem>>, vector<16xf32>,
      %broadcast_in_dim3A_509 = arith.constant true
      %broadcast_in_dim3A_510 = vector.broadcast %broadcast_in_dim3A_509 : i1 to vector<16xi1>
      %masked_cumsum3A_511 = tpu.scan <sum>, %get3A_508 masked %broadcast_in_dim3A_510 : vector<16xf32>, vector<16xi1> -> vector<16xf32>
      %add3A_512 = vector.broadcast %add3A_440 : f32 to vector<16xf32>
      %add3A_513 = arith.addf %masked_cumsum3A_511, %add3A_512 : vector<16xf32>
      %swap3A_514 = arith.constant 0 : i32
      %swap3A_515 = arith.index_cast %swap3A_514 : i32 to index
      %swap3A_516 = arith.index_cast %add3A_504 : i32 to index
      %swap3A_517 = tpu.vector_load %arg4[%swap3A_515, %swap3A_516] {strides = array<i32>} : memref<1x32768xf32, #tpu.memory_space<vmem>>, vector<16xf32>,
      tpu.vector_store %arg4[%swap3A_515, %swap3A_516], %add3A_513 {strides = array<i32>} : memref<1x32768xf32, #tpu.memory_space<vmem>>, vector<16xf32>,
      %slice3A_518 = vector.extract_strided_slice %masked_cumsum3A_511 {offsets = [15], sizes = [1], strides = [1]} : vector<16xf32> to vector<1xf32>
      %squeeze3A_519 = vector.extract %slice3A_518[0] : f32 from vector<1xf32>
      %add3A_520 = arith.addf %add3A_440, %squeeze3A_519 : f32
      %add3A_521 = arith.constant 16384 : i32
      %add3A_522 = arith.addi %add3A_521, %mul3A_166 : i32
      %add3A_523 = arith.constant 64 : i32
      %add3A_524 = arith.addi %add3A_522, %add3A_523 : i32
      %get3A_525 = arith.constant 0 : i32
      %get3A_526 = arith.index_cast %get3A_525 : i32 to index
      %get3A_527 = arith.index_cast %add3A_524 : i32 to index
      %get3A_528 = tpu.vector_load %arg4[%get3A_526, %get3A_527] {strides = array<i32>} : memref<1x32768xf32, #tpu.memory_space<vmem>>, vector<16xf32>,
      %broadcast_in_dim3A_529 = arith.constant true
      %broadcast_in_dim3A_530 = vector.broadcast %broadcast_in_dim3A_529 : i1 to vector<16xi1>
      %masked_cumsum3A_531 = tpu.scan <sum>, %get3A_528 masked %broadcast_in_dim3A_530 : vector<16xf32>, vector<16xi1> -> vector<16xf32>
      %add3A_532 = vector.broadcast %add3A_460 : f32 to vector<16xf32>
      %add3A_533 = arith.addf %masked_cumsum3A_531, %add3A_532 : vector<16xf32>
      %swap3A_534 = arith.constant 0 : i32
      %swap3A_535 = arith.index_cast %swap3A_534 : i32 to index
      %swap3A_536 = arith.index_cast %add3A_524 : i32 to index
      %swap3A_537 = tpu.vector_load %arg4[%swap3A_535, %swap3A_536] {strides = array<i32>} : memref<1x32768xf32, #tpu.memory_space<vmem>>, vector<16xf32>,
      tpu.vector_store %arg4[%swap3A_535, %swap3A_536], %add3A_533 {strides = array<i32>} : memref<1x32768xf32, #tpu.memory_space<vmem>>, vector<16xf32>,
      %slice3A_538 = vector.extract_strided_slice %masked_cumsum3A_531 {offsets = [15], sizes = [1], strides = [1]} : vector<16xf32> to vector<1xf32>
      %squeeze3A_539 = vector.extract %slice3A_538[0] : f32 from vector<1xf32>
      %add3A_540 = arith.addf %add3A_460, %squeeze3A_539 : f32
      %add3A_541 = arith.constant 24576 : i32
      %add3A_542 = arith.addi %add3A_541, %mul3A_166 : i32
      %add3A_543 = arith.constant 64 : i32
      %add3A_544 = arith.addi %add3A_542, %add3A_543 : i32
      %get3A_545 = arith.constant 0 : i32
      %get3A_546 = arith.index_cast %get3A_545 : i32 to index
      %get3A_547 = arith.index_cast %add3A_544 : i32 to index
      %get3A_548 = tpu.vector_load %arg4[%get3A_546, %get3A_547] {strides = array<i32>} : memref<1x32768xf32, #tpu.memory_space<vmem>>, vector<16xf32>,
      %broadcast_in_dim3A_549 = arith.constant true
      %broadcast_in_dim3A_550 = vector.broadcast %broadcast_in_dim3A_549 : i1 to vector<16xi1>
      %masked_cumsum3A_551 = tpu.scan <sum>, %get3A_548 masked %broadcast_in_dim3A_550 : vector<16xf32>, vector<16xi1> -> vector<16xf32>
      %add3A_552 = vector.broadcast %add3A_480 : f32 to vector<16xf32>
      %add3A_553 = arith.addf %masked_cumsum3A_551, %add3A_552 : vector<16xf32>
      %swap3A_554 = arith.constant 0 : i32
      %swap3A_555 = arith.index_cast %swap3A_554 : i32 to index
      %swap3A_556 = arith.index_cast %add3A_544 : i32 to index
      %swap3A_557 = tpu.vector_load %arg4[%swap3A_555, %swap3A_556] {strides = array<i32>} : memref<1x32768xf32, #tpu.memory_space<vmem>>, vector<16xf32>,
      tpu.vector_store %arg4[%swap3A_555, %swap3A_556], %add3A_553 {strides = array<i32>} : memref<1x32768xf32, #tpu.memory_space<vmem>>, vector<16xf32>,
      %slice3A_558 = vector.extract_strided_slice %masked_cumsum3A_551 {offsets = [15], sizes = [1], strides = [1]} : vector<16xf32> to vector<1xf32>
      %squeeze3A_559 = vector.extract %slice3A_558[0] : f32 from vector<1xf32>
      %add3A_560 = arith.addf %add3A_480, %squeeze3A_559 : f32
      %add3A_561 = arith.constant 0 : i32
      %add3A_562 = arith.addi %add3A_561, %mul3A_166 : i32
      %add3A_563 = arith.constant 80 : i32
      %add3A_564 = arith.addi %add3A_562, %add3A_563 : i32
      %get3A_565 = arith.constant 0 : i32
      %get3A_566 = arith.index_cast %get3A_565 : i32 to index
      %get3A_567 = arith.index_cast %add3A_564 : i32 to index
      %get3A_568 = tpu.vector_load %arg4[%get3A_566, %get3A_567] {strides = array<i32>} : memref<1x32768xf32, #tpu.memory_space<vmem>>, vector<16xf32>,
      %broadcast_in_dim3A_569 = arith.constant true
      %broadcast_in_dim3A_570 = vector.broadcast %broadcast_in_dim3A_569 : i1 to vector<16xi1>
      %masked_cumsum3A_571 = tpu.scan <sum>, %get3A_568 masked %broadcast_in_dim3A_570 : vector<16xf32>, vector<16xi1> -> vector<16xf32>
      %add3A_572 = vector.broadcast %add3A_500 : f32 to vector<16xf32>
      %add3A_573 = arith.addf %masked_cumsum3A_571, %add3A_572 : vector<16xf32>
      %swap3A_574 = arith.constant 0 : i32
      %swap3A_575 = arith.index_cast %swap3A_574 : i32 to index
      %swap3A_576 = arith.index_cast %add3A_564 : i32 to index
      %swap3A_577 = tpu.vector_load %arg4[%swap3A_575, %swap3A_576] {strides = array<i32>} : memref<1x32768xf32, #tpu.memory_space<vmem>>, vector<16xf32>,
      tpu.vector_store %arg4[%swap3A_575, %swap3A_576], %add3A_573 {strides = array<i32>} : memref<1x32768xf32, #tpu.memory_space<vmem>>, vector<16xf32>,
      %slice3A_578 = vector.extract_strided_slice %masked_cumsum3A_571 {offsets = [15], sizes = [1], strides = [1]} : vector<16xf32> to vector<1xf32>
      %squeeze3A_579 = vector.extract %slice3A_578[0] : f32 from vector<1xf32>
      %add3A_580 = arith.addf %add3A_500, %squeeze3A_579 : f32
      %add3A_581 = arith.constant 8192 : i32
      %add3A_582 = arith.addi %add3A_581, %mul3A_166 : i32
      %add3A_583 = arith.constant 80 : i32
      %add3A_584 = arith.addi %add3A_582, %add3A_583 : i32
      %get3A_585 = arith.constant 0 : i32
      %get3A_586 = arith.index_cast %get3A_585 : i32 to index
      %get3A_587 = arith.index_cast %add3A_584 : i32 to index
      %get3A_588 = tpu.vector_load %arg4[%get3A_586, %get3A_587] {strides = array<i32>} : memref<1x32768xf32, #tpu.memory_space<vmem>>, vector<16xf32>,
      %broadcast_in_dim3A_589 = arith.constant true
      %broadcast_in_dim3A_590 = vector.broadcast %broadcast_in_dim3A_589 : i1 to vector<16xi1>
      %masked_cumsum3A_591 = tpu.scan <sum>, %get3A_588 masked %broadcast_in_dim3A_590 : vector<16xf32>, vector<16xi1> -> vector<16xf32>
      %add3A_592 = vector.broadcast %add3A_520 : f32 to vector<16xf32>
      %add3A_593 = arith.addf %masked_cumsum3A_591, %add3A_592 : vector<16xf32>
      %swap3A_594 = arith.constant 0 : i32
      %swap3A_595 = arith.index_cast %swap3A_594 : i32 to index
      %swap3A_596 = arith.index_cast %add3A_584 : i32 to index
      %swap3A_597 = tpu.vector_load %arg4[%swap3A_595, %swap3A_596] {strides = array<i32>} : memref<1x32768xf32, #tpu.memory_space<vmem>>, vector<16xf32>,
      tpu.vector_store %arg4[%swap3A_595, %swap3A_596], %add3A_593 {strides = array<i32>} : memref<1x32768xf32, #tpu.memory_space<vmem>>, vector<16xf32>,
      %slice3A_598 = vector.extract_strided_slice %masked_cumsum3A_591 {offsets = [15], sizes = [1], strides = [1]} : vector<16xf32> to vector<1xf32>
      %squeeze3A_599 = vector.extract %slice3A_598[0] : f32 from vector<1xf32>
      %add3A_600 = arith.addf %add3A_520, %squeeze3A_599 : f32
      %add3A_601 = arith.constant 16384 : i32
      %add3A_602 = arith.addi %add3A_601, %mul3A_166 : i32
      %add3A_603 = arith.constant 80 : i32
      %add3A_604 = arith.addi %add3A_602, %add3A_603 : i32
      %get3A_605 = arith.constant 0 : i32
      %get3A_606 = arith.index_cast %get3A_605 : i32 to index
      %get3A_607 = arith.index_cast %add3A_604 : i32 to index
      %get3A_608 = tpu.vector_load %arg4[%get3A_606, %get3A_607] {strides = array<i32>} : memref<1x32768xf32, #tpu.memory_space<vmem>>, vector<16xf32>,
      %broadcast_in_dim3A_609 = arith.constant true
      %broadcast_in_dim3A_610 = vector.broadcast %broadcast_in_dim3A_609 : i1 to vector<16xi1>
      %masked_cumsum3A_611 = tpu.scan <sum>, %get3A_608 masked %broadcast_in_dim3A_610 : vector<16xf32>, vector<16xi1> -> vector<16xf32>
      %add3A_612 = vector.broadcast %add3A_540 : f32 to vector<16xf32>
      %add3A_613 = arith.addf %masked_cumsum3A_611, %add3A_612 : vector<16xf32>
      %swap3A_614 = arith.constant 0 : i32
      %swap3A_615 = arith.index_cast %swap3A_614 : i32 to index
      %swap3A_616 = arith.index_cast %add3A_604 : i32 to index
      %swap3A_617 = tpu.vector_load %arg4[%swap3A_615, %swap3A_616] {strides = array<i32>} : memref<1x32768xf32, #tpu.memory_space<vmem>>, vector<16xf32>,
      tpu.vector_store %arg4[%swap3A_615, %swap3A_616], %add3A_613 {strides = array<i32>} : memref<1x32768xf32, #tpu.memory_space<vmem>>, vector<16xf32>,
      %slice3A_618 = vector.extract_strided_slice %masked_cumsum3A_611 {offsets = [15], sizes = [1], strides = [1]} : vector<16xf32> to vector<1xf32>
      %squeeze3A_619 = vector.extract %slice3A_618[0] : f32 from vector<1xf32>
      %add3A_620 = arith.addf %add3A_540, %squeeze3A_619 : f32
      %add3A_621 = arith.constant 24576 : i32
      %add3A_622 = arith.addi %add3A_621, %mul3A_166 : i32
      %add3A_623 = arith.constant 80 : i32
      %add3A_624 = arith.addi %add3A_622, %add3A_623 : i32
      %get3A_625 = arith.constant 0 : i32
      %get3A_626 = arith.index_cast %get3A_625 : i32 to index
      %get3A_627 = arith.index_cast %add3A_624 : i32 to index
      %get3A_628 = tpu.vector_load %arg4[%get3A_626, %get3A_627] {strides = array<i32>} : memref<1x32768xf32, #tpu.memory_space<vmem>>, vector<16xf32>,
      %broadcast_in_dim3A_629 = arith.constant true
      %broadcast_in_dim3A_630 = vector.broadcast %broadcast_in_dim3A_629 : i1 to vector<16xi1>
      %masked_cumsum3A_631 = tpu.scan <sum>, %get3A_628 masked %broadcast_in_dim3A_630 : vector<16xf32>, vector<16xi1> -> vector<16xf32>
      %add3A_632 = vector.broadcast %add3A_560 : f32 to vector<16xf32>
      %add3A_633 = arith.addf %masked_cumsum3A_631, %add3A_632 : vector<16xf32>
      %swap3A_634 = arith.constant 0 : i32
      %swap3A_635 = arith.index_cast %swap3A_634 : i32 to index
      %swap3A_636 = arith.index_cast %add3A_624 : i32 to index
      %swap3A_637 = tpu.vector_load %arg4[%swap3A_635, %swap3A_636] {strides = array<i32>} : memref<1x32768xf32, #tpu.memory_space<vmem>>, vector<16xf32>,
      tpu.vector_store %arg4[%swap3A_635, %swap3A_636], %add3A_633 {strides = array<i32>} : memref<1x32768xf32, #tpu.memory_space<vmem>>, vector<16xf32>,
      %slice3A_638 = vector.extract_strided_slice %masked_cumsum3A_631 {offsets = [15], sizes = [1], strides = [1]} : vector<16xf32> to vector<1xf32>
      %squeeze3A_639 = vector.extract %slice3A_638[0] : f32 from vector<1xf32>
      %add3A_640 = arith.addf %add3A_560, %squeeze3A_639 : f32
      %add3A_641 = arith.constant 0 : i32
      %add3A_642 = arith.addi %add3A_641, %mul3A_166 : i32
      %add3A_643 = arith.constant 96 : i32
      %add3A_644 = arith.addi %add3A_642, %add3A_643 : i32
      %get3A_645 = arith.constant 0 : i32
      %get3A_646 = arith.index_cast %get3A_645 : i32 to index
      %get3A_647 = arith.index_cast %add3A_644 : i32 to index
      %get3A_648 = tpu.vector_load %arg4[%get3A_646, %get3A_647] {strides = array<i32>} : memref<1x32768xf32, #tpu.memory_space<vmem>>, vector<16xf32>,
      %broadcast_in_dim3A_649 = arith.constant true
      %broadcast_in_dim3A_650 = vector.broadcast %broadcast_in_dim3A_649 : i1 to vector<16xi1>
      %masked_cumsum3A_651 = tpu.scan <sum>, %get3A_648 masked %broadcast_in_dim3A_650 : vector<16xf32>, vector<16xi1> -> vector<16xf32>
      %add3A_652 = vector.broadcast %add3A_580 : f32 to vector<16xf32>
      %add3A_653 = arith.addf %masked_cumsum3A_651, %add3A_652 : vector<16xf32>
      %swap3A_654 = arith.constant 0 : i32
      %swap3A_655 = arith.index_cast %swap3A_654 : i32 to index
      %swap3A_656 = arith.index_cast %add3A_644 : i32 to index
      %swap3A_657 = tpu.vector_load %arg4[%swap3A_655, %swap3A_656] {strides = array<i32>} : memref<1x32768xf32, #tpu.memory_space<vmem>>, vector<16xf32>,
      tpu.vector_store %arg4[%swap3A_655, %swap3A_656], %add3A_653 {strides = array<i32>} : memref<1x32768xf32, #tpu.memory_space<vmem>>, vector<16xf32>,
      %slice3A_658 = vector.extract_strided_slice %masked_cumsum3A_651 {offsets = [15], sizes = [1], strides = [1]} : vector<16xf32> to vector<1xf32>
      %squeeze3A_659 = vector.extract %slice3A_658[0] : f32 from vector<1xf32>
      %add3A_660 = arith.addf %add3A_580, %squeeze3A_659 : f32
      %add3A_661 = arith.constant 8192 : i32
      %add3A_662 = arith.addi %add3A_661, %mul3A_166 : i32
      %add3A_663 = arith.constant 96 : i32
      %add3A_664 = arith.addi %add3A_662, %add3A_663 : i32
      %get3A_665 = arith.constant 0 : i32
      %get3A_666 = arith.index_cast %get3A_665 : i32 to index
      %get3A_667 = arith.index_cast %add3A_664 : i32 to index
      %get3A_668 = tpu.vector_load %arg4[%get3A_666, %get3A_667] {strides = array<i32>} : memref<1x32768xf32, #tpu.memory_space<vmem>>, vector<16xf32>,
      %broadcast_in_dim3A_669 = arith.constant true
      %broadcast_in_dim3A_670 = vector.broadcast %broadcast_in_dim3A_669 : i1 to vector<16xi1>
      %masked_cumsum3A_671 = tpu.scan <sum>, %get3A_668 masked %broadcast_in_dim3A_670 : vector<16xf32>, vector<16xi1> -> vector<16xf32>
      %add3A_672 = vector.broadcast %add3A_600 : f32 to vector<16xf32>
      %add3A_673 = arith.addf %masked_cumsum3A_671, %add3A_672 : vector<16xf32>
      %swap3A_674 = arith.constant 0 : i32
      %swap3A_675 = arith.index_cast %swap3A_674 : i32 to index
      %swap3A_676 = arith.index_cast %add3A_664 : i32 to index
      %swap3A_677 = tpu.vector_load %arg4[%swap3A_675, %swap3A_676] {strides = array<i32>} : memref<1x32768xf32, #tpu.memory_space<vmem>>, vector<16xf32>,
      tpu.vector_store %arg4[%swap3A_675, %swap3A_676], %add3A_673 {strides = array<i32>} : memref<1x32768xf32, #tpu.memory_space<vmem>>, vector<16xf32>,
      %slice3A_678 = vector.extract_strided_slice %masked_cumsum3A_671 {offsets = [15], sizes = [1], strides = [1]} : vector<16xf32> to vector<1xf32>
      %squeeze3A_679 = vector.extract %slice3A_678[0] : f32 from vector<1xf32>
      %add3A_680 = arith.addf %add3A_600, %squeeze3A_679 : f32
      %add3A_681 = arith.constant 16384 : i32
      %add3A_682 = arith.addi %add3A_681, %mul3A_166 : i32
      %add3A_683 = arith.constant 96 : i32
      %add3A_684 = arith.addi %add3A_682, %add3A_683 : i32
      %get3A_685 = arith.constant 0 : i32
      %get3A_686 = arith.index_cast %get3A_685 : i32 to index
      %get3A_687 = arith.index_cast %add3A_684 : i32 to index
      %get3A_688 = tpu.vector_load %arg4[%get3A_686, %get3A_687] {strides = array<i32>} : memref<1x32768xf32, #tpu.memory_space<vmem>>, vector<16xf32>,
      %broadcast_in_dim3A_689 = arith.constant true
      %broadcast_in_dim3A_690 = vector.broadcast %broadcast_in_dim3A_689 : i1 to vector<16xi1>
      %masked_cumsum3A_691 = tpu.scan <sum>, %get3A_688 masked %broadcast_in_dim3A_690 : vector<16xf32>, vector<16xi1> -> vector<16xf32>
      %add3A_692 = vector.broadcast %add3A_620 : f32 to vector<16xf32>
      %add3A_693 = arith.addf %masked_cumsum3A_691, %add3A_692 : vector<16xf32>
      %swap3A_694 = arith.constant 0 : i32
      %swap3A_695 = arith.index_cast %swap3A_694 : i32 to index
      %swap3A_696 = arith.index_cast %add3A_684 : i32 to index
      %swap3A_697 = tpu.vector_load %arg4[%swap3A_695, %swap3A_696] {strides = array<i32>} : memref<1x32768xf32, #tpu.memory_space<vmem>>, vector<16xf32>,
      tpu.vector_store %arg4[%swap3A_695, %swap3A_696], %add3A_693 {strides = array<i32>} : memref<1x32768xf32, #tpu.memory_space<vmem>>, vector<16xf32>,
      %slice3A_698 = vector.extract_strided_slice %masked_cumsum3A_691 {offsets = [15], sizes = [1], strides = [1]} : vector<16xf32> to vector<1xf32>
      %squeeze3A_699 = vector.extract %slice3A_698[0] : f32 from vector<1xf32>
      %add3A_700 = arith.addf %add3A_620, %squeeze3A_699 : f32
      %add3A_701 = arith.constant 24576 : i32
      %add3A_702 = arith.addi %add3A_701, %mul3A_166 : i32
      %add3A_703 = arith.constant 96 : i32
      %add3A_704 = arith.addi %add3A_702, %add3A_703 : i32
      %get3A_705 = arith.constant 0 : i32
      %get3A_706 = arith.index_cast %get3A_705 : i32 to index
      %get3A_707 = arith.index_cast %add3A_704 : i32 to index
      %get3A_708 = tpu.vector_load %arg4[%get3A_706, %get3A_707] {strides = array<i32>} : memref<1x32768xf32, #tpu.memory_space<vmem>>, vector<16xf32>,
      %broadcast_in_dim3A_709 = arith.constant true
      %broadcast_in_dim3A_710 = vector.broadcast %broadcast_in_dim3A_709 : i1 to vector<16xi1>
      %masked_cumsum3A_711 = tpu.scan <sum>, %get3A_708 masked %broadcast_in_dim3A_710 : vector<16xf32>, vector<16xi1> -> vector<16xf32>
      %add3A_712 = vector.broadcast %add3A_640 : f32 to vector<16xf32>
      %add3A_713 = arith.addf %masked_cumsum3A_711, %add3A_712 : vector<16xf32>
      %swap3A_714 = arith.constant 0 : i32
      %swap3A_715 = arith.index_cast %swap3A_714 : i32 to index
      %swap3A_716 = arith.index_cast %add3A_704 : i32 to index
      %swap3A_717 = tpu.vector_load %arg4[%swap3A_715, %swap3A_716] {strides = array<i32>} : memref<1x32768xf32, #tpu.memory_space<vmem>>, vector<16xf32>,
      tpu.vector_store %arg4[%swap3A_715, %swap3A_716], %add3A_713 {strides = array<i32>} : memref<1x32768xf32, #tpu.memory_space<vmem>>, vector<16xf32>,
      %slice3A_718 = vector.extract_strided_slice %masked_cumsum3A_711 {offsets = [15], sizes = [1], strides = [1]} : vector<16xf32> to vector<1xf32>
      %squeeze3A_719 = vector.extract %slice3A_718[0] : f32 from vector<1xf32>
      %add3A_720 = arith.addf %add3A_640, %squeeze3A_719 : f32
      %add3A_721 = arith.constant 0 : i32
      %add3A_722 = arith.addi %add3A_721, %mul3A_166 : i32
      %add3A_723 = arith.constant 112 : i32
      %add3A_724 = arith.addi %add3A_722, %add3A_723 : i32
      %get3A_725 = arith.constant 0 : i32
      %get3A_726 = arith.index_cast %get3A_725 : i32 to index
      %get3A_727 = arith.index_cast %add3A_724 : i32 to index
      %get3A_728 = tpu.vector_load %arg4[%get3A_726, %get3A_727] {strides = array<i32>} : memref<1x32768xf32, #tpu.memory_space<vmem>>, vector<16xf32>,
      %broadcast_in_dim3A_729 = arith.constant true
      %broadcast_in_dim3A_730 = vector.broadcast %broadcast_in_dim3A_729 : i1 to vector<16xi1>
      %masked_cumsum3A_731 = tpu.scan <sum>, %get3A_728 masked %broadcast_in_dim3A_730 : vector<16xf32>, vector<16xi1> -> vector<16xf32>
      %add3A_732 = vector.broadcast %add3A_660 : f32 to vector<16xf32>
      %add3A_733 = arith.addf %masked_cumsum3A_731, %add3A_732 : vector<16xf32>
      %swap3A_734 = arith.constant 0 : i32
      %swap3A_735 = arith.index_cast %swap3A_734 : i32 to index
      %swap3A_736 = arith.index_cast %add3A_724 : i32 to index
      %swap3A_737 = tpu.vector_load %arg4[%swap3A_735, %swap3A_736] {strides = array<i32>} : memref<1x32768xf32, #tpu.memory_space<vmem>>, vector<16xf32>,
      tpu.vector_store %arg4[%swap3A_735, %swap3A_736], %add3A_733 {strides = array<i32>} : memref<1x32768xf32, #tpu.memory_space<vmem>>, vector<16xf32>,
      %slice3A_738 = vector.extract_strided_slice %masked_cumsum3A_731 {offsets = [15], sizes = [1], strides = [1]} : vector<16xf32> to vector<1xf32>
      %squeeze3A_739 = vector.extract %slice3A_738[0] : f32 from vector<1xf32>
      %add3A_740 = arith.addf %add3A_660, %squeeze3A_739 : f32
      %add3A_741 = arith.constant 8192 : i32
      %add3A_742 = arith.addi %add3A_741, %mul3A_166 : i32
      %add3A_743 = arith.constant 112 : i32
      %add3A_744 = arith.addi %add3A_742, %add3A_743 : i32
      %get3A_745 = arith.constant 0 : i32
      %get3A_746 = arith.index_cast %get3A_745 : i32 to index
      %get3A_747 = arith.index_cast %add3A_744 : i32 to index
      %get3A_748 = tpu.vector_load %arg4[%get3A_746, %get3A_747] {strides = array<i32>} : memref<1x32768xf32, #tpu.memory_space<vmem>>, vector<16xf32>,
      %broadcast_in_dim3A_749 = arith.constant true
      %broadcast_in_dim3A_750 = vector.broadcast %broadcast_in_dim3A_749 : i1 to vector<16xi1>
      %masked_cumsum3A_751 = tpu.scan <sum>, %get3A_748 masked %broadcast_in_dim3A_750 : vector<16xf32>, vector<16xi1> -> vector<16xf32>
      %add3A_752 = vector.broadcast %add3A_680 : f32 to vector<16xf32>
      %add3A_753 = arith.addf %masked_cumsum3A_751, %add3A_752 : vector<16xf32>
      %swap3A_754 = arith.constant 0 : i32
      %swap3A_755 = arith.index_cast %swap3A_754 : i32 to index
      %swap3A_756 = arith.index_cast %add3A_744 : i32 to index
      %swap3A_757 = tpu.vector_load %arg4[%swap3A_755, %swap3A_756] {strides = array<i32>} : memref<1x32768xf32, #tpu.memory_space<vmem>>, vector<16xf32>,
      tpu.vector_store %arg4[%swap3A_755, %swap3A_756], %add3A_753 {strides = array<i32>} : memref<1x32768xf32, #tpu.memory_space<vmem>>, vector<16xf32>,
      %slice3A_758 = vector.extract_strided_slice %masked_cumsum3A_751 {offsets = [15], sizes = [1], strides = [1]} : vector<16xf32> to vector<1xf32>
      %squeeze3A_759 = vector.extract %slice3A_758[0] : f32 from vector<1xf32>
      %add3A_760 = arith.addf %add3A_680, %squeeze3A_759 : f32
      %add3A_761 = arith.constant 16384 : i32
      %add3A_762 = arith.addi %add3A_761, %mul3A_166 : i32
      %add3A_763 = arith.constant 112 : i32
      %add3A_764 = arith.addi %add3A_762, %add3A_763 : i32
      %get3A_765 = arith.constant 0 : i32
      %get3A_766 = arith.index_cast %get3A_765 : i32 to index
      %get3A_767 = arith.index_cast %add3A_764 : i32 to index
      %get3A_768 = tpu.vector_load %arg4[%get3A_766, %get3A_767] {strides = array<i32>} : memref<1x32768xf32, #tpu.memory_space<vmem>>, vector<16xf32>,
      %broadcast_in_dim3A_769 = arith.constant true
      %broadcast_in_dim3A_770 = vector.broadcast %broadcast_in_dim3A_769 : i1 to vector<16xi1>
      %masked_cumsum3A_771 = tpu.scan <sum>, %get3A_768 masked %broadcast_in_dim3A_770 : vector<16xf32>, vector<16xi1> -> vector<16xf32>
      %add3A_772 = vector.broadcast %add3A_700 : f32 to vector<16xf32>
      %add3A_773 = arith.addf %masked_cumsum3A_771, %add3A_772 : vector<16xf32>
      %swap3A_774 = arith.constant 0 : i32
      %swap3A_775 = arith.index_cast %swap3A_774 : i32 to index
      %swap3A_776 = arith.index_cast %add3A_764 : i32 to index
      %swap3A_777 = tpu.vector_load %arg4[%swap3A_775, %swap3A_776] {strides = array<i32>} : memref<1x32768xf32, #tpu.memory_space<vmem>>, vector<16xf32>,
      tpu.vector_store %arg4[%swap3A_775, %swap3A_776], %add3A_773 {strides = array<i32>} : memref<1x32768xf32, #tpu.memory_space<vmem>>, vector<16xf32>,
      %slice3A_778 = vector.extract_strided_slice %masked_cumsum3A_771 {offsets = [15], sizes = [1], strides = [1]} : vector<16xf32> to vector<1xf32>
      %squeeze3A_779 = vector.extract %slice3A_778[0] : f32 from vector<1xf32>
      %add3A_780 = arith.addf %add3A_700, %squeeze3A_779 : f32
      %add3A_781 = arith.constant 24576 : i32
      %add3A_782 = arith.addi %add3A_781, %mul3A_166 : i32
      %add3A_783 = arith.constant 112 : i32
      %add3A_784 = arith.addi %add3A_782, %add3A_783 : i32
      %get3A_785 = arith.constant 0 : i32
      %get3A_786 = arith.index_cast %get3A_785 : i32 to index
      %get3A_787 = arith.index_cast %add3A_784 : i32 to index
      %get3A_788 = tpu.vector_load %arg4[%get3A_786, %get3A_787] {strides = array<i32>} : memref<1x32768xf32, #tpu.memory_space<vmem>>, vector<16xf32>,
      %broadcast_in_dim3A_789 = arith.constant true
      %broadcast_in_dim3A_790 = vector.broadcast %broadcast_in_dim3A_789 : i1 to vector<16xi1>
      %masked_cumsum3A_791 = tpu.scan <sum>, %get3A_788 masked %broadcast_in_dim3A_790 : vector<16xf32>, vector<16xi1> -> vector<16xf32>
      %add3A_792 = vector.broadcast %add3A_720 : f32 to vector<16xf32>
      %add3A_793 = arith.addf %masked_cumsum3A_791, %add3A_792 : vector<16xf32>
      %swap3A_794 = arith.constant 0 : i32
      %swap3A_795 = arith.index_cast %swap3A_794 : i32 to index
      %swap3A_796 = arith.index_cast %add3A_784 : i32 to index
      %swap3A_797 = tpu.vector_load %arg4[%swap3A_795, %swap3A_796] {strides = array<i32>} : memref<1x32768xf32, #tpu.memory_space<vmem>>, vector<16xf32>,
      tpu.vector_store %arg4[%swap3A_795, %swap3A_796], %add3A_793 {strides = array<i32>} : memref<1x32768xf32, #tpu.memory_space<vmem>>, vector<16xf32>,
      %slice3A_798 = vector.extract_strided_slice %masked_cumsum3A_791 {offsets = [15], sizes = [1], strides = [1]} : vector<16xf32> to vector<1xf32>
      %squeeze3A_799 = vector.extract %slice3A_798[0] : f32 from vector<1xf32>
      %add3A_800 = arith.addf %add3A_720, %squeeze3A_799 : f32
      scf.yield %add3A_740, %add3A_760, %add3A_780, %add3A_800 : f32, f32, f32, f32
    }
    %scan3A_25 = arith.constant 64 : i32
    %add3A_26 = arith.addf %scan3A_24#0, %scan3A_24#1 : f32
    %add3A_27 = arith.addf %add3A_26, %scan3A_24#2 : f32
    %add3A_28 = arith.addf %add3A_27, %scan3A_24#3 : f32
    %scan3A_29 = arith.constant 0 : i32
    %scan3A_30 = arith.constant 0 : i32
    %scan3A_31 = arith.constant 64 : i32
    %scan3A_32 = arith.addi %scan3A_30, %scan3A_31 : i32
    %scan3A_33 = arith.constant 1 : i32
    %scan3A_34 = scf.for %scan3A_160 = %scan3A_30 to %scan3A_32 step %scan3A_33 iter_args(%scan3A_161 = %scan3A_29) -> (i32)  : i32 {
      %mul3A_162 = arith.constant 128 : i32
      %mul3A_163 = arith.muli %scan3A_160, %mul3A_162 : i32
      %add3A_164 = arith.constant 8192 : i32
      %add3A_165 = arith.addi %add3A_164, %mul3A_163 : i32
      %add3A_166 = arith.constant 0 : i32
      %add3A_167 = arith.addi %add3A_165, %add3A_166 : i32
      %get3A = arith.constant 0 : i32
      %get3A_168 = arith.index_cast %get3A : i32 to index
      %get3A_169 = arith.index_cast %add3A_167 : i32 to index
      %get3A_170 = tpu.vector_load %arg4[%get3A_168, %get3A_169] {strides = array<i32>} : memref<1x32768xf32, #tpu.memory_space<vmem>>, vector<16xf32>,
      %add3A_171 = vector.broadcast %scan3A_24#0 : f32 to vector<16xf32>
      %add3A_172 = arith.addf %get3A_170, %add3A_171 : vector<16xf32>
      %swap3A = arith.constant 0 : i32
      %swap3A_173 = arith.index_cast %swap3A : i32 to index
      %swap3A_174 = arith.index_cast %add3A_167 : i32 to index
      %swap3A_175 = tpu.vector_load %arg4[%swap3A_173, %swap3A_174] {strides = array<i32>} : memref<1x32768xf32, #tpu.memory_space<vmem>>, vector<16xf32>,
      tpu.vector_store %arg4[%swap3A_173, %swap3A_174], %add3A_172 {strides = array<i32>} : memref<1x32768xf32, #tpu.memory_space<vmem>>, vector<16xf32>,
      %add3A_176 = arith.constant 16384 : i32
      %add3A_177 = arith.addi %add3A_176, %mul3A_163 : i32
      %add3A_178 = arith.constant 0 : i32
      %add3A_179 = arith.addi %add3A_177, %add3A_178 : i32
      %get3A_180 = arith.constant 0 : i32
      %get3A_181 = arith.index_cast %get3A_180 : i32 to index
      %get3A_182 = arith.index_cast %add3A_179 : i32 to index
      %get3A_183 = tpu.vector_load %arg4[%get3A_181, %get3A_182] {strides = array<i32>} : memref<1x32768xf32, #tpu.memory_space<vmem>>, vector<16xf32>,
      %add3A_184 = vector.broadcast %add3A_26 : f32 to vector<16xf32>
      %add3A_185 = arith.addf %get3A_183, %add3A_184 : vector<16xf32>
      %swap3A_186 = arith.constant 0 : i32
      %swap3A_187 = arith.index_cast %swap3A_186 : i32 to index
      %swap3A_188 = arith.index_cast %add3A_179 : i32 to index
      %swap3A_189 = tpu.vector_load %arg4[%swap3A_187, %swap3A_188] {strides = array<i32>} : memref<1x32768xf32, #tpu.memory_space<vmem>>, vector<16xf32>,
      tpu.vector_store %arg4[%swap3A_187, %swap3A_188], %add3A_185 {strides = array<i32>} : memref<1x32768xf32, #tpu.memory_space<vmem>>, vector<16xf32>,
      %add3A_190 = arith.constant 24576 : i32
      %add3A_191 = arith.addi %add3A_190, %mul3A_163 : i32
      %add3A_192 = arith.constant 0 : i32
      %add3A_193 = arith.addi %add3A_191, %add3A_192 : i32
      %get3A_194 = arith.constant 0 : i32
      %get3A_195 = arith.index_cast %get3A_194 : i32 to index
      %get3A_196 = arith.index_cast %add3A_193 : i32 to index
      %get3A_197 = tpu.vector_load %arg4[%get3A_195, %get3A_196] {strides = array<i32>} : memref<1x32768xf32, #tpu.memory_space<vmem>>, vector<16xf32>,
      %add3A_198 = vector.broadcast %add3A_27 : f32 to vector<16xf32>
      %add3A_199 = arith.addf %get3A_197, %add3A_198 : vector<16xf32>
      %swap3A_200 = arith.constant 0 : i32
      %swap3A_201 = arith.index_cast %swap3A_200 : i32 to index
      %swap3A_202 = arith.index_cast %add3A_193 : i32 to index
      %swap3A_203 = tpu.vector_load %arg4[%swap3A_201, %swap3A_202] {strides = array<i32>} : memref<1x32768xf32, #tpu.memory_space<vmem>>, vector<16xf32>,
      tpu.vector_store %arg4[%swap3A_201, %swap3A_202], %add3A_199 {strides = array<i32>} : memref<1x32768xf32, #tpu.memory_space<vmem>>, vector<16xf32>,
      %add3A_204 = arith.constant 8192 : i32
      %add3A_205 = arith.addi %add3A_204, %mul3A_163 : i32
      %add3A_206 = arith.constant 16 : i32
      %add3A_207 = arith.addi %add3A_205, %add3A_206 : i32
      %get3A_208 = arith.constant 0 : i32
      %get3A_209 = arith.index_cast %get3A_208 : i32 to index
      %get3A_210 = arith.index_cast %add3A_207 : i32 to index
      %get3A_211 = tpu.vector_load %arg4[%get3A_209, %get3A_210] {strides = array<i32>} : memref<1x32768xf32, #tpu.memory_space<vmem>>, vector<16xf32>,
      %add3A_212 = vector.broadcast %scan3A_24#0 : f32 to vector<16xf32>
      %add3A_213 = arith.addf %get3A_211, %add3A_212 : vector<16xf32>
      %swap3A_214 = arith.constant 0 : i32
      %swap3A_215 = arith.index_cast %swap3A_214 : i32 to index
      %swap3A_216 = arith.index_cast %add3A_207 : i32 to index
      %swap3A_217 = tpu.vector_load %arg4[%swap3A_215, %swap3A_216] {strides = array<i32>} : memref<1x32768xf32, #tpu.memory_space<vmem>>, vector<16xf32>,
      tpu.vector_store %arg4[%swap3A_215, %swap3A_216], %add3A_213 {strides = array<i32>} : memref<1x32768xf32, #tpu.memory_space<vmem>>, vector<16xf32>,
      %add3A_218 = arith.constant 16384 : i32
      %add3A_219 = arith.addi %add3A_218, %mul3A_163 : i32
      %add3A_220 = arith.constant 16 : i32
      %add3A_221 = arith.addi %add3A_219, %add3A_220 : i32
      %get3A_222 = arith.constant 0 : i32
      %get3A_223 = arith.index_cast %get3A_222 : i32 to index
      %get3A_224 = arith.index_cast %add3A_221 : i32 to index
      %get3A_225 = tpu.vector_load %arg4[%get3A_223, %get3A_224] {strides = array<i32>} : memref<1x32768xf32, #tpu.memory_space<vmem>>, vector<16xf32>,
      %add3A_226 = vector.broadcast %add3A_26 : f32 to vector<16xf32>
      %add3A_227 = arith.addf %get3A_225, %add3A_226 : vector<16xf32>
      %swap3A_228 = arith.constant 0 : i32
      %swap3A_229 = arith.index_cast %swap3A_228 : i32 to index
      %swap3A_230 = arith.index_cast %add3A_221 : i32 to index
      %swap3A_231 = tpu.vector_load %arg4[%swap3A_229, %swap3A_230] {strides = array<i32>} : memref<1x32768xf32, #tpu.memory_space<vmem>>, vector<16xf32>,
      tpu.vector_store %arg4[%swap3A_229, %swap3A_230], %add3A_227 {strides = array<i32>} : memref<1x32768xf32, #tpu.memory_space<vmem>>, vector<16xf32>,
      %add3A_232 = arith.constant 24576 : i32
      %add3A_233 = arith.addi %add3A_232, %mul3A_163 : i32
      %add3A_234 = arith.constant 16 : i32
      %add3A_235 = arith.addi %add3A_233, %add3A_234 : i32
      %get3A_236 = arith.constant 0 : i32
      %get3A_237 = arith.index_cast %get3A_236 : i32 to index
      %get3A_238 = arith.index_cast %add3A_235 : i32 to index
      %get3A_239 = tpu.vector_load %arg4[%get3A_237, %get3A_238] {strides = array<i32>} : memref<1x32768xf32, #tpu.memory_space<vmem>>, vector<16xf32>,
      %add3A_240 = vector.broadcast %add3A_27 : f32 to vector<16xf32>
      %add3A_241 = arith.addf %get3A_239, %add3A_240 : vector<16xf32>
      %swap3A_242 = arith.constant 0 : i32
      %swap3A_243 = arith.index_cast %swap3A_242 : i32 to index
      %swap3A_244 = arith.index_cast %add3A_235 : i32 to index
      %swap3A_245 = tpu.vector_load %arg4[%swap3A_243, %swap3A_244] {strides = array<i32>} : memref<1x32768xf32, #tpu.memory_space<vmem>>, vector<16xf32>,
      tpu.vector_store %arg4[%swap3A_243, %swap3A_244], %add3A_241 {strides = array<i32>} : memref<1x32768xf32, #tpu.memory_space<vmem>>, vector<16xf32>,
      %add3A_246 = arith.constant 8192 : i32
      %add3A_247 = arith.addi %add3A_246, %mul3A_163 : i32
      %add3A_248 = arith.constant 32 : i32
      %add3A_249 = arith.addi %add3A_247, %add3A_248 : i32
      %get3A_250 = arith.constant 0 : i32
      %get3A_251 = arith.index_cast %get3A_250 : i32 to index
      %get3A_252 = arith.index_cast %add3A_249 : i32 to index
      %get3A_253 = tpu.vector_load %arg4[%get3A_251, %get3A_252] {strides = array<i32>} : memref<1x32768xf32, #tpu.memory_space<vmem>>, vector<16xf32>,
      %add3A_254 = vector.broadcast %scan3A_24#0 : f32 to vector<16xf32>
      %add3A_255 = arith.addf %get3A_253, %add3A_254 : vector<16xf32>
      %swap3A_256 = arith.constant 0 : i32
      %swap3A_257 = arith.index_cast %swap3A_256 : i32 to index
      %swap3A_258 = arith.index_cast %add3A_249 : i32 to index
      %swap3A_259 = tpu.vector_load %arg4[%swap3A_257, %swap3A_258] {strides = array<i32>} : memref<1x32768xf32, #tpu.memory_space<vmem>>, vector<16xf32>,
      tpu.vector_store %arg4[%swap3A_257, %swap3A_258], %add3A_255 {strides = array<i32>} : memref<1x32768xf32, #tpu.memory_space<vmem>>, vector<16xf32>,
      %add3A_260 = arith.constant 16384 : i32
      %add3A_261 = arith.addi %add3A_260, %mul3A_163 : i32
      %add3A_262 = arith.constant 32 : i32
      %add3A_263 = arith.addi %add3A_261, %add3A_262 : i32
      %get3A_264 = arith.constant 0 : i32
      %get3A_265 = arith.index_cast %get3A_264 : i32 to index
      %get3A_266 = arith.index_cast %add3A_263 : i32 to index
      %get3A_267 = tpu.vector_load %arg4[%get3A_265, %get3A_266] {strides = array<i32>} : memref<1x32768xf32, #tpu.memory_space<vmem>>, vector<16xf32>,
      %add3A_268 = vector.broadcast %add3A_26 : f32 to vector<16xf32>
      %add3A_269 = arith.addf %get3A_267, %add3A_268 : vector<16xf32>
      %swap3A_270 = arith.constant 0 : i32
      %swap3A_271 = arith.index_cast %swap3A_270 : i32 to index
      %swap3A_272 = arith.index_cast %add3A_263 : i32 to index
      %swap3A_273 = tpu.vector_load %arg4[%swap3A_271, %swap3A_272] {strides = array<i32>} : memref<1x32768xf32, #tpu.memory_space<vmem>>, vector<16xf32>,
      tpu.vector_store %arg4[%swap3A_271, %swap3A_272], %add3A_269 {strides = array<i32>} : memref<1x32768xf32, #tpu.memory_space<vmem>>, vector<16xf32>,
      %add3A_274 = arith.constant 24576 : i32
      %add3A_275 = arith.addi %add3A_274, %mul3A_163 : i32
      %add3A_276 = arith.constant 32 : i32
      %add3A_277 = arith.addi %add3A_275, %add3A_276 : i32
      %get3A_278 = arith.constant 0 : i32
      %get3A_279 = arith.index_cast %get3A_278 : i32 to index
      %get3A_280 = arith.index_cast %add3A_277 : i32 to index
      %get3A_281 = tpu.vector_load %arg4[%get3A_279, %get3A_280] {strides = array<i32>} : memref<1x32768xf32, #tpu.memory_space<vmem>>, vector<16xf32>,
      %add3A_282 = vector.broadcast %add3A_27 : f32 to vector<16xf32>
      %add3A_283 = arith.addf %get3A_281, %add3A_282 : vector<16xf32>
      %swap3A_284 = arith.constant 0 : i32
      %swap3A_285 = arith.index_cast %swap3A_284 : i32 to index
      %swap3A_286 = arith.index_cast %add3A_277 : i32 to index
      %swap3A_287 = tpu.vector_load %arg4[%swap3A_285, %swap3A_286] {strides = array<i32>} : memref<1x32768xf32, #tpu.memory_space<vmem>>, vector<16xf32>,
      tpu.vector_store %arg4[%swap3A_285, %swap3A_286], %add3A_283 {strides = array<i32>} : memref<1x32768xf32, #tpu.memory_space<vmem>>, vector<16xf32>,
      %add3A_288 = arith.constant 8192 : i32
      %add3A_289 = arith.addi %add3A_288, %mul3A_163 : i32
      %add3A_290 = arith.constant 48 : i32
      %add3A_291 = arith.addi %add3A_289, %add3A_290 : i32
      %get3A_292 = arith.constant 0 : i32
      %get3A_293 = arith.index_cast %get3A_292 : i32 to index
      %get3A_294 = arith.index_cast %add3A_291 : i32 to index
      %get3A_295 = tpu.vector_load %arg4[%get3A_293, %get3A_294] {strides = array<i32>} : memref<1x32768xf32, #tpu.memory_space<vmem>>, vector<16xf32>,
      %add3A_296 = vector.broadcast %scan3A_24#0 : f32 to vector<16xf32>
      %add3A_297 = arith.addf %get3A_295, %add3A_296 : vector<16xf32>
      %swap3A_298 = arith.constant 0 : i32
      %swap3A_299 = arith.index_cast %swap3A_298 : i32 to index
      %swap3A_300 = arith.index_cast %add3A_291 : i32 to index
      %swap3A_301 = tpu.vector_load %arg4[%swap3A_299, %swap3A_300] {strides = array<i32>} : memref<1x32768xf32, #tpu.memory_space<vmem>>, vector<16xf32>,
      tpu.vector_store %arg4[%swap3A_299, %swap3A_300], %add3A_297 {strides = array<i32>} : memref<1x32768xf32, #tpu.memory_space<vmem>>, vector<16xf32>,
      %add3A_302 = arith.constant 16384 : i32
      %add3A_303 = arith.addi %add3A_302, %mul3A_163 : i32
      %add3A_304 = arith.constant 48 : i32
      %add3A_305 = arith.addi %add3A_303, %add3A_304 : i32
      %get3A_306 = arith.constant 0 : i32
      %get3A_307 = arith.index_cast %get3A_306 : i32 to index
      %get3A_308 = arith.index_cast %add3A_305 : i32 to index
      %get3A_309 = tpu.vector_load %arg4[%get3A_307, %get3A_308] {strides = array<i32>} : memref<1x32768xf32, #tpu.memory_space<vmem>>, vector<16xf32>,
      %add3A_310 = vector.broadcast %add3A_26 : f32 to vector<16xf32>
      %add3A_311 = arith.addf %get3A_309, %add3A_310 : vector<16xf32>
      %swap3A_312 = arith.constant 0 : i32
      %swap3A_313 = arith.index_cast %swap3A_312 : i32 to index
      %swap3A_314 = arith.index_cast %add3A_305 : i32 to index
      %swap3A_315 = tpu.vector_load %arg4[%swap3A_313, %swap3A_314] {strides = array<i32>} : memref<1x32768xf32, #tpu.memory_space<vmem>>, vector<16xf32>,
      tpu.vector_store %arg4[%swap3A_313, %swap3A_314], %add3A_311 {strides = array<i32>} : memref<1x32768xf32, #tpu.memory_space<vmem>>, vector<16xf32>,
      %add3A_316 = arith.constant 24576 : i32
      %add3A_317 = arith.addi %add3A_316, %mul3A_163 : i32
      %add3A_318 = arith.constant 48 : i32
      %add3A_319 = arith.addi %add3A_317, %add3A_318 : i32
      %get3A_320 = arith.constant 0 : i32
      %get3A_321 = arith.index_cast %get3A_320 : i32 to index
      %get3A_322 = arith.index_cast %add3A_319 : i32 to index
      %get3A_323 = tpu.vector_load %arg4[%get3A_321, %get3A_322] {strides = array<i32>} : memref<1x32768xf32, #tpu.memory_space<vmem>>, vector<16xf32>,
      %add3A_324 = vector.broadcast %add3A_27 : f32 to vector<16xf32>
      %add3A_325 = arith.addf %get3A_323, %add3A_324 : vector<16xf32>
      %swap3A_326 = arith.constant 0 : i32
      %swap3A_327 = arith.index_cast %swap3A_326 : i32 to index
      %swap3A_328 = arith.index_cast %add3A_319 : i32 to index
      %swap3A_329 = tpu.vector_load %arg4[%swap3A_327, %swap3A_328] {strides = array<i32>} : memref<1x32768xf32, #tpu.memory_space<vmem>>, vector<16xf32>,
      tpu.vector_store %arg4[%swap3A_327, %swap3A_328], %add3A_325 {strides = array<i32>} : memref<1x32768xf32, #tpu.memory_space<vmem>>, vector<16xf32>,
      %add3A_330 = arith.constant 8192 : i32
      %add3A_331 = arith.addi %add3A_330, %mul3A_163 : i32
      %add3A_332 = arith.constant 64 : i32
      %add3A_333 = arith.addi %add3A_331, %add3A_332 : i32
      %get3A_334 = arith.constant 0 : i32
      %get3A_335 = arith.index_cast %get3A_334 : i32 to index
      %get3A_336 = arith.index_cast %add3A_333 : i32 to index
      %get3A_337 = tpu.vector_load %arg4[%get3A_335, %get3A_336] {strides = array<i32>} : memref<1x32768xf32, #tpu.memory_space<vmem>>, vector<16xf32>,
      %add3A_338 = vector.broadcast %scan3A_24#0 : f32 to vector<16xf32>
      %add3A_339 = arith.addf %get3A_337, %add3A_338 : vector<16xf32>
      %swap3A_340 = arith.constant 0 : i32
      %swap3A_341 = arith.index_cast %swap3A_340 : i32 to index
      %swap3A_342 = arith.index_cast %add3A_333 : i32 to index
      %swap3A_343 = tpu.vector_load %arg4[%swap3A_341, %swap3A_342] {strides = array<i32>} : memref<1x32768xf32, #tpu.memory_space<vmem>>, vector<16xf32>,
      tpu.vector_store %arg4[%swap3A_341, %swap3A_342], %add3A_339 {strides = array<i32>} : memref<1x32768xf32, #tpu.memory_space<vmem>>, vector<16xf32>,
      %add3A_344 = arith.constant 16384 : i32
      %add3A_345 = arith.addi %add3A_344, %mul3A_163 : i32
      %add3A_346 = arith.constant 64 : i32
      %add3A_347 = arith.addi %add3A_345, %add3A_346 : i32
      %get3A_348 = arith.constant 0 : i32
      %get3A_349 = arith.index_cast %get3A_348 : i32 to index
      %get3A_350 = arith.index_cast %add3A_347 : i32 to index
      %get3A_351 = tpu.vector_load %arg4[%get3A_349, %get3A_350] {strides = array<i32>} : memref<1x32768xf32, #tpu.memory_space<vmem>>, vector<16xf32>,
      %add3A_352 = vector.broadcast %add3A_26 : f32 to vector<16xf32>
      %add3A_353 = arith.addf %get3A_351, %add3A_352 : vector<16xf32>
      %swap3A_354 = arith.constant 0 : i32
      %swap3A_355 = arith.index_cast %swap3A_354 : i32 to index
      %swap3A_356 = arith.index_cast %add3A_347 : i32 to index
      %swap3A_357 = tpu.vector_load %arg4[%swap3A_355, %swap3A_356] {strides = array<i32>} : memref<1x32768xf32, #tpu.memory_space<vmem>>, vector<16xf32>,
      tpu.vector_store %arg4[%swap3A_355, %swap3A_356], %add3A_353 {strides = array<i32>} : memref<1x32768xf32, #tpu.memory_space<vmem>>, vector<16xf32>,
      %add3A_358 = arith.constant 24576 : i32
      %add3A_359 = arith.addi %add3A_358, %mul3A_163 : i32
      %add3A_360 = arith.constant 64 : i32
      %add3A_361 = arith.addi %add3A_359, %add3A_360 : i32
      %get3A_362 = arith.constant 0 : i32
      %get3A_363 = arith.index_cast %get3A_362 : i32 to index
      %get3A_364 = arith.index_cast %add3A_361 : i32 to index
      %get3A_365 = tpu.vector_load %arg4[%get3A_363, %get3A_364] {strides = array<i32>} : memref<1x32768xf32, #tpu.memory_space<vmem>>, vector<16xf32>,
      %add3A_366 = vector.broadcast %add3A_27 : f32 to vector<16xf32>
      %add3A_367 = arith.addf %get3A_365, %add3A_366 : vector<16xf32>
      %swap3A_368 = arith.constant 0 : i32
      %swap3A_369 = arith.index_cast %swap3A_368 : i32 to index
      %swap3A_370 = arith.index_cast %add3A_361 : i32 to index
      %swap3A_371 = tpu.vector_load %arg4[%swap3A_369, %swap3A_370] {strides = array<i32>} : memref<1x32768xf32, #tpu.memory_space<vmem>>, vector<16xf32>,
      tpu.vector_store %arg4[%swap3A_369, %swap3A_370], %add3A_367 {strides = array<i32>} : memref<1x32768xf32, #tpu.memory_space<vmem>>, vector<16xf32>,
      %add3A_372 = arith.constant 8192 : i32
      %add3A_373 = arith.addi %add3A_372, %mul3A_163 : i32
      %add3A_374 = arith.constant 80 : i32
      %add3A_375 = arith.addi %add3A_373, %add3A_374 : i32
      %get3A_376 = arith.constant 0 : i32
      %get3A_377 = arith.index_cast %get3A_376 : i32 to index
      %get3A_378 = arith.index_cast %add3A_375 : i32 to index
      %get3A_379 = tpu.vector_load %arg4[%get3A_377, %get3A_378] {strides = array<i32>} : memref<1x32768xf32, #tpu.memory_space<vmem>>, vector<16xf32>,
      %add3A_380 = vector.broadcast %scan3A_24#0 : f32 to vector<16xf32>
      %add3A_381 = arith.addf %get3A_379, %add3A_380 : vector<16xf32>
      %swap3A_382 = arith.constant 0 : i32
      %swap3A_383 = arith.index_cast %swap3A_382 : i32 to index
      %swap3A_384 = arith.index_cast %add3A_375 : i32 to index
      %swap3A_385 = tpu.vector_load %arg4[%swap3A_383, %swap3A_384] {strides = array<i32>} : memref<1x32768xf32, #tpu.memory_space<vmem>>, vector<16xf32>,
      tpu.vector_store %arg4[%swap3A_383, %swap3A_384], %add3A_381 {strides = array<i32>} : memref<1x32768xf32, #tpu.memory_space<vmem>>, vector<16xf32>,
      %add3A_386 = arith.constant 16384 : i32
      %add3A_387 = arith.addi %add3A_386, %mul3A_163 : i32
      %add3A_388 = arith.constant 80 : i32
      %add3A_389 = arith.addi %add3A_387, %add3A_388 : i32
      %get3A_390 = arith.constant 0 : i32
      %get3A_391 = arith.index_cast %get3A_390 : i32 to index
      %get3A_392 = arith.index_cast %add3A_389 : i32 to index
      %get3A_393 = tpu.vector_load %arg4[%get3A_391, %get3A_392] {strides = array<i32>} : memref<1x32768xf32, #tpu.memory_space<vmem>>, vector<16xf32>,
      %add3A_394 = vector.broadcast %add3A_26 : f32 to vector<16xf32>
      %add3A_395 = arith.addf %get3A_393, %add3A_394 : vector<16xf32>
      %swap3A_396 = arith.constant 0 : i32
      %swap3A_397 = arith.index_cast %swap3A_396 : i32 to index
      %swap3A_398 = arith.index_cast %add3A_389 : i32 to index
      %swap3A_399 = tpu.vector_load %arg4[%swap3A_397, %swap3A_398] {strides = array<i32>} : memref<1x32768xf32, #tpu.memory_space<vmem>>, vector<16xf32>,
      tpu.vector_store %arg4[%swap3A_397, %swap3A_398], %add3A_395 {strides = array<i32>} : memref<1x32768xf32, #tpu.memory_space<vmem>>, vector<16xf32>,
      %add3A_400 = arith.constant 24576 : i32
      %add3A_401 = arith.addi %add3A_400, %mul3A_163 : i32
      %add3A_402 = arith.constant 80 : i32
      %add3A_403 = arith.addi %add3A_401, %add3A_402 : i32
      %get3A_404 = arith.constant 0 : i32
      %get3A_405 = arith.index_cast %get3A_404 : i32 to index
      %get3A_406 = arith.index_cast %add3A_403 : i32 to index
      %get3A_407 = tpu.vector_load %arg4[%get3A_405, %get3A_406] {strides = array<i32>} : memref<1x32768xf32, #tpu.memory_space<vmem>>, vector<16xf32>,
      %add3A_408 = vector.broadcast %add3A_27 : f32 to vector<16xf32>
      %add3A_409 = arith.addf %get3A_407, %add3A_408 : vector<16xf32>
      %swap3A_410 = arith.constant 0 : i32
      %swap3A_411 = arith.index_cast %swap3A_410 : i32 to index
      %swap3A_412 = arith.index_cast %add3A_403 : i32 to index
      %swap3A_413 = tpu.vector_load %arg4[%swap3A_411, %swap3A_412] {strides = array<i32>} : memref<1x32768xf32, #tpu.memory_space<vmem>>, vector<16xf32>,
      tpu.vector_store %arg4[%swap3A_411, %swap3A_412], %add3A_409 {strides = array<i32>} : memref<1x32768xf32, #tpu.memory_space<vmem>>, vector<16xf32>,
      %add3A_414 = arith.constant 8192 : i32
      %add3A_415 = arith.addi %add3A_414, %mul3A_163 : i32
      %add3A_416 = arith.constant 96 : i32
      %add3A_417 = arith.addi %add3A_415, %add3A_416 : i32
      %get3A_418 = arith.constant 0 : i32
      %get3A_419 = arith.index_cast %get3A_418 : i32 to index
      %get3A_420 = arith.index_cast %add3A_417 : i32 to index
      %get3A_421 = tpu.vector_load %arg4[%get3A_419, %get3A_420] {strides = array<i32>} : memref<1x32768xf32, #tpu.memory_space<vmem>>, vector<16xf32>,
      %add3A_422 = vector.broadcast %scan3A_24#0 : f32 to vector<16xf32>
      %add3A_423 = arith.addf %get3A_421, %add3A_422 : vector<16xf32>
      %swap3A_424 = arith.constant 0 : i32
      %swap3A_425 = arith.index_cast %swap3A_424 : i32 to index
      %swap3A_426 = arith.index_cast %add3A_417 : i32 to index
      %swap3A_427 = tpu.vector_load %arg4[%swap3A_425, %swap3A_426] {strides = array<i32>} : memref<1x32768xf32, #tpu.memory_space<vmem>>, vector<16xf32>,
      tpu.vector_store %arg4[%swap3A_425, %swap3A_426], %add3A_423 {strides = array<i32>} : memref<1x32768xf32, #tpu.memory_space<vmem>>, vector<16xf32>,
      %add3A_428 = arith.constant 16384 : i32
      %add3A_429 = arith.addi %add3A_428, %mul3A_163 : i32
      %add3A_430 = arith.constant 96 : i32
      %add3A_431 = arith.addi %add3A_429, %add3A_430 : i32
      %get3A_432 = arith.constant 0 : i32
      %get3A_433 = arith.index_cast %get3A_432 : i32 to index
      %get3A_434 = arith.index_cast %add3A_431 : i32 to index
      %get3A_435 = tpu.vector_load %arg4[%get3A_433, %get3A_434] {strides = array<i32>} : memref<1x32768xf32, #tpu.memory_space<vmem>>, vector<16xf32>,
      %add3A_436 = vector.broadcast %add3A_26 : f32 to vector<16xf32>
      %add3A_437 = arith.addf %get3A_435, %add3A_436 : vector<16xf32>
      %swap3A_438 = arith.constant 0 : i32
      %swap3A_439 = arith.index_cast %swap3A_438 : i32 to index
      %swap3A_440 = arith.index_cast %add3A_431 : i32 to index
      %swap3A_441 = tpu.vector_load %arg4[%swap3A_439, %swap3A_440] {strides = array<i32>} : memref<1x32768xf32, #tpu.memory_space<vmem>>, vector<16xf32>,
      tpu.vector_store %arg4[%swap3A_439, %swap3A_440], %add3A_437 {strides = array<i32>} : memref<1x32768xf32, #tpu.memory_space<vmem>>, vector<16xf32>,
      %add3A_442 = arith.constant 24576 : i32
      %add3A_443 = arith.addi %add3A_442, %mul3A_163 : i32
      %add3A_444 = arith.constant 96 : i32
      %add3A_445 = arith.addi %add3A_443, %add3A_444 : i32
      %get3A_446 = arith.constant 0 : i32
      %get3A_447 = arith.index_cast %get3A_446 : i32 to index
      %get3A_448 = arith.index_cast %add3A_445 : i32 to index
      %get3A_449 = tpu.vector_load %arg4[%get3A_447, %get3A_448] {strides = array<i32>} : memref<1x32768xf32, #tpu.memory_space<vmem>>, vector<16xf32>,
      %add3A_450 = vector.broadcast %add3A_27 : f32 to vector<16xf32>
      %add3A_451 = arith.addf %get3A_449, %add3A_450 : vector<16xf32>
      %swap3A_452 = arith.constant 0 : i32
      %swap3A_453 = arith.index_cast %swap3A_452 : i32 to index
      %swap3A_454 = arith.index_cast %add3A_445 : i32 to index
      %swap3A_455 = tpu.vector_load %arg4[%swap3A_453, %swap3A_454] {strides = array<i32>} : memref<1x32768xf32, #tpu.memory_space<vmem>>, vector<16xf32>,
      tpu.vector_store %arg4[%swap3A_453, %swap3A_454], %add3A_451 {strides = array<i32>} : memref<1x32768xf32, #tpu.memory_space<vmem>>, vector<16xf32>,
      %add3A_456 = arith.constant 8192 : i32
      %add3A_457 = arith.addi %add3A_456, %mul3A_163 : i32
      %add3A_458 = arith.constant 112 : i32
      %add3A_459 = arith.addi %add3A_457, %add3A_458 : i32
      %get3A_460 = arith.constant 0 : i32
      %get3A_461 = arith.index_cast %get3A_460 : i32 to index
      %get3A_462 = arith.index_cast %add3A_459 : i32 to index
      %get3A_463 = tpu.vector_load %arg4[%get3A_461, %get3A_462] {strides = array<i32>} : memref<1x32768xf32, #tpu.memory_space<vmem>>, vector<16xf32>,
      %add3A_464 = vector.broadcast %scan3A_24#0 : f32 to vector<16xf32>
      %add3A_465 = arith.addf %get3A_463, %add3A_464 : vector<16xf32>
      %swap3A_466 = arith.constant 0 : i32
      %swap3A_467 = arith.index_cast %swap3A_466 : i32 to index
      %swap3A_468 = arith.index_cast %add3A_459 : i32 to index
      %swap3A_469 = tpu.vector_load %arg4[%swap3A_467, %swap3A_468] {strides = array<i32>} : memref<1x32768xf32, #tpu.memory_space<vmem>>, vector<16xf32>,
      tpu.vector_store %arg4[%swap3A_467, %swap3A_468], %add3A_465 {strides = array<i32>} : memref<1x32768xf32, #tpu.memory_space<vmem>>, vector<16xf32>,
      %add3A_470 = arith.constant 16384 : i32
      %add3A_471 = arith.addi %add3A_470, %mul3A_163 : i32
      %add3A_472 = arith.constant 112 : i32
      %add3A_473 = arith.addi %add3A_471, %add3A_472 : i32
      %get3A_474 = arith.constant 0 : i32
      %get3A_475 = arith.index_cast %get3A_474 : i32 to index
      %get3A_476 = arith.index_cast %add3A_473 : i32 to index
      %get3A_477 = tpu.vector_load %arg4[%get3A_475, %get3A_476] {strides = array<i32>} : memref<1x32768xf32, #tpu.memory_space<vmem>>, vector<16xf32>,
      %add3A_478 = vector.broadcast %add3A_26 : f32 to vector<16xf32>
      %add3A_479 = arith.addf %get3A_477, %add3A_478 : vector<16xf32>
      %swap3A_480 = arith.constant 0 : i32
      %swap3A_481 = arith.index_cast %swap3A_480 : i32 to index
      %swap3A_482 = arith.index_cast %add3A_473 : i32 to index
      %swap3A_483 = tpu.vector_load %arg4[%swap3A_481, %swap3A_482] {strides = array<i32>} : memref<1x32768xf32, #tpu.memory_space<vmem>>, vector<16xf32>,
      tpu.vector_store %arg4[%swap3A_481, %swap3A_482], %add3A_479 {strides = array<i32>} : memref<1x32768xf32, #tpu.memory_space<vmem>>, vector<16xf32>,
      %add3A_484 = arith.constant 24576 : i32
      %add3A_485 = arith.addi %add3A_484, %mul3A_163 : i32
      %add3A_486 = arith.constant 112 : i32
      %add3A_487 = arith.addi %add3A_485, %add3A_486 : i32
      %get3A_488 = arith.constant 0 : i32
      %get3A_489 = arith.index_cast %get3A_488 : i32 to index
      %get3A_490 = arith.index_cast %add3A_487 : i32 to index
      %get3A_491 = tpu.vector_load %arg4[%get3A_489, %get3A_490] {strides = array<i32>} : memref<1x32768xf32, #tpu.memory_space<vmem>>, vector<16xf32>,
      %add3A_492 = vector.broadcast %add3A_27 : f32 to vector<16xf32>
      %add3A_493 = arith.addf %get3A_491, %add3A_492 : vector<16xf32>
      %swap3A_494 = arith.constant 0 : i32
      %swap3A_495 = arith.index_cast %swap3A_494 : i32 to index
      %swap3A_496 = arith.index_cast %add3A_487 : i32 to index
      %swap3A_497 = tpu.vector_load %arg4[%swap3A_495, %swap3A_496] {strides = array<i32>} : memref<1x32768xf32, #tpu.memory_space<vmem>>, vector<16xf32>,
      tpu.vector_store %arg4[%swap3A_495, %swap3A_496], %add3A_493 {strides = array<i32>} : memref<1x32768xf32, #tpu.memory_space<vmem>>, vector<16xf32>,
      %scan3A_498 = arith.constant 0 : i32
      scf.yield %scan3A_498 : i32
    }
    %scan3A_35 = arith.constant 64 : i32
    %add3A_36 = arith.constant 0 : i32
    %add3A_37 = arith.addi %mul3A_2, %add3A_36 : i32
    %dma_start3A_38 = arith.constant 0 : i32
    %dma_start3A_39 = tpu.memref_slice %arg3[%add3A_37, %dma_start3A_38] : memref<128x32768xf32, #tpu.memory_space<hbm>> -> memref<1x32768xf32, #tpu.memory_space<hbm>>
    %dma_start3A_40 = arith.constant 0 : i32
    %dma_start3A_41 = tpu.memref_slice %arg3[%add3A_37, %dma_start3A_40] : memref<128x32768xf32, #tpu.memory_space<hbm>> -> memref<1x32768xf32, #tpu.memory_space<hbm>>
    tpu.enqueue_dma source(%arg4 : memref<1x32768xf32, #tpu.memory_space<vmem>>) target(%dma_start3A_41 : memref<1x32768xf32, #tpu.memory_space<hbm>>) target_semaphore(%arg8 : memref<!tpu.dma_semaphore, #tpu.memory_space<semaphore_mem>>)
    %dma_wait3A_42 = arith.constant 0 : i32
    %dma_wait3A_43 = tpu.memref_slice %arg2[%add3A_12, %dma_wait3A_42] : memref<128x32768xf32, #tpu.memory_space<hbm>> -> memref<1x32768xf32, #tpu.memory_space<hbm>>
    %dma_wait3A_44 = arith.constant 0 : i32
    %dma_wait3A_45 = tpu.memref_slice %arg2[%add3A_12, %dma_wait3A_44] : memref<128x32768xf32, #tpu.memory_space<hbm>> -> memref<1x32768xf32, #tpu.memory_space<hbm>>
    tpu.wait_dma2 semaphore(%arg7 : memref<!tpu.dma_semaphore, #tpu.memory_space<semaphore_mem>>) src(%dma_wait3A_45 : memref<1x32768xf32, #tpu.memory_space<hbm>>) dst(%arg5 : memref<1x32768xf32, #tpu.memory_space<vmem>>)
    %dma_wait3A_46 = arith.constant 0 : i32
    %dma_wait3A_47 = tpu.memref_slice %arg3[%add3A_37, %dma_wait3A_46] : memref<128x32768xf32, #tpu.memory_space<hbm>> -> memref<1x32768xf32, #tpu.memory_space<hbm>>
    %dma_wait3A_48 = arith.constant 0 : i32
    %dma_wait3A_49 = tpu.memref_slice %arg3[%add3A_37, %dma_wait3A_48] : memref<128x32768xf32, #tpu.memory_space<hbm>> -> memref<1x32768xf32, #tpu.memory_space<hbm>>
    tpu.wait_dma2 semaphore(%arg8 : memref<!tpu.dma_semaphore, #tpu.memory_space<semaphore_mem>>) src(%arg4 : memref<1x32768xf32, #tpu.memory_space<vmem>>) dst(%dma_wait3A_49 : memref<1x32768xf32, #tpu.memory_space<hbm>>)
    %add3A_50 = arith.constant 2 : i32
    %add3A_51 = arith.addi %mul3A_2, %add3A_50 : i32
    %dma_start3A_52 = arith.constant 0 : i32
    %dma_start3A_53 = tpu.memref_slice %arg2[%add3A_51, %dma_start3A_52] : memref<128x32768xf32, #tpu.memory_space<hbm>> -> memref<1x32768xf32, #tpu.memory_space<hbm>>
    %dma_start3A_54 = arith.constant 0 : i32
    %dma_start3A_55 = tpu.memref_slice %arg2[%add3A_51, %dma_start3A_54] : memref<128x32768xf32, #tpu.memory_space<hbm>> -> memref<1x32768xf32, #tpu.memory_space<hbm>>
    tpu.enqueue_dma source(%dma_start3A_55 : memref<1x32768xf32, #tpu.memory_space<hbm>>) target(%arg4 : memref<1x32768xf32, #tpu.memory_space<vmem>>) target_semaphore(%arg6 : memref<!tpu.dma_semaphore, #tpu.memory_space<semaphore_mem>>)
    %scan3A_56 = arith.constant 0.000000e+00 : f32
    %scan3A_57 = arith.constant 0.000000e+00 : f32
    %scan3A_58 = arith.constant 0.000000e+00 : f32
    %scan3A_59 = arith.constant 0.000000e+00 : f32
    %scan3A_60 = arith.constant 0 : i32
    %scan3A_61 = arith.constant 64 : i32
    %scan3A_62 = arith.addi %scan3A_60, %scan3A_61 : i32
    %scan3A_63 = arith.constant 1 : i32
    %scan3A_64:4 = scf.for %scan3A_160 = %scan3A_60 to %scan3A_62 step %scan3A_63 iter_args(%scan3A_161 = %scan3A_56, %scan3A_162 = %scan3A_57, %scan3A_163 = %scan3A_58, %scan3A_164 = %scan3A_59) -> (f32, f32, f32, f32)  : i32 {
      %mul3A_165 = arith.constant 128 : i32
      %mul3A_166 = arith.muli %scan3A_160, %mul3A_165 : i32
      %add3A_167 = arith.constant 0 : i32
      %add3A_168 = arith.addi %add3A_167, %mul3A_166 : i32
      %add3A_169 = arith.constant 0 : i32
      %add3A_170 = arith.addi %add3A_168, %add3A_169 : i32
      %get3A = arith.constant 0 : i32
      %get3A_171 = arith.index_cast %get3A : i32 to index
      %get3A_172 = arith.index_cast %add3A_170 : i32 to index
      %get3A_173 = tpu.vector_load %arg5[%get3A_171, %get3A_172] {strides = array<i32>} : memref<1x32768xf32, #tpu.memory_space<vmem>>, vector<16xf32>,
      %broadcast_in_dim3A = arith.constant true
      %broadcast_in_dim3A_174 = vector.broadcast %broadcast_in_dim3A : i1 to vector<16xi1>
      %masked_cumsum3A = tpu.scan <sum>, %get3A_173 masked %broadcast_in_dim3A_174 : vector<16xf32>, vector<16xi1> -> vector<16xf32>
      %add3A_175 = vector.broadcast %scan3A_161 : f32 to vector<16xf32>
      %add3A_176 = arith.addf %masked_cumsum3A, %add3A_175 : vector<16xf32>
      %swap3A = arith.constant 0 : i32
      %swap3A_177 = arith.index_cast %swap3A : i32 to index
      %swap3A_178 = arith.index_cast %add3A_170 : i32 to index
      %swap3A_179 = tpu.vector_load %arg5[%swap3A_177, %swap3A_178] {strides = array<i32>} : memref<1x32768xf32, #tpu.memory_space<vmem>>, vector<16xf32>,
      tpu.vector_store %arg5[%swap3A_177, %swap3A_178], %add3A_176 {strides = array<i32>} : memref<1x32768xf32, #tpu.memory_space<vmem>>, vector<16xf32>,
      %slice3A = vector.extract_strided_slice %masked_cumsum3A {offsets = [15], sizes = [1], strides = [1]} : vector<16xf32> to vector<1xf32>
      %squeeze3A = vector.extract %slice3A[0] : f32 from vector<1xf32>
      %add3A_180 = arith.addf %scan3A_161, %squeeze3A : f32
      %add3A_181 = arith.constant 8192 : i32
      %add3A_182 = arith.addi %add3A_181, %mul3A_166 : i32
      %add3A_183 = arith.constant 0 : i32
      %add3A_184 = arith.addi %add3A_182, %add3A_183 : i32
      %get3A_185 = arith.constant 0 : i32
      %get3A_186 = arith.index_cast %get3A_185 : i32 to index
      %get3A_187 = arith.index_cast %add3A_184 : i32 to index
      %get3A_188 = tpu.vector_load %arg5[%get3A_186, %get3A_187] {strides = array<i32>} : memref<1x32768xf32, #tpu.memory_space<vmem>>, vector<16xf32>,
      %broadcast_in_dim3A_189 = arith.constant true
      %broadcast_in_dim3A_190 = vector.broadcast %broadcast_in_dim3A_189 : i1 to vector<16xi1>
      %masked_cumsum3A_191 = tpu.scan <sum>, %get3A_188 masked %broadcast_in_dim3A_190 : vector<16xf32>, vector<16xi1> -> vector<16xf32>
      %add3A_192 = vector.broadcast %scan3A_162 : f32 to vector<16xf32>
      %add3A_193 = arith.addf %masked_cumsum3A_191, %add3A_192 : vector<16xf32>
      %swap3A_194 = arith.constant 0 : i32
      %swap3A_195 = arith.index_cast %swap3A_194 : i32 to index
      %swap3A_196 = arith.index_cast %add3A_184 : i32 to index
      %swap3A_197 = tpu.vector_load %arg5[%swap3A_195, %swap3A_196] {strides = array<i32>} : memref<1x32768xf32, #tpu.memory_space<vmem>>, vector<16xf32>,
      tpu.vector_store %arg5[%swap3A_195, %swap3A_196], %add3A_193 {strides = array<i32>} : memref<1x32768xf32, #tpu.memory_space<vmem>>, vector<16xf32>,
      %slice3A_198 = vector.extract_strided_slice %masked_cumsum3A_191 {offsets = [15], sizes = [1], strides = [1]} : vector<16xf32> to vector<1xf32>
      %squeeze3A_199 = vector.extract %slice3A_198[0] : f32 from vector<1xf32>
      %add3A_200 = arith.addf %scan3A_162, %squeeze3A_199 : f32
      %add3A_201 = arith.constant 16384 : i32
      %add3A_202 = arith.addi %add3A_201, %mul3A_166 : i32
      %add3A_203 = arith.constant 0 : i32
      %add3A_204 = arith.addi %add3A_202, %add3A_203 : i32
      %get3A_205 = arith.constant 0 : i32
      %get3A_206 = arith.index_cast %get3A_205 : i32 to index
      %get3A_207 = arith.index_cast %add3A_204 : i32 to index
      %get3A_208 = tpu.vector_load %arg5[%get3A_206, %get3A_207] {strides = array<i32>} : memref<1x32768xf32, #tpu.memory_space<vmem>>, vector<16xf32>,
      %broadcast_in_dim3A_209 = arith.constant true
      %broadcast_in_dim3A_210 = vector.broadcast %broadcast_in_dim3A_209 : i1 to vector<16xi1>
      %masked_cumsum3A_211 = tpu.scan <sum>, %get3A_208 masked %broadcast_in_dim3A_210 : vector<16xf32>, vector<16xi1> -> vector<16xf32>
      %add3A_212 = vector.broadcast %scan3A_163 : f32 to vector<16xf32>
      %add3A_213 = arith.addf %masked_cumsum3A_211, %add3A_212 : vector<16xf32>
      %swap3A_214 = arith.constant 0 : i32
      %swap3A_215 = arith.index_cast %swap3A_214 : i32 to index
      %swap3A_216 = arith.index_cast %add3A_204 : i32 to index
      %swap3A_217 = tpu.vector_load %arg5[%swap3A_215, %swap3A_216] {strides = array<i32>} : memref<1x32768xf32, #tpu.memory_space<vmem>>, vector<16xf32>,
      tpu.vector_store %arg5[%swap3A_215, %swap3A_216], %add3A_213 {strides = array<i32>} : memref<1x32768xf32, #tpu.memory_space<vmem>>, vector<16xf32>,
      %slice3A_218 = vector.extract_strided_slice %masked_cumsum3A_211 {offsets = [15], sizes = [1], strides = [1]} : vector<16xf32> to vector<1xf32>
      %squeeze3A_219 = vector.extract %slice3A_218[0] : f32 from vector<1xf32>
      %add3A_220 = arith.addf %scan3A_163, %squeeze3A_219 : f32
      %add3A_221 = arith.constant 24576 : i32
      %add3A_222 = arith.addi %add3A_221, %mul3A_166 : i32
      %add3A_223 = arith.constant 0 : i32
      %add3A_224 = arith.addi %add3A_222, %add3A_223 : i32
      %get3A_225 = arith.constant 0 : i32
      %get3A_226 = arith.index_cast %get3A_225 : i32 to index
      %get3A_227 = arith.index_cast %add3A_224 : i32 to index
      %get3A_228 = tpu.vector_load %arg5[%get3A_226, %get3A_227] {strides = array<i32>} : memref<1x32768xf32, #tpu.memory_space<vmem>>, vector<16xf32>,
      %broadcast_in_dim3A_229 = arith.constant true
      %broadcast_in_dim3A_230 = vector.broadcast %broadcast_in_dim3A_229 : i1 to vector<16xi1>
      %masked_cumsum3A_231 = tpu.scan <sum>, %get3A_228 masked %broadcast_in_dim3A_230 : vector<16xf32>, vector<16xi1> -> vector<16xf32>
      %add3A_232 = vector.broadcast %scan3A_164 : f32 to vector<16xf32>
      %add3A_233 = arith.addf %masked_cumsum3A_231, %add3A_232 : vector<16xf32>
      %swap3A_234 = arith.constant 0 : i32
      %swap3A_235 = arith.index_cast %swap3A_234 : i32 to index
      %swap3A_236 = arith.index_cast %add3A_224 : i32 to index
      %swap3A_237 = tpu.vector_load %arg5[%swap3A_235, %swap3A_236] {strides = array<i32>} : memref<1x32768xf32, #tpu.memory_space<vmem>>, vector<16xf32>,
      tpu.vector_store %arg5[%swap3A_235, %swap3A_236], %add3A_233 {strides = array<i32>} : memref<1x32768xf32, #tpu.memory_space<vmem>>, vector<16xf32>,
      %slice3A_238 = vector.extract_strided_slice %masked_cumsum3A_231 {offsets = [15], sizes = [1], strides = [1]} : vector<16xf32> to vector<1xf32>
      %squeeze3A_239 = vector.extract %slice3A_238[0] : f32 from vector<1xf32>
      %add3A_240 = arith.addf %scan3A_164, %squeeze3A_239 : f32
      %add3A_241 = arith.constant 0 : i32
      %add3A_242 = arith.addi %add3A_241, %mul3A_166 : i32
      %add3A_243 = arith.constant 16 : i32
      %add3A_244 = arith.addi %add3A_242, %add3A_243 : i32
      %get3A_245 = arith.constant 0 : i32
      %get3A_246 = arith.index_cast %get3A_245 : i32 to index
      %get3A_247 = arith.index_cast %add3A_244 : i32 to index
      %get3A_248 = tpu.vector_load %arg5[%get3A_246, %get3A_247] {strides = array<i32>} : memref<1x32768xf32, #tpu.memory_space<vmem>>, vector<16xf32>,
      %broadcast_in_dim3A_249 = arith.constant true
      %broadcast_in_dim3A_250 = vector.broadcast %broadcast_in_dim3A_249 : i1 to vector<16xi1>
      %masked_cumsum3A_251 = tpu.scan <sum>, %get3A_248 masked %broadcast_in_dim3A_250 : vector<16xf32>, vector<16xi1> -> vector<16xf32>
      %add3A_252 = vector.broadcast %add3A_180 : f32 to vector<16xf32>
      %add3A_253 = arith.addf %masked_cumsum3A_251, %add3A_252 : vector<16xf32>
      %swap3A_254 = arith.constant 0 : i32
      %swap3A_255 = arith.index_cast %swap3A_254 : i32 to index
      %swap3A_256 = arith.index_cast %add3A_244 : i32 to index
      %swap3A_257 = tpu.vector_load %arg5[%swap3A_255, %swap3A_256] {strides = array<i32>} : memref<1x32768xf32, #tpu.memory_space<vmem>>, vector<16xf32>,
      tpu.vector_store %arg5[%swap3A_255, %swap3A_256], %add3A_253 {strides = array<i32>} : memref<1x32768xf32, #tpu.memory_space<vmem>>, vector<16xf32>,
      %slice3A_258 = vector.extract_strided_slice %masked_cumsum3A_251 {offsets = [15], sizes = [1], strides = [1]} : vector<16xf32> to vector<1xf32>
      %squeeze3A_259 = vector.extract %slice3A_258[0] : f32 from vector<1xf32>
      %add3A_260 = arith.addf %add3A_180, %squeeze3A_259 : f32
      %add3A_261 = arith.constant 8192 : i32
      %add3A_262 = arith.addi %add3A_261, %mul3A_166 : i32
      %add3A_263 = arith.constant 16 : i32
      %add3A_264 = arith.addi %add3A_262, %add3A_263 : i32
      %get3A_265 = arith.constant 0 : i32
      %get3A_266 = arith.index_cast %get3A_265 : i32 to index
      %get3A_267 = arith.index_cast %add3A_264 : i32 to index
      %get3A_268 = tpu.vector_load %arg5[%get3A_266, %get3A_267] {strides = array<i32>} : memref<1x32768xf32, #tpu.memory_space<vmem>>, vector<16xf32>,
      %broadcast_in_dim3A_269 = arith.constant true
      %broadcast_in_dim3A_270 = vector.broadcast %broadcast_in_dim3A_269 : i1 to vector<16xi1>
      %masked_cumsum3A_271 = tpu.scan <sum>, %get3A_268 masked %broadcast_in_dim3A_270 : vector<16xf32>, vector<16xi1> -> vector<16xf32>
      %add3A_272 = vector.broadcast %add3A_200 : f32 to vector<16xf32>
      %add3A_273 = arith.addf %masked_cumsum3A_271, %add3A_272 : vector<16xf32>
      %swap3A_274 = arith.constant 0 : i32
      %swap3A_275 = arith.index_cast %swap3A_274 : i32 to index
      %swap3A_276 = arith.index_cast %add3A_264 : i32 to index
      %swap3A_277 = tpu.vector_load %arg5[%swap3A_275, %swap3A_276] {strides = array<i32>} : memref<1x32768xf32, #tpu.memory_space<vmem>>, vector<16xf32>,
      tpu.vector_store %arg5[%swap3A_275, %swap3A_276], %add3A_273 {strides = array<i32>} : memref<1x32768xf32, #tpu.memory_space<vmem>>, vector<16xf32>,
      %slice3A_278 = vector.extract_strided_slice %masked_cumsum3A_271 {offsets = [15], sizes = [1], strides = [1]} : vector<16xf32> to vector<1xf32>
      %squeeze3A_279 = vector.extract %slice3A_278[0] : f32 from vector<1xf32>
      %add3A_280 = arith.addf %add3A_200, %squeeze3A_279 : f32
      %add3A_281 = arith.constant 16384 : i32
      %add3A_282 = arith.addi %add3A_281, %mul3A_166 : i32
      %add3A_283 = arith.constant 16 : i32
      %add3A_284 = arith.addi %add3A_282, %add3A_283 : i32
      %get3A_285 = arith.constant 0 : i32
      %get3A_286 = arith.index_cast %get3A_285 : i32 to index
      %get3A_287 = arith.index_cast %add3A_284 : i32 to index
      %get3A_288 = tpu.vector_load %arg5[%get3A_286, %get3A_287] {strides = array<i32>} : memref<1x32768xf32, #tpu.memory_space<vmem>>, vector<16xf32>,
      %broadcast_in_dim3A_289 = arith.constant true
      %broadcast_in_dim3A_290 = vector.broadcast %broadcast_in_dim3A_289 : i1 to vector<16xi1>
      %masked_cumsum3A_291 = tpu.scan <sum>, %get3A_288 masked %broadcast_in_dim3A_290 : vector<16xf32>, vector<16xi1> -> vector<16xf32>
      %add3A_292 = vector.broadcast %add3A_220 : f32 to vector<16xf32>
      %add3A_293 = arith.addf %masked_cumsum3A_291, %add3A_292 : vector<16xf32>
      %swap3A_294 = arith.constant 0 : i32
      %swap3A_295 = arith.index_cast %swap3A_294 : i32 to index
      %swap3A_296 = arith.index_cast %add3A_284 : i32 to index
      %swap3A_297 = tpu.vector_load %arg5[%swap3A_295, %swap3A_296] {strides = array<i32>} : memref<1x32768xf32, #tpu.memory_space<vmem>>, vector<16xf32>,
      tpu.vector_store %arg5[%swap3A_295, %swap3A_296], %add3A_293 {strides = array<i32>} : memref<1x32768xf32, #tpu.memory_space<vmem>>, vector<16xf32>,
      %slice3A_298 = vector.extract_strided_slice %masked_cumsum3A_291 {offsets = [15], sizes = [1], strides = [1]} : vector<16xf32> to vector<1xf32>
      %squeeze3A_299 = vector.extract %slice3A_298[0] : f32 from vector<1xf32>
      %add3A_300 = arith.addf %add3A_220, %squeeze3A_299 : f32
      %add3A_301 = arith.constant 24576 : i32
      %add3A_302 = arith.addi %add3A_301, %mul3A_166 : i32
      %add3A_303 = arith.constant 16 : i32
      %add3A_304 = arith.addi %add3A_302, %add3A_303 : i32
      %get3A_305 = arith.constant 0 : i32
      %get3A_306 = arith.index_cast %get3A_305 : i32 to index
      %get3A_307 = arith.index_cast %add3A_304 : i32 to index
      %get3A_308 = tpu.vector_load %arg5[%get3A_306, %get3A_307] {strides = array<i32>} : memref<1x32768xf32, #tpu.memory_space<vmem>>, vector<16xf32>,
      %broadcast_in_dim3A_309 = arith.constant true
      %broadcast_in_dim3A_310 = vector.broadcast %broadcast_in_dim3A_309 : i1 to vector<16xi1>
      %masked_cumsum3A_311 = tpu.scan <sum>, %get3A_308 masked %broadcast_in_dim3A_310 : vector<16xf32>, vector<16xi1> -> vector<16xf32>
      %add3A_312 = vector.broadcast %add3A_240 : f32 to vector<16xf32>
      %add3A_313 = arith.addf %masked_cumsum3A_311, %add3A_312 : vector<16xf32>
      %swap3A_314 = arith.constant 0 : i32
      %swap3A_315 = arith.index_cast %swap3A_314 : i32 to index
      %swap3A_316 = arith.index_cast %add3A_304 : i32 to index
      %swap3A_317 = tpu.vector_load %arg5[%swap3A_315, %swap3A_316] {strides = array<i32>} : memref<1x32768xf32, #tpu.memory_space<vmem>>, vector<16xf32>,
      tpu.vector_store %arg5[%swap3A_315, %swap3A_316], %add3A_313 {strides = array<i32>} : memref<1x32768xf32, #tpu.memory_space<vmem>>, vector<16xf32>,
      %slice3A_318 = vector.extract_strided_slice %masked_cumsum3A_311 {offsets = [15], sizes = [1], strides = [1]} : vector<16xf32> to vector<1xf32>
      %squeeze3A_319 = vector.extract %slice3A_318[0] : f32 from vector<1xf32>
      %add3A_320 = arith.addf %add3A_240, %squeeze3A_319 : f32
      %add3A_321 = arith.constant 0 : i32
      %add3A_322 = arith.addi %add3A_321, %mul3A_166 : i32
      %add3A_323 = arith.constant 32 : i32
      %add3A_324 = arith.addi %add3A_322, %add3A_323 : i32
      %get3A_325 = arith.constant 0 : i32
      %get3A_326 = arith.index_cast %get3A_325 : i32 to index
      %get3A_327 = arith.index_cast %add3A_324 : i32 to index
      %get3A_328 = tpu.vector_load %arg5[%get3A_326, %get3A_327] {strides = array<i32>} : memref<1x32768xf32, #tpu.memory_space<vmem>>, vector<16xf32>,
      %broadcast_in_dim3A_329 = arith.constant true
      %broadcast_in_dim3A_330 = vector.broadcast %broadcast_in_dim3A_329 : i1 to vector<16xi1>
      %masked_cumsum3A_331 = tpu.scan <sum>, %get3A_328 masked %broadcast_in_dim3A_330 : vector<16xf32>, vector<16xi1> -> vector<16xf32>
      %add3A_332 = vector.broadcast %add3A_260 : f32 to vector<16xf32>
      %add3A_333 = arith.addf %masked_cumsum3A_331, %add3A_332 : vector<16xf32>
      %swap3A_334 = arith.constant 0 : i32
      %swap3A_335 = arith.index_cast %swap3A_334 : i32 to index
      %swap3A_336 = arith.index_cast %add3A_324 : i32 to index
      %swap3A_337 = tpu.vector_load %arg5[%swap3A_335, %swap3A_336] {strides = array<i32>} : memref<1x32768xf32, #tpu.memory_space<vmem>>, vector<16xf32>,
      tpu.vector_store %arg5[%swap3A_335, %swap3A_336], %add3A_333 {strides = array<i32>} : memref<1x32768xf32, #tpu.memory_space<vmem>>, vector<16xf32>,
      %slice3A_338 = vector.extract_strided_slice %masked_cumsum3A_331 {offsets = [15], sizes = [1], strides = [1]} : vector<16xf32> to vector<1xf32>
      %squeeze3A_339 = vector.extract %slice3A_338[0] : f32 from vector<1xf32>
      %add3A_340 = arith.addf %add3A_260, %squeeze3A_339 : f32
      %add3A_341 = arith.constant 8192 : i32
      %add3A_342 = arith.addi %add3A_341, %mul3A_166 : i32
      %add3A_343 = arith.constant 32 : i32
      %add3A_344 = arith.addi %add3A_342, %add3A_343 : i32
      %get3A_345 = arith.constant 0 : i32
      %get3A_346 = arith.index_cast %get3A_345 : i32 to index
      %get3A_347 = arith.index_cast %add3A_344 : i32 to index
      %get3A_348 = tpu.vector_load %arg5[%get3A_346, %get3A_347] {strides = array<i32>} : memref<1x32768xf32, #tpu.memory_space<vmem>>, vector<16xf32>,
      %broadcast_in_dim3A_349 = arith.constant true
      %broadcast_in_dim3A_350 = vector.broadcast %broadcast_in_dim3A_349 : i1 to vector<16xi1>
      %masked_cumsum3A_351 = tpu.scan <sum>, %get3A_348 masked %broadcast_in_dim3A_350 : vector<16xf32>, vector<16xi1> -> vector<16xf32>
      %add3A_352 = vector.broadcast %add3A_280 : f32 to vector<16xf32>
      %add3A_353 = arith.addf %masked_cumsum3A_351, %add3A_352 : vector<16xf32>
      %swap3A_354 = arith.constant 0 : i32
      %swap3A_355 = arith.index_cast %swap3A_354 : i32 to index
      %swap3A_356 = arith.index_cast %add3A_344 : i32 to index
      %swap3A_357 = tpu.vector_load %arg5[%swap3A_355, %swap3A_356] {strides = array<i32>} : memref<1x32768xf32, #tpu.memory_space<vmem>>, vector<16xf32>,
      tpu.vector_store %arg5[%swap3A_355, %swap3A_356], %add3A_353 {strides = array<i32>} : memref<1x32768xf32, #tpu.memory_space<vmem>>, vector<16xf32>,
      %slice3A_358 = vector.extract_strided_slice %masked_cumsum3A_351 {offsets = [15], sizes = [1], strides = [1]} : vector<16xf32> to vector<1xf32>
      %squeeze3A_359 = vector.extract %slice3A_358[0] : f32 from vector<1xf32>
      %add3A_360 = arith.addf %add3A_280, %squeeze3A_359 : f32
      %add3A_361 = arith.constant 16384 : i32
      %add3A_362 = arith.addi %add3A_361, %mul3A_166 : i32
      %add3A_363 = arith.constant 32 : i32
      %add3A_364 = arith.addi %add3A_362, %add3A_363 : i32
      %get3A_365 = arith.constant 0 : i32
      %get3A_366 = arith.index_cast %get3A_365 : i32 to index
      %get3A_367 = arith.index_cast %add3A_364 : i32 to index
      %get3A_368 = tpu.vector_load %arg5[%get3A_366, %get3A_367] {strides = array<i32>} : memref<1x32768xf32, #tpu.memory_space<vmem>>, vector<16xf32>,
      %broadcast_in_dim3A_369 = arith.constant true
      %broadcast_in_dim3A_370 = vector.broadcast %broadcast_in_dim3A_369 : i1 to vector<16xi1>
      %masked_cumsum3A_371 = tpu.scan <sum>, %get3A_368 masked %broadcast_in_dim3A_370 : vector<16xf32>, vector<16xi1> -> vector<16xf32>
      %add3A_372 = vector.broadcast %add3A_300 : f32 to vector<16xf32>
      %add3A_373 = arith.addf %masked_cumsum3A_371, %add3A_372 : vector<16xf32>
      %swap3A_374 = arith.constant 0 : i32
      %swap3A_375 = arith.index_cast %swap3A_374 : i32 to index
      %swap3A_376 = arith.index_cast %add3A_364 : i32 to index
      %swap3A_377 = tpu.vector_load %arg5[%swap3A_375, %swap3A_376] {strides = array<i32>} : memref<1x32768xf32, #tpu.memory_space<vmem>>, vector<16xf32>,
      tpu.vector_store %arg5[%swap3A_375, %swap3A_376], %add3A_373 {strides = array<i32>} : memref<1x32768xf32, #tpu.memory_space<vmem>>, vector<16xf32>,
      %slice3A_378 = vector.extract_strided_slice %masked_cumsum3A_371 {offsets = [15], sizes = [1], strides = [1]} : vector<16xf32> to vector<1xf32>
      %squeeze3A_379 = vector.extract %slice3A_378[0] : f32 from vector<1xf32>
      %add3A_380 = arith.addf %add3A_300, %squeeze3A_379 : f32
      %add3A_381 = arith.constant 24576 : i32
      %add3A_382 = arith.addi %add3A_381, %mul3A_166 : i32
      %add3A_383 = arith.constant 32 : i32
      %add3A_384 = arith.addi %add3A_382, %add3A_383 : i32
      %get3A_385 = arith.constant 0 : i32
      %get3A_386 = arith.index_cast %get3A_385 : i32 to index
      %get3A_387 = arith.index_cast %add3A_384 : i32 to index
      %get3A_388 = tpu.vector_load %arg5[%get3A_386, %get3A_387] {strides = array<i32>} : memref<1x32768xf32, #tpu.memory_space<vmem>>, vector<16xf32>,
      %broadcast_in_dim3A_389 = arith.constant true
      %broadcast_in_dim3A_390 = vector.broadcast %broadcast_in_dim3A_389 : i1 to vector<16xi1>
      %masked_cumsum3A_391 = tpu.scan <sum>, %get3A_388 masked %broadcast_in_dim3A_390 : vector<16xf32>, vector<16xi1> -> vector<16xf32>
      %add3A_392 = vector.broadcast %add3A_320 : f32 to vector<16xf32>
      %add3A_393 = arith.addf %masked_cumsum3A_391, %add3A_392 : vector<16xf32>
      %swap3A_394 = arith.constant 0 : i32
      %swap3A_395 = arith.index_cast %swap3A_394 : i32 to index
      %swap3A_396 = arith.index_cast %add3A_384 : i32 to index
      %swap3A_397 = tpu.vector_load %arg5[%swap3A_395, %swap3A_396] {strides = array<i32>} : memref<1x32768xf32, #tpu.memory_space<vmem>>, vector<16xf32>,
      tpu.vector_store %arg5[%swap3A_395, %swap3A_396], %add3A_393 {strides = array<i32>} : memref<1x32768xf32, #tpu.memory_space<vmem>>, vector<16xf32>,
      %slice3A_398 = vector.extract_strided_slice %masked_cumsum3A_391 {offsets = [15], sizes = [1], strides = [1]} : vector<16xf32> to vector<1xf32>
      %squeeze3A_399 = vector.extract %slice3A_398[0] : f32 from vector<1xf32>
      %add3A_400 = arith.addf %add3A_320, %squeeze3A_399 : f32
      %add3A_401 = arith.constant 0 : i32
      %add3A_402 = arith.addi %add3A_401, %mul3A_166 : i32
      %add3A_403 = arith.constant 48 : i32
      %add3A_404 = arith.addi %add3A_402, %add3A_403 : i32
      %get3A_405 = arith.constant 0 : i32
      %get3A_406 = arith.index_cast %get3A_405 : i32 to index
      %get3A_407 = arith.index_cast %add3A_404 : i32 to index
      %get3A_408 = tpu.vector_load %arg5[%get3A_406, %get3A_407] {strides = array<i32>} : memref<1x32768xf32, #tpu.memory_space<vmem>>, vector<16xf32>,
      %broadcast_in_dim3A_409 = arith.constant true
      %broadcast_in_dim3A_410 = vector.broadcast %broadcast_in_dim3A_409 : i1 to vector<16xi1>
      %masked_cumsum3A_411 = tpu.scan <sum>, %get3A_408 masked %broadcast_in_dim3A_410 : vector<16xf32>, vector<16xi1> -> vector<16xf32>
      %add3A_412 = vector.broadcast %add3A_340 : f32 to vector<16xf32>
      %add3A_413 = arith.addf %masked_cumsum3A_411, %add3A_412 : vector<16xf32>
      %swap3A_414 = arith.constant 0 : i32
      %swap3A_415 = arith.index_cast %swap3A_414 : i32 to index
      %swap3A_416 = arith.index_cast %add3A_404 : i32 to index
      %swap3A_417 = tpu.vector_load %arg5[%swap3A_415, %swap3A_416] {strides = array<i32>} : memref<1x32768xf32, #tpu.memory_space<vmem>>, vector<16xf32>,
      tpu.vector_store %arg5[%swap3A_415, %swap3A_416], %add3A_413 {strides = array<i32>} : memref<1x32768xf32, #tpu.memory_space<vmem>>, vector<16xf32>,
      %slice3A_418 = vector.extract_strided_slice %masked_cumsum3A_411 {offsets = [15], sizes = [1], strides = [1]} : vector<16xf32> to vector<1xf32>
      %squeeze3A_419 = vector.extract %slice3A_418[0] : f32 from vector<1xf32>
      %add3A_420 = arith.addf %add3A_340, %squeeze3A_419 : f32
      %add3A_421 = arith.constant 8192 : i32
      %add3A_422 = arith.addi %add3A_421, %mul3A_166 : i32
      %add3A_423 = arith.constant 48 : i32
      %add3A_424 = arith.addi %add3A_422, %add3A_423 : i32
      %get3A_425 = arith.constant 0 : i32
      %get3A_426 = arith.index_cast %get3A_425 : i32 to index
      %get3A_427 = arith.index_cast %add3A_424 : i32 to index
      %get3A_428 = tpu.vector_load %arg5[%get3A_426, %get3A_427] {strides = array<i32>} : memref<1x32768xf32, #tpu.memory_space<vmem>>, vector<16xf32>,
      %broadcast_in_dim3A_429 = arith.constant true
      %broadcast_in_dim3A_430 = vector.broadcast %broadcast_in_dim3A_429 : i1 to vector<16xi1>
      %masked_cumsum3A_431 = tpu.scan <sum>, %get3A_428 masked %broadcast_in_dim3A_430 : vector<16xf32>, vector<16xi1> -> vector<16xf32>
      %add3A_432 = vector.broadcast %add3A_360 : f32 to vector<16xf32>
      %add3A_433 = arith.addf %masked_cumsum3A_431, %add3A_432 : vector<16xf32>
      %swap3A_434 = arith.constant 0 : i32
      %swap3A_435 = arith.index_cast %swap3A_434 : i32 to index
      %swap3A_436 = arith.index_cast %add3A_424 : i32 to index
      %swap3A_437 = tpu.vector_load %arg5[%swap3A_435, %swap3A_436] {strides = array<i32>} : memref<1x32768xf32, #tpu.memory_space<vmem>>, vector<16xf32>,
      tpu.vector_store %arg5[%swap3A_435, %swap3A_436], %add3A_433 {strides = array<i32>} : memref<1x32768xf32, #tpu.memory_space<vmem>>, vector<16xf32>,
      %slice3A_438 = vector.extract_strided_slice %masked_cumsum3A_431 {offsets = [15], sizes = [1], strides = [1]} : vector<16xf32> to vector<1xf32>
      %squeeze3A_439 = vector.extract %slice3A_438[0] : f32 from vector<1xf32>
      %add3A_440 = arith.addf %add3A_360, %squeeze3A_439 : f32
      %add3A_441 = arith.constant 16384 : i32
      %add3A_442 = arith.addi %add3A_441, %mul3A_166 : i32
      %add3A_443 = arith.constant 48 : i32
      %add3A_444 = arith.addi %add3A_442, %add3A_443 : i32
      %get3A_445 = arith.constant 0 : i32
      %get3A_446 = arith.index_cast %get3A_445 : i32 to index
      %get3A_447 = arith.index_cast %add3A_444 : i32 to index
      %get3A_448 = tpu.vector_load %arg5[%get3A_446, %get3A_447] {strides = array<i32>} : memref<1x32768xf32, #tpu.memory_space<vmem>>, vector<16xf32>,
      %broadcast_in_dim3A_449 = arith.constant true
      %broadcast_in_dim3A_450 = vector.broadcast %broadcast_in_dim3A_449 : i1 to vector<16xi1>
      %masked_cumsum3A_451 = tpu.scan <sum>, %get3A_448 masked %broadcast_in_dim3A_450 : vector<16xf32>, vector<16xi1> -> vector<16xf32>
      %add3A_452 = vector.broadcast %add3A_380 : f32 to vector<16xf32>
      %add3A_453 = arith.addf %masked_cumsum3A_451, %add3A_452 : vector<16xf32>
      %swap3A_454 = arith.constant 0 : i32
      %swap3A_455 = arith.index_cast %swap3A_454 : i32 to index
      %swap3A_456 = arith.index_cast %add3A_444 : i32 to index
      %swap3A_457 = tpu.vector_load %arg5[%swap3A_455, %swap3A_456] {strides = array<i32>} : memref<1x32768xf32, #tpu.memory_space<vmem>>, vector<16xf32>,
      tpu.vector_store %arg5[%swap3A_455, %swap3A_456], %add3A_453 {strides = array<i32>} : memref<1x32768xf32, #tpu.memory_space<vmem>>, vector<16xf32>,
      %slice3A_458 = vector.extract_strided_slice %masked_cumsum3A_451 {offsets = [15], sizes = [1], strides = [1]} : vector<16xf32> to vector<1xf32>
      %squeeze3A_459 = vector.extract %slice3A_458[0] : f32 from vector<1xf32>
      %add3A_460 = arith.addf %add3A_380, %squeeze3A_459 : f32
      %add3A_461 = arith.constant 24576 : i32
      %add3A_462 = arith.addi %add3A_461, %mul3A_166 : i32
      %add3A_463 = arith.constant 48 : i32
      %add3A_464 = arith.addi %add3A_462, %add3A_463 : i32
      %get3A_465 = arith.constant 0 : i32
      %get3A_466 = arith.index_cast %get3A_465 : i32 to index
      %get3A_467 = arith.index_cast %add3A_464 : i32 to index
      %get3A_468 = tpu.vector_load %arg5[%get3A_466, %get3A_467] {strides = array<i32>} : memref<1x32768xf32, #tpu.memory_space<vmem>>, vector<16xf32>,
      %broadcast_in_dim3A_469 = arith.constant true
      %broadcast_in_dim3A_470 = vector.broadcast %broadcast_in_dim3A_469 : i1 to vector<16xi1>
      %masked_cumsum3A_471 = tpu.scan <sum>, %get3A_468 masked %broadcast_in_dim3A_470 : vector<16xf32>, vector<16xi1> -> vector<16xf32>
      %add3A_472 = vector.broadcast %add3A_400 : f32 to vector<16xf32>
      %add3A_473 = arith.addf %masked_cumsum3A_471, %add3A_472 : vector<16xf32>
      %swap3A_474 = arith.constant 0 : i32
      %swap3A_475 = arith.index_cast %swap3A_474 : i32 to index
      %swap3A_476 = arith.index_cast %add3A_464 : i32 to index
      %swap3A_477 = tpu.vector_load %arg5[%swap3A_475, %swap3A_476] {strides = array<i32>} : memref<1x32768xf32, #tpu.memory_space<vmem>>, vector<16xf32>,
      tpu.vector_store %arg5[%swap3A_475, %swap3A_476], %add3A_473 {strides = array<i32>} : memref<1x32768xf32, #tpu.memory_space<vmem>>, vector<16xf32>,
      %slice3A_478 = vector.extract_strided_slice %masked_cumsum3A_471 {offsets = [15], sizes = [1], strides = [1]} : vector<16xf32> to vector<1xf32>
      %squeeze3A_479 = vector.extract %slice3A_478[0] : f32 from vector<1xf32>
      %add3A_480 = arith.addf %add3A_400, %squeeze3A_479 : f32
      %add3A_481 = arith.constant 0 : i32
      %add3A_482 = arith.addi %add3A_481, %mul3A_166 : i32
      %add3A_483 = arith.constant 64 : i32
      %add3A_484 = arith.addi %add3A_482, %add3A_483 : i32
      %get3A_485 = arith.constant 0 : i32
      %get3A_486 = arith.index_cast %get3A_485 : i32 to index
      %get3A_487 = arith.index_cast %add3A_484 : i32 to index
      %get3A_488 = tpu.vector_load %arg5[%get3A_486, %get3A_487] {strides = array<i32>} : memref<1x32768xf32, #tpu.memory_space<vmem>>, vector<16xf32>,
      %broadcast_in_dim3A_489 = arith.constant true
      %broadcast_in_dim3A_490 = vector.broadcast %broadcast_in_dim3A_489 : i1 to vector<16xi1>
      %masked_cumsum3A_491 = tpu.scan <sum>, %get3A_488 masked %broadcast_in_dim3A_490 : vector<16xf32>, vector<16xi1> -> vector<16xf32>
      %add3A_492 = vector.broadcast %add3A_420 : f32 to vector<16xf32>
      %add3A_493 = arith.addf %masked_cumsum3A_491, %add3A_492 : vector<16xf32>
      %swap3A_494 = arith.constant 0 : i32
      %swap3A_495 = arith.index_cast %swap3A_494 : i32 to index
      %swap3A_496 = arith.index_cast %add3A_484 : i32 to index
      %swap3A_497 = tpu.vector_load %arg5[%swap3A_495, %swap3A_496] {strides = array<i32>} : memref<1x32768xf32, #tpu.memory_space<vmem>>, vector<16xf32>,
      tpu.vector_store %arg5[%swap3A_495, %swap3A_496], %add3A_493 {strides = array<i32>} : memref<1x32768xf32, #tpu.memory_space<vmem>>, vector<16xf32>,
      %slice3A_498 = vector.extract_strided_slice %masked_cumsum3A_491 {offsets = [15], sizes = [1], strides = [1]} : vector<16xf32> to vector<1xf32>
      %squeeze3A_499 = vector.extract %slice3A_498[0] : f32 from vector<1xf32>
      %add3A_500 = arith.addf %add3A_420, %squeeze3A_499 : f32
      %add3A_501 = arith.constant 8192 : i32
      %add3A_502 = arith.addi %add3A_501, %mul3A_166 : i32
      %add3A_503 = arith.constant 64 : i32
      %add3A_504 = arith.addi %add3A_502, %add3A_503 : i32
      %get3A_505 = arith.constant 0 : i32
      %get3A_506 = arith.index_cast %get3A_505 : i32 to index
      %get3A_507 = arith.index_cast %add3A_504 : i32 to index
      %get3A_508 = tpu.vector_load %arg5[%get3A_506, %get3A_507] {strides = array<i32>} : memref<1x32768xf32, #tpu.memory_space<vmem>>, vector<16xf32>,
      %broadcast_in_dim3A_509 = arith.constant true
      %broadcast_in_dim3A_510 = vector.broadcast %broadcast_in_dim3A_509 : i1 to vector<16xi1>
      %masked_cumsum3A_511 = tpu.scan <sum>, %get3A_508 masked %broadcast_in_dim3A_510 : vector<16xf32>, vector<16xi1> -> vector<16xf32>
      %add3A_512 = vector.broadcast %add3A_440 : f32 to vector<16xf32>
      %add3A_513 = arith.addf %masked_cumsum3A_511, %add3A_512 : vector<16xf32>
      %swap3A_514 = arith.constant 0 : i32
      %swap3A_515 = arith.index_cast %swap3A_514 : i32 to index
      %swap3A_516 = arith.index_cast %add3A_504 : i32 to index
      %swap3A_517 = tpu.vector_load %arg5[%swap3A_515, %swap3A_516] {strides = array<i32>} : memref<1x32768xf32, #tpu.memory_space<vmem>>, vector<16xf32>,
      tpu.vector_store %arg5[%swap3A_515, %swap3A_516], %add3A_513 {strides = array<i32>} : memref<1x32768xf32, #tpu.memory_space<vmem>>, vector<16xf32>,
      %slice3A_518 = vector.extract_strided_slice %masked_cumsum3A_511 {offsets = [15], sizes = [1], strides = [1]} : vector<16xf32> to vector<1xf32>
      %squeeze3A_519 = vector.extract %slice3A_518[0] : f32 from vector<1xf32>
      %add3A_520 = arith.addf %add3A_440, %squeeze3A_519 : f32
      %add3A_521 = arith.constant 16384 : i32
      %add3A_522 = arith.addi %add3A_521, %mul3A_166 : i32
      %add3A_523 = arith.constant 64 : i32
      %add3A_524 = arith.addi %add3A_522, %add3A_523 : i32
      %get3A_525 = arith.constant 0 : i32
      %get3A_526 = arith.index_cast %get3A_525 : i32 to index
      %get3A_527 = arith.index_cast %add3A_524 : i32 to index
      %get3A_528 = tpu.vector_load %arg5[%get3A_526, %get3A_527] {strides = array<i32>} : memref<1x32768xf32, #tpu.memory_space<vmem>>, vector<16xf32>,
      %broadcast_in_dim3A_529 = arith.constant true
      %broadcast_in_dim3A_530 = vector.broadcast %broadcast_in_dim3A_529 : i1 to vector<16xi1>
      %masked_cumsum3A_531 = tpu.scan <sum>, %get3A_528 masked %broadcast_in_dim3A_530 : vector<16xf32>, vector<16xi1> -> vector<16xf32>
      %add3A_532 = vector.broadcast %add3A_460 : f32 to vector<16xf32>
      %add3A_533 = arith.addf %masked_cumsum3A_531, %add3A_532 : vector<16xf32>
      %swap3A_534 = arith.constant 0 : i32
      %swap3A_535 = arith.index_cast %swap3A_534 : i32 to index
      %swap3A_536 = arith.index_cast %add3A_524 : i32 to index
      %swap3A_537 = tpu.vector_load %arg5[%swap3A_535, %swap3A_536] {strides = array<i32>} : memref<1x32768xf32, #tpu.memory_space<vmem>>, vector<16xf32>,
      tpu.vector_store %arg5[%swap3A_535, %swap3A_536], %add3A_533 {strides = array<i32>} : memref<1x32768xf32, #tpu.memory_space<vmem>>, vector<16xf32>,
      %slice3A_538 = vector.extract_strided_slice %masked_cumsum3A_531 {offsets = [15], sizes = [1], strides = [1]} : vector<16xf32> to vector<1xf32>
      %squeeze3A_539 = vector.extract %slice3A_538[0] : f32 from vector<1xf32>
      %add3A_540 = arith.addf %add3A_460, %squeeze3A_539 : f32
      %add3A_541 = arith.constant 24576 : i32
      %add3A_542 = arith.addi %add3A_541, %mul3A_166 : i32
      %add3A_543 = arith.constant 64 : i32
      %add3A_544 = arith.addi %add3A_542, %add3A_543 : i32
      %get3A_545 = arith.constant 0 : i32
      %get3A_546 = arith.index_cast %get3A_545 : i32 to index
      %get3A_547 = arith.index_cast %add3A_544 : i32 to index
      %get3A_548 = tpu.vector_load %arg5[%get3A_546, %get3A_547] {strides = array<i32>} : memref<1x32768xf32, #tpu.memory_space<vmem>>, vector<16xf32>,
      %broadcast_in_dim3A_549 = arith.constant true
      %broadcast_in_dim3A_550 = vector.broadcast %broadcast_in_dim3A_549 : i1 to vector<16xi1>
      %masked_cumsum3A_551 = tpu.scan <sum>, %get3A_548 masked %broadcast_in_dim3A_550 : vector<16xf32>, vector<16xi1> -> vector<16xf32>
      %add3A_552 = vector.broadcast %add3A_480 : f32 to vector<16xf32>
      %add3A_553 = arith.addf %masked_cumsum3A_551, %add3A_552 : vector<16xf32>
      %swap3A_554 = arith.constant 0 : i32
      %swap3A_555 = arith.index_cast %swap3A_554 : i32 to index
      %swap3A_556 = arith.index_cast %add3A_544 : i32 to index
      %swap3A_557 = tpu.vector_load %arg5[%swap3A_555, %swap3A_556] {strides = array<i32>} : memref<1x32768xf32, #tpu.memory_space<vmem>>, vector<16xf32>,
      tpu.vector_store %arg5[%swap3A_555, %swap3A_556], %add3A_553 {strides = array<i32>} : memref<1x32768xf32, #tpu.memory_space<vmem>>, vector<16xf32>,
      %slice3A_558 = vector.extract_strided_slice %masked_cumsum3A_551 {offsets = [15], sizes = [1], strides = [1]} : vector<16xf32> to vector<1xf32>
      %squeeze3A_559 = vector.extract %slice3A_558[0] : f32 from vector<1xf32>
      %add3A_560 = arith.addf %add3A_480, %squeeze3A_559 : f32
      %add3A_561 = arith.constant 0 : i32
      %add3A_562 = arith.addi %add3A_561, %mul3A_166 : i32
      %add3A_563 = arith.constant 80 : i32
      %add3A_564 = arith.addi %add3A_562, %add3A_563 : i32
      %get3A_565 = arith.constant 0 : i32
      %get3A_566 = arith.index_cast %get3A_565 : i32 to index
      %get3A_567 = arith.index_cast %add3A_564 : i32 to index
      %get3A_568 = tpu.vector_load %arg5[%get3A_566, %get3A_567] {strides = array<i32>} : memref<1x32768xf32, #tpu.memory_space<vmem>>, vector<16xf32>,
      %broadcast_in_dim3A_569 = arith.constant true
      %broadcast_in_dim3A_570 = vector.broadcast %broadcast_in_dim3A_569 : i1 to vector<16xi1>
      %masked_cumsum3A_571 = tpu.scan <sum>, %get3A_568 masked %broadcast_in_dim3A_570 : vector<16xf32>, vector<16xi1> -> vector<16xf32>
      %add3A_572 = vector.broadcast %add3A_500 : f32 to vector<16xf32>
      %add3A_573 = arith.addf %masked_cumsum3A_571, %add3A_572 : vector<16xf32>
      %swap3A_574 = arith.constant 0 : i32
      %swap3A_575 = arith.index_cast %swap3A_574 : i32 to index
      %swap3A_576 = arith.index_cast %add3A_564 : i32 to index
      %swap3A_577 = tpu.vector_load %arg5[%swap3A_575, %swap3A_576] {strides = array<i32>} : memref<1x32768xf32, #tpu.memory_space<vmem>>, vector<16xf32>,
      tpu.vector_store %arg5[%swap3A_575, %swap3A_576], %add3A_573 {strides = array<i32>} : memref<1x32768xf32, #tpu.memory_space<vmem>>, vector<16xf32>,
      %slice3A_578 = vector.extract_strided_slice %masked_cumsum3A_571 {offsets = [15], sizes = [1], strides = [1]} : vector<16xf32> to vector<1xf32>
      %squeeze3A_579 = vector.extract %slice3A_578[0] : f32 from vector<1xf32>
      %add3A_580 = arith.addf %add3A_500, %squeeze3A_579 : f32
      %add3A_581 = arith.constant 8192 : i32
      %add3A_582 = arith.addi %add3A_581, %mul3A_166 : i32
      %add3A_583 = arith.constant 80 : i32
      %add3A_584 = arith.addi %add3A_582, %add3A_583 : i32
      %get3A_585 = arith.constant 0 : i32
      %get3A_586 = arith.index_cast %get3A_585 : i32 to index
      %get3A_587 = arith.index_cast %add3A_584 : i32 to index
      %get3A_588 = tpu.vector_load %arg5[%get3A_586, %get3A_587] {strides = array<i32>} : memref<1x32768xf32, #tpu.memory_space<vmem>>, vector<16xf32>,
      %broadcast_in_dim3A_589 = arith.constant true
      %broadcast_in_dim3A_590 = vector.broadcast %broadcast_in_dim3A_589 : i1 to vector<16xi1>
      %masked_cumsum3A_591 = tpu.scan <sum>, %get3A_588 masked %broadcast_in_dim3A_590 : vector<16xf32>, vector<16xi1> -> vector<16xf32>
      %add3A_592 = vector.broadcast %add3A_520 : f32 to vector<16xf32>
      %add3A_593 = arith.addf %masked_cumsum3A_591, %add3A_592 : vector<16xf32>
      %swap3A_594 = arith.constant 0 : i32
      %swap3A_595 = arith.index_cast %swap3A_594 : i32 to index
      %swap3A_596 = arith.index_cast %add3A_584 : i32 to index
      %swap3A_597 = tpu.vector_load %arg5[%swap3A_595, %swap3A_596] {strides = array<i32>} : memref<1x32768xf32, #tpu.memory_space<vmem>>, vector<16xf32>,
      tpu.vector_store %arg5[%swap3A_595, %swap3A_596], %add3A_593 {strides = array<i32>} : memref<1x32768xf32, #tpu.memory_space<vmem>>, vector<16xf32>,
      %slice3A_598 = vector.extract_strided_slice %masked_cumsum3A_591 {offsets = [15], sizes = [1], strides = [1]} : vector<16xf32> to vector<1xf32>
      %squeeze3A_599 = vector.extract %slice3A_598[0] : f32 from vector<1xf32>
      %add3A_600 = arith.addf %add3A_520, %squeeze3A_599 : f32
      %add3A_601 = arith.constant 16384 : i32
      %add3A_602 = arith.addi %add3A_601, %mul3A_166 : i32
      %add3A_603 = arith.constant 80 : i32
      %add3A_604 = arith.addi %add3A_602, %add3A_603 : i32
      %get3A_605 = arith.constant 0 : i32
      %get3A_606 = arith.index_cast %get3A_605 : i32 to index
      %get3A_607 = arith.index_cast %add3A_604 : i32 to index
      %get3A_608 = tpu.vector_load %arg5[%get3A_606, %get3A_607] {strides = array<i32>} : memref<1x32768xf32, #tpu.memory_space<vmem>>, vector<16xf32>,
      %broadcast_in_dim3A_609 = arith.constant true
      %broadcast_in_dim3A_610 = vector.broadcast %broadcast_in_dim3A_609 : i1 to vector<16xi1>
      %masked_cumsum3A_611 = tpu.scan <sum>, %get3A_608 masked %broadcast_in_dim3A_610 : vector<16xf32>, vector<16xi1> -> vector<16xf32>
      %add3A_612 = vector.broadcast %add3A_540 : f32 to vector<16xf32>
      %add3A_613 = arith.addf %masked_cumsum3A_611, %add3A_612 : vector<16xf32>
      %swap3A_614 = arith.constant 0 : i32
      %swap3A_615 = arith.index_cast %swap3A_614 : i32 to index
      %swap3A_616 = arith.index_cast %add3A_604 : i32 to index
      %swap3A_617 = tpu.vector_load %arg5[%swap3A_615, %swap3A_616] {strides = array<i32>} : memref<1x32768xf32, #tpu.memory_space<vmem>>, vector<16xf32>,
      tpu.vector_store %arg5[%swap3A_615, %swap3A_616], %add3A_613 {strides = array<i32>} : memref<1x32768xf32, #tpu.memory_space<vmem>>, vector<16xf32>,
      %slice3A_618 = vector.extract_strided_slice %masked_cumsum3A_611 {offsets = [15], sizes = [1], strides = [1]} : vector<16xf32> to vector<1xf32>
      %squeeze3A_619 = vector.extract %slice3A_618[0] : f32 from vector<1xf32>
      %add3A_620 = arith.addf %add3A_540, %squeeze3A_619 : f32
      %add3A_621 = arith.constant 24576 : i32
      %add3A_622 = arith.addi %add3A_621, %mul3A_166 : i32
      %add3A_623 = arith.constant 80 : i32
      %add3A_624 = arith.addi %add3A_622, %add3A_623 : i32
      %get3A_625 = arith.constant 0 : i32
      %get3A_626 = arith.index_cast %get3A_625 : i32 to index
      %get3A_627 = arith.index_cast %add3A_624 : i32 to index
      %get3A_628 = tpu.vector_load %arg5[%get3A_626, %get3A_627] {strides = array<i32>} : memref<1x32768xf32, #tpu.memory_space<vmem>>, vector<16xf32>,
      %broadcast_in_dim3A_629 = arith.constant true
      %broadcast_in_dim3A_630 = vector.broadcast %broadcast_in_dim3A_629 : i1 to vector<16xi1>
      %masked_cumsum3A_631 = tpu.scan <sum>, %get3A_628 masked %broadcast_in_dim3A_630 : vector<16xf32>, vector<16xi1> -> vector<16xf32>
      %add3A_632 = vector.broadcast %add3A_560 : f32 to vector<16xf32>
      %add3A_633 = arith.addf %masked_cumsum3A_631, %add3A_632 : vector<16xf32>
      %swap3A_634 = arith.constant 0 : i32
      %swap3A_635 = arith.index_cast %swap3A_634 : i32 to index
      %swap3A_636 = arith.index_cast %add3A_624 : i32 to index
      %swap3A_637 = tpu.vector_load %arg5[%swap3A_635, %swap3A_636] {strides = array<i32>} : memref<1x32768xf32, #tpu.memory_space<vmem>>, vector<16xf32>,
      tpu.vector_store %arg5[%swap3A_635, %swap3A_636], %add3A_633 {strides = array<i32>} : memref<1x32768xf32, #tpu.memory_space<vmem>>, vector<16xf32>,
      %slice3A_638 = vector.extract_strided_slice %masked_cumsum3A_631 {offsets = [15], sizes = [1], strides = [1]} : vector<16xf32> to vector<1xf32>
      %squeeze3A_639 = vector.extract %slice3A_638[0] : f32 from vector<1xf32>
      %add3A_640 = arith.addf %add3A_560, %squeeze3A_639 : f32
      %add3A_641 = arith.constant 0 : i32
      %add3A_642 = arith.addi %add3A_641, %mul3A_166 : i32
      %add3A_643 = arith.constant 96 : i32
      %add3A_644 = arith.addi %add3A_642, %add3A_643 : i32
      %get3A_645 = arith.constant 0 : i32
      %get3A_646 = arith.index_cast %get3A_645 : i32 to index
      %get3A_647 = arith.index_cast %add3A_644 : i32 to index
      %get3A_648 = tpu.vector_load %arg5[%get3A_646, %get3A_647] {strides = array<i32>} : memref<1x32768xf32, #tpu.memory_space<vmem>>, vector<16xf32>,
      %broadcast_in_dim3A_649 = arith.constant true
      %broadcast_in_dim3A_650 = vector.broadcast %broadcast_in_dim3A_649 : i1 to vector<16xi1>
      %masked_cumsum3A_651 = tpu.scan <sum>, %get3A_648 masked %broadcast_in_dim3A_650 : vector<16xf32>, vector<16xi1> -> vector<16xf32>
      %add3A_652 = vector.broadcast %add3A_580 : f32 to vector<16xf32>
      %add3A_653 = arith.addf %masked_cumsum3A_651, %add3A_652 : vector<16xf32>
      %swap3A_654 = arith.constant 0 : i32
      %swap3A_655 = arith.index_cast %swap3A_654 : i32 to index
      %swap3A_656 = arith.index_cast %add3A_644 : i32 to index
      %swap3A_657 = tpu.vector_load %arg5[%swap3A_655, %swap3A_656] {strides = array<i32>} : memref<1x32768xf32, #tpu.memory_space<vmem>>, vector<16xf32>,
      tpu.vector_store %arg5[%swap3A_655, %swap3A_656], %add3A_653 {strides = array<i32>} : memref<1x32768xf32, #tpu.memory_space<vmem>>, vector<16xf32>,
      %slice3A_658 = vector.extract_strided_slice %masked_cumsum3A_651 {offsets = [15], sizes = [1], strides = [1]} : vector<16xf32> to vector<1xf32>
      %squeeze3A_659 = vector.extract %slice3A_658[0] : f32 from vector<1xf32>
      %add3A_660 = arith.addf %add3A_580, %squeeze3A_659 : f32
      %add3A_661 = arith.constant 8192 : i32
      %add3A_662 = arith.addi %add3A_661, %mul3A_166 : i32
      %add3A_663 = arith.constant 96 : i32
      %add3A_664 = arith.addi %add3A_662, %add3A_663 : i32
      %get3A_665 = arith.constant 0 : i32
      %get3A_666 = arith.index_cast %get3A_665 : i32 to index
      %get3A_667 = arith.index_cast %add3A_664 : i32 to index
      %get3A_668 = tpu.vector_load %arg5[%get3A_666, %get3A_667] {strides = array<i32>} : memref<1x32768xf32, #tpu.memory_space<vmem>>, vector<16xf32>,
      %broadcast_in_dim3A_669 = arith.constant true
      %broadcast_in_dim3A_670 = vector.broadcast %broadcast_in_dim3A_669 : i1 to vector<16xi1>
      %masked_cumsum3A_671 = tpu.scan <sum>, %get3A_668 masked %broadcast_in_dim3A_670 : vector<16xf32>, vector<16xi1> -> vector<16xf32>
      %add3A_672 = vector.broadcast %add3A_600 : f32 to vector<16xf32>
      %add3A_673 = arith.addf %masked_cumsum3A_671, %add3A_672 : vector<16xf32>
      %swap3A_674 = arith.constant 0 : i32
      %swap3A_675 = arith.index_cast %swap3A_674 : i32 to index
      %swap3A_676 = arith.index_cast %add3A_664 : i32 to index
      %swap3A_677 = tpu.vector_load %arg5[%swap3A_675, %swap3A_676] {strides = array<i32>} : memref<1x32768xf32, #tpu.memory_space<vmem>>, vector<16xf32>,
      tpu.vector_store %arg5[%swap3A_675, %swap3A_676], %add3A_673 {strides = array<i32>} : memref<1x32768xf32, #tpu.memory_space<vmem>>, vector<16xf32>,
      %slice3A_678 = vector.extract_strided_slice %masked_cumsum3A_671 {offsets = [15], sizes = [1], strides = [1]} : vector<16xf32> to vector<1xf32>
      %squeeze3A_679 = vector.extract %slice3A_678[0] : f32 from vector<1xf32>
      %add3A_680 = arith.addf %add3A_600, %squeeze3A_679 : f32
      %add3A_681 = arith.constant 16384 : i32
      %add3A_682 = arith.addi %add3A_681, %mul3A_166 : i32
      %add3A_683 = arith.constant 96 : i32
      %add3A_684 = arith.addi %add3A_682, %add3A_683 : i32
      %get3A_685 = arith.constant 0 : i32
      %get3A_686 = arith.index_cast %get3A_685 : i32 to index
      %get3A_687 = arith.index_cast %add3A_684 : i32 to index
      %get3A_688 = tpu.vector_load %arg5[%get3A_686, %get3A_687] {strides = array<i32>} : memref<1x32768xf32, #tpu.memory_space<vmem>>, vector<16xf32>,
      %broadcast_in_dim3A_689 = arith.constant true
      %broadcast_in_dim3A_690 = vector.broadcast %broadcast_in_dim3A_689 : i1 to vector<16xi1>
      %masked_cumsum3A_691 = tpu.scan <sum>, %get3A_688 masked %broadcast_in_dim3A_690 : vector<16xf32>, vector<16xi1> -> vector<16xf32>
      %add3A_692 = vector.broadcast %add3A_620 : f32 to vector<16xf32>
      %add3A_693 = arith.addf %masked_cumsum3A_691, %add3A_692 : vector<16xf32>
      %swap3A_694 = arith.constant 0 : i32
      %swap3A_695 = arith.index_cast %swap3A_694 : i32 to index
      %swap3A_696 = arith.index_cast %add3A_684 : i32 to index
      %swap3A_697 = tpu.vector_load %arg5[%swap3A_695, %swap3A_696] {strides = array<i32>} : memref<1x32768xf32, #tpu.memory_space<vmem>>, vector<16xf32>,
      tpu.vector_store %arg5[%swap3A_695, %swap3A_696], %add3A_693 {strides = array<i32>} : memref<1x32768xf32, #tpu.memory_space<vmem>>, vector<16xf32>,
      %slice3A_698 = vector.extract_strided_slice %masked_cumsum3A_691 {offsets = [15], sizes = [1], strides = [1]} : vector<16xf32> to vector<1xf32>
      %squeeze3A_699 = vector.extract %slice3A_698[0] : f32 from vector<1xf32>
      %add3A_700 = arith.addf %add3A_620, %squeeze3A_699 : f32
      %add3A_701 = arith.constant 24576 : i32
      %add3A_702 = arith.addi %add3A_701, %mul3A_166 : i32
      %add3A_703 = arith.constant 96 : i32
      %add3A_704 = arith.addi %add3A_702, %add3A_703 : i32
      %get3A_705 = arith.constant 0 : i32
      %get3A_706 = arith.index_cast %get3A_705 : i32 to index
      %get3A_707 = arith.index_cast %add3A_704 : i32 to index
      %get3A_708 = tpu.vector_load %arg5[%get3A_706, %get3A_707] {strides = array<i32>} : memref<1x32768xf32, #tpu.memory_space<vmem>>, vector<16xf32>,
      %broadcast_in_dim3A_709 = arith.constant true
      %broadcast_in_dim3A_710 = vector.broadcast %broadcast_in_dim3A_709 : i1 to vector<16xi1>
      %masked_cumsum3A_711 = tpu.scan <sum>, %get3A_708 masked %broadcast_in_dim3A_710 : vector<16xf32>, vector<16xi1> -> vector<16xf32>
      %add3A_712 = vector.broadcast %add3A_640 : f32 to vector<16xf32>
      %add3A_713 = arith.addf %masked_cumsum3A_711, %add3A_712 : vector<16xf32>
      %swap3A_714 = arith.constant 0 : i32
      %swap3A_715 = arith.index_cast %swap3A_714 : i32 to index
      %swap3A_716 = arith.index_cast %add3A_704 : i32 to index
      %swap3A_717 = tpu.vector_load %arg5[%swap3A_715, %swap3A_716] {strides = array<i32>} : memref<1x32768xf32, #tpu.memory_space<vmem>>, vector<16xf32>,
      tpu.vector_store %arg5[%swap3A_715, %swap3A_716], %add3A_713 {strides = array<i32>} : memref<1x32768xf32, #tpu.memory_space<vmem>>, vector<16xf32>,
      %slice3A_718 = vector.extract_strided_slice %masked_cumsum3A_711 {offsets = [15], sizes = [1], strides = [1]} : vector<16xf32> to vector<1xf32>
      %squeeze3A_719 = vector.extract %slice3A_718[0] : f32 from vector<1xf32>
      %add3A_720 = arith.addf %add3A_640, %squeeze3A_719 : f32
      %add3A_721 = arith.constant 0 : i32
      %add3A_722 = arith.addi %add3A_721, %mul3A_166 : i32
      %add3A_723 = arith.constant 112 : i32
      %add3A_724 = arith.addi %add3A_722, %add3A_723 : i32
      %get3A_725 = arith.constant 0 : i32
      %get3A_726 = arith.index_cast %get3A_725 : i32 to index
      %get3A_727 = arith.index_cast %add3A_724 : i32 to index
      %get3A_728 = tpu.vector_load %arg5[%get3A_726, %get3A_727] {strides = array<i32>} : memref<1x32768xf32, #tpu.memory_space<vmem>>, vector<16xf32>,
      %broadcast_in_dim3A_729 = arith.constant true
      %broadcast_in_dim3A_730 = vector.broadcast %broadcast_in_dim3A_729 : i1 to vector<16xi1>
      %masked_cumsum3A_731 = tpu.scan <sum>, %get3A_728 masked %broadcast_in_dim3A_730 : vector<16xf32>, vector<16xi1> -> vector<16xf32>
      %add3A_732 = vector.broadcast %add3A_660 : f32 to vector<16xf32>
      %add3A_733 = arith.addf %masked_cumsum3A_731, %add3A_732 : vector<16xf32>
      %swap3A_734 = arith.constant 0 : i32
      %swap3A_735 = arith.index_cast %swap3A_734 : i32 to index
      %swap3A_736 = arith.index_cast %add3A_724 : i32 to index
      %swap3A_737 = tpu.vector_load %arg5[%swap3A_735, %swap3A_736] {strides = array<i32>} : memref<1x32768xf32, #tpu.memory_space<vmem>>, vector<16xf32>,
      tpu.vector_store %arg5[%swap3A_735, %swap3A_736], %add3A_733 {strides = array<i32>} : memref<1x32768xf32, #tpu.memory_space<vmem>>, vector<16xf32>,
      %slice3A_738 = vector.extract_strided_slice %masked_cumsum3A_731 {offsets = [15], sizes = [1], strides = [1]} : vector<16xf32> to vector<1xf32>
      %squeeze3A_739 = vector.extract %slice3A_738[0] : f32 from vector<1xf32>
      %add3A_740 = arith.addf %add3A_660, %squeeze3A_739 : f32
      %add3A_741 = arith.constant 8192 : i32
      %add3A_742 = arith.addi %add3A_741, %mul3A_166 : i32
      %add3A_743 = arith.constant 112 : i32
      %add3A_744 = arith.addi %add3A_742, %add3A_743 : i32
      %get3A_745 = arith.constant 0 : i32
      %get3A_746 = arith.index_cast %get3A_745 : i32 to index
      %get3A_747 = arith.index_cast %add3A_744 : i32 to index
      %get3A_748 = tpu.vector_load %arg5[%get3A_746, %get3A_747] {strides = array<i32>} : memref<1x32768xf32, #tpu.memory_space<vmem>>, vector<16xf32>,
      %broadcast_in_dim3A_749 = arith.constant true
      %broadcast_in_dim3A_750 = vector.broadcast %broadcast_in_dim3A_749 : i1 to vector<16xi1>
      %masked_cumsum3A_751 = tpu.scan <sum>, %get3A_748 masked %broadcast_in_dim3A_750 : vector<16xf32>, vector<16xi1> -> vector<16xf32>
      %add3A_752 = vector.broadcast %add3A_680 : f32 to vector<16xf32>
      %add3A_753 = arith.addf %masked_cumsum3A_751, %add3A_752 : vector<16xf32>
      %swap3A_754 = arith.constant 0 : i32
      %swap3A_755 = arith.index_cast %swap3A_754 : i32 to index
      %swap3A_756 = arith.index_cast %add3A_744 : i32 to index
      %swap3A_757 = tpu.vector_load %arg5[%swap3A_755, %swap3A_756] {strides = array<i32>} : memref<1x32768xf32, #tpu.memory_space<vmem>>, vector<16xf32>,
      tpu.vector_store %arg5[%swap3A_755, %swap3A_756], %add3A_753 {strides = array<i32>} : memref<1x32768xf32, #tpu.memory_space<vmem>>, vector<16xf32>,
      %slice3A_758 = vector.extract_strided_slice %masked_cumsum3A_751 {offsets = [15], sizes = [1], strides = [1]} : vector<16xf32> to vector<1xf32>
      %squeeze3A_759 = vector.extract %slice3A_758[0] : f32 from vector<1xf32>
      %add3A_760 = arith.addf %add3A_680, %squeeze3A_759 : f32
      %add3A_761 = arith.constant 16384 : i32
      %add3A_762 = arith.addi %add3A_761, %mul3A_166 : i32
      %add3A_763 = arith.constant 112 : i32
      %add3A_764 = arith.addi %add3A_762, %add3A_763 : i32
      %get3A_765 = arith.constant 0 : i32
      %get3A_766 = arith.index_cast %get3A_765 : i32 to index
      %get3A_767 = arith.index_cast %add3A_764 : i32 to index
      %get3A_768 = tpu.vector_load %arg5[%get3A_766, %get3A_767] {strides = array<i32>} : memref<1x32768xf32, #tpu.memory_space<vmem>>, vector<16xf32>,
      %broadcast_in_dim3A_769 = arith.constant true
      %broadcast_in_dim3A_770 = vector.broadcast %broadcast_in_dim3A_769 : i1 to vector<16xi1>
      %masked_cumsum3A_771 = tpu.scan <sum>, %get3A_768 masked %broadcast_in_dim3A_770 : vector<16xf32>, vector<16xi1> -> vector<16xf32>
      %add3A_772 = vector.broadcast %add3A_700 : f32 to vector<16xf32>
      %add3A_773 = arith.addf %masked_cumsum3A_771, %add3A_772 : vector<16xf32>
      %swap3A_774 = arith.constant 0 : i32
      %swap3A_775 = arith.index_cast %swap3A_774 : i32 to index
      %swap3A_776 = arith.index_cast %add3A_764 : i32 to index
      %swap3A_777 = tpu.vector_load %arg5[%swap3A_775, %swap3A_776] {strides = array<i32>} : memref<1x32768xf32, #tpu.memory_space<vmem>>, vector<16xf32>,
      tpu.vector_store %arg5[%swap3A_775, %swap3A_776], %add3A_773 {strides = array<i32>} : memref<1x32768xf32, #tpu.memory_space<vmem>>, vector<16xf32>,
      %slice3A_778 = vector.extract_strided_slice %masked_cumsum3A_771 {offsets = [15], sizes = [1], strides = [1]} : vector<16xf32> to vector<1xf32>
      %squeeze3A_779 = vector.extract %slice3A_778[0] : f32 from vector<1xf32>
      %add3A_780 = arith.addf %add3A_700, %squeeze3A_779 : f32
      %add3A_781 = arith.constant 24576 : i32
      %add3A_782 = arith.addi %add3A_781, %mul3A_166 : i32
      %add3A_783 = arith.constant 112 : i32
      %add3A_784 = arith.addi %add3A_782, %add3A_783 : i32
      %get3A_785 = arith.constant 0 : i32
      %get3A_786 = arith.index_cast %get3A_785 : i32 to index
      %get3A_787 = arith.index_cast %add3A_784 : i32 to index
      %get3A_788 = tpu.vector_load %arg5[%get3A_786, %get3A_787] {strides = array<i32>} : memref<1x32768xf32, #tpu.memory_space<vmem>>, vector<16xf32>,
      %broadcast_in_dim3A_789 = arith.constant true
      %broadcast_in_dim3A_790 = vector.broadcast %broadcast_in_dim3A_789 : i1 to vector<16xi1>
      %masked_cumsum3A_791 = tpu.scan <sum>, %get3A_788 masked %broadcast_in_dim3A_790 : vector<16xf32>, vector<16xi1> -> vector<16xf32>
      %add3A_792 = vector.broadcast %add3A_720 : f32 to vector<16xf32>
      %add3A_793 = arith.addf %masked_cumsum3A_791, %add3A_792 : vector<16xf32>
      %swap3A_794 = arith.constant 0 : i32
      %swap3A_795 = arith.index_cast %swap3A_794 : i32 to index
      %swap3A_796 = arith.index_cast %add3A_784 : i32 to index
      %swap3A_797 = tpu.vector_load %arg5[%swap3A_795, %swap3A_796] {strides = array<i32>} : memref<1x32768xf32, #tpu.memory_space<vmem>>, vector<16xf32>,
      tpu.vector_store %arg5[%swap3A_795, %swap3A_796], %add3A_793 {strides = array<i32>} : memref<1x32768xf32, #tpu.memory_space<vmem>>, vector<16xf32>,
      %slice3A_798 = vector.extract_strided_slice %masked_cumsum3A_791 {offsets = [15], sizes = [1], strides = [1]} : vector<16xf32> to vector<1xf32>
      %squeeze3A_799 = vector.extract %slice3A_798[0] : f32 from vector<1xf32>
      %add3A_800 = arith.addf %add3A_720, %squeeze3A_799 : f32
      scf.yield %add3A_740, %add3A_760, %add3A_780, %add3A_800 : f32, f32, f32, f32
    }
    %scan3A_65 = arith.constant 64 : i32
    %add3A_66 = arith.addf %scan3A_64#0, %scan3A_64#1 : f32
    %add3A_67 = arith.addf %add3A_66, %scan3A_64#2 : f32
    %add3A_68 = arith.addf %add3A_67, %scan3A_64#3 : f32
    %scan3A_69 = arith.constant 0 : i32
    %scan3A_70 = arith.constant 0 : i32
    %scan3A_71 = arith.constant 64 : i32
    %scan3A_72 = arith.addi %scan3A_70, %scan3A_71 : i32
    %scan3A_73 = arith.constant 1 : i32
    %scan3A_74 = scf.for %scan3A_160 = %scan3A_70 to %scan3A_72 step %scan3A_73 iter_args(%scan3A_161 = %scan3A_69) -> (i32)  : i32 {
      %mul3A_162 = arith.constant 128 : i32
      %mul3A_163 = arith.muli %scan3A_160, %mul3A_162 : i32
      %add3A_164 = arith.constant 8192 : i32
      %add3A_165 = arith.addi %add3A_164, %mul3A_163 : i32
      %add3A_166 = arith.constant 0 : i32
      %add3A_167 = arith.addi %add3A_165, %add3A_166 : i32
      %get3A = arith.constant 0 : i32
      %get3A_168 = arith.index_cast %get3A : i32 to index
      %get3A_169 = arith.index_cast %add3A_167 : i32 to index
      %get3A_170 = tpu.vector_load %arg5[%get3A_168, %get3A_169] {strides = array<i32>} : memref<1x32768xf32, #tpu.memory_space<vmem>>, vector<16xf32>,
      %add3A_171 = vector.broadcast %scan3A_64#0 : f32 to vector<16xf32>
      %add3A_172 = arith.addf %get3A_170, %add3A_171 : vector<16xf32>
      %swap3A = arith.constant 0 : i32
      %swap3A_173 = arith.index_cast %swap3A : i32 to index
      %swap3A_174 = arith.index_cast %add3A_167 : i32 to index
      %swap3A_175 = tpu.vector_load %arg5[%swap3A_173, %swap3A_174] {strides = array<i32>} : memref<1x32768xf32, #tpu.memory_space<vmem>>, vector<16xf32>,
      tpu.vector_store %arg5[%swap3A_173, %swap3A_174], %add3A_172 {strides = array<i32>} : memref<1x32768xf32, #tpu.memory_space<vmem>>, vector<16xf32>,
      %add3A_176 = arith.constant 16384 : i32
      %add3A_177 = arith.addi %add3A_176, %mul3A_163 : i32
      %add3A_178 = arith.constant 0 : i32
      %add3A_179 = arith.addi %add3A_177, %add3A_178 : i32
      %get3A_180 = arith.constant 0 : i32
      %get3A_181 = arith.index_cast %get3A_180 : i32 to index
      %get3A_182 = arith.index_cast %add3A_179 : i32 to index
      %get3A_183 = tpu.vector_load %arg5[%get3A_181, %get3A_182] {strides = array<i32>} : memref<1x32768xf32, #tpu.memory_space<vmem>>, vector<16xf32>,
      %add3A_184 = vector.broadcast %add3A_66 : f32 to vector<16xf32>
      %add3A_185 = arith.addf %get3A_183, %add3A_184 : vector<16xf32>
      %swap3A_186 = arith.constant 0 : i32
      %swap3A_187 = arith.index_cast %swap3A_186 : i32 to index
      %swap3A_188 = arith.index_cast %add3A_179 : i32 to index
      %swap3A_189 = tpu.vector_load %arg5[%swap3A_187, %swap3A_188] {strides = array<i32>} : memref<1x32768xf32, #tpu.memory_space<vmem>>, vector<16xf32>,
      tpu.vector_store %arg5[%swap3A_187, %swap3A_188], %add3A_185 {strides = array<i32>} : memref<1x32768xf32, #tpu.memory_space<vmem>>, vector<16xf32>,
      %add3A_190 = arith.constant 24576 : i32
      %add3A_191 = arith.addi %add3A_190, %mul3A_163 : i32
      %add3A_192 = arith.constant 0 : i32
      %add3A_193 = arith.addi %add3A_191, %add3A_192 : i32
      %get3A_194 = arith.constant 0 : i32
      %get3A_195 = arith.index_cast %get3A_194 : i32 to index
      %get3A_196 = arith.index_cast %add3A_193 : i32 to index
      %get3A_197 = tpu.vector_load %arg5[%get3A_195, %get3A_196] {strides = array<i32>} : memref<1x32768xf32, #tpu.memory_space<vmem>>, vector<16xf32>,
      %add3A_198 = vector.broadcast %add3A_67 : f32 to vector<16xf32>
      %add3A_199 = arith.addf %get3A_197, %add3A_198 : vector<16xf32>
      %swap3A_200 = arith.constant 0 : i32
      %swap3A_201 = arith.index_cast %swap3A_200 : i32 to index
      %swap3A_202 = arith.index_cast %add3A_193 : i32 to index
      %swap3A_203 = tpu.vector_load %arg5[%swap3A_201, %swap3A_202] {strides = array<i32>} : memref<1x32768xf32, #tpu.memory_space<vmem>>, vector<16xf32>,
      tpu.vector_store %arg5[%swap3A_201, %swap3A_202], %add3A_199 {strides = array<i32>} : memref<1x32768xf32, #tpu.memory_space<vmem>>, vector<16xf32>,
      %add3A_204 = arith.constant 8192 : i32
      %add3A_205 = arith.addi %add3A_204, %mul3A_163 : i32
      %add3A_206 = arith.constant 16 : i32
      %add3A_207 = arith.addi %add3A_205, %add3A_206 : i32
      %get3A_208 = arith.constant 0 : i32
      %get3A_209 = arith.index_cast %get3A_208 : i32 to index
      %get3A_210 = arith.index_cast %add3A_207 : i32 to index
      %get3A_211 = tpu.vector_load %arg5[%get3A_209, %get3A_210] {strides = array<i32>} : memref<1x32768xf32, #tpu.memory_space<vmem>>, vector<16xf32>,
      %add3A_212 = vector.broadcast %scan3A_64#0 : f32 to vector<16xf32>
      %add3A_213 = arith.addf %get3A_211, %add3A_212 : vector<16xf32>
      %swap3A_214 = arith.constant 0 : i32
      %swap3A_215 = arith.index_cast %swap3A_214 : i32 to index
      %swap3A_216 = arith.index_cast %add3A_207 : i32 to index
      %swap3A_217 = tpu.vector_load %arg5[%swap3A_215, %swap3A_216] {strides = array<i32>} : memref<1x32768xf32, #tpu.memory_space<vmem>>, vector<16xf32>,
      tpu.vector_store %arg5[%swap3A_215, %swap3A_216], %add3A_213 {strides = array<i32>} : memref<1x32768xf32, #tpu.memory_space<vmem>>, vector<16xf32>,
      %add3A_218 = arith.constant 16384 : i32
      %add3A_219 = arith.addi %add3A_218, %mul3A_163 : i32
      %add3A_220 = arith.constant 16 : i32
      %add3A_221 = arith.addi %add3A_219, %add3A_220 : i32
      %get3A_222 = arith.constant 0 : i32
      %get3A_223 = arith.index_cast %get3A_222 : i32 to index
      %get3A_224 = arith.index_cast %add3A_221 : i32 to index
      %get3A_225 = tpu.vector_load %arg5[%get3A_223, %get3A_224] {strides = array<i32>} : memref<1x32768xf32, #tpu.memory_space<vmem>>, vector<16xf32>,
      %add3A_226 = vector.broadcast %add3A_66 : f32 to vector<16xf32>
      %add3A_227 = arith.addf %get3A_225, %add3A_226 : vector<16xf32>
      %swap3A_228 = arith.constant 0 : i32
      %swap3A_229 = arith.index_cast %swap3A_228 : i32 to index
      %swap3A_230 = arith.index_cast %add3A_221 : i32 to index
      %swap3A_231 = tpu.vector_load %arg5[%swap3A_229, %swap3A_230] {strides = array<i32>} : memref<1x32768xf32, #tpu.memory_space<vmem>>, vector<16xf32>,
      tpu.vector_store %arg5[%swap3A_229, %swap3A_230], %add3A_227 {strides = array<i32>} : memref<1x32768xf32, #tpu.memory_space<vmem>>, vector<16xf32>,
      %add3A_232 = arith.constant 24576 : i32
      %add3A_233 = arith.addi %add3A_232, %mul3A_163 : i32
      %add3A_234 = arith.constant 16 : i32
      %add3A_235 = arith.addi %add3A_233, %add3A_234 : i32
      %get3A_236 = arith.constant 0 : i32
      %get3A_237 = arith.index_cast %get3A_236 : i32 to index
      %get3A_238 = arith.index_cast %add3A_235 : i32 to index
      %get3A_239 = tpu.vector_load %arg5[%get3A_237, %get3A_238] {strides = array<i32>} : memref<1x32768xf32, #tpu.memory_space<vmem>>, vector<16xf32>,
      %add3A_240 = vector.broadcast %add3A_67 : f32 to vector<16xf32>
      %add3A_241 = arith.addf %get3A_239, %add3A_240 : vector<16xf32>
      %swap3A_242 = arith.constant 0 : i32
      %swap3A_243 = arith.index_cast %swap3A_242 : i32 to index
      %swap3A_244 = arith.index_cast %add3A_235 : i32 to index
      %swap3A_245 = tpu.vector_load %arg5[%swap3A_243, %swap3A_244] {strides = array<i32>} : memref<1x32768xf32, #tpu.memory_space<vmem>>, vector<16xf32>,
      tpu.vector_store %arg5[%swap3A_243, %swap3A_244], %add3A_241 {strides = array<i32>} : memref<1x32768xf32, #tpu.memory_space<vmem>>, vector<16xf32>,
      %add3A_246 = arith.constant 8192 : i32
      %add3A_247 = arith.addi %add3A_246, %mul3A_163 : i32
      %add3A_248 = arith.constant 32 : i32
      %add3A_249 = arith.addi %add3A_247, %add3A_248 : i32
      %get3A_250 = arith.constant 0 : i32
      %get3A_251 = arith.index_cast %get3A_250 : i32 to index
      %get3A_252 = arith.index_cast %add3A_249 : i32 to index
      %get3A_253 = tpu.vector_load %arg5[%get3A_251, %get3A_252] {strides = array<i32>} : memref<1x32768xf32, #tpu.memory_space<vmem>>, vector<16xf32>,
      %add3A_254 = vector.broadcast %scan3A_64#0 : f32 to vector<16xf32>
      %add3A_255 = arith.addf %get3A_253, %add3A_254 : vector<16xf32>
      %swap3A_256 = arith.constant 0 : i32
      %swap3A_257 = arith.index_cast %swap3A_256 : i32 to index
      %swap3A_258 = arith.index_cast %add3A_249 : i32 to index
      %swap3A_259 = tpu.vector_load %arg5[%swap3A_257, %swap3A_258] {strides = array<i32>} : memref<1x32768xf32, #tpu.memory_space<vmem>>, vector<16xf32>,
      tpu.vector_store %arg5[%swap3A_257, %swap3A_258], %add3A_255 {strides = array<i32>} : memref<1x32768xf32, #tpu.memory_space<vmem>>, vector<16xf32>,
      %add3A_260 = arith.constant 16384 : i32
      %add3A_261 = arith.addi %add3A_260, %mul3A_163 : i32
      %add3A_262 = arith.constant 32 : i32
      %add3A_263 = arith.addi %add3A_261, %add3A_262 : i32
      %get3A_264 = arith.constant 0 : i32
      %get3A_265 = arith.index_cast %get3A_264 : i32 to index
      %get3A_266 = arith.index_cast %add3A_263 : i32 to index
      %get3A_267 = tpu.vector_load %arg5[%get3A_265, %get3A_266] {strides = array<i32>} : memref<1x32768xf32, #tpu.memory_space<vmem>>, vector<16xf32>,
      %add3A_268 = vector.broadcast %add3A_66 : f32 to vector<16xf32>
      %add3A_269 = arith.addf %get3A_267, %add3A_268 : vector<16xf32>
      %swap3A_270 = arith.constant 0 : i32
      %swap3A_271 = arith.index_cast %swap3A_270 : i32 to index
      %swap3A_272 = arith.index_cast %add3A_263 : i32 to index
      %swap3A_273 = tpu.vector_load %arg5[%swap3A_271, %swap3A_272] {strides = array<i32>} : memref<1x32768xf32, #tpu.memory_space<vmem>>, vector<16xf32>,
      tpu.vector_store %arg5[%swap3A_271, %swap3A_272], %add3A_269 {strides = array<i32>} : memref<1x32768xf32, #tpu.memory_space<vmem>>, vector<16xf32>,
      %add3A_274 = arith.constant 24576 : i32
      %add3A_275 = arith.addi %add3A_274, %mul3A_163 : i32
      %add3A_276 = arith.constant 32 : i32
      %add3A_277 = arith.addi %add3A_275, %add3A_276 : i32
      %get3A_278 = arith.constant 0 : i32
      %get3A_279 = arith.index_cast %get3A_278 : i32 to index
      %get3A_280 = arith.index_cast %add3A_277 : i32 to index
      %get3A_281 = tpu.vector_load %arg5[%get3A_279, %get3A_280] {strides = array<i32>} : memref<1x32768xf32, #tpu.memory_space<vmem>>, vector<16xf32>,
      %add3A_282 = vector.broadcast %add3A_67 : f32 to vector<16xf32>
      %add3A_283 = arith.addf %get3A_281, %add3A_282 : vector<16xf32>
      %swap3A_284 = arith.constant 0 : i32
      %swap3A_285 = arith.index_cast %swap3A_284 : i32 to index
      %swap3A_286 = arith.index_cast %add3A_277 : i32 to index
      %swap3A_287 = tpu.vector_load %arg5[%swap3A_285, %swap3A_286] {strides = array<i32>} : memref<1x32768xf32, #tpu.memory_space<vmem>>, vector<16xf32>,
      tpu.vector_store %arg5[%swap3A_285, %swap3A_286], %add3A_283 {strides = array<i32>} : memref<1x32768xf32, #tpu.memory_space<vmem>>, vector<16xf32>,
      %add3A_288 = arith.constant 8192 : i32
      %add3A_289 = arith.addi %add3A_288, %mul3A_163 : i32
      %add3A_290 = arith.constant 48 : i32
      %add3A_291 = arith.addi %add3A_289, %add3A_290 : i32
      %get3A_292 = arith.constant 0 : i32
      %get3A_293 = arith.index_cast %get3A_292 : i32 to index
      %get3A_294 = arith.index_cast %add3A_291 : i32 to index
      %get3A_295 = tpu.vector_load %arg5[%get3A_293, %get3A_294] {strides = array<i32>} : memref<1x32768xf32, #tpu.memory_space<vmem>>, vector<16xf32>,
      %add3A_296 = vector.broadcast %scan3A_64#0 : f32 to vector<16xf32>
      %add3A_297 = arith.addf %get3A_295, %add3A_296 : vector<16xf32>
      %swap3A_298 = arith.constant 0 : i32
      %swap3A_299 = arith.index_cast %swap3A_298 : i32 to index
      %swap3A_300 = arith.index_cast %add3A_291 : i32 to index
      %swap3A_301 = tpu.vector_load %arg5[%swap3A_299, %swap3A_300] {strides = array<i32>} : memref<1x32768xf32, #tpu.memory_space<vmem>>, vector<16xf32>,
      tpu.vector_store %arg5[%swap3A_299, %swap3A_300], %add3A_297 {strides = array<i32>} : memref<1x32768xf32, #tpu.memory_space<vmem>>, vector<16xf32>,
      %add3A_302 = arith.constant 16384 : i32
      %add3A_303 = arith.addi %add3A_302, %mul3A_163 : i32
      %add3A_304 = arith.constant 48 : i32
      %add3A_305 = arith.addi %add3A_303, %add3A_304 : i32
      %get3A_306 = arith.constant 0 : i32
      %get3A_307 = arith.index_cast %get3A_306 : i32 to index
      %get3A_308 = arith.index_cast %add3A_305 : i32 to index
      %get3A_309 = tpu.vector_load %arg5[%get3A_307, %get3A_308] {strides = array<i32>} : memref<1x32768xf32, #tpu.memory_space<vmem>>, vector<16xf32>,
      %add3A_310 = vector.broadcast %add3A_66 : f32 to vector<16xf32>
      %add3A_311 = arith.addf %get3A_309, %add3A_310 : vector<16xf32>
      %swap3A_312 = arith.constant 0 : i32
      %swap3A_313 = arith.index_cast %swap3A_312 : i32 to index
      %swap3A_314 = arith.index_cast %add3A_305 : i32 to index
      %swap3A_315 = tpu.vector_load %arg5[%swap3A_313, %swap3A_314] {strides = array<i32>} : memref<1x32768xf32, #tpu.memory_space<vmem>>, vector<16xf32>,
      tpu.vector_store %arg5[%swap3A_313, %swap3A_314], %add3A_311 {strides = array<i32>} : memref<1x32768xf32, #tpu.memory_space<vmem>>, vector<16xf32>,
      %add3A_316 = arith.constant 24576 : i32
      %add3A_317 = arith.addi %add3A_316, %mul3A_163 : i32
      %add3A_318 = arith.constant 48 : i32
      %add3A_319 = arith.addi %add3A_317, %add3A_318 : i32
      %get3A_320 = arith.constant 0 : i32
      %get3A_321 = arith.index_cast %get3A_320 : i32 to index
      %get3A_322 = arith.index_cast %add3A_319 : i32 to index
      %get3A_323 = tpu.vector_load %arg5[%get3A_321, %get3A_322] {strides = array<i32>} : memref<1x32768xf32, #tpu.memory_space<vmem>>, vector<16xf32>,
      %add3A_324 = vector.broadcast %add3A_67 : f32 to vector<16xf32>
      %add3A_325 = arith.addf %get3A_323, %add3A_324 : vector<16xf32>
      %swap3A_326 = arith.constant 0 : i32
      %swap3A_327 = arith.index_cast %swap3A_326 : i32 to index
      %swap3A_328 = arith.index_cast %add3A_319 : i32 to index
      %swap3A_329 = tpu.vector_load %arg5[%swap3A_327, %swap3A_328] {strides = array<i32>} : memref<1x32768xf32, #tpu.memory_space<vmem>>, vector<16xf32>,
      tpu.vector_store %arg5[%swap3A_327, %swap3A_328], %add3A_325 {strides = array<i32>} : memref<1x32768xf32, #tpu.memory_space<vmem>>, vector<16xf32>,
      %add3A_330 = arith.constant 8192 : i32
      %add3A_331 = arith.addi %add3A_330, %mul3A_163 : i32
      %add3A_332 = arith.constant 64 : i32
      %add3A_333 = arith.addi %add3A_331, %add3A_332 : i32
      %get3A_334 = arith.constant 0 : i32
      %get3A_335 = arith.index_cast %get3A_334 : i32 to index
      %get3A_336 = arith.index_cast %add3A_333 : i32 to index
      %get3A_337 = tpu.vector_load %arg5[%get3A_335, %get3A_336] {strides = array<i32>} : memref<1x32768xf32, #tpu.memory_space<vmem>>, vector<16xf32>,
      %add3A_338 = vector.broadcast %scan3A_64#0 : f32 to vector<16xf32>
      %add3A_339 = arith.addf %get3A_337, %add3A_338 : vector<16xf32>
      %swap3A_340 = arith.constant 0 : i32
      %swap3A_341 = arith.index_cast %swap3A_340 : i32 to index
      %swap3A_342 = arith.index_cast %add3A_333 : i32 to index
      %swap3A_343 = tpu.vector_load %arg5[%swap3A_341, %swap3A_342] {strides = array<i32>} : memref<1x32768xf32, #tpu.memory_space<vmem>>, vector<16xf32>,
      tpu.vector_store %arg5[%swap3A_341, %swap3A_342], %add3A_339 {strides = array<i32>} : memref<1x32768xf32, #tpu.memory_space<vmem>>, vector<16xf32>,
      %add3A_344 = arith.constant 16384 : i32
      %add3A_345 = arith.addi %add3A_344, %mul3A_163 : i32
      %add3A_346 = arith.constant 64 : i32
      %add3A_347 = arith.addi %add3A_345, %add3A_346 : i32
      %get3A_348 = arith.constant 0 : i32
      %get3A_349 = arith.index_cast %get3A_348 : i32 to index
      %get3A_350 = arith.index_cast %add3A_347 : i32 to index
      %get3A_351 = tpu.vector_load %arg5[%get3A_349, %get3A_350] {strides = array<i32>} : memref<1x32768xf32, #tpu.memory_space<vmem>>, vector<16xf32>,
      %add3A_352 = vector.broadcast %add3A_66 : f32 to vector<16xf32>
      %add3A_353 = arith.addf %get3A_351, %add3A_352 : vector<16xf32>
      %swap3A_354 = arith.constant 0 : i32
      %swap3A_355 = arith.index_cast %swap3A_354 : i32 to index
      %swap3A_356 = arith.index_cast %add3A_347 : i32 to index
      %swap3A_357 = tpu.vector_load %arg5[%swap3A_355, %swap3A_356] {strides = array<i32>} : memref<1x32768xf32, #tpu.memory_space<vmem>>, vector<16xf32>,
      tpu.vector_store %arg5[%swap3A_355, %swap3A_356], %add3A_353 {strides = array<i32>} : memref<1x32768xf32, #tpu.memory_space<vmem>>, vector<16xf32>,
      %add3A_358 = arith.constant 24576 : i32
      %add3A_359 = arith.addi %add3A_358, %mul3A_163 : i32
      %add3A_360 = arith.constant 64 : i32
      %add3A_361 = arith.addi %add3A_359, %add3A_360 : i32
      %get3A_362 = arith.constant 0 : i32
      %get3A_363 = arith.index_cast %get3A_362 : i32 to index
      %get3A_364 = arith.index_cast %add3A_361 : i32 to index
      %get3A_365 = tpu.vector_load %arg5[%get3A_363, %get3A_364] {strides = array<i32>} : memref<1x32768xf32, #tpu.memory_space<vmem>>, vector<16xf32>,
      %add3A_366 = vector.broadcast %add3A_67 : f32 to vector<16xf32>
      %add3A_367 = arith.addf %get3A_365, %add3A_366 : vector<16xf32>
      %swap3A_368 = arith.constant 0 : i32
      %swap3A_369 = arith.index_cast %swap3A_368 : i32 to index
      %swap3A_370 = arith.index_cast %add3A_361 : i32 to index
      %swap3A_371 = tpu.vector_load %arg5[%swap3A_369, %swap3A_370] {strides = array<i32>} : memref<1x32768xf32, #tpu.memory_space<vmem>>, vector<16xf32>,
      tpu.vector_store %arg5[%swap3A_369, %swap3A_370], %add3A_367 {strides = array<i32>} : memref<1x32768xf32, #tpu.memory_space<vmem>>, vector<16xf32>,
      %add3A_372 = arith.constant 8192 : i32
      %add3A_373 = arith.addi %add3A_372, %mul3A_163 : i32
      %add3A_374 = arith.constant 80 : i32
      %add3A_375 = arith.addi %add3A_373, %add3A_374 : i32
      %get3A_376 = arith.constant 0 : i32
      %get3A_377 = arith.index_cast %get3A_376 : i32 to index
      %get3A_378 = arith.index_cast %add3A_375 : i32 to index
      %get3A_379 = tpu.vector_load %arg5[%get3A_377, %get3A_378] {strides = array<i32>} : memref<1x32768xf32, #tpu.memory_space<vmem>>, vector<16xf32>,
      %add3A_380 = vector.broadcast %scan3A_64#0 : f32 to vector<16xf32>
      %add3A_381 = arith.addf %get3A_379, %add3A_380 : vector<16xf32>
      %swap3A_382 = arith.constant 0 : i32
      %swap3A_383 = arith.index_cast %swap3A_382 : i32 to index
      %swap3A_384 = arith.index_cast %add3A_375 : i32 to index
      %swap3A_385 = tpu.vector_load %arg5[%swap3A_383, %swap3A_384] {strides = array<i32>} : memref<1x32768xf32, #tpu.memory_space<vmem>>, vector<16xf32>,
      tpu.vector_store %arg5[%swap3A_383, %swap3A_384], %add3A_381 {strides = array<i32>} : memref<1x32768xf32, #tpu.memory_space<vmem>>, vector<16xf32>,
      %add3A_386 = arith.constant 16384 : i32
      %add3A_387 = arith.addi %add3A_386, %mul3A_163 : i32
      %add3A_388 = arith.constant 80 : i32
      %add3A_389 = arith.addi %add3A_387, %add3A_388 : i32
      %get3A_390 = arith.constant 0 : i32
      %get3A_391 = arith.index_cast %get3A_390 : i32 to index
      %get3A_392 = arith.index_cast %add3A_389 : i32 to index
      %get3A_393 = tpu.vector_load %arg5[%get3A_391, %get3A_392] {strides = array<i32>} : memref<1x32768xf32, #tpu.memory_space<vmem>>, vector<16xf32>,
      %add3A_394 = vector.broadcast %add3A_66 : f32 to vector<16xf32>
      %add3A_395 = arith.addf %get3A_393, %add3A_394 : vector<16xf32>
      %swap3A_396 = arith.constant 0 : i32
      %swap3A_397 = arith.index_cast %swap3A_396 : i32 to index
      %swap3A_398 = arith.index_cast %add3A_389 : i32 to index
      %swap3A_399 = tpu.vector_load %arg5[%swap3A_397, %swap3A_398] {strides = array<i32>} : memref<1x32768xf32, #tpu.memory_space<vmem>>, vector<16xf32>,
      tpu.vector_store %arg5[%swap3A_397, %swap3A_398], %add3A_395 {strides = array<i32>} : memref<1x32768xf32, #tpu.memory_space<vmem>>, vector<16xf32>,
      %add3A_400 = arith.constant 24576 : i32
      %add3A_401 = arith.addi %add3A_400, %mul3A_163 : i32
      %add3A_402 = arith.constant 80 : i32
      %add3A_403 = arith.addi %add3A_401, %add3A_402 : i32
      %get3A_404 = arith.constant 0 : i32
      %get3A_405 = arith.index_cast %get3A_404 : i32 to index
      %get3A_406 = arith.index_cast %add3A_403 : i32 to index
      %get3A_407 = tpu.vector_load %arg5[%get3A_405, %get3A_406] {strides = array<i32>} : memref<1x32768xf32, #tpu.memory_space<vmem>>, vector<16xf32>,
      %add3A_408 = vector.broadcast %add3A_67 : f32 to vector<16xf32>
      %add3A_409 = arith.addf %get3A_407, %add3A_408 : vector<16xf32>
      %swap3A_410 = arith.constant 0 : i32
      %swap3A_411 = arith.index_cast %swap3A_410 : i32 to index
      %swap3A_412 = arith.index_cast %add3A_403 : i32 to index
      %swap3A_413 = tpu.vector_load %arg5[%swap3A_411, %swap3A_412] {strides = array<i32>} : memref<1x32768xf32, #tpu.memory_space<vmem>>, vector<16xf32>,
      tpu.vector_store %arg5[%swap3A_411, %swap3A_412], %add3A_409 {strides = array<i32>} : memref<1x32768xf32, #tpu.memory_space<vmem>>, vector<16xf32>,
      %add3A_414 = arith.constant 8192 : i32
      %add3A_415 = arith.addi %add3A_414, %mul3A_163 : i32
      %add3A_416 = arith.constant 96 : i32
      %add3A_417 = arith.addi %add3A_415, %add3A_416 : i32
      %get3A_418 = arith.constant 0 : i32
      %get3A_419 = arith.index_cast %get3A_418 : i32 to index
      %get3A_420 = arith.index_cast %add3A_417 : i32 to index
      %get3A_421 = tpu.vector_load %arg5[%get3A_419, %get3A_420] {strides = array<i32>} : memref<1x32768xf32, #tpu.memory_space<vmem>>, vector<16xf32>,
      %add3A_422 = vector.broadcast %scan3A_64#0 : f32 to vector<16xf32>
      %add3A_423 = arith.addf %get3A_421, %add3A_422 : vector<16xf32>
      %swap3A_424 = arith.constant 0 : i32
      %swap3A_425 = arith.index_cast %swap3A_424 : i32 to index
      %swap3A_426 = arith.index_cast %add3A_417 : i32 to index
      %swap3A_427 = tpu.vector_load %arg5[%swap3A_425, %swap3A_426] {strides = array<i32>} : memref<1x32768xf32, #tpu.memory_space<vmem>>, vector<16xf32>,
      tpu.vector_store %arg5[%swap3A_425, %swap3A_426], %add3A_423 {strides = array<i32>} : memref<1x32768xf32, #tpu.memory_space<vmem>>, vector<16xf32>,
      %add3A_428 = arith.constant 16384 : i32
      %add3A_429 = arith.addi %add3A_428, %mul3A_163 : i32
      %add3A_430 = arith.constant 96 : i32
      %add3A_431 = arith.addi %add3A_429, %add3A_430 : i32
      %get3A_432 = arith.constant 0 : i32
      %get3A_433 = arith.index_cast %get3A_432 : i32 to index
      %get3A_434 = arith.index_cast %add3A_431 : i32 to index
      %get3A_435 = tpu.vector_load %arg5[%get3A_433, %get3A_434] {strides = array<i32>} : memref<1x32768xf32, #tpu.memory_space<vmem>>, vector<16xf32>,
      %add3A_436 = vector.broadcast %add3A_66 : f32 to vector<16xf32>
      %add3A_437 = arith.addf %get3A_435, %add3A_436 : vector<16xf32>
      %swap3A_438 = arith.constant 0 : i32
      %swap3A_439 = arith.index_cast %swap3A_438 : i32 to index
      %swap3A_440 = arith.index_cast %add3A_431 : i32 to index
      %swap3A_441 = tpu.vector_load %arg5[%swap3A_439, %swap3A_440] {strides = array<i32>} : memref<1x32768xf32, #tpu.memory_space<vmem>>, vector<16xf32>,
      tpu.vector_store %arg5[%swap3A_439, %swap3A_440], %add3A_437 {strides = array<i32>} : memref<1x32768xf32, #tpu.memory_space<vmem>>, vector<16xf32>,
      %add3A_442 = arith.constant 24576 : i32
      %add3A_443 = arith.addi %add3A_442, %mul3A_163 : i32
      %add3A_444 = arith.constant 96 : i32
      %add3A_445 = arith.addi %add3A_443, %add3A_444 : i32
      %get3A_446 = arith.constant 0 : i32
      %get3A_447 = arith.index_cast %get3A_446 : i32 to index
      %get3A_448 = arith.index_cast %add3A_445 : i32 to index
      %get3A_449 = tpu.vector_load %arg5[%get3A_447, %get3A_448] {strides = array<i32>} : memref<1x32768xf32, #tpu.memory_space<vmem>>, vector<16xf32>,
      %add3A_450 = vector.broadcast %add3A_67 : f32 to vector<16xf32>
      %add3A_451 = arith.addf %get3A_449, %add3A_450 : vector<16xf32>
      %swap3A_452 = arith.constant 0 : i32
      %swap3A_453 = arith.index_cast %swap3A_452 : i32 to index
      %swap3A_454 = arith.index_cast %add3A_445 : i32 to index
      %swap3A_455 = tpu.vector_load %arg5[%swap3A_453, %swap3A_454] {strides = array<i32>} : memref<1x32768xf32, #tpu.memory_space<vmem>>, vector<16xf32>,
      tpu.vector_store %arg5[%swap3A_453, %swap3A_454], %add3A_451 {strides = array<i32>} : memref<1x32768xf32, #tpu.memory_space<vmem>>, vector<16xf32>,
      %add3A_456 = arith.constant 8192 : i32
      %add3A_457 = arith.addi %add3A_456, %mul3A_163 : i32
      %add3A_458 = arith.constant 112 : i32
      %add3A_459 = arith.addi %add3A_457, %add3A_458 : i32
      %get3A_460 = arith.constant 0 : i32
      %get3A_461 = arith.index_cast %get3A_460 : i32 to index
      %get3A_462 = arith.index_cast %add3A_459 : i32 to index
      %get3A_463 = tpu.vector_load %arg5[%get3A_461, %get3A_462] {strides = array<i32>} : memref<1x32768xf32, #tpu.memory_space<vmem>>, vector<16xf32>,
      %add3A_464 = vector.broadcast %scan3A_64#0 : f32 to vector<16xf32>
      %add3A_465 = arith.addf %get3A_463, %add3A_464 : vector<16xf32>
      %swap3A_466 = arith.constant 0 : i32
      %swap3A_467 = arith.index_cast %swap3A_466 : i32 to index
      %swap3A_468 = arith.index_cast %add3A_459 : i32 to index
      %swap3A_469 = tpu.vector_load %arg5[%swap3A_467, %swap3A_468] {strides = array<i32>} : memref<1x32768xf32, #tpu.memory_space<vmem>>, vector<16xf32>,
      tpu.vector_store %arg5[%swap3A_467, %swap3A_468], %add3A_465 {strides = array<i32>} : memref<1x32768xf32, #tpu.memory_space<vmem>>, vector<16xf32>,
      %add3A_470 = arith.constant 16384 : i32
      %add3A_471 = arith.addi %add3A_470, %mul3A_163 : i32
      %add3A_472 = arith.constant 112 : i32
      %add3A_473 = arith.addi %add3A_471, %add3A_472 : i32
      %get3A_474 = arith.constant 0 : i32
      %get3A_475 = arith.index_cast %get3A_474 : i32 to index
      %get3A_476 = arith.index_cast %add3A_473 : i32 to index
      %get3A_477 = tpu.vector_load %arg5[%get3A_475, %get3A_476] {strides = array<i32>} : memref<1x32768xf32, #tpu.memory_space<vmem>>, vector<16xf32>,
      %add3A_478 = vector.broadcast %add3A_66 : f32 to vector<16xf32>
      %add3A_479 = arith.addf %get3A_477, %add3A_478 : vector<16xf32>
      %swap3A_480 = arith.constant 0 : i32
      %swap3A_481 = arith.index_cast %swap3A_480 : i32 to index
      %swap3A_482 = arith.index_cast %add3A_473 : i32 to index
      %swap3A_483 = tpu.vector_load %arg5[%swap3A_481, %swap3A_482] {strides = array<i32>} : memref<1x32768xf32, #tpu.memory_space<vmem>>, vector<16xf32>,
      tpu.vector_store %arg5[%swap3A_481, %swap3A_482], %add3A_479 {strides = array<i32>} : memref<1x32768xf32, #tpu.memory_space<vmem>>, vector<16xf32>,
      %add3A_484 = arith.constant 24576 : i32
      %add3A_485 = arith.addi %add3A_484, %mul3A_163 : i32
      %add3A_486 = arith.constant 112 : i32
      %add3A_487 = arith.addi %add3A_485, %add3A_486 : i32
      %get3A_488 = arith.constant 0 : i32
      %get3A_489 = arith.index_cast %get3A_488 : i32 to index
      %get3A_490 = arith.index_cast %add3A_487 : i32 to index
      %get3A_491 = tpu.vector_load %arg5[%get3A_489, %get3A_490] {strides = array<i32>} : memref<1x32768xf32, #tpu.memory_space<vmem>>, vector<16xf32>,
      %add3A_492 = vector.broadcast %add3A_67 : f32 to vector<16xf32>
      %add3A_493 = arith.addf %get3A_491, %add3A_492 : vector<16xf32>
      %swap3A_494 = arith.constant 0 : i32
      %swap3A_495 = arith.index_cast %swap3A_494 : i32 to index
      %swap3A_496 = arith.index_cast %add3A_487 : i32 to index
      %swap3A_497 = tpu.vector_load %arg5[%swap3A_495, %swap3A_496] {strides = array<i32>} : memref<1x32768xf32, #tpu.memory_space<vmem>>, vector<16xf32>,
      tpu.vector_store %arg5[%swap3A_495, %swap3A_496], %add3A_493 {strides = array<i32>} : memref<1x32768xf32, #tpu.memory_space<vmem>>, vector<16xf32>,
      %scan3A_498 = arith.constant 0 : i32
      scf.yield %scan3A_498 : i32
    }
    %scan3A_75 = arith.constant 64 : i32
    %add3A_76 = arith.constant 1 : i32
    %add3A_77 = arith.addi %mul3A_2, %add3A_76 : i32
    %dma_start3A_78 = arith.constant 0 : i32
    %dma_start3A_79 = tpu.memref_slice %arg3[%add3A_77, %dma_start3A_78] : memref<128x32768xf32, #tpu.memory_space<hbm>> -> memref<1x32768xf32, #tpu.memory_space<hbm>>
    %dma_start3A_80 = arith.constant 0 : i32
    %dma_start3A_81 = tpu.memref_slice %arg3[%add3A_77, %dma_start3A_80] : memref<128x32768xf32, #tpu.memory_space<hbm>> -> memref<1x32768xf32, #tpu.memory_space<hbm>>
    tpu.enqueue_dma source(%arg5 : memref<1x32768xf32, #tpu.memory_space<vmem>>) target(%dma_start3A_81 : memref<1x32768xf32, #tpu.memory_space<hbm>>) target_semaphore(%arg9 : memref<!tpu.dma_semaphore, #tpu.memory_space<semaphore_mem>>)
    %dma_wait3A_82 = arith.constant 0 : i32
    %dma_wait3A_83 = tpu.memref_slice %arg2[%add3A_51, %dma_wait3A_82] : memref<128x32768xf32, #tpu.memory_space<hbm>> -> memref<1x32768xf32, #tpu.memory_space<hbm>>
    %dma_wait3A_84 = arith.constant 0 : i32
    %dma_wait3A_85 = tpu.memref_slice %arg2[%add3A_51, %dma_wait3A_84] : memref<128x32768xf32, #tpu.memory_space<hbm>> -> memref<1x32768xf32, #tpu.memory_space<hbm>>
    tpu.wait_dma2 semaphore(%arg6 : memref<!tpu.dma_semaphore, #tpu.memory_space<semaphore_mem>>) src(%dma_wait3A_85 : memref<1x32768xf32, #tpu.memory_space<hbm>>) dst(%arg4 : memref<1x32768xf32, #tpu.memory_space<vmem>>)
    %dma_wait3A_86 = arith.constant 0 : i32
    %dma_wait3A_87 = tpu.memref_slice %arg3[%add3A_77, %dma_wait3A_86] : memref<128x32768xf32, #tpu.memory_space<hbm>> -> memref<1x32768xf32, #tpu.memory_space<hbm>>
    %dma_wait3A_88 = arith.constant 0 : i32
    %dma_wait3A_89 = tpu.memref_slice %arg3[%add3A_77, %dma_wait3A_88] : memref<128x32768xf32, #tpu.memory_space<hbm>> -> memref<1x32768xf32, #tpu.memory_space<hbm>>
    tpu.wait_dma2 semaphore(%arg9 : memref<!tpu.dma_semaphore, #tpu.memory_space<semaphore_mem>>) src(%arg5 : memref<1x32768xf32, #tpu.memory_space<vmem>>) dst(%dma_wait3A_89 : memref<1x32768xf32, #tpu.memory_space<hbm>>)
    %add3A_90 = arith.constant 3 : i32
    %add3A_91 = arith.addi %mul3A_2, %add3A_90 : i32
    %dma_start3A_92 = arith.constant 0 : i32
    %dma_start3A_93 = tpu.memref_slice %arg2[%add3A_91, %dma_start3A_92] : memref<128x32768xf32, #tpu.memory_space<hbm>> -> memref<1x32768xf32, #tpu.memory_space<hbm>>
    %dma_start3A_94 = arith.constant 0 : i32
    %dma_start3A_95 = tpu.memref_slice %arg2[%add3A_91, %dma_start3A_94] : memref<128x32768xf32, #tpu.memory_space<hbm>> -> memref<1x32768xf32, #tpu.memory_space<hbm>>
    tpu.enqueue_dma source(%dma_start3A_95 : memref<1x32768xf32, #tpu.memory_space<hbm>>) target(%arg5 : memref<1x32768xf32, #tpu.memory_space<vmem>>) target_semaphore(%arg7 : memref<!tpu.dma_semaphore, #tpu.memory_space<semaphore_mem>>)
    %scan3A_96 = arith.constant 0.000000e+00 : f32
    %scan3A_97 = arith.constant 0.000000e+00 : f32
    %scan3A_98 = arith.constant 0.000000e+00 : f32
    %scan3A_99 = arith.constant 0.000000e+00 : f32
    %scan3A_100 = arith.constant 0 : i32
    %scan3A_101 = arith.constant 64 : i32
    %scan3A_102 = arith.addi %scan3A_100, %scan3A_101 : i32
    %scan3A_103 = arith.constant 1 : i32
    %scan3A_104:4 = scf.for %scan3A_160 = %scan3A_100 to %scan3A_102 step %scan3A_103 iter_args(%scan3A_161 = %scan3A_96, %scan3A_162 = %scan3A_97, %scan3A_163 = %scan3A_98, %scan3A_164 = %scan3A_99) -> (f32, f32, f32, f32)  : i32 {
      %mul3A_165 = arith.constant 128 : i32
      %mul3A_166 = arith.muli %scan3A_160, %mul3A_165 : i32
      %add3A_167 = arith.constant 0 : i32
      %add3A_168 = arith.addi %add3A_167, %mul3A_166 : i32
      %add3A_169 = arith.constant 0 : i32
      %add3A_170 = arith.addi %add3A_168, %add3A_169 : i32
      %get3A = arith.constant 0 : i32
      %get3A_171 = arith.index_cast %get3A : i32 to index
      %get3A_172 = arith.index_cast %add3A_170 : i32 to index
      %get3A_173 = tpu.vector_load %arg4[%get3A_171, %get3A_172] {strides = array<i32>} : memref<1x32768xf32, #tpu.memory_space<vmem>>, vector<16xf32>,
      %broadcast_in_dim3A = arith.constant true
      %broadcast_in_dim3A_174 = vector.broadcast %broadcast_in_dim3A : i1 to vector<16xi1>
      %masked_cumsum3A = tpu.scan <sum>, %get3A_173 masked %broadcast_in_dim3A_174 : vector<16xf32>, vector<16xi1> -> vector<16xf32>
      %add3A_175 = vector.broadcast %scan3A_161 : f32 to vector<16xf32>
      %add3A_176 = arith.addf %masked_cumsum3A, %add3A_175 : vector<16xf32>
      %swap3A = arith.constant 0 : i32
      %swap3A_177 = arith.index_cast %swap3A : i32 to index
      %swap3A_178 = arith.index_cast %add3A_170 : i32 to index
      %swap3A_179 = tpu.vector_load %arg4[%swap3A_177, %swap3A_178] {strides = array<i32>} : memref<1x32768xf32, #tpu.memory_space<vmem>>, vector<16xf32>,
      tpu.vector_store %arg4[%swap3A_177, %swap3A_178], %add3A_176 {strides = array<i32>} : memref<1x32768xf32, #tpu.memory_space<vmem>>, vector<16xf32>,
      %slice3A = vector.extract_strided_slice %masked_cumsum3A {offsets = [15], sizes = [1], strides = [1]} : vector<16xf32> to vector<1xf32>
      %squeeze3A = vector.extract %slice3A[0] : f32 from vector<1xf32>
      %add3A_180 = arith.addf %scan3A_161, %squeeze3A : f32
      %add3A_181 = arith.constant 8192 : i32
      %add3A_182 = arith.addi %add3A_181, %mul3A_166 : i32
      %add3A_183 = arith.constant 0 : i32
      %add3A_184 = arith.addi %add3A_182, %add3A_183 : i32
      %get3A_185 = arith.constant 0 : i32
      %get3A_186 = arith.index_cast %get3A_185 : i32 to index
      %get3A_187 = arith.index_cast %add3A_184 : i32 to index
      %get3A_188 = tpu.vector_load %arg4[%get3A_186, %get3A_187] {strides = array<i32>} : memref<1x32768xf32, #tpu.memory_space<vmem>>, vector<16xf32>,
      %broadcast_in_dim3A_189 = arith.constant true
      %broadcast_in_dim3A_190 = vector.broadcast %broadcast_in_dim3A_189 : i1 to vector<16xi1>
      %masked_cumsum3A_191 = tpu.scan <sum>, %get3A_188 masked %broadcast_in_dim3A_190 : vector<16xf32>, vector<16xi1> -> vector<16xf32>
      %add3A_192 = vector.broadcast %scan3A_162 : f32 to vector<16xf32>
      %add3A_193 = arith.addf %masked_cumsum3A_191, %add3A_192 : vector<16xf32>
      %swap3A_194 = arith.constant 0 : i32
      %swap3A_195 = arith.index_cast %swap3A_194 : i32 to index
      %swap3A_196 = arith.index_cast %add3A_184 : i32 to index
      %swap3A_197 = tpu.vector_load %arg4[%swap3A_195, %swap3A_196] {strides = array<i32>} : memref<1x32768xf32, #tpu.memory_space<vmem>>, vector<16xf32>,
      tpu.vector_store %arg4[%swap3A_195, %swap3A_196], %add3A_193 {strides = array<i32>} : memref<1x32768xf32, #tpu.memory_space<vmem>>, vector<16xf32>,
      %slice3A_198 = vector.extract_strided_slice %masked_cumsum3A_191 {offsets = [15], sizes = [1], strides = [1]} : vector<16xf32> to vector<1xf32>
      %squeeze3A_199 = vector.extract %slice3A_198[0] : f32 from vector<1xf32>
      %add3A_200 = arith.addf %scan3A_162, %squeeze3A_199 : f32
      %add3A_201 = arith.constant 16384 : i32
      %add3A_202 = arith.addi %add3A_201, %mul3A_166 : i32
      %add3A_203 = arith.constant 0 : i32
      %add3A_204 = arith.addi %add3A_202, %add3A_203 : i32
      %get3A_205 = arith.constant 0 : i32
      %get3A_206 = arith.index_cast %get3A_205 : i32 to index
      %get3A_207 = arith.index_cast %add3A_204 : i32 to index
      %get3A_208 = tpu.vector_load %arg4[%get3A_206, %get3A_207] {strides = array<i32>} : memref<1x32768xf32, #tpu.memory_space<vmem>>, vector<16xf32>,
      %broadcast_in_dim3A_209 = arith.constant true
      %broadcast_in_dim3A_210 = vector.broadcast %broadcast_in_dim3A_209 : i1 to vector<16xi1>
      %masked_cumsum3A_211 = tpu.scan <sum>, %get3A_208 masked %broadcast_in_dim3A_210 : vector<16xf32>, vector<16xi1> -> vector<16xf32>
      %add3A_212 = vector.broadcast %scan3A_163 : f32 to vector<16xf32>
      %add3A_213 = arith.addf %masked_cumsum3A_211, %add3A_212 : vector<16xf32>
      %swap3A_214 = arith.constant 0 : i32
      %swap3A_215 = arith.index_cast %swap3A_214 : i32 to index
      %swap3A_216 = arith.index_cast %add3A_204 : i32 to index
      %swap3A_217 = tpu.vector_load %arg4[%swap3A_215, %swap3A_216] {strides = array<i32>} : memref<1x32768xf32, #tpu.memory_space<vmem>>, vector<16xf32>,
      tpu.vector_store %arg4[%swap3A_215, %swap3A_216], %add3A_213 {strides = array<i32>} : memref<1x32768xf32, #tpu.memory_space<vmem>>, vector<16xf32>,
      %slice3A_218 = vector.extract_strided_slice %masked_cumsum3A_211 {offsets = [15], sizes = [1], strides = [1]} : vector<16xf32> to vector<1xf32>
      %squeeze3A_219 = vector.extract %slice3A_218[0] : f32 from vector<1xf32>
      %add3A_220 = arith.addf %scan3A_163, %squeeze3A_219 : f32
      %add3A_221 = arith.constant 24576 : i32
      %add3A_222 = arith.addi %add3A_221, %mul3A_166 : i32
      %add3A_223 = arith.constant 0 : i32
      %add3A_224 = arith.addi %add3A_222, %add3A_223 : i32
      %get3A_225 = arith.constant 0 : i32
      %get3A_226 = arith.index_cast %get3A_225 : i32 to index
      %get3A_227 = arith.index_cast %add3A_224 : i32 to index
      %get3A_228 = tpu.vector_load %arg4[%get3A_226, %get3A_227] {strides = array<i32>} : memref<1x32768xf32, #tpu.memory_space<vmem>>, vector<16xf32>,
      %broadcast_in_dim3A_229 = arith.constant true
      %broadcast_in_dim3A_230 = vector.broadcast %broadcast_in_dim3A_229 : i1 to vector<16xi1>
      %masked_cumsum3A_231 = tpu.scan <sum>, %get3A_228 masked %broadcast_in_dim3A_230 : vector<16xf32>, vector<16xi1> -> vector<16xf32>
      %add3A_232 = vector.broadcast %scan3A_164 : f32 to vector<16xf32>
      %add3A_233 = arith.addf %masked_cumsum3A_231, %add3A_232 : vector<16xf32>
      %swap3A_234 = arith.constant 0 : i32
      %swap3A_235 = arith.index_cast %swap3A_234 : i32 to index
      %swap3A_236 = arith.index_cast %add3A_224 : i32 to index
      %swap3A_237 = tpu.vector_load %arg4[%swap3A_235, %swap3A_236] {strides = array<i32>} : memref<1x32768xf32, #tpu.memory_space<vmem>>, vector<16xf32>,
      tpu.vector_store %arg4[%swap3A_235, %swap3A_236], %add3A_233 {strides = array<i32>} : memref<1x32768xf32, #tpu.memory_space<vmem>>, vector<16xf32>,
      %slice3A_238 = vector.extract_strided_slice %masked_cumsum3A_231 {offsets = [15], sizes = [1], strides = [1]} : vector<16xf32> to vector<1xf32>
      %squeeze3A_239 = vector.extract %slice3A_238[0] : f32 from vector<1xf32>
      %add3A_240 = arith.addf %scan3A_164, %squeeze3A_239 : f32
      %add3A_241 = arith.constant 0 : i32
      %add3A_242 = arith.addi %add3A_241, %mul3A_166 : i32
      %add3A_243 = arith.constant 16 : i32
      %add3A_244 = arith.addi %add3A_242, %add3A_243 : i32
      %get3A_245 = arith.constant 0 : i32
      %get3A_246 = arith.index_cast %get3A_245 : i32 to index
      %get3A_247 = arith.index_cast %add3A_244 : i32 to index
      %get3A_248 = tpu.vector_load %arg4[%get3A_246, %get3A_247] {strides = array<i32>} : memref<1x32768xf32, #tpu.memory_space<vmem>>, vector<16xf32>,
      %broadcast_in_dim3A_249 = arith.constant true
      %broadcast_in_dim3A_250 = vector.broadcast %broadcast_in_dim3A_249 : i1 to vector<16xi1>
      %masked_cumsum3A_251 = tpu.scan <sum>, %get3A_248 masked %broadcast_in_dim3A_250 : vector<16xf32>, vector<16xi1> -> vector<16xf32>
      %add3A_252 = vector.broadcast %add3A_180 : f32 to vector<16xf32>
      %add3A_253 = arith.addf %masked_cumsum3A_251, %add3A_252 : vector<16xf32>
      %swap3A_254 = arith.constant 0 : i32
      %swap3A_255 = arith.index_cast %swap3A_254 : i32 to index
      %swap3A_256 = arith.index_cast %add3A_244 : i32 to index
      %swap3A_257 = tpu.vector_load %arg4[%swap3A_255, %swap3A_256] {strides = array<i32>} : memref<1x32768xf32, #tpu.memory_space<vmem>>, vector<16xf32>,
      tpu.vector_store %arg4[%swap3A_255, %swap3A_256], %add3A_253 {strides = array<i32>} : memref<1x32768xf32, #tpu.memory_space<vmem>>, vector<16xf32>,
      %slice3A_258 = vector.extract_strided_slice %masked_cumsum3A_251 {offsets = [15], sizes = [1], strides = [1]} : vector<16xf32> to vector<1xf32>
      %squeeze3A_259 = vector.extract %slice3A_258[0] : f32 from vector<1xf32>
      %add3A_260 = arith.addf %add3A_180, %squeeze3A_259 : f32
      %add3A_261 = arith.constant 8192 : i32
      %add3A_262 = arith.addi %add3A_261, %mul3A_166 : i32
      %add3A_263 = arith.constant 16 : i32
      %add3A_264 = arith.addi %add3A_262, %add3A_263 : i32
      %get3A_265 = arith.constant 0 : i32
      %get3A_266 = arith.index_cast %get3A_265 : i32 to index
      %get3A_267 = arith.index_cast %add3A_264 : i32 to index
      %get3A_268 = tpu.vector_load %arg4[%get3A_266, %get3A_267] {strides = array<i32>} : memref<1x32768xf32, #tpu.memory_space<vmem>>, vector<16xf32>,
      %broadcast_in_dim3A_269 = arith.constant true
      %broadcast_in_dim3A_270 = vector.broadcast %broadcast_in_dim3A_269 : i1 to vector<16xi1>
      %masked_cumsum3A_271 = tpu.scan <sum>, %get3A_268 masked %broadcast_in_dim3A_270 : vector<16xf32>, vector<16xi1> -> vector<16xf32>
      %add3A_272 = vector.broadcast %add3A_200 : f32 to vector<16xf32>
      %add3A_273 = arith.addf %masked_cumsum3A_271, %add3A_272 : vector<16xf32>
      %swap3A_274 = arith.constant 0 : i32
      %swap3A_275 = arith.index_cast %swap3A_274 : i32 to index
      %swap3A_276 = arith.index_cast %add3A_264 : i32 to index
      %swap3A_277 = tpu.vector_load %arg4[%swap3A_275, %swap3A_276] {strides = array<i32>} : memref<1x32768xf32, #tpu.memory_space<vmem>>, vector<16xf32>,
      tpu.vector_store %arg4[%swap3A_275, %swap3A_276], %add3A_273 {strides = array<i32>} : memref<1x32768xf32, #tpu.memory_space<vmem>>, vector<16xf32>,
      %slice3A_278 = vector.extract_strided_slice %masked_cumsum3A_271 {offsets = [15], sizes = [1], strides = [1]} : vector<16xf32> to vector<1xf32>
      %squeeze3A_279 = vector.extract %slice3A_278[0] : f32 from vector<1xf32>
      %add3A_280 = arith.addf %add3A_200, %squeeze3A_279 : f32
      %add3A_281 = arith.constant 16384 : i32
      %add3A_282 = arith.addi %add3A_281, %mul3A_166 : i32
      %add3A_283 = arith.constant 16 : i32
      %add3A_284 = arith.addi %add3A_282, %add3A_283 : i32
      %get3A_285 = arith.constant 0 : i32
      %get3A_286 = arith.index_cast %get3A_285 : i32 to index
      %get3A_287 = arith.index_cast %add3A_284 : i32 to index
      %get3A_288 = tpu.vector_load %arg4[%get3A_286, %get3A_287] {strides = array<i32>} : memref<1x32768xf32, #tpu.memory_space<vmem>>, vector<16xf32>,
      %broadcast_in_dim3A_289 = arith.constant true
      %broadcast_in_dim3A_290 = vector.broadcast %broadcast_in_dim3A_289 : i1 to vector<16xi1>
      %masked_cumsum3A_291 = tpu.scan <sum>, %get3A_288 masked %broadcast_in_dim3A_290 : vector<16xf32>, vector<16xi1> -> vector<16xf32>
      %add3A_292 = vector.broadcast %add3A_220 : f32 to vector<16xf32>
      %add3A_293 = arith.addf %masked_cumsum3A_291, %add3A_292 : vector<16xf32>
      %swap3A_294 = arith.constant 0 : i32
      %swap3A_295 = arith.index_cast %swap3A_294 : i32 to index
      %swap3A_296 = arith.index_cast %add3A_284 : i32 to index
      %swap3A_297 = tpu.vector_load %arg4[%swap3A_295, %swap3A_296] {strides = array<i32>} : memref<1x32768xf32, #tpu.memory_space<vmem>>, vector<16xf32>,
      tpu.vector_store %arg4[%swap3A_295, %swap3A_296], %add3A_293 {strides = array<i32>} : memref<1x32768xf32, #tpu.memory_space<vmem>>, vector<16xf32>,
      %slice3A_298 = vector.extract_strided_slice %masked_cumsum3A_291 {offsets = [15], sizes = [1], strides = [1]} : vector<16xf32> to vector<1xf32>
      %squeeze3A_299 = vector.extract %slice3A_298[0] : f32 from vector<1xf32>
      %add3A_300 = arith.addf %add3A_220, %squeeze3A_299 : f32
      %add3A_301 = arith.constant 24576 : i32
      %add3A_302 = arith.addi %add3A_301, %mul3A_166 : i32
      %add3A_303 = arith.constant 16 : i32
      %add3A_304 = arith.addi %add3A_302, %add3A_303 : i32
      %get3A_305 = arith.constant 0 : i32
      %get3A_306 = arith.index_cast %get3A_305 : i32 to index
      %get3A_307 = arith.index_cast %add3A_304 : i32 to index
      %get3A_308 = tpu.vector_load %arg4[%get3A_306, %get3A_307] {strides = array<i32>} : memref<1x32768xf32, #tpu.memory_space<vmem>>, vector<16xf32>,
      %broadcast_in_dim3A_309 = arith.constant true
      %broadcast_in_dim3A_310 = vector.broadcast %broadcast_in_dim3A_309 : i1 to vector<16xi1>
      %masked_cumsum3A_311 = tpu.scan <sum>, %get3A_308 masked %broadcast_in_dim3A_310 : vector<16xf32>, vector<16xi1> -> vector<16xf32>
      %add3A_312 = vector.broadcast %add3A_240 : f32 to vector<16xf32>
      %add3A_313 = arith.addf %masked_cumsum3A_311, %add3A_312 : vector<16xf32>
      %swap3A_314 = arith.constant 0 : i32
      %swap3A_315 = arith.index_cast %swap3A_314 : i32 to index
      %swap3A_316 = arith.index_cast %add3A_304 : i32 to index
      %swap3A_317 = tpu.vector_load %arg4[%swap3A_315, %swap3A_316] {strides = array<i32>} : memref<1x32768xf32, #tpu.memory_space<vmem>>, vector<16xf32>,
      tpu.vector_store %arg4[%swap3A_315, %swap3A_316], %add3A_313 {strides = array<i32>} : memref<1x32768xf32, #tpu.memory_space<vmem>>, vector<16xf32>,
      %slice3A_318 = vector.extract_strided_slice %masked_cumsum3A_311 {offsets = [15], sizes = [1], strides = [1]} : vector<16xf32> to vector<1xf32>
      %squeeze3A_319 = vector.extract %slice3A_318[0] : f32 from vector<1xf32>
      %add3A_320 = arith.addf %add3A_240, %squeeze3A_319 : f32
      %add3A_321 = arith.constant 0 : i32
      %add3A_322 = arith.addi %add3A_321, %mul3A_166 : i32
      %add3A_323 = arith.constant 32 : i32
      %add3A_324 = arith.addi %add3A_322, %add3A_323 : i32
      %get3A_325 = arith.constant 0 : i32
      %get3A_326 = arith.index_cast %get3A_325 : i32 to index
      %get3A_327 = arith.index_cast %add3A_324 : i32 to index
      %get3A_328 = tpu.vector_load %arg4[%get3A_326, %get3A_327] {strides = array<i32>} : memref<1x32768xf32, #tpu.memory_space<vmem>>, vector<16xf32>,
      %broadcast_in_dim3A_329 = arith.constant true
      %broadcast_in_dim3A_330 = vector.broadcast %broadcast_in_dim3A_329 : i1 to vector<16xi1>
      %masked_cumsum3A_331 = tpu.scan <sum>, %get3A_328 masked %broadcast_in_dim3A_330 : vector<16xf32>, vector<16xi1> -> vector<16xf32>
      %add3A_332 = vector.broadcast %add3A_260 : f32 to vector<16xf32>
      %add3A_333 = arith.addf %masked_cumsum3A_331, %add3A_332 : vector<16xf32>
      %swap3A_334 = arith.constant 0 : i32
      %swap3A_335 = arith.index_cast %swap3A_334 : i32 to index
      %swap3A_336 = arith.index_cast %add3A_324 : i32 to index
      %swap3A_337 = tpu.vector_load %arg4[%swap3A_335, %swap3A_336] {strides = array<i32>} : memref<1x32768xf32, #tpu.memory_space<vmem>>, vector<16xf32>,
      tpu.vector_store %arg4[%swap3A_335, %swap3A_336], %add3A_333 {strides = array<i32>} : memref<1x32768xf32, #tpu.memory_space<vmem>>, vector<16xf32>,
      %slice3A_338 = vector.extract_strided_slice %masked_cumsum3A_331 {offsets = [15], sizes = [1], strides = [1]} : vector<16xf32> to vector<1xf32>
      %squeeze3A_339 = vector.extract %slice3A_338[0] : f32 from vector<1xf32>
      %add3A_340 = arith.addf %add3A_260, %squeeze3A_339 : f32
      %add3A_341 = arith.constant 8192 : i32
      %add3A_342 = arith.addi %add3A_341, %mul3A_166 : i32
      %add3A_343 = arith.constant 32 : i32
      %add3A_344 = arith.addi %add3A_342, %add3A_343 : i32
      %get3A_345 = arith.constant 0 : i32
      %get3A_346 = arith.index_cast %get3A_345 : i32 to index
      %get3A_347 = arith.index_cast %add3A_344 : i32 to index
      %get3A_348 = tpu.vector_load %arg4[%get3A_346, %get3A_347] {strides = array<i32>} : memref<1x32768xf32, #tpu.memory_space<vmem>>, vector<16xf32>,
      %broadcast_in_dim3A_349 = arith.constant true
      %broadcast_in_dim3A_350 = vector.broadcast %broadcast_in_dim3A_349 : i1 to vector<16xi1>
      %masked_cumsum3A_351 = tpu.scan <sum>, %get3A_348 masked %broadcast_in_dim3A_350 : vector<16xf32>, vector<16xi1> -> vector<16xf32>
      %add3A_352 = vector.broadcast %add3A_280 : f32 to vector<16xf32>
      %add3A_353 = arith.addf %masked_cumsum3A_351, %add3A_352 : vector<16xf32>
      %swap3A_354 = arith.constant 0 : i32
      %swap3A_355 = arith.index_cast %swap3A_354 : i32 to index
      %swap3A_356 = arith.index_cast %add3A_344 : i32 to index
      %swap3A_357 = tpu.vector_load %arg4[%swap3A_355, %swap3A_356] {strides = array<i32>} : memref<1x32768xf32, #tpu.memory_space<vmem>>, vector<16xf32>,
      tpu.vector_store %arg4[%swap3A_355, %swap3A_356], %add3A_353 {strides = array<i32>} : memref<1x32768xf32, #tpu.memory_space<vmem>>, vector<16xf32>,
      %slice3A_358 = vector.extract_strided_slice %masked_cumsum3A_351 {offsets = [15], sizes = [1], strides = [1]} : vector<16xf32> to vector<1xf32>
      %squeeze3A_359 = vector.extract %slice3A_358[0] : f32 from vector<1xf32>
      %add3A_360 = arith.addf %add3A_280, %squeeze3A_359 : f32
      %add3A_361 = arith.constant 16384 : i32
      %add3A_362 = arith.addi %add3A_361, %mul3A_166 : i32
      %add3A_363 = arith.constant 32 : i32
      %add3A_364 = arith.addi %add3A_362, %add3A_363 : i32
      %get3A_365 = arith.constant 0 : i32
      %get3A_366 = arith.index_cast %get3A_365 : i32 to index
      %get3A_367 = arith.index_cast %add3A_364 : i32 to index
      %get3A_368 = tpu.vector_load %arg4[%get3A_366, %get3A_367] {strides = array<i32>} : memref<1x32768xf32, #tpu.memory_space<vmem>>, vector<16xf32>,
      %broadcast_in_dim3A_369 = arith.constant true
      %broadcast_in_dim3A_370 = vector.broadcast %broadcast_in_dim3A_369 : i1 to vector<16xi1>
      %masked_cumsum3A_371 = tpu.scan <sum>, %get3A_368 masked %broadcast_in_dim3A_370 : vector<16xf32>, vector<16xi1> -> vector<16xf32>
      %add3A_372 = vector.broadcast %add3A_300 : f32 to vector<16xf32>
      %add3A_373 = arith.addf %masked_cumsum3A_371, %add3A_372 : vector<16xf32>
      %swap3A_374 = arith.constant 0 : i32
      %swap3A_375 = arith.index_cast %swap3A_374 : i32 to index
      %swap3A_376 = arith.index_cast %add3A_364 : i32 to index
      %swap3A_377 = tpu.vector_load %arg4[%swap3A_375, %swap3A_376] {strides = array<i32>} : memref<1x32768xf32, #tpu.memory_space<vmem>>, vector<16xf32>,
      tpu.vector_store %arg4[%swap3A_375, %swap3A_376], %add3A_373 {strides = array<i32>} : memref<1x32768xf32, #tpu.memory_space<vmem>>, vector<16xf32>,
      %slice3A_378 = vector.extract_strided_slice %masked_cumsum3A_371 {offsets = [15], sizes = [1], strides = [1]} : vector<16xf32> to vector<1xf32>
      %squeeze3A_379 = vector.extract %slice3A_378[0] : f32 from vector<1xf32>
      %add3A_380 = arith.addf %add3A_300, %squeeze3A_379 : f32
      %add3A_381 = arith.constant 24576 : i32
      %add3A_382 = arith.addi %add3A_381, %mul3A_166 : i32
      %add3A_383 = arith.constant 32 : i32
      %add3A_384 = arith.addi %add3A_382, %add3A_383 : i32
      %get3A_385 = arith.constant 0 : i32
      %get3A_386 = arith.index_cast %get3A_385 : i32 to index
      %get3A_387 = arith.index_cast %add3A_384 : i32 to index
      %get3A_388 = tpu.vector_load %arg4[%get3A_386, %get3A_387] {strides = array<i32>} : memref<1x32768xf32, #tpu.memory_space<vmem>>, vector<16xf32>,
      %broadcast_in_dim3A_389 = arith.constant true
      %broadcast_in_dim3A_390 = vector.broadcast %broadcast_in_dim3A_389 : i1 to vector<16xi1>
      %masked_cumsum3A_391 = tpu.scan <sum>, %get3A_388 masked %broadcast_in_dim3A_390 : vector<16xf32>, vector<16xi1> -> vector<16xf32>
      %add3A_392 = vector.broadcast %add3A_320 : f32 to vector<16xf32>
      %add3A_393 = arith.addf %masked_cumsum3A_391, %add3A_392 : vector<16xf32>
      %swap3A_394 = arith.constant 0 : i32
      %swap3A_395 = arith.index_cast %swap3A_394 : i32 to index
      %swap3A_396 = arith.index_cast %add3A_384 : i32 to index
      %swap3A_397 = tpu.vector_load %arg4[%swap3A_395, %swap3A_396] {strides = array<i32>} : memref<1x32768xf32, #tpu.memory_space<vmem>>, vector<16xf32>,
      tpu.vector_store %arg4[%swap3A_395, %swap3A_396], %add3A_393 {strides = array<i32>} : memref<1x32768xf32, #tpu.memory_space<vmem>>, vector<16xf32>,
      %slice3A_398 = vector.extract_strided_slice %masked_cumsum3A_391 {offsets = [15], sizes = [1], strides = [1]} : vector<16xf32> to vector<1xf32>
      %squeeze3A_399 = vector.extract %slice3A_398[0] : f32 from vector<1xf32>
      %add3A_400 = arith.addf %add3A_320, %squeeze3A_399 : f32
      %add3A_401 = arith.constant 0 : i32
      %add3A_402 = arith.addi %add3A_401, %mul3A_166 : i32
      %add3A_403 = arith.constant 48 : i32
      %add3A_404 = arith.addi %add3A_402, %add3A_403 : i32
      %get3A_405 = arith.constant 0 : i32
      %get3A_406 = arith.index_cast %get3A_405 : i32 to index
      %get3A_407 = arith.index_cast %add3A_404 : i32 to index
      %get3A_408 = tpu.vector_load %arg4[%get3A_406, %get3A_407] {strides = array<i32>} : memref<1x32768xf32, #tpu.memory_space<vmem>>, vector<16xf32>,
      %broadcast_in_dim3A_409 = arith.constant true
      %broadcast_in_dim3A_410 = vector.broadcast %broadcast_in_dim3A_409 : i1 to vector<16xi1>
      %masked_cumsum3A_411 = tpu.scan <sum>, %get3A_408 masked %broadcast_in_dim3A_410 : vector<16xf32>, vector<16xi1> -> vector<16xf32>
      %add3A_412 = vector.broadcast %add3A_340 : f32 to vector<16xf32>
      %add3A_413 = arith.addf %masked_cumsum3A_411, %add3A_412 : vector<16xf32>
      %swap3A_414 = arith.constant 0 : i32
      %swap3A_415 = arith.index_cast %swap3A_414 : i32 to index
      %swap3A_416 = arith.index_cast %add3A_404 : i32 to index
      %swap3A_417 = tpu.vector_load %arg4[%swap3A_415, %swap3A_416] {strides = array<i32>} : memref<1x32768xf32, #tpu.memory_space<vmem>>, vector<16xf32>,
      tpu.vector_store %arg4[%swap3A_415, %swap3A_416], %add3A_413 {strides = array<i32>} : memref<1x32768xf32, #tpu.memory_space<vmem>>, vector<16xf32>,
      %slice3A_418 = vector.extract_strided_slice %masked_cumsum3A_411 {offsets = [15], sizes = [1], strides = [1]} : vector<16xf32> to vector<1xf32>
      %squeeze3A_419 = vector.extract %slice3A_418[0] : f32 from vector<1xf32>
      %add3A_420 = arith.addf %add3A_340, %squeeze3A_419 : f32
      %add3A_421 = arith.constant 8192 : i32
      %add3A_422 = arith.addi %add3A_421, %mul3A_166 : i32
      %add3A_423 = arith.constant 48 : i32
      %add3A_424 = arith.addi %add3A_422, %add3A_423 : i32
      %get3A_425 = arith.constant 0 : i32
      %get3A_426 = arith.index_cast %get3A_425 : i32 to index
      %get3A_427 = arith.index_cast %add3A_424 : i32 to index
      %get3A_428 = tpu.vector_load %arg4[%get3A_426, %get3A_427] {strides = array<i32>} : memref<1x32768xf32, #tpu.memory_space<vmem>>, vector<16xf32>,
      %broadcast_in_dim3A_429 = arith.constant true
      %broadcast_in_dim3A_430 = vector.broadcast %broadcast_in_dim3A_429 : i1 to vector<16xi1>
      %masked_cumsum3A_431 = tpu.scan <sum>, %get3A_428 masked %broadcast_in_dim3A_430 : vector<16xf32>, vector<16xi1> -> vector<16xf32>
      %add3A_432 = vector.broadcast %add3A_360 : f32 to vector<16xf32>
      %add3A_433 = arith.addf %masked_cumsum3A_431, %add3A_432 : vector<16xf32>
      %swap3A_434 = arith.constant 0 : i32
      %swap3A_435 = arith.index_cast %swap3A_434 : i32 to index
      %swap3A_436 = arith.index_cast %add3A_424 : i32 to index
      %swap3A_437 = tpu.vector_load %arg4[%swap3A_435, %swap3A_436] {strides = array<i32>} : memref<1x32768xf32, #tpu.memory_space<vmem>>, vector<16xf32>,
      tpu.vector_store %arg4[%swap3A_435, %swap3A_436], %add3A_433 {strides = array<i32>} : memref<1x32768xf32, #tpu.memory_space<vmem>>, vector<16xf32>,
      %slice3A_438 = vector.extract_strided_slice %masked_cumsum3A_431 {offsets = [15], sizes = [1], strides = [1]} : vector<16xf32> to vector<1xf32>
      %squeeze3A_439 = vector.extract %slice3A_438[0] : f32 from vector<1xf32>
      %add3A_440 = arith.addf %add3A_360, %squeeze3A_439 : f32
      %add3A_441 = arith.constant 16384 : i32
      %add3A_442 = arith.addi %add3A_441, %mul3A_166 : i32
      %add3A_443 = arith.constant 48 : i32
      %add3A_444 = arith.addi %add3A_442, %add3A_443 : i32
      %get3A_445 = arith.constant 0 : i32
      %get3A_446 = arith.index_cast %get3A_445 : i32 to index
      %get3A_447 = arith.index_cast %add3A_444 : i32 to index
      %get3A_448 = tpu.vector_load %arg4[%get3A_446, %get3A_447] {strides = array<i32>} : memref<1x32768xf32, #tpu.memory_space<vmem>>, vector<16xf32>,
      %broadcast_in_dim3A_449 = arith.constant true
      %broadcast_in_dim3A_450 = vector.broadcast %broadcast_in_dim3A_449 : i1 to vector<16xi1>
      %masked_cumsum3A_451 = tpu.scan <sum>, %get3A_448 masked %broadcast_in_dim3A_450 : vector<16xf32>, vector<16xi1> -> vector<16xf32>
      %add3A_452 = vector.broadcast %add3A_380 : f32 to vector<16xf32>
      %add3A_453 = arith.addf %masked_cumsum3A_451, %add3A_452 : vector<16xf32>
      %swap3A_454 = arith.constant 0 : i32
      %swap3A_455 = arith.index_cast %swap3A_454 : i32 to index
      %swap3A_456 = arith.index_cast %add3A_444 : i32 to index
      %swap3A_457 = tpu.vector_load %arg4[%swap3A_455, %swap3A_456] {strides = array<i32>} : memref<1x32768xf32, #tpu.memory_space<vmem>>, vector<16xf32>,
      tpu.vector_store %arg4[%swap3A_455, %swap3A_456], %add3A_453 {strides = array<i32>} : memref<1x32768xf32, #tpu.memory_space<vmem>>, vector<16xf32>,
      %slice3A_458 = vector.extract_strided_slice %masked_cumsum3A_451 {offsets = [15], sizes = [1], strides = [1]} : vector<16xf32> to vector<1xf32>
      %squeeze3A_459 = vector.extract %slice3A_458[0] : f32 from vector<1xf32>
      %add3A_460 = arith.addf %add3A_380, %squeeze3A_459 : f32
      %add3A_461 = arith.constant 24576 : i32
      %add3A_462 = arith.addi %add3A_461, %mul3A_166 : i32
      %add3A_463 = arith.constant 48 : i32
      %add3A_464 = arith.addi %add3A_462, %add3A_463 : i32
      %get3A_465 = arith.constant 0 : i32
      %get3A_466 = arith.index_cast %get3A_465 : i32 to index
      %get3A_467 = arith.index_cast %add3A_464 : i32 to index
      %get3A_468 = tpu.vector_load %arg4[%get3A_466, %get3A_467] {strides = array<i32>} : memref<1x32768xf32, #tpu.memory_space<vmem>>, vector<16xf32>,
      %broadcast_in_dim3A_469 = arith.constant true
      %broadcast_in_dim3A_470 = vector.broadcast %broadcast_in_dim3A_469 : i1 to vector<16xi1>
      %masked_cumsum3A_471 = tpu.scan <sum>, %get3A_468 masked %broadcast_in_dim3A_470 : vector<16xf32>, vector<16xi1> -> vector<16xf32>
      %add3A_472 = vector.broadcast %add3A_400 : f32 to vector<16xf32>
      %add3A_473 = arith.addf %masked_cumsum3A_471, %add3A_472 : vector<16xf32>
      %swap3A_474 = arith.constant 0 : i32
      %swap3A_475 = arith.index_cast %swap3A_474 : i32 to index
      %swap3A_476 = arith.index_cast %add3A_464 : i32 to index
      %swap3A_477 = tpu.vector_load %arg4[%swap3A_475, %swap3A_476] {strides = array<i32>} : memref<1x32768xf32, #tpu.memory_space<vmem>>, vector<16xf32>,
      tpu.vector_store %arg4[%swap3A_475, %swap3A_476], %add3A_473 {strides = array<i32>} : memref<1x32768xf32, #tpu.memory_space<vmem>>, vector<16xf32>,
      %slice3A_478 = vector.extract_strided_slice %masked_cumsum3A_471 {offsets = [15], sizes = [1], strides = [1]} : vector<16xf32> to vector<1xf32>
      %squeeze3A_479 = vector.extract %slice3A_478[0] : f32 from vector<1xf32>
      %add3A_480 = arith.addf %add3A_400, %squeeze3A_479 : f32
      %add3A_481 = arith.constant 0 : i32
      %add3A_482 = arith.addi %add3A_481, %mul3A_166 : i32
      %add3A_483 = arith.constant 64 : i32
      %add3A_484 = arith.addi %add3A_482, %add3A_483 : i32
      %get3A_485 = arith.constant 0 : i32
      %get3A_486 = arith.index_cast %get3A_485 : i32 to index
      %get3A_487 = arith.index_cast %add3A_484 : i32 to index
      %get3A_488 = tpu.vector_load %arg4[%get3A_486, %get3A_487] {strides = array<i32>} : memref<1x32768xf32, #tpu.memory_space<vmem>>, vector<16xf32>,
      %broadcast_in_dim3A_489 = arith.constant true
      %broadcast_in_dim3A_490 = vector.broadcast %broadcast_in_dim3A_489 : i1 to vector<16xi1>
      %masked_cumsum3A_491 = tpu.scan <sum>, %get3A_488 masked %broadcast_in_dim3A_490 : vector<16xf32>, vector<16xi1> -> vector<16xf32>
      %add3A_492 = vector.broadcast %add3A_420 : f32 to vector<16xf32>
      %add3A_493 = arith.addf %masked_cumsum3A_491, %add3A_492 : vector<16xf32>
      %swap3A_494 = arith.constant 0 : i32
      %swap3A_495 = arith.index_cast %swap3A_494 : i32 to index
      %swap3A_496 = arith.index_cast %add3A_484 : i32 to index
      %swap3A_497 = tpu.vector_load %arg4[%swap3A_495, %swap3A_496] {strides = array<i32>} : memref<1x32768xf32, #tpu.memory_space<vmem>>, vector<16xf32>,
      tpu.vector_store %arg4[%swap3A_495, %swap3A_496], %add3A_493 {strides = array<i32>} : memref<1x32768xf32, #tpu.memory_space<vmem>>, vector<16xf32>,
      %slice3A_498 = vector.extract_strided_slice %masked_cumsum3A_491 {offsets = [15], sizes = [1], strides = [1]} : vector<16xf32> to vector<1xf32>
      %squeeze3A_499 = vector.extract %slice3A_498[0] : f32 from vector<1xf32>
      %add3A_500 = arith.addf %add3A_420, %squeeze3A_499 : f32
      %add3A_501 = arith.constant 8192 : i32
      %add3A_502 = arith.addi %add3A_501, %mul3A_166 : i32
      %add3A_503 = arith.constant 64 : i32
      %add3A_504 = arith.addi %add3A_502, %add3A_503 : i32
      %get3A_505 = arith.constant 0 : i32
      %get3A_506 = arith.index_cast %get3A_505 : i32 to index
      %get3A_507 = arith.index_cast %add3A_504 : i32 to index
      %get3A_508 = tpu.vector_load %arg4[%get3A_506, %get3A_507] {strides = array<i32>} : memref<1x32768xf32, #tpu.memory_space<vmem>>, vector<16xf32>,
      %broadcast_in_dim3A_509 = arith.constant true
      %broadcast_in_dim3A_510 = vector.broadcast %broadcast_in_dim3A_509 : i1 to vector<16xi1>
      %masked_cumsum3A_511 = tpu.scan <sum>, %get3A_508 masked %broadcast_in_dim3A_510 : vector<16xf32>, vector<16xi1> -> vector<16xf32>
      %add3A_512 = vector.broadcast %add3A_440 : f32 to vector<16xf32>
      %add3A_513 = arith.addf %masked_cumsum3A_511, %add3A_512 : vector<16xf32>
      %swap3A_514 = arith.constant 0 : i32
      %swap3A_515 = arith.index_cast %swap3A_514 : i32 to index
      %swap3A_516 = arith.index_cast %add3A_504 : i32 to index
      %swap3A_517 = tpu.vector_load %arg4[%swap3A_515, %swap3A_516] {strides = array<i32>} : memref<1x32768xf32, #tpu.memory_space<vmem>>, vector<16xf32>,
      tpu.vector_store %arg4[%swap3A_515, %swap3A_516], %add3A_513 {strides = array<i32>} : memref<1x32768xf32, #tpu.memory_space<vmem>>, vector<16xf32>,
      %slice3A_518 = vector.extract_strided_slice %masked_cumsum3A_511 {offsets = [15], sizes = [1], strides = [1]} : vector<16xf32> to vector<1xf32>
      %squeeze3A_519 = vector.extract %slice3A_518[0] : f32 from vector<1xf32>
      %add3A_520 = arith.addf %add3A_440, %squeeze3A_519 : f32
      %add3A_521 = arith.constant 16384 : i32
      %add3A_522 = arith.addi %add3A_521, %mul3A_166 : i32
      %add3A_523 = arith.constant 64 : i32
      %add3A_524 = arith.addi %add3A_522, %add3A_523 : i32
      %get3A_525 = arith.constant 0 : i32
      %get3A_526 = arith.index_cast %get3A_525 : i32 to index
      %get3A_527 = arith.index_cast %add3A_524 : i32 to index
      %get3A_528 = tpu.vector_load %arg4[%get3A_526, %get3A_527] {strides = array<i32>} : memref<1x32768xf32, #tpu.memory_space<vmem>>, vector<16xf32>,
      %broadcast_in_dim3A_529 = arith.constant true
      %broadcast_in_dim3A_530 = vector.broadcast %broadcast_in_dim3A_529 : i1 to vector<16xi1>
      %masked_cumsum3A_531 = tpu.scan <sum>, %get3A_528 masked %broadcast_in_dim3A_530 : vector<16xf32>, vector<16xi1> -> vector<16xf32>
      %add3A_532 = vector.broadcast %add3A_460 : f32 to vector<16xf32>
      %add3A_533 = arith.addf %masked_cumsum3A_531, %add3A_532 : vector<16xf32>
      %swap3A_534 = arith.constant 0 : i32
      %swap3A_535 = arith.index_cast %swap3A_534 : i32 to index
      %swap3A_536 = arith.index_cast %add3A_524 : i32 to index
      %swap3A_537 = tpu.vector_load %arg4[%swap3A_535, %swap3A_536] {strides = array<i32>} : memref<1x32768xf32, #tpu.memory_space<vmem>>, vector<16xf32>,
      tpu.vector_store %arg4[%swap3A_535, %swap3A_536], %add3A_533 {strides = array<i32>} : memref<1x32768xf32, #tpu.memory_space<vmem>>, vector<16xf32>,
      %slice3A_538 = vector.extract_strided_slice %masked_cumsum3A_531 {offsets = [15], sizes = [1], strides = [1]} : vector<16xf32> to vector<1xf32>
      %squeeze3A_539 = vector.extract %slice3A_538[0] : f32 from vector<1xf32>
      %add3A_540 = arith.addf %add3A_460, %squeeze3A_539 : f32
      %add3A_541 = arith.constant 24576 : i32
      %add3A_542 = arith.addi %add3A_541, %mul3A_166 : i32
      %add3A_543 = arith.constant 64 : i32
      %add3A_544 = arith.addi %add3A_542, %add3A_543 : i32
      %get3A_545 = arith.constant 0 : i32
      %get3A_546 = arith.index_cast %get3A_545 : i32 to index
      %get3A_547 = arith.index_cast %add3A_544 : i32 to index
      %get3A_548 = tpu.vector_load %arg4[%get3A_546, %get3A_547] {strides = array<i32>} : memref<1x32768xf32, #tpu.memory_space<vmem>>, vector<16xf32>,
      %broadcast_in_dim3A_549 = arith.constant true
      %broadcast_in_dim3A_550 = vector.broadcast %broadcast_in_dim3A_549 : i1 to vector<16xi1>
      %masked_cumsum3A_551 = tpu.scan <sum>, %get3A_548 masked %broadcast_in_dim3A_550 : vector<16xf32>, vector<16xi1> -> vector<16xf32>
      %add3A_552 = vector.broadcast %add3A_480 : f32 to vector<16xf32>
      %add3A_553 = arith.addf %masked_cumsum3A_551, %add3A_552 : vector<16xf32>
      %swap3A_554 = arith.constant 0 : i32
      %swap3A_555 = arith.index_cast %swap3A_554 : i32 to index
      %swap3A_556 = arith.index_cast %add3A_544 : i32 to index
      %swap3A_557 = tpu.vector_load %arg4[%swap3A_555, %swap3A_556] {strides = array<i32>} : memref<1x32768xf32, #tpu.memory_space<vmem>>, vector<16xf32>,
      tpu.vector_store %arg4[%swap3A_555, %swap3A_556], %add3A_553 {strides = array<i32>} : memref<1x32768xf32, #tpu.memory_space<vmem>>, vector<16xf32>,
      %slice3A_558 = vector.extract_strided_slice %masked_cumsum3A_551 {offsets = [15], sizes = [1], strides = [1]} : vector<16xf32> to vector<1xf32>
      %squeeze3A_559 = vector.extract %slice3A_558[0] : f32 from vector<1xf32>
      %add3A_560 = arith.addf %add3A_480, %squeeze3A_559 : f32
      %add3A_561 = arith.constant 0 : i32
      %add3A_562 = arith.addi %add3A_561, %mul3A_166 : i32
      %add3A_563 = arith.constant 80 : i32
      %add3A_564 = arith.addi %add3A_562, %add3A_563 : i32
      %get3A_565 = arith.constant 0 : i32
      %get3A_566 = arith.index_cast %get3A_565 : i32 to index
      %get3A_567 = arith.index_cast %add3A_564 : i32 to index
      %get3A_568 = tpu.vector_load %arg4[%get3A_566, %get3A_567] {strides = array<i32>} : memref<1x32768xf32, #tpu.memory_space<vmem>>, vector<16xf32>,
      %broadcast_in_dim3A_569 = arith.constant true
      %broadcast_in_dim3A_570 = vector.broadcast %broadcast_in_dim3A_569 : i1 to vector<16xi1>
      %masked_cumsum3A_571 = tpu.scan <sum>, %get3A_568 masked %broadcast_in_dim3A_570 : vector<16xf32>, vector<16xi1> -> vector<16xf32>
      %add3A_572 = vector.broadcast %add3A_500 : f32 to vector<16xf32>
      %add3A_573 = arith.addf %masked_cumsum3A_571, %add3A_572 : vector<16xf32>
      %swap3A_574 = arith.constant 0 : i32
      %swap3A_575 = arith.index_cast %swap3A_574 : i32 to index
      %swap3A_576 = arith.index_cast %add3A_564 : i32 to index
      %swap3A_577 = tpu.vector_load %arg4[%swap3A_575, %swap3A_576] {strides = array<i32>} : memref<1x32768xf32, #tpu.memory_space<vmem>>, vector<16xf32>,
      tpu.vector_store %arg4[%swap3A_575, %swap3A_576], %add3A_573 {strides = array<i32>} : memref<1x32768xf32, #tpu.memory_space<vmem>>, vector<16xf32>,
      %slice3A_578 = vector.extract_strided_slice %masked_cumsum3A_571 {offsets = [15], sizes = [1], strides = [1]} : vector<16xf32> to vector<1xf32>
      %squeeze3A_579 = vector.extract %slice3A_578[0] : f32 from vector<1xf32>
      %add3A_580 = arith.addf %add3A_500, %squeeze3A_579 : f32
      %add3A_581 = arith.constant 8192 : i32
      %add3A_582 = arith.addi %add3A_581, %mul3A_166 : i32
      %add3A_583 = arith.constant 80 : i32
      %add3A_584 = arith.addi %add3A_582, %add3A_583 : i32
      %get3A_585 = arith.constant 0 : i32
      %get3A_586 = arith.index_cast %get3A_585 : i32 to index
      %get3A_587 = arith.index_cast %add3A_584 : i32 to index
      %get3A_588 = tpu.vector_load %arg4[%get3A_586, %get3A_587] {strides = array<i32>} : memref<1x32768xf32, #tpu.memory_space<vmem>>, vector<16xf32>,
      %broadcast_in_dim3A_589 = arith.constant true
      %broadcast_in_dim3A_590 = vector.broadcast %broadcast_in_dim3A_589 : i1 to vector<16xi1>
      %masked_cumsum3A_591 = tpu.scan <sum>, %get3A_588 masked %broadcast_in_dim3A_590 : vector<16xf32>, vector<16xi1> -> vector<16xf32>
      %add3A_592 = vector.broadcast %add3A_520 : f32 to vector<16xf32>
      %add3A_593 = arith.addf %masked_cumsum3A_591, %add3A_592 : vector<16xf32>
      %swap3A_594 = arith.constant 0 : i32
      %swap3A_595 = arith.index_cast %swap3A_594 : i32 to index
      %swap3A_596 = arith.index_cast %add3A_584 : i32 to index
      %swap3A_597 = tpu.vector_load %arg4[%swap3A_595, %swap3A_596] {strides = array<i32>} : memref<1x32768xf32, #tpu.memory_space<vmem>>, vector<16xf32>,
      tpu.vector_store %arg4[%swap3A_595, %swap3A_596], %add3A_593 {strides = array<i32>} : memref<1x32768xf32, #tpu.memory_space<vmem>>, vector<16xf32>,
      %slice3A_598 = vector.extract_strided_slice %masked_cumsum3A_591 {offsets = [15], sizes = [1], strides = [1]} : vector<16xf32> to vector<1xf32>
      %squeeze3A_599 = vector.extract %slice3A_598[0] : f32 from vector<1xf32>
      %add3A_600 = arith.addf %add3A_520, %squeeze3A_599 : f32
      %add3A_601 = arith.constant 16384 : i32
      %add3A_602 = arith.addi %add3A_601, %mul3A_166 : i32
      %add3A_603 = arith.constant 80 : i32
      %add3A_604 = arith.addi %add3A_602, %add3A_603 : i32
      %get3A_605 = arith.constant 0 : i32
      %get3A_606 = arith.index_cast %get3A_605 : i32 to index
      %get3A_607 = arith.index_cast %add3A_604 : i32 to index
      %get3A_608 = tpu.vector_load %arg4[%get3A_606, %get3A_607] {strides = array<i32>} : memref<1x32768xf32, #tpu.memory_space<vmem>>, vector<16xf32>,
      %broadcast_in_dim3A_609 = arith.constant true
      %broadcast_in_dim3A_610 = vector.broadcast %broadcast_in_dim3A_609 : i1 to vector<16xi1>
      %masked_cumsum3A_611 = tpu.scan <sum>, %get3A_608 masked %broadcast_in_dim3A_610 : vector<16xf32>, vector<16xi1> -> vector<16xf32>
      %add3A_612 = vector.broadcast %add3A_540 : f32 to vector<16xf32>
      %add3A_613 = arith.addf %masked_cumsum3A_611, %add3A_612 : vector<16xf32>
      %swap3A_614 = arith.constant 0 : i32
      %swap3A_615 = arith.index_cast %swap3A_614 : i32 to index
      %swap3A_616 = arith.index_cast %add3A_604 : i32 to index
      %swap3A_617 = tpu.vector_load %arg4[%swap3A_615, %swap3A_616] {strides = array<i32>} : memref<1x32768xf32, #tpu.memory_space<vmem>>, vector<16xf32>,
      tpu.vector_store %arg4[%swap3A_615, %swap3A_616], %add3A_613 {strides = array<i32>} : memref<1x32768xf32, #tpu.memory_space<vmem>>, vector<16xf32>,
      %slice3A_618 = vector.extract_strided_slice %masked_cumsum3A_611 {offsets = [15], sizes = [1], strides = [1]} : vector<16xf32> to vector<1xf32>
      %squeeze3A_619 = vector.extract %slice3A_618[0] : f32 from vector<1xf32>
      %add3A_620 = arith.addf %add3A_540, %squeeze3A_619 : f32
      %add3A_621 = arith.constant 24576 : i32
      %add3A_622 = arith.addi %add3A_621, %mul3A_166 : i32
      %add3A_623 = arith.constant 80 : i32
      %add3A_624 = arith.addi %add3A_622, %add3A_623 : i32
      %get3A_625 = arith.constant 0 : i32
      %get3A_626 = arith.index_cast %get3A_625 : i32 to index
      %get3A_627 = arith.index_cast %add3A_624 : i32 to index
      %get3A_628 = tpu.vector_load %arg4[%get3A_626, %get3A_627] {strides = array<i32>} : memref<1x32768xf32, #tpu.memory_space<vmem>>, vector<16xf32>,
      %broadcast_in_dim3A_629 = arith.constant true
      %broadcast_in_dim3A_630 = vector.broadcast %broadcast_in_dim3A_629 : i1 to vector<16xi1>
      %masked_cumsum3A_631 = tpu.scan <sum>, %get3A_628 masked %broadcast_in_dim3A_630 : vector<16xf32>, vector<16xi1> -> vector<16xf32>
      %add3A_632 = vector.broadcast %add3A_560 : f32 to vector<16xf32>
      %add3A_633 = arith.addf %masked_cumsum3A_631, %add3A_632 : vector<16xf32>
      %swap3A_634 = arith.constant 0 : i32
      %swap3A_635 = arith.index_cast %swap3A_634 : i32 to index
      %swap3A_636 = arith.index_cast %add3A_624 : i32 to index
      %swap3A_637 = tpu.vector_load %arg4[%swap3A_635, %swap3A_636] {strides = array<i32>} : memref<1x32768xf32, #tpu.memory_space<vmem>>, vector<16xf32>,
      tpu.vector_store %arg4[%swap3A_635, %swap3A_636], %add3A_633 {strides = array<i32>} : memref<1x32768xf32, #tpu.memory_space<vmem>>, vector<16xf32>,
      %slice3A_638 = vector.extract_strided_slice %masked_cumsum3A_631 {offsets = [15], sizes = [1], strides = [1]} : vector<16xf32> to vector<1xf32>
      %squeeze3A_639 = vector.extract %slice3A_638[0] : f32 from vector<1xf32>
      %add3A_640 = arith.addf %add3A_560, %squeeze3A_639 : f32
      %add3A_641 = arith.constant 0 : i32
      %add3A_642 = arith.addi %add3A_641, %mul3A_166 : i32
      %add3A_643 = arith.constant 96 : i32
      %add3A_644 = arith.addi %add3A_642, %add3A_643 : i32
      %get3A_645 = arith.constant 0 : i32
      %get3A_646 = arith.index_cast %get3A_645 : i32 to index
      %get3A_647 = arith.index_cast %add3A_644 : i32 to index
      %get3A_648 = tpu.vector_load %arg4[%get3A_646, %get3A_647] {strides = array<i32>} : memref<1x32768xf32, #tpu.memory_space<vmem>>, vector<16xf32>,
      %broadcast_in_dim3A_649 = arith.constant true
      %broadcast_in_dim3A_650 = vector.broadcast %broadcast_in_dim3A_649 : i1 to vector<16xi1>
      %masked_cumsum3A_651 = tpu.scan <sum>, %get3A_648 masked %broadcast_in_dim3A_650 : vector<16xf32>, vector<16xi1> -> vector<16xf32>
      %add3A_652 = vector.broadcast %add3A_580 : f32 to vector<16xf32>
      %add3A_653 = arith.addf %masked_cumsum3A_651, %add3A_652 : vector<16xf32>
      %swap3A_654 = arith.constant 0 : i32
      %swap3A_655 = arith.index_cast %swap3A_654 : i32 to index
      %swap3A_656 = arith.index_cast %add3A_644 : i32 to index
      %swap3A_657 = tpu.vector_load %arg4[%swap3A_655, %swap3A_656] {strides = array<i32>} : memref<1x32768xf32, #tpu.memory_space<vmem>>, vector<16xf32>,
      tpu.vector_store %arg4[%swap3A_655, %swap3A_656], %add3A_653 {strides = array<i32>} : memref<1x32768xf32, #tpu.memory_space<vmem>>, vector<16xf32>,
      %slice3A_658 = vector.extract_strided_slice %masked_cumsum3A_651 {offsets = [15], sizes = [1], strides = [1]} : vector<16xf32> to vector<1xf32>
      %squeeze3A_659 = vector.extract %slice3A_658[0] : f32 from vector<1xf32>
      %add3A_660 = arith.addf %add3A_580, %squeeze3A_659 : f32
      %add3A_661 = arith.constant 8192 : i32
      %add3A_662 = arith.addi %add3A_661, %mul3A_166 : i32
      %add3A_663 = arith.constant 96 : i32
      %add3A_664 = arith.addi %add3A_662, %add3A_663 : i32
      %get3A_665 = arith.constant 0 : i32
      %get3A_666 = arith.index_cast %get3A_665 : i32 to index
      %get3A_667 = arith.index_cast %add3A_664 : i32 to index
      %get3A_668 = tpu.vector_load %arg4[%get3A_666, %get3A_667] {strides = array<i32>} : memref<1x32768xf32, #tpu.memory_space<vmem>>, vector<16xf32>,
      %broadcast_in_dim3A_669 = arith.constant true
      %broadcast_in_dim3A_670 = vector.broadcast %broadcast_in_dim3A_669 : i1 to vector<16xi1>
      %masked_cumsum3A_671 = tpu.scan <sum>, %get3A_668 masked %broadcast_in_dim3A_670 : vector<16xf32>, vector<16xi1> -> vector<16xf32>
      %add3A_672 = vector.broadcast %add3A_600 : f32 to vector<16xf32>
      %add3A_673 = arith.addf %masked_cumsum3A_671, %add3A_672 : vector<16xf32>
      %swap3A_674 = arith.constant 0 : i32
      %swap3A_675 = arith.index_cast %swap3A_674 : i32 to index
      %swap3A_676 = arith.index_cast %add3A_664 : i32 to index
      %swap3A_677 = tpu.vector_load %arg4[%swap3A_675, %swap3A_676] {strides = array<i32>} : memref<1x32768xf32, #tpu.memory_space<vmem>>, vector<16xf32>,
      tpu.vector_store %arg4[%swap3A_675, %swap3A_676], %add3A_673 {strides = array<i32>} : memref<1x32768xf32, #tpu.memory_space<vmem>>, vector<16xf32>,
      %slice3A_678 = vector.extract_strided_slice %masked_cumsum3A_671 {offsets = [15], sizes = [1], strides = [1]} : vector<16xf32> to vector<1xf32>
      %squeeze3A_679 = vector.extract %slice3A_678[0] : f32 from vector<1xf32>
      %add3A_680 = arith.addf %add3A_600, %squeeze3A_679 : f32
      %add3A_681 = arith.constant 16384 : i32
      %add3A_682 = arith.addi %add3A_681, %mul3A_166 : i32
      %add3A_683 = arith.constant 96 : i32
      %add3A_684 = arith.addi %add3A_682, %add3A_683 : i32
      %get3A_685 = arith.constant 0 : i32
      %get3A_686 = arith.index_cast %get3A_685 : i32 to index
      %get3A_687 = arith.index_cast %add3A_684 : i32 to index
      %get3A_688 = tpu.vector_load %arg4[%get3A_686, %get3A_687] {strides = array<i32>} : memref<1x32768xf32, #tpu.memory_space<vmem>>, vector<16xf32>,
      %broadcast_in_dim3A_689 = arith.constant true
      %broadcast_in_dim3A_690 = vector.broadcast %broadcast_in_dim3A_689 : i1 to vector<16xi1>
      %masked_cumsum3A_691 = tpu.scan <sum>, %get3A_688 masked %broadcast_in_dim3A_690 : vector<16xf32>, vector<16xi1> -> vector<16xf32>
      %add3A_692 = vector.broadcast %add3A_620 : f32 to vector<16xf32>
      %add3A_693 = arith.addf %masked_cumsum3A_691, %add3A_692 : vector<16xf32>
      %swap3A_694 = arith.constant 0 : i32
      %swap3A_695 = arith.index_cast %swap3A_694 : i32 to index
      %swap3A_696 = arith.index_cast %add3A_684 : i32 to index
      %swap3A_697 = tpu.vector_load %arg4[%swap3A_695, %swap3A_696] {strides = array<i32>} : memref<1x32768xf32, #tpu.memory_space<vmem>>, vector<16xf32>,
      tpu.vector_store %arg4[%swap3A_695, %swap3A_696], %add3A_693 {strides = array<i32>} : memref<1x32768xf32, #tpu.memory_space<vmem>>, vector<16xf32>,
      %slice3A_698 = vector.extract_strided_slice %masked_cumsum3A_691 {offsets = [15], sizes = [1], strides = [1]} : vector<16xf32> to vector<1xf32>
      %squeeze3A_699 = vector.extract %slice3A_698[0] : f32 from vector<1xf32>
      %add3A_700 = arith.addf %add3A_620, %squeeze3A_699 : f32
      %add3A_701 = arith.constant 24576 : i32
      %add3A_702 = arith.addi %add3A_701, %mul3A_166 : i32
      %add3A_703 = arith.constant 96 : i32
      %add3A_704 = arith.addi %add3A_702, %add3A_703 : i32
      %get3A_705 = arith.constant 0 : i32
      %get3A_706 = arith.index_cast %get3A_705 : i32 to index
      %get3A_707 = arith.index_cast %add3A_704 : i32 to index
      %get3A_708 = tpu.vector_load %arg4[%get3A_706, %get3A_707] {strides = array<i32>} : memref<1x32768xf32, #tpu.memory_space<vmem>>, vector<16xf32>,
      %broadcast_in_dim3A_709 = arith.constant true
      %broadcast_in_dim3A_710 = vector.broadcast %broadcast_in_dim3A_709 : i1 to vector<16xi1>
      %masked_cumsum3A_711 = tpu.scan <sum>, %get3A_708 masked %broadcast_in_dim3A_710 : vector<16xf32>, vector<16xi1> -> vector<16xf32>
      %add3A_712 = vector.broadcast %add3A_640 : f32 to vector<16xf32>
      %add3A_713 = arith.addf %masked_cumsum3A_711, %add3A_712 : vector<16xf32>
      %swap3A_714 = arith.constant 0 : i32
      %swap3A_715 = arith.index_cast %swap3A_714 : i32 to index
      %swap3A_716 = arith.index_cast %add3A_704 : i32 to index
      %swap3A_717 = tpu.vector_load %arg4[%swap3A_715, %swap3A_716] {strides = array<i32>} : memref<1x32768xf32, #tpu.memory_space<vmem>>, vector<16xf32>,
      tpu.vector_store %arg4[%swap3A_715, %swap3A_716], %add3A_713 {strides = array<i32>} : memref<1x32768xf32, #tpu.memory_space<vmem>>, vector<16xf32>,
      %slice3A_718 = vector.extract_strided_slice %masked_cumsum3A_711 {offsets = [15], sizes = [1], strides = [1]} : vector<16xf32> to vector<1xf32>
      %squeeze3A_719 = vector.extract %slice3A_718[0] : f32 from vector<1xf32>
      %add3A_720 = arith.addf %add3A_640, %squeeze3A_719 : f32
      %add3A_721 = arith.constant 0 : i32
      %add3A_722 = arith.addi %add3A_721, %mul3A_166 : i32
      %add3A_723 = arith.constant 112 : i32
      %add3A_724 = arith.addi %add3A_722, %add3A_723 : i32
      %get3A_725 = arith.constant 0 : i32
      %get3A_726 = arith.index_cast %get3A_725 : i32 to index
      %get3A_727 = arith.index_cast %add3A_724 : i32 to index
      %get3A_728 = tpu.vector_load %arg4[%get3A_726, %get3A_727] {strides = array<i32>} : memref<1x32768xf32, #tpu.memory_space<vmem>>, vector<16xf32>,
      %broadcast_in_dim3A_729 = arith.constant true
      %broadcast_in_dim3A_730 = vector.broadcast %broadcast_in_dim3A_729 : i1 to vector<16xi1>
      %masked_cumsum3A_731 = tpu.scan <sum>, %get3A_728 masked %broadcast_in_dim3A_730 : vector<16xf32>, vector<16xi1> -> vector<16xf32>
      %add3A_732 = vector.broadcast %add3A_660 : f32 to vector<16xf32>
      %add3A_733 = arith.addf %masked_cumsum3A_731, %add3A_732 : vector<16xf32>
      %swap3A_734 = arith.constant 0 : i32
      %swap3A_735 = arith.index_cast %swap3A_734 : i32 to index
      %swap3A_736 = arith.index_cast %add3A_724 : i32 to index
      %swap3A_737 = tpu.vector_load %arg4[%swap3A_735, %swap3A_736] {strides = array<i32>} : memref<1x32768xf32, #tpu.memory_space<vmem>>, vector<16xf32>,
      tpu.vector_store %arg4[%swap3A_735, %swap3A_736], %add3A_733 {strides = array<i32>} : memref<1x32768xf32, #tpu.memory_space<vmem>>, vector<16xf32>,
      %slice3A_738 = vector.extract_strided_slice %masked_cumsum3A_731 {offsets = [15], sizes = [1], strides = [1]} : vector<16xf32> to vector<1xf32>
      %squeeze3A_739 = vector.extract %slice3A_738[0] : f32 from vector<1xf32>
      %add3A_740 = arith.addf %add3A_660, %squeeze3A_739 : f32
      %add3A_741 = arith.constant 8192 : i32
      %add3A_742 = arith.addi %add3A_741, %mul3A_166 : i32
      %add3A_743 = arith.constant 112 : i32
      %add3A_744 = arith.addi %add3A_742, %add3A_743 : i32
      %get3A_745 = arith.constant 0 : i32
      %get3A_746 = arith.index_cast %get3A_745 : i32 to index
      %get3A_747 = arith.index_cast %add3A_744 : i32 to index
      %get3A_748 = tpu.vector_load %arg4[%get3A_746, %get3A_747] {strides = array<i32>} : memref<1x32768xf32, #tpu.memory_space<vmem>>, vector<16xf32>,
      %broadcast_in_dim3A_749 = arith.constant true
      %broadcast_in_dim3A_750 = vector.broadcast %broadcast_in_dim3A_749 : i1 to vector<16xi1>
      %masked_cumsum3A_751 = tpu.scan <sum>, %get3A_748 masked %broadcast_in_dim3A_750 : vector<16xf32>, vector<16xi1> -> vector<16xf32>
      %add3A_752 = vector.broadcast %add3A_680 : f32 to vector<16xf32>
      %add3A_753 = arith.addf %masked_cumsum3A_751, %add3A_752 : vector<16xf32>
      %swap3A_754 = arith.constant 0 : i32
      %swap3A_755 = arith.index_cast %swap3A_754 : i32 to index
      %swap3A_756 = arith.index_cast %add3A_744 : i32 to index
      %swap3A_757 = tpu.vector_load %arg4[%swap3A_755, %swap3A_756] {strides = array<i32>} : memref<1x32768xf32, #tpu.memory_space<vmem>>, vector<16xf32>,
      tpu.vector_store %arg4[%swap3A_755, %swap3A_756], %add3A_753 {strides = array<i32>} : memref<1x32768xf32, #tpu.memory_space<vmem>>, vector<16xf32>,
      %slice3A_758 = vector.extract_strided_slice %masked_cumsum3A_751 {offsets = [15], sizes = [1], strides = [1]} : vector<16xf32> to vector<1xf32>
      %squeeze3A_759 = vector.extract %slice3A_758[0] : f32 from vector<1xf32>
      %add3A_760 = arith.addf %add3A_680, %squeeze3A_759 : f32
      %add3A_761 = arith.constant 16384 : i32
      %add3A_762 = arith.addi %add3A_761, %mul3A_166 : i32
      %add3A_763 = arith.constant 112 : i32
      %add3A_764 = arith.addi %add3A_762, %add3A_763 : i32
      %get3A_765 = arith.constant 0 : i32
      %get3A_766 = arith.index_cast %get3A_765 : i32 to index
      %get3A_767 = arith.index_cast %add3A_764 : i32 to index
      %get3A_768 = tpu.vector_load %arg4[%get3A_766, %get3A_767] {strides = array<i32>} : memref<1x32768xf32, #tpu.memory_space<vmem>>, vector<16xf32>,
      %broadcast_in_dim3A_769 = arith.constant true
      %broadcast_in_dim3A_770 = vector.broadcast %broadcast_in_dim3A_769 : i1 to vector<16xi1>
      %masked_cumsum3A_771 = tpu.scan <sum>, %get3A_768 masked %broadcast_in_dim3A_770 : vector<16xf32>, vector<16xi1> -> vector<16xf32>
      %add3A_772 = vector.broadcast %add3A_700 : f32 to vector<16xf32>
      %add3A_773 = arith.addf %masked_cumsum3A_771, %add3A_772 : vector<16xf32>
      %swap3A_774 = arith.constant 0 : i32
      %swap3A_775 = arith.index_cast %swap3A_774 : i32 to index
      %swap3A_776 = arith.index_cast %add3A_764 : i32 to index
      %swap3A_777 = tpu.vector_load %arg4[%swap3A_775, %swap3A_776] {strides = array<i32>} : memref<1x32768xf32, #tpu.memory_space<vmem>>, vector<16xf32>,
      tpu.vector_store %arg4[%swap3A_775, %swap3A_776], %add3A_773 {strides = array<i32>} : memref<1x32768xf32, #tpu.memory_space<vmem>>, vector<16xf32>,
      %slice3A_778 = vector.extract_strided_slice %masked_cumsum3A_771 {offsets = [15], sizes = [1], strides = [1]} : vector<16xf32> to vector<1xf32>
      %squeeze3A_779 = vector.extract %slice3A_778[0] : f32 from vector<1xf32>
      %add3A_780 = arith.addf %add3A_700, %squeeze3A_779 : f32
      %add3A_781 = arith.constant 24576 : i32
      %add3A_782 = arith.addi %add3A_781, %mul3A_166 : i32
      %add3A_783 = arith.constant 112 : i32
      %add3A_784 = arith.addi %add3A_782, %add3A_783 : i32
      %get3A_785 = arith.constant 0 : i32
      %get3A_786 = arith.index_cast %get3A_785 : i32 to index
      %get3A_787 = arith.index_cast %add3A_784 : i32 to index
      %get3A_788 = tpu.vector_load %arg4[%get3A_786, %get3A_787] {strides = array<i32>} : memref<1x32768xf32, #tpu.memory_space<vmem>>, vector<16xf32>,
      %broadcast_in_dim3A_789 = arith.constant true
      %broadcast_in_dim3A_790 = vector.broadcast %broadcast_in_dim3A_789 : i1 to vector<16xi1>
      %masked_cumsum3A_791 = tpu.scan <sum>, %get3A_788 masked %broadcast_in_dim3A_790 : vector<16xf32>, vector<16xi1> -> vector<16xf32>
      %add3A_792 = vector.broadcast %add3A_720 : f32 to vector<16xf32>
      %add3A_793 = arith.addf %masked_cumsum3A_791, %add3A_792 : vector<16xf32>
      %swap3A_794 = arith.constant 0 : i32
      %swap3A_795 = arith.index_cast %swap3A_794 : i32 to index
      %swap3A_796 = arith.index_cast %add3A_784 : i32 to index
      %swap3A_797 = tpu.vector_load %arg4[%swap3A_795, %swap3A_796] {strides = array<i32>} : memref<1x32768xf32, #tpu.memory_space<vmem>>, vector<16xf32>,
      tpu.vector_store %arg4[%swap3A_795, %swap3A_796], %add3A_793 {strides = array<i32>} : memref<1x32768xf32, #tpu.memory_space<vmem>>, vector<16xf32>,
      %slice3A_798 = vector.extract_strided_slice %masked_cumsum3A_791 {offsets = [15], sizes = [1], strides = [1]} : vector<16xf32> to vector<1xf32>
      %squeeze3A_799 = vector.extract %slice3A_798[0] : f32 from vector<1xf32>
      %add3A_800 = arith.addf %add3A_720, %squeeze3A_799 : f32
      scf.yield %add3A_740, %add3A_760, %add3A_780, %add3A_800 : f32, f32, f32, f32
    }
    %scan3A_105 = arith.constant 64 : i32
    %add3A_106 = arith.addf %scan3A_104#0, %scan3A_104#1 : f32
    %add3A_107 = arith.addf %add3A_106, %scan3A_104#2 : f32
    %add3A_108 = arith.addf %add3A_107, %scan3A_104#3 : f32
    %scan3A_109 = arith.constant 0 : i32
    %scan3A_110 = arith.constant 0 : i32
    %scan3A_111 = arith.constant 64 : i32
    %scan3A_112 = arith.addi %scan3A_110, %scan3A_111 : i32
    %scan3A_113 = arith.constant 1 : i32
    %scan3A_114 = scf.for %scan3A_160 = %scan3A_110 to %scan3A_112 step %scan3A_113 iter_args(%scan3A_161 = %scan3A_109) -> (i32)  : i32 {
      %mul3A_162 = arith.constant 128 : i32
      %mul3A_163 = arith.muli %scan3A_160, %mul3A_162 : i32
      %add3A_164 = arith.constant 8192 : i32
      %add3A_165 = arith.addi %add3A_164, %mul3A_163 : i32
      %add3A_166 = arith.constant 0 : i32
      %add3A_167 = arith.addi %add3A_165, %add3A_166 : i32
      %get3A = arith.constant 0 : i32
      %get3A_168 = arith.index_cast %get3A : i32 to index
      %get3A_169 = arith.index_cast %add3A_167 : i32 to index
      %get3A_170 = tpu.vector_load %arg4[%get3A_168, %get3A_169] {strides = array<i32>} : memref<1x32768xf32, #tpu.memory_space<vmem>>, vector<16xf32>,
      %add3A_171 = vector.broadcast %scan3A_104#0 : f32 to vector<16xf32>
      %add3A_172 = arith.addf %get3A_170, %add3A_171 : vector<16xf32>
      %swap3A = arith.constant 0 : i32
      %swap3A_173 = arith.index_cast %swap3A : i32 to index
      %swap3A_174 = arith.index_cast %add3A_167 : i32 to index
      %swap3A_175 = tpu.vector_load %arg4[%swap3A_173, %swap3A_174] {strides = array<i32>} : memref<1x32768xf32, #tpu.memory_space<vmem>>, vector<16xf32>,
      tpu.vector_store %arg4[%swap3A_173, %swap3A_174], %add3A_172 {strides = array<i32>} : memref<1x32768xf32, #tpu.memory_space<vmem>>, vector<16xf32>,
      %add3A_176 = arith.constant 16384 : i32
      %add3A_177 = arith.addi %add3A_176, %mul3A_163 : i32
      %add3A_178 = arith.constant 0 : i32
      %add3A_179 = arith.addi %add3A_177, %add3A_178 : i32
      %get3A_180 = arith.constant 0 : i32
      %get3A_181 = arith.index_cast %get3A_180 : i32 to index
      %get3A_182 = arith.index_cast %add3A_179 : i32 to index
      %get3A_183 = tpu.vector_load %arg4[%get3A_181, %get3A_182] {strides = array<i32>} : memref<1x32768xf32, #tpu.memory_space<vmem>>, vector<16xf32>,
      %add3A_184 = vector.broadcast %add3A_106 : f32 to vector<16xf32>
      %add3A_185 = arith.addf %get3A_183, %add3A_184 : vector<16xf32>
      %swap3A_186 = arith.constant 0 : i32
      %swap3A_187 = arith.index_cast %swap3A_186 : i32 to index
      %swap3A_188 = arith.index_cast %add3A_179 : i32 to index
      %swap3A_189 = tpu.vector_load %arg4[%swap3A_187, %swap3A_188] {strides = array<i32>} : memref<1x32768xf32, #tpu.memory_space<vmem>>, vector<16xf32>,
      tpu.vector_store %arg4[%swap3A_187, %swap3A_188], %add3A_185 {strides = array<i32>} : memref<1x32768xf32, #tpu.memory_space<vmem>>, vector<16xf32>,
      %add3A_190 = arith.constant 24576 : i32
      %add3A_191 = arith.addi %add3A_190, %mul3A_163 : i32
      %add3A_192 = arith.constant 0 : i32
      %add3A_193 = arith.addi %add3A_191, %add3A_192 : i32
      %get3A_194 = arith.constant 0 : i32
      %get3A_195 = arith.index_cast %get3A_194 : i32 to index
      %get3A_196 = arith.index_cast %add3A_193 : i32 to index
      %get3A_197 = tpu.vector_load %arg4[%get3A_195, %get3A_196] {strides = array<i32>} : memref<1x32768xf32, #tpu.memory_space<vmem>>, vector<16xf32>,
      %add3A_198 = vector.broadcast %add3A_107 : f32 to vector<16xf32>
      %add3A_199 = arith.addf %get3A_197, %add3A_198 : vector<16xf32>
      %swap3A_200 = arith.constant 0 : i32
      %swap3A_201 = arith.index_cast %swap3A_200 : i32 to index
      %swap3A_202 = arith.index_cast %add3A_193 : i32 to index
      %swap3A_203 = tpu.vector_load %arg4[%swap3A_201, %swap3A_202] {strides = array<i32>} : memref<1x32768xf32, #tpu.memory_space<vmem>>, vector<16xf32>,
      tpu.vector_store %arg4[%swap3A_201, %swap3A_202], %add3A_199 {strides = array<i32>} : memref<1x32768xf32, #tpu.memory_space<vmem>>, vector<16xf32>,
      %add3A_204 = arith.constant 8192 : i32
      %add3A_205 = arith.addi %add3A_204, %mul3A_163 : i32
      %add3A_206 = arith.constant 16 : i32
      %add3A_207 = arith.addi %add3A_205, %add3A_206 : i32
      %get3A_208 = arith.constant 0 : i32
      %get3A_209 = arith.index_cast %get3A_208 : i32 to index
      %get3A_210 = arith.index_cast %add3A_207 : i32 to index
      %get3A_211 = tpu.vector_load %arg4[%get3A_209, %get3A_210] {strides = array<i32>} : memref<1x32768xf32, #tpu.memory_space<vmem>>, vector<16xf32>,
      %add3A_212 = vector.broadcast %scan3A_104#0 : f32 to vector<16xf32>
      %add3A_213 = arith.addf %get3A_211, %add3A_212 : vector<16xf32>
      %swap3A_214 = arith.constant 0 : i32
      %swap3A_215 = arith.index_cast %swap3A_214 : i32 to index
      %swap3A_216 = arith.index_cast %add3A_207 : i32 to index
      %swap3A_217 = tpu.vector_load %arg4[%swap3A_215, %swap3A_216] {strides = array<i32>} : memref<1x32768xf32, #tpu.memory_space<vmem>>, vector<16xf32>,
      tpu.vector_store %arg4[%swap3A_215, %swap3A_216], %add3A_213 {strides = array<i32>} : memref<1x32768xf32, #tpu.memory_space<vmem>>, vector<16xf32>,
      %add3A_218 = arith.constant 16384 : i32
      %add3A_219 = arith.addi %add3A_218, %mul3A_163 : i32
      %add3A_220 = arith.constant 16 : i32
      %add3A_221 = arith.addi %add3A_219, %add3A_220 : i32
      %get3A_222 = arith.constant 0 : i32
      %get3A_223 = arith.index_cast %get3A_222 : i32 to index
      %get3A_224 = arith.index_cast %add3A_221 : i32 to index
      %get3A_225 = tpu.vector_load %arg4[%get3A_223, %get3A_224] {strides = array<i32>} : memref<1x32768xf32, #tpu.memory_space<vmem>>, vector<16xf32>,
      %add3A_226 = vector.broadcast %add3A_106 : f32 to vector<16xf32>
      %add3A_227 = arith.addf %get3A_225, %add3A_226 : vector<16xf32>
      %swap3A_228 = arith.constant 0 : i32
      %swap3A_229 = arith.index_cast %swap3A_228 : i32 to index
      %swap3A_230 = arith.index_cast %add3A_221 : i32 to index
      %swap3A_231 = tpu.vector_load %arg4[%swap3A_229, %swap3A_230] {strides = array<i32>} : memref<1x32768xf32, #tpu.memory_space<vmem>>, vector<16xf32>,
      tpu.vector_store %arg4[%swap3A_229, %swap3A_230], %add3A_227 {strides = array<i32>} : memref<1x32768xf32, #tpu.memory_space<vmem>>, vector<16xf32>,
      %add3A_232 = arith.constant 24576 : i32
      %add3A_233 = arith.addi %add3A_232, %mul3A_163 : i32
      %add3A_234 = arith.constant 16 : i32
      %add3A_235 = arith.addi %add3A_233, %add3A_234 : i32
      %get3A_236 = arith.constant 0 : i32
      %get3A_237 = arith.index_cast %get3A_236 : i32 to index
      %get3A_238 = arith.index_cast %add3A_235 : i32 to index
      %get3A_239 = tpu.vector_load %arg4[%get3A_237, %get3A_238] {strides = array<i32>} : memref<1x32768xf32, #tpu.memory_space<vmem>>, vector<16xf32>,
      %add3A_240 = vector.broadcast %add3A_107 : f32 to vector<16xf32>
      %add3A_241 = arith.addf %get3A_239, %add3A_240 : vector<16xf32>
      %swap3A_242 = arith.constant 0 : i32
      %swap3A_243 = arith.index_cast %swap3A_242 : i32 to index
      %swap3A_244 = arith.index_cast %add3A_235 : i32 to index
      %swap3A_245 = tpu.vector_load %arg4[%swap3A_243, %swap3A_244] {strides = array<i32>} : memref<1x32768xf32, #tpu.memory_space<vmem>>, vector<16xf32>,
      tpu.vector_store %arg4[%swap3A_243, %swap3A_244], %add3A_241 {strides = array<i32>} : memref<1x32768xf32, #tpu.memory_space<vmem>>, vector<16xf32>,
      %add3A_246 = arith.constant 8192 : i32
      %add3A_247 = arith.addi %add3A_246, %mul3A_163 : i32
      %add3A_248 = arith.constant 32 : i32
      %add3A_249 = arith.addi %add3A_247, %add3A_248 : i32
      %get3A_250 = arith.constant 0 : i32
      %get3A_251 = arith.index_cast %get3A_250 : i32 to index
      %get3A_252 = arith.index_cast %add3A_249 : i32 to index
      %get3A_253 = tpu.vector_load %arg4[%get3A_251, %get3A_252] {strides = array<i32>} : memref<1x32768xf32, #tpu.memory_space<vmem>>, vector<16xf32>,
      %add3A_254 = vector.broadcast %scan3A_104#0 : f32 to vector<16xf32>
      %add3A_255 = arith.addf %get3A_253, %add3A_254 : vector<16xf32>
      %swap3A_256 = arith.constant 0 : i32
      %swap3A_257 = arith.index_cast %swap3A_256 : i32 to index
      %swap3A_258 = arith.index_cast %add3A_249 : i32 to index
      %swap3A_259 = tpu.vector_load %arg4[%swap3A_257, %swap3A_258] {strides = array<i32>} : memref<1x32768xf32, #tpu.memory_space<vmem>>, vector<16xf32>,
      tpu.vector_store %arg4[%swap3A_257, %swap3A_258], %add3A_255 {strides = array<i32>} : memref<1x32768xf32, #tpu.memory_space<vmem>>, vector<16xf32>,
      %add3A_260 = arith.constant 16384 : i32
      %add3A_261 = arith.addi %add3A_260, %mul3A_163 : i32
      %add3A_262 = arith.constant 32 : i32
      %add3A_263 = arith.addi %add3A_261, %add3A_262 : i32
      %get3A_264 = arith.constant 0 : i32
      %get3A_265 = arith.index_cast %get3A_264 : i32 to index
      %get3A_266 = arith.index_cast %add3A_263 : i32 to index
      %get3A_267 = tpu.vector_load %arg4[%get3A_265, %get3A_266] {strides = array<i32>} : memref<1x32768xf32, #tpu.memory_space<vmem>>, vector<16xf32>,
      %add3A_268 = vector.broadcast %add3A_106 : f32 to vector<16xf32>
      %add3A_269 = arith.addf %get3A_267, %add3A_268 : vector<16xf32>
      %swap3A_270 = arith.constant 0 : i32
      %swap3A_271 = arith.index_cast %swap3A_270 : i32 to index
      %swap3A_272 = arith.index_cast %add3A_263 : i32 to index
      %swap3A_273 = tpu.vector_load %arg4[%swap3A_271, %swap3A_272] {strides = array<i32>} : memref<1x32768xf32, #tpu.memory_space<vmem>>, vector<16xf32>,
      tpu.vector_store %arg4[%swap3A_271, %swap3A_272], %add3A_269 {strides = array<i32>} : memref<1x32768xf32, #tpu.memory_space<vmem>>, vector<16xf32>,
      %add3A_274 = arith.constant 24576 : i32
      %add3A_275 = arith.addi %add3A_274, %mul3A_163 : i32
      %add3A_276 = arith.constant 32 : i32
      %add3A_277 = arith.addi %add3A_275, %add3A_276 : i32
      %get3A_278 = arith.constant 0 : i32
      %get3A_279 = arith.index_cast %get3A_278 : i32 to index
      %get3A_280 = arith.index_cast %add3A_277 : i32 to index
      %get3A_281 = tpu.vector_load %arg4[%get3A_279, %get3A_280] {strides = array<i32>} : memref<1x32768xf32, #tpu.memory_space<vmem>>, vector<16xf32>,
      %add3A_282 = vector.broadcast %add3A_107 : f32 to vector<16xf32>
      %add3A_283 = arith.addf %get3A_281, %add3A_282 : vector<16xf32>
      %swap3A_284 = arith.constant 0 : i32
      %swap3A_285 = arith.index_cast %swap3A_284 : i32 to index
      %swap3A_286 = arith.index_cast %add3A_277 : i32 to index
      %swap3A_287 = tpu.vector_load %arg4[%swap3A_285, %swap3A_286] {strides = array<i32>} : memref<1x32768xf32, #tpu.memory_space<vmem>>, vector<16xf32>,
      tpu.vector_store %arg4[%swap3A_285, %swap3A_286], %add3A_283 {strides = array<i32>} : memref<1x32768xf32, #tpu.memory_space<vmem>>, vector<16xf32>,
      %add3A_288 = arith.constant 8192 : i32
      %add3A_289 = arith.addi %add3A_288, %mul3A_163 : i32
      %add3A_290 = arith.constant 48 : i32
      %add3A_291 = arith.addi %add3A_289, %add3A_290 : i32
      %get3A_292 = arith.constant 0 : i32
      %get3A_293 = arith.index_cast %get3A_292 : i32 to index
      %get3A_294 = arith.index_cast %add3A_291 : i32 to index
      %get3A_295 = tpu.vector_load %arg4[%get3A_293, %get3A_294] {strides = array<i32>} : memref<1x32768xf32, #tpu.memory_space<vmem>>, vector<16xf32>,
      %add3A_296 = vector.broadcast %scan3A_104#0 : f32 to vector<16xf32>
      %add3A_297 = arith.addf %get3A_295, %add3A_296 : vector<16xf32>
      %swap3A_298 = arith.constant 0 : i32
      %swap3A_299 = arith.index_cast %swap3A_298 : i32 to index
      %swap3A_300 = arith.index_cast %add3A_291 : i32 to index
      %swap3A_301 = tpu.vector_load %arg4[%swap3A_299, %swap3A_300] {strides = array<i32>} : memref<1x32768xf32, #tpu.memory_space<vmem>>, vector<16xf32>,
      tpu.vector_store %arg4[%swap3A_299, %swap3A_300], %add3A_297 {strides = array<i32>} : memref<1x32768xf32, #tpu.memory_space<vmem>>, vector<16xf32>,
      %add3A_302 = arith.constant 16384 : i32
      %add3A_303 = arith.addi %add3A_302, %mul3A_163 : i32
      %add3A_304 = arith.constant 48 : i32
      %add3A_305 = arith.addi %add3A_303, %add3A_304 : i32
      %get3A_306 = arith.constant 0 : i32
      %get3A_307 = arith.index_cast %get3A_306 : i32 to index
      %get3A_308 = arith.index_cast %add3A_305 : i32 to index
      %get3A_309 = tpu.vector_load %arg4[%get3A_307, %get3A_308] {strides = array<i32>} : memref<1x32768xf32, #tpu.memory_space<vmem>>, vector<16xf32>,
      %add3A_310 = vector.broadcast %add3A_106 : f32 to vector<16xf32>
      %add3A_311 = arith.addf %get3A_309, %add3A_310 : vector<16xf32>
      %swap3A_312 = arith.constant 0 : i32
      %swap3A_313 = arith.index_cast %swap3A_312 : i32 to index
      %swap3A_314 = arith.index_cast %add3A_305 : i32 to index
      %swap3A_315 = tpu.vector_load %arg4[%swap3A_313, %swap3A_314] {strides = array<i32>} : memref<1x32768xf32, #tpu.memory_space<vmem>>, vector<16xf32>,
      tpu.vector_store %arg4[%swap3A_313, %swap3A_314], %add3A_311 {strides = array<i32>} : memref<1x32768xf32, #tpu.memory_space<vmem>>, vector<16xf32>,
      %add3A_316 = arith.constant 24576 : i32
      %add3A_317 = arith.addi %add3A_316, %mul3A_163 : i32
      %add3A_318 = arith.constant 48 : i32
      %add3A_319 = arith.addi %add3A_317, %add3A_318 : i32
      %get3A_320 = arith.constant 0 : i32
      %get3A_321 = arith.index_cast %get3A_320 : i32 to index
      %get3A_322 = arith.index_cast %add3A_319 : i32 to index
      %get3A_323 = tpu.vector_load %arg4[%get3A_321, %get3A_322] {strides = array<i32>} : memref<1x32768xf32, #tpu.memory_space<vmem>>, vector<16xf32>,
      %add3A_324 = vector.broadcast %add3A_107 : f32 to vector<16xf32>
      %add3A_325 = arith.addf %get3A_323, %add3A_324 : vector<16xf32>
      %swap3A_326 = arith.constant 0 : i32
      %swap3A_327 = arith.index_cast %swap3A_326 : i32 to index
      %swap3A_328 = arith.index_cast %add3A_319 : i32 to index
      %swap3A_329 = tpu.vector_load %arg4[%swap3A_327, %swap3A_328] {strides = array<i32>} : memref<1x32768xf32, #tpu.memory_space<vmem>>, vector<16xf32>,
      tpu.vector_store %arg4[%swap3A_327, %swap3A_328], %add3A_325 {strides = array<i32>} : memref<1x32768xf32, #tpu.memory_space<vmem>>, vector<16xf32>,
      %add3A_330 = arith.constant 8192 : i32
      %add3A_331 = arith.addi %add3A_330, %mul3A_163 : i32
      %add3A_332 = arith.constant 64 : i32
      %add3A_333 = arith.addi %add3A_331, %add3A_332 : i32
      %get3A_334 = arith.constant 0 : i32
      %get3A_335 = arith.index_cast %get3A_334 : i32 to index
      %get3A_336 = arith.index_cast %add3A_333 : i32 to index
      %get3A_337 = tpu.vector_load %arg4[%get3A_335, %get3A_336] {strides = array<i32>} : memref<1x32768xf32, #tpu.memory_space<vmem>>, vector<16xf32>,
      %add3A_338 = vector.broadcast %scan3A_104#0 : f32 to vector<16xf32>
      %add3A_339 = arith.addf %get3A_337, %add3A_338 : vector<16xf32>
      %swap3A_340 = arith.constant 0 : i32
      %swap3A_341 = arith.index_cast %swap3A_340 : i32 to index
      %swap3A_342 = arith.index_cast %add3A_333 : i32 to index
      %swap3A_343 = tpu.vector_load %arg4[%swap3A_341, %swap3A_342] {strides = array<i32>} : memref<1x32768xf32, #tpu.memory_space<vmem>>, vector<16xf32>,
      tpu.vector_store %arg4[%swap3A_341, %swap3A_342], %add3A_339 {strides = array<i32>} : memref<1x32768xf32, #tpu.memory_space<vmem>>, vector<16xf32>,
      %add3A_344 = arith.constant 16384 : i32
      %add3A_345 = arith.addi %add3A_344, %mul3A_163 : i32
      %add3A_346 = arith.constant 64 : i32
      %add3A_347 = arith.addi %add3A_345, %add3A_346 : i32
      %get3A_348 = arith.constant 0 : i32
      %get3A_349 = arith.index_cast %get3A_348 : i32 to index
      %get3A_350 = arith.index_cast %add3A_347 : i32 to index
      %get3A_351 = tpu.vector_load %arg4[%get3A_349, %get3A_350] {strides = array<i32>} : memref<1x32768xf32, #tpu.memory_space<vmem>>, vector<16xf32>,
      %add3A_352 = vector.broadcast %add3A_106 : f32 to vector<16xf32>
      %add3A_353 = arith.addf %get3A_351, %add3A_352 : vector<16xf32>
      %swap3A_354 = arith.constant 0 : i32
      %swap3A_355 = arith.index_cast %swap3A_354 : i32 to index
      %swap3A_356 = arith.index_cast %add3A_347 : i32 to index
      %swap3A_357 = tpu.vector_load %arg4[%swap3A_355, %swap3A_356] {strides = array<i32>} : memref<1x32768xf32, #tpu.memory_space<vmem>>, vector<16xf32>,
      tpu.vector_store %arg4[%swap3A_355, %swap3A_356], %add3A_353 {strides = array<i32>} : memref<1x32768xf32, #tpu.memory_space<vmem>>, vector<16xf32>,
      %add3A_358 = arith.constant 24576 : i32
      %add3A_359 = arith.addi %add3A_358, %mul3A_163 : i32
      %add3A_360 = arith.constant 64 : i32
      %add3A_361 = arith.addi %add3A_359, %add3A_360 : i32
      %get3A_362 = arith.constant 0 : i32
      %get3A_363 = arith.index_cast %get3A_362 : i32 to index
      %get3A_364 = arith.index_cast %add3A_361 : i32 to index
      %get3A_365 = tpu.vector_load %arg4[%get3A_363, %get3A_364] {strides = array<i32>} : memref<1x32768xf32, #tpu.memory_space<vmem>>, vector<16xf32>,
      %add3A_366 = vector.broadcast %add3A_107 : f32 to vector<16xf32>
      %add3A_367 = arith.addf %get3A_365, %add3A_366 : vector<16xf32>
      %swap3A_368 = arith.constant 0 : i32
      %swap3A_369 = arith.index_cast %swap3A_368 : i32 to index
      %swap3A_370 = arith.index_cast %add3A_361 : i32 to index
      %swap3A_371 = tpu.vector_load %arg4[%swap3A_369, %swap3A_370] {strides = array<i32>} : memref<1x32768xf32, #tpu.memory_space<vmem>>, vector<16xf32>,
      tpu.vector_store %arg4[%swap3A_369, %swap3A_370], %add3A_367 {strides = array<i32>} : memref<1x32768xf32, #tpu.memory_space<vmem>>, vector<16xf32>,
      %add3A_372 = arith.constant 8192 : i32
      %add3A_373 = arith.addi %add3A_372, %mul3A_163 : i32
      %add3A_374 = arith.constant 80 : i32
      %add3A_375 = arith.addi %add3A_373, %add3A_374 : i32
      %get3A_376 = arith.constant 0 : i32
      %get3A_377 = arith.index_cast %get3A_376 : i32 to index
      %get3A_378 = arith.index_cast %add3A_375 : i32 to index
      %get3A_379 = tpu.vector_load %arg4[%get3A_377, %get3A_378] {strides = array<i32>} : memref<1x32768xf32, #tpu.memory_space<vmem>>, vector<16xf32>,
      %add3A_380 = vector.broadcast %scan3A_104#0 : f32 to vector<16xf32>
      %add3A_381 = arith.addf %get3A_379, %add3A_380 : vector<16xf32>
      %swap3A_382 = arith.constant 0 : i32
      %swap3A_383 = arith.index_cast %swap3A_382 : i32 to index
      %swap3A_384 = arith.index_cast %add3A_375 : i32 to index
      %swap3A_385 = tpu.vector_load %arg4[%swap3A_383, %swap3A_384] {strides = array<i32>} : memref<1x32768xf32, #tpu.memory_space<vmem>>, vector<16xf32>,
      tpu.vector_store %arg4[%swap3A_383, %swap3A_384], %add3A_381 {strides = array<i32>} : memref<1x32768xf32, #tpu.memory_space<vmem>>, vector<16xf32>,
      %add3A_386 = arith.constant 16384 : i32
      %add3A_387 = arith.addi %add3A_386, %mul3A_163 : i32
      %add3A_388 = arith.constant 80 : i32
      %add3A_389 = arith.addi %add3A_387, %add3A_388 : i32
      %get3A_390 = arith.constant 0 : i32
      %get3A_391 = arith.index_cast %get3A_390 : i32 to index
      %get3A_392 = arith.index_cast %add3A_389 : i32 to index
      %get3A_393 = tpu.vector_load %arg4[%get3A_391, %get3A_392] {strides = array<i32>} : memref<1x32768xf32, #tpu.memory_space<vmem>>, vector<16xf32>,
      %add3A_394 = vector.broadcast %add3A_106 : f32 to vector<16xf32>
      %add3A_395 = arith.addf %get3A_393, %add3A_394 : vector<16xf32>
      %swap3A_396 = arith.constant 0 : i32
      %swap3A_397 = arith.index_cast %swap3A_396 : i32 to index
      %swap3A_398 = arith.index_cast %add3A_389 : i32 to index
      %swap3A_399 = tpu.vector_load %arg4[%swap3A_397, %swap3A_398] {strides = array<i32>} : memref<1x32768xf32, #tpu.memory_space<vmem>>, vector<16xf32>,
      tpu.vector_store %arg4[%swap3A_397, %swap3A_398], %add3A_395 {strides = array<i32>} : memref<1x32768xf32, #tpu.memory_space<vmem>>, vector<16xf32>,
      %add3A_400 = arith.constant 24576 : i32
      %add3A_401 = arith.addi %add3A_400, %mul3A_163 : i32
      %add3A_402 = arith.constant 80 : i32
      %add3A_403 = arith.addi %add3A_401, %add3A_402 : i32
      %get3A_404 = arith.constant 0 : i32
      %get3A_405 = arith.index_cast %get3A_404 : i32 to index
      %get3A_406 = arith.index_cast %add3A_403 : i32 to index
      %get3A_407 = tpu.vector_load %arg4[%get3A_405, %get3A_406] {strides = array<i32>} : memref<1x32768xf32, #tpu.memory_space<vmem>>, vector<16xf32>,
      %add3A_408 = vector.broadcast %add3A_107 : f32 to vector<16xf32>
      %add3A_409 = arith.addf %get3A_407, %add3A_408 : vector<16xf32>
      %swap3A_410 = arith.constant 0 : i32
      %swap3A_411 = arith.index_cast %swap3A_410 : i32 to index
      %swap3A_412 = arith.index_cast %add3A_403 : i32 to index
      %swap3A_413 = tpu.vector_load %arg4[%swap3A_411, %swap3A_412] {strides = array<i32>} : memref<1x32768xf32, #tpu.memory_space<vmem>>, vector<16xf32>,
      tpu.vector_store %arg4[%swap3A_411, %swap3A_412], %add3A_409 {strides = array<i32>} : memref<1x32768xf32, #tpu.memory_space<vmem>>, vector<16xf32>,
      %add3A_414 = arith.constant 8192 : i32
      %add3A_415 = arith.addi %add3A_414, %mul3A_163 : i32
      %add3A_416 = arith.constant 96 : i32
      %add3A_417 = arith.addi %add3A_415, %add3A_416 : i32
      %get3A_418 = arith.constant 0 : i32
      %get3A_419 = arith.index_cast %get3A_418 : i32 to index
      %get3A_420 = arith.index_cast %add3A_417 : i32 to index
      %get3A_421 = tpu.vector_load %arg4[%get3A_419, %get3A_420] {strides = array<i32>} : memref<1x32768xf32, #tpu.memory_space<vmem>>, vector<16xf32>,
      %add3A_422 = vector.broadcast %scan3A_104#0 : f32 to vector<16xf32>
      %add3A_423 = arith.addf %get3A_421, %add3A_422 : vector<16xf32>
      %swap3A_424 = arith.constant 0 : i32
      %swap3A_425 = arith.index_cast %swap3A_424 : i32 to index
      %swap3A_426 = arith.index_cast %add3A_417 : i32 to index
      %swap3A_427 = tpu.vector_load %arg4[%swap3A_425, %swap3A_426] {strides = array<i32>} : memref<1x32768xf32, #tpu.memory_space<vmem>>, vector<16xf32>,
      tpu.vector_store %arg4[%swap3A_425, %swap3A_426], %add3A_423 {strides = array<i32>} : memref<1x32768xf32, #tpu.memory_space<vmem>>, vector<16xf32>,
      %add3A_428 = arith.constant 16384 : i32
      %add3A_429 = arith.addi %add3A_428, %mul3A_163 : i32
      %add3A_430 = arith.constant 96 : i32
      %add3A_431 = arith.addi %add3A_429, %add3A_430 : i32
      %get3A_432 = arith.constant 0 : i32
      %get3A_433 = arith.index_cast %get3A_432 : i32 to index
      %get3A_434 = arith.index_cast %add3A_431 : i32 to index
      %get3A_435 = tpu.vector_load %arg4[%get3A_433, %get3A_434] {strides = array<i32>} : memref<1x32768xf32, #tpu.memory_space<vmem>>, vector<16xf32>,
      %add3A_436 = vector.broadcast %add3A_106 : f32 to vector<16xf32>
      %add3A_437 = arith.addf %get3A_435, %add3A_436 : vector<16xf32>
      %swap3A_438 = arith.constant 0 : i32
      %swap3A_439 = arith.index_cast %swap3A_438 : i32 to index
      %swap3A_440 = arith.index_cast %add3A_431 : i32 to index
      %swap3A_441 = tpu.vector_load %arg4[%swap3A_439, %swap3A_440] {strides = array<i32>} : memref<1x32768xf32, #tpu.memory_space<vmem>>, vector<16xf32>,
      tpu.vector_store %arg4[%swap3A_439, %swap3A_440], %add3A_437 {strides = array<i32>} : memref<1x32768xf32, #tpu.memory_space<vmem>>, vector<16xf32>,
      %add3A_442 = arith.constant 24576 : i32
      %add3A_443 = arith.addi %add3A_442, %mul3A_163 : i32
      %add3A_444 = arith.constant 96 : i32
      %add3A_445 = arith.addi %add3A_443, %add3A_444 : i32
      %get3A_446 = arith.constant 0 : i32
      %get3A_447 = arith.index_cast %get3A_446 : i32 to index
      %get3A_448 = arith.index_cast %add3A_445 : i32 to index
      %get3A_449 = tpu.vector_load %arg4[%get3A_447, %get3A_448] {strides = array<i32>} : memref<1x32768xf32, #tpu.memory_space<vmem>>, vector<16xf32>,
      %add3A_450 = vector.broadcast %add3A_107 : f32 to vector<16xf32>
      %add3A_451 = arith.addf %get3A_449, %add3A_450 : vector<16xf32>
      %swap3A_452 = arith.constant 0 : i32
      %swap3A_453 = arith.index_cast %swap3A_452 : i32 to index
      %swap3A_454 = arith.index_cast %add3A_445 : i32 to index
      %swap3A_455 = tpu.vector_load %arg4[%swap3A_453, %swap3A_454] {strides = array<i32>} : memref<1x32768xf32, #tpu.memory_space<vmem>>, vector<16xf32>,
      tpu.vector_store %arg4[%swap3A_453, %swap3A_454], %add3A_451 {strides = array<i32>} : memref<1x32768xf32, #tpu.memory_space<vmem>>, vector<16xf32>,
      %add3A_456 = arith.constant 8192 : i32
      %add3A_457 = arith.addi %add3A_456, %mul3A_163 : i32
      %add3A_458 = arith.constant 112 : i32
      %add3A_459 = arith.addi %add3A_457, %add3A_458 : i32
      %get3A_460 = arith.constant 0 : i32
      %get3A_461 = arith.index_cast %get3A_460 : i32 to index
      %get3A_462 = arith.index_cast %add3A_459 : i32 to index
      %get3A_463 = tpu.vector_load %arg4[%get3A_461, %get3A_462] {strides = array<i32>} : memref<1x32768xf32, #tpu.memory_space<vmem>>, vector<16xf32>,
      %add3A_464 = vector.broadcast %scan3A_104#0 : f32 to vector<16xf32>
      %add3A_465 = arith.addf %get3A_463, %add3A_464 : vector<16xf32>
      %swap3A_466 = arith.constant 0 : i32
      %swap3A_467 = arith.index_cast %swap3A_466 : i32 to index
      %swap3A_468 = arith.index_cast %add3A_459 : i32 to index
      %swap3A_469 = tpu.vector_load %arg4[%swap3A_467, %swap3A_468] {strides = array<i32>} : memref<1x32768xf32, #tpu.memory_space<vmem>>, vector<16xf32>,
      tpu.vector_store %arg4[%swap3A_467, %swap3A_468], %add3A_465 {strides = array<i32>} : memref<1x32768xf32, #tpu.memory_space<vmem>>, vector<16xf32>,
      %add3A_470 = arith.constant 16384 : i32
      %add3A_471 = arith.addi %add3A_470, %mul3A_163 : i32
      %add3A_472 = arith.constant 112 : i32
      %add3A_473 = arith.addi %add3A_471, %add3A_472 : i32
      %get3A_474 = arith.constant 0 : i32
      %get3A_475 = arith.index_cast %get3A_474 : i32 to index
      %get3A_476 = arith.index_cast %add3A_473 : i32 to index
      %get3A_477 = tpu.vector_load %arg4[%get3A_475, %get3A_476] {strides = array<i32>} : memref<1x32768xf32, #tpu.memory_space<vmem>>, vector<16xf32>,
      %add3A_478 = vector.broadcast %add3A_106 : f32 to vector<16xf32>
      %add3A_479 = arith.addf %get3A_477, %add3A_478 : vector<16xf32>
      %swap3A_480 = arith.constant 0 : i32
      %swap3A_481 = arith.index_cast %swap3A_480 : i32 to index
      %swap3A_482 = arith.index_cast %add3A_473 : i32 to index
      %swap3A_483 = tpu.vector_load %arg4[%swap3A_481, %swap3A_482] {strides = array<i32>} : memref<1x32768xf32, #tpu.memory_space<vmem>>, vector<16xf32>,
      tpu.vector_store %arg4[%swap3A_481, %swap3A_482], %add3A_479 {strides = array<i32>} : memref<1x32768xf32, #tpu.memory_space<vmem>>, vector<16xf32>,
      %add3A_484 = arith.constant 24576 : i32
      %add3A_485 = arith.addi %add3A_484, %mul3A_163 : i32
      %add3A_486 = arith.constant 112 : i32
      %add3A_487 = arith.addi %add3A_485, %add3A_486 : i32
      %get3A_488 = arith.constant 0 : i32
      %get3A_489 = arith.index_cast %get3A_488 : i32 to index
      %get3A_490 = arith.index_cast %add3A_487 : i32 to index
      %get3A_491 = tpu.vector_load %arg4[%get3A_489, %get3A_490] {strides = array<i32>} : memref<1x32768xf32, #tpu.memory_space<vmem>>, vector<16xf32>,
      %add3A_492 = vector.broadcast %add3A_107 : f32 to vector<16xf32>
      %add3A_493 = arith.addf %get3A_491, %add3A_492 : vector<16xf32>
      %swap3A_494 = arith.constant 0 : i32
      %swap3A_495 = arith.index_cast %swap3A_494 : i32 to index
      %swap3A_496 = arith.index_cast %add3A_487 : i32 to index
      %swap3A_497 = tpu.vector_load %arg4[%swap3A_495, %swap3A_496] {strides = array<i32>} : memref<1x32768xf32, #tpu.memory_space<vmem>>, vector<16xf32>,
      tpu.vector_store %arg4[%swap3A_495, %swap3A_496], %add3A_493 {strides = array<i32>} : memref<1x32768xf32, #tpu.memory_space<vmem>>, vector<16xf32>,
      %scan3A_498 = arith.constant 0 : i32
      scf.yield %scan3A_498 : i32
    }
    %scan3A_115 = arith.constant 64 : i32
    %add3A_116 = arith.constant 2 : i32
    %add3A_117 = arith.addi %mul3A_2, %add3A_116 : i32
    %dma_start3A_118 = arith.constant 0 : i32
    %dma_start3A_119 = tpu.memref_slice %arg3[%add3A_117, %dma_start3A_118] : memref<128x32768xf32, #tpu.memory_space<hbm>> -> memref<1x32768xf32, #tpu.memory_space<hbm>>
    %dma_start3A_120 = arith.constant 0 : i32
    %dma_start3A_121 = tpu.memref_slice %arg3[%add3A_117, %dma_start3A_120] : memref<128x32768xf32, #tpu.memory_space<hbm>> -> memref<1x32768xf32, #tpu.memory_space<hbm>>
    tpu.enqueue_dma source(%arg4 : memref<1x32768xf32, #tpu.memory_space<vmem>>) target(%dma_start3A_121 : memref<1x32768xf32, #tpu.memory_space<hbm>>) target_semaphore(%arg8 : memref<!tpu.dma_semaphore, #tpu.memory_space<semaphore_mem>>)
    %dma_wait3A_122 = arith.constant 0 : i32
    %dma_wait3A_123 = tpu.memref_slice %arg2[%add3A_91, %dma_wait3A_122] : memref<128x32768xf32, #tpu.memory_space<hbm>> -> memref<1x32768xf32, #tpu.memory_space<hbm>>
    %dma_wait3A_124 = arith.constant 0 : i32
    %dma_wait3A_125 = tpu.memref_slice %arg2[%add3A_91, %dma_wait3A_124] : memref<128x32768xf32, #tpu.memory_space<hbm>> -> memref<1x32768xf32, #tpu.memory_space<hbm>>
    tpu.wait_dma2 semaphore(%arg7 : memref<!tpu.dma_semaphore, #tpu.memory_space<semaphore_mem>>) src(%dma_wait3A_125 : memref<1x32768xf32, #tpu.memory_space<hbm>>) dst(%arg5 : memref<1x32768xf32, #tpu.memory_space<vmem>>)
    %scan3A_126 = arith.constant 0.000000e+00 : f32
    %scan3A_127 = arith.constant 0.000000e+00 : f32
    %scan3A_128 = arith.constant 0.000000e+00 : f32
    %scan3A_129 = arith.constant 0.000000e+00 : f32
    %scan3A_130 = arith.constant 0 : i32
    %scan3A_131 = arith.constant 64 : i32
    %scan3A_132 = arith.addi %scan3A_130, %scan3A_131 : i32
    %scan3A_133 = arith.constant 1 : i32
    %scan3A_134:4 = scf.for %scan3A_160 = %scan3A_130 to %scan3A_132 step %scan3A_133 iter_args(%scan3A_161 = %scan3A_126, %scan3A_162 = %scan3A_127, %scan3A_163 = %scan3A_128, %scan3A_164 = %scan3A_129) -> (f32, f32, f32, f32)  : i32 {
      %mul3A_165 = arith.constant 128 : i32
      %mul3A_166 = arith.muli %scan3A_160, %mul3A_165 : i32
      %add3A_167 = arith.constant 0 : i32
      %add3A_168 = arith.addi %add3A_167, %mul3A_166 : i32
      %add3A_169 = arith.constant 0 : i32
      %add3A_170 = arith.addi %add3A_168, %add3A_169 : i32
      %get3A = arith.constant 0 : i32
      %get3A_171 = arith.index_cast %get3A : i32 to index
      %get3A_172 = arith.index_cast %add3A_170 : i32 to index
      %get3A_173 = tpu.vector_load %arg5[%get3A_171, %get3A_172] {strides = array<i32>} : memref<1x32768xf32, #tpu.memory_space<vmem>>, vector<16xf32>,
      %broadcast_in_dim3A = arith.constant true
      %broadcast_in_dim3A_174 = vector.broadcast %broadcast_in_dim3A : i1 to vector<16xi1>
      %masked_cumsum3A = tpu.scan <sum>, %get3A_173 masked %broadcast_in_dim3A_174 : vector<16xf32>, vector<16xi1> -> vector<16xf32>
      %add3A_175 = vector.broadcast %scan3A_161 : f32 to vector<16xf32>
      %add3A_176 = arith.addf %masked_cumsum3A, %add3A_175 : vector<16xf32>
      %swap3A = arith.constant 0 : i32
      %swap3A_177 = arith.index_cast %swap3A : i32 to index
      %swap3A_178 = arith.index_cast %add3A_170 : i32 to index
      %swap3A_179 = tpu.vector_load %arg5[%swap3A_177, %swap3A_178] {strides = array<i32>} : memref<1x32768xf32, #tpu.memory_space<vmem>>, vector<16xf32>,
      tpu.vector_store %arg5[%swap3A_177, %swap3A_178], %add3A_176 {strides = array<i32>} : memref<1x32768xf32, #tpu.memory_space<vmem>>, vector<16xf32>,
      %slice3A = vector.extract_strided_slice %masked_cumsum3A {offsets = [15], sizes = [1], strides = [1]} : vector<16xf32> to vector<1xf32>
      %squeeze3A = vector.extract %slice3A[0] : f32 from vector<1xf32>
      %add3A_180 = arith.addf %scan3A_161, %squeeze3A : f32
      %add3A_181 = arith.constant 8192 : i32
      %add3A_182 = arith.addi %add3A_181, %mul3A_166 : i32
      %add3A_183 = arith.constant 0 : i32
      %add3A_184 = arith.addi %add3A_182, %add3A_183 : i32
      %get3A_185 = arith.constant 0 : i32
      %get3A_186 = arith.index_cast %get3A_185 : i32 to index
      %get3A_187 = arith.index_cast %add3A_184 : i32 to index
      %get3A_188 = tpu.vector_load %arg5[%get3A_186, %get3A_187] {strides = array<i32>} : memref<1x32768xf32, #tpu.memory_space<vmem>>, vector<16xf32>,
      %broadcast_in_dim3A_189 = arith.constant true
      %broadcast_in_dim3A_190 = vector.broadcast %broadcast_in_dim3A_189 : i1 to vector<16xi1>
      %masked_cumsum3A_191 = tpu.scan <sum>, %get3A_188 masked %broadcast_in_dim3A_190 : vector<16xf32>, vector<16xi1> -> vector<16xf32>
      %add3A_192 = vector.broadcast %scan3A_162 : f32 to vector<16xf32>
      %add3A_193 = arith.addf %masked_cumsum3A_191, %add3A_192 : vector<16xf32>
      %swap3A_194 = arith.constant 0 : i32
      %swap3A_195 = arith.index_cast %swap3A_194 : i32 to index
      %swap3A_196 = arith.index_cast %add3A_184 : i32 to index
      %swap3A_197 = tpu.vector_load %arg5[%swap3A_195, %swap3A_196] {strides = array<i32>} : memref<1x32768xf32, #tpu.memory_space<vmem>>, vector<16xf32>,
      tpu.vector_store %arg5[%swap3A_195, %swap3A_196], %add3A_193 {strides = array<i32>} : memref<1x32768xf32, #tpu.memory_space<vmem>>, vector<16xf32>,
      %slice3A_198 = vector.extract_strided_slice %masked_cumsum3A_191 {offsets = [15], sizes = [1], strides = [1]} : vector<16xf32> to vector<1xf32>
      %squeeze3A_199 = vector.extract %slice3A_198[0] : f32 from vector<1xf32>
      %add3A_200 = arith.addf %scan3A_162, %squeeze3A_199 : f32
      %add3A_201 = arith.constant 16384 : i32
      %add3A_202 = arith.addi %add3A_201, %mul3A_166 : i32
      %add3A_203 = arith.constant 0 : i32
      %add3A_204 = arith.addi %add3A_202, %add3A_203 : i32
      %get3A_205 = arith.constant 0 : i32
      %get3A_206 = arith.index_cast %get3A_205 : i32 to index
      %get3A_207 = arith.index_cast %add3A_204 : i32 to index
      %get3A_208 = tpu.vector_load %arg5[%get3A_206, %get3A_207] {strides = array<i32>} : memref<1x32768xf32, #tpu.memory_space<vmem>>, vector<16xf32>,
      %broadcast_in_dim3A_209 = arith.constant true
      %broadcast_in_dim3A_210 = vector.broadcast %broadcast_in_dim3A_209 : i1 to vector<16xi1>
      %masked_cumsum3A_211 = tpu.scan <sum>, %get3A_208 masked %broadcast_in_dim3A_210 : vector<16xf32>, vector<16xi1> -> vector<16xf32>
      %add3A_212 = vector.broadcast %scan3A_163 : f32 to vector<16xf32>
      %add3A_213 = arith.addf %masked_cumsum3A_211, %add3A_212 : vector<16xf32>
      %swap3A_214 = arith.constant 0 : i32
      %swap3A_215 = arith.index_cast %swap3A_214 : i32 to index
      %swap3A_216 = arith.index_cast %add3A_204 : i32 to index
      %swap3A_217 = tpu.vector_load %arg5[%swap3A_215, %swap3A_216] {strides = array<i32>} : memref<1x32768xf32, #tpu.memory_space<vmem>>, vector<16xf32>,
      tpu.vector_store %arg5[%swap3A_215, %swap3A_216], %add3A_213 {strides = array<i32>} : memref<1x32768xf32, #tpu.memory_space<vmem>>, vector<16xf32>,
      %slice3A_218 = vector.extract_strided_slice %masked_cumsum3A_211 {offsets = [15], sizes = [1], strides = [1]} : vector<16xf32> to vector<1xf32>
      %squeeze3A_219 = vector.extract %slice3A_218[0] : f32 from vector<1xf32>
      %add3A_220 = arith.addf %scan3A_163, %squeeze3A_219 : f32
      %add3A_221 = arith.constant 24576 : i32
      %add3A_222 = arith.addi %add3A_221, %mul3A_166 : i32
      %add3A_223 = arith.constant 0 : i32
      %add3A_224 = arith.addi %add3A_222, %add3A_223 : i32
      %get3A_225 = arith.constant 0 : i32
      %get3A_226 = arith.index_cast %get3A_225 : i32 to index
      %get3A_227 = arith.index_cast %add3A_224 : i32 to index
      %get3A_228 = tpu.vector_load %arg5[%get3A_226, %get3A_227] {strides = array<i32>} : memref<1x32768xf32, #tpu.memory_space<vmem>>, vector<16xf32>,
      %broadcast_in_dim3A_229 = arith.constant true
      %broadcast_in_dim3A_230 = vector.broadcast %broadcast_in_dim3A_229 : i1 to vector<16xi1>
      %masked_cumsum3A_231 = tpu.scan <sum>, %get3A_228 masked %broadcast_in_dim3A_230 : vector<16xf32>, vector<16xi1> -> vector<16xf32>
      %add3A_232 = vector.broadcast %scan3A_164 : f32 to vector<16xf32>
      %add3A_233 = arith.addf %masked_cumsum3A_231, %add3A_232 : vector<16xf32>
      %swap3A_234 = arith.constant 0 : i32
      %swap3A_235 = arith.index_cast %swap3A_234 : i32 to index
      %swap3A_236 = arith.index_cast %add3A_224 : i32 to index
      %swap3A_237 = tpu.vector_load %arg5[%swap3A_235, %swap3A_236] {strides = array<i32>} : memref<1x32768xf32, #tpu.memory_space<vmem>>, vector<16xf32>,
      tpu.vector_store %arg5[%swap3A_235, %swap3A_236], %add3A_233 {strides = array<i32>} : memref<1x32768xf32, #tpu.memory_space<vmem>>, vector<16xf32>,
      %slice3A_238 = vector.extract_strided_slice %masked_cumsum3A_231 {offsets = [15], sizes = [1], strides = [1]} : vector<16xf32> to vector<1xf32>
      %squeeze3A_239 = vector.extract %slice3A_238[0] : f32 from vector<1xf32>
      %add3A_240 = arith.addf %scan3A_164, %squeeze3A_239 : f32
      %add3A_241 = arith.constant 0 : i32
      %add3A_242 = arith.addi %add3A_241, %mul3A_166 : i32
      %add3A_243 = arith.constant 16 : i32
      %add3A_244 = arith.addi %add3A_242, %add3A_243 : i32
      %get3A_245 = arith.constant 0 : i32
      %get3A_246 = arith.index_cast %get3A_245 : i32 to index
      %get3A_247 = arith.index_cast %add3A_244 : i32 to index
      %get3A_248 = tpu.vector_load %arg5[%get3A_246, %get3A_247] {strides = array<i32>} : memref<1x32768xf32, #tpu.memory_space<vmem>>, vector<16xf32>,
      %broadcast_in_dim3A_249 = arith.constant true
      %broadcast_in_dim3A_250 = vector.broadcast %broadcast_in_dim3A_249 : i1 to vector<16xi1>
      %masked_cumsum3A_251 = tpu.scan <sum>, %get3A_248 masked %broadcast_in_dim3A_250 : vector<16xf32>, vector<16xi1> -> vector<16xf32>
      %add3A_252 = vector.broadcast %add3A_180 : f32 to vector<16xf32>
      %add3A_253 = arith.addf %masked_cumsum3A_251, %add3A_252 : vector<16xf32>
      %swap3A_254 = arith.constant 0 : i32
      %swap3A_255 = arith.index_cast %swap3A_254 : i32 to index
      %swap3A_256 = arith.index_cast %add3A_244 : i32 to index
      %swap3A_257 = tpu.vector_load %arg5[%swap3A_255, %swap3A_256] {strides = array<i32>} : memref<1x32768xf32, #tpu.memory_space<vmem>>, vector<16xf32>,
      tpu.vector_store %arg5[%swap3A_255, %swap3A_256], %add3A_253 {strides = array<i32>} : memref<1x32768xf32, #tpu.memory_space<vmem>>, vector<16xf32>,
      %slice3A_258 = vector.extract_strided_slice %masked_cumsum3A_251 {offsets = [15], sizes = [1], strides = [1]} : vector<16xf32> to vector<1xf32>
      %squeeze3A_259 = vector.extract %slice3A_258[0] : f32 from vector<1xf32>
      %add3A_260 = arith.addf %add3A_180, %squeeze3A_259 : f32
      %add3A_261 = arith.constant 8192 : i32
      %add3A_262 = arith.addi %add3A_261, %mul3A_166 : i32
      %add3A_263 = arith.constant 16 : i32
      %add3A_264 = arith.addi %add3A_262, %add3A_263 : i32
      %get3A_265 = arith.constant 0 : i32
      %get3A_266 = arith.index_cast %get3A_265 : i32 to index
      %get3A_267 = arith.index_cast %add3A_264 : i32 to index
      %get3A_268 = tpu.vector_load %arg5[%get3A_266, %get3A_267] {strides = array<i32>} : memref<1x32768xf32, #tpu.memory_space<vmem>>, vector<16xf32>,
      %broadcast_in_dim3A_269 = arith.constant true
      %broadcast_in_dim3A_270 = vector.broadcast %broadcast_in_dim3A_269 : i1 to vector<16xi1>
      %masked_cumsum3A_271 = tpu.scan <sum>, %get3A_268 masked %broadcast_in_dim3A_270 : vector<16xf32>, vector<16xi1> -> vector<16xf32>
      %add3A_272 = vector.broadcast %add3A_200 : f32 to vector<16xf32>
      %add3A_273 = arith.addf %masked_cumsum3A_271, %add3A_272 : vector<16xf32>
      %swap3A_274 = arith.constant 0 : i32
      %swap3A_275 = arith.index_cast %swap3A_274 : i32 to index
      %swap3A_276 = arith.index_cast %add3A_264 : i32 to index
      %swap3A_277 = tpu.vector_load %arg5[%swap3A_275, %swap3A_276] {strides = array<i32>} : memref<1x32768xf32, #tpu.memory_space<vmem>>, vector<16xf32>,
      tpu.vector_store %arg5[%swap3A_275, %swap3A_276], %add3A_273 {strides = array<i32>} : memref<1x32768xf32, #tpu.memory_space<vmem>>, vector<16xf32>,
      %slice3A_278 = vector.extract_strided_slice %masked_cumsum3A_271 {offsets = [15], sizes = [1], strides = [1]} : vector<16xf32> to vector<1xf32>
      %squeeze3A_279 = vector.extract %slice3A_278[0] : f32 from vector<1xf32>
      %add3A_280 = arith.addf %add3A_200, %squeeze3A_279 : f32
      %add3A_281 = arith.constant 16384 : i32
      %add3A_282 = arith.addi %add3A_281, %mul3A_166 : i32
      %add3A_283 = arith.constant 16 : i32
      %add3A_284 = arith.addi %add3A_282, %add3A_283 : i32
      %get3A_285 = arith.constant 0 : i32
      %get3A_286 = arith.index_cast %get3A_285 : i32 to index
      %get3A_287 = arith.index_cast %add3A_284 : i32 to index
      %get3A_288 = tpu.vector_load %arg5[%get3A_286, %get3A_287] {strides = array<i32>} : memref<1x32768xf32, #tpu.memory_space<vmem>>, vector<16xf32>,
      %broadcast_in_dim3A_289 = arith.constant true
      %broadcast_in_dim3A_290 = vector.broadcast %broadcast_in_dim3A_289 : i1 to vector<16xi1>
      %masked_cumsum3A_291 = tpu.scan <sum>, %get3A_288 masked %broadcast_in_dim3A_290 : vector<16xf32>, vector<16xi1> -> vector<16xf32>
      %add3A_292 = vector.broadcast %add3A_220 : f32 to vector<16xf32>
      %add3A_293 = arith.addf %masked_cumsum3A_291, %add3A_292 : vector<16xf32>
      %swap3A_294 = arith.constant 0 : i32
      %swap3A_295 = arith.index_cast %swap3A_294 : i32 to index
      %swap3A_296 = arith.index_cast %add3A_284 : i32 to index
      %swap3A_297 = tpu.vector_load %arg5[%swap3A_295, %swap3A_296] {strides = array<i32>} : memref<1x32768xf32, #tpu.memory_space<vmem>>, vector<16xf32>,
      tpu.vector_store %arg5[%swap3A_295, %swap3A_296], %add3A_293 {strides = array<i32>} : memref<1x32768xf32, #tpu.memory_space<vmem>>, vector<16xf32>,
      %slice3A_298 = vector.extract_strided_slice %masked_cumsum3A_291 {offsets = [15], sizes = [1], strides = [1]} : vector<16xf32> to vector<1xf32>
      %squeeze3A_299 = vector.extract %slice3A_298[0] : f32 from vector<1xf32>
      %add3A_300 = arith.addf %add3A_220, %squeeze3A_299 : f32
      %add3A_301 = arith.constant 24576 : i32
      %add3A_302 = arith.addi %add3A_301, %mul3A_166 : i32
      %add3A_303 = arith.constant 16 : i32
      %add3A_304 = arith.addi %add3A_302, %add3A_303 : i32
      %get3A_305 = arith.constant 0 : i32
      %get3A_306 = arith.index_cast %get3A_305 : i32 to index
      %get3A_307 = arith.index_cast %add3A_304 : i32 to index
      %get3A_308 = tpu.vector_load %arg5[%get3A_306, %get3A_307] {strides = array<i32>} : memref<1x32768xf32, #tpu.memory_space<vmem>>, vector<16xf32>,
      %broadcast_in_dim3A_309 = arith.constant true
      %broadcast_in_dim3A_310 = vector.broadcast %broadcast_in_dim3A_309 : i1 to vector<16xi1>
      %masked_cumsum3A_311 = tpu.scan <sum>, %get3A_308 masked %broadcast_in_dim3A_310 : vector<16xf32>, vector<16xi1> -> vector<16xf32>
      %add3A_312 = vector.broadcast %add3A_240 : f32 to vector<16xf32>
      %add3A_313 = arith.addf %masked_cumsum3A_311, %add3A_312 : vector<16xf32>
      %swap3A_314 = arith.constant 0 : i32
      %swap3A_315 = arith.index_cast %swap3A_314 : i32 to index
      %swap3A_316 = arith.index_cast %add3A_304 : i32 to index
      %swap3A_317 = tpu.vector_load %arg5[%swap3A_315, %swap3A_316] {strides = array<i32>} : memref<1x32768xf32, #tpu.memory_space<vmem>>, vector<16xf32>,
      tpu.vector_store %arg5[%swap3A_315, %swap3A_316], %add3A_313 {strides = array<i32>} : memref<1x32768xf32, #tpu.memory_space<vmem>>, vector<16xf32>,
      %slice3A_318 = vector.extract_strided_slice %masked_cumsum3A_311 {offsets = [15], sizes = [1], strides = [1]} : vector<16xf32> to vector<1xf32>
      %squeeze3A_319 = vector.extract %slice3A_318[0] : f32 from vector<1xf32>
      %add3A_320 = arith.addf %add3A_240, %squeeze3A_319 : f32
      %add3A_321 = arith.constant 0 : i32
      %add3A_322 = arith.addi %add3A_321, %mul3A_166 : i32
      %add3A_323 = arith.constant 32 : i32
      %add3A_324 = arith.addi %add3A_322, %add3A_323 : i32
      %get3A_325 = arith.constant 0 : i32
      %get3A_326 = arith.index_cast %get3A_325 : i32 to index
      %get3A_327 = arith.index_cast %add3A_324 : i32 to index
      %get3A_328 = tpu.vector_load %arg5[%get3A_326, %get3A_327] {strides = array<i32>} : memref<1x32768xf32, #tpu.memory_space<vmem>>, vector<16xf32>,
      %broadcast_in_dim3A_329 = arith.constant true
      %broadcast_in_dim3A_330 = vector.broadcast %broadcast_in_dim3A_329 : i1 to vector<16xi1>
      %masked_cumsum3A_331 = tpu.scan <sum>, %get3A_328 masked %broadcast_in_dim3A_330 : vector<16xf32>, vector<16xi1> -> vector<16xf32>
      %add3A_332 = vector.broadcast %add3A_260 : f32 to vector<16xf32>
      %add3A_333 = arith.addf %masked_cumsum3A_331, %add3A_332 : vector<16xf32>
      %swap3A_334 = arith.constant 0 : i32
      %swap3A_335 = arith.index_cast %swap3A_334 : i32 to index
      %swap3A_336 = arith.index_cast %add3A_324 : i32 to index
      %swap3A_337 = tpu.vector_load %arg5[%swap3A_335, %swap3A_336] {strides = array<i32>} : memref<1x32768xf32, #tpu.memory_space<vmem>>, vector<16xf32>,
      tpu.vector_store %arg5[%swap3A_335, %swap3A_336], %add3A_333 {strides = array<i32>} : memref<1x32768xf32, #tpu.memory_space<vmem>>, vector<16xf32>,
      %slice3A_338 = vector.extract_strided_slice %masked_cumsum3A_331 {offsets = [15], sizes = [1], strides = [1]} : vector<16xf32> to vector<1xf32>
      %squeeze3A_339 = vector.extract %slice3A_338[0] : f32 from vector<1xf32>
      %add3A_340 = arith.addf %add3A_260, %squeeze3A_339 : f32
      %add3A_341 = arith.constant 8192 : i32
      %add3A_342 = arith.addi %add3A_341, %mul3A_166 : i32
      %add3A_343 = arith.constant 32 : i32
      %add3A_344 = arith.addi %add3A_342, %add3A_343 : i32
      %get3A_345 = arith.constant 0 : i32
      %get3A_346 = arith.index_cast %get3A_345 : i32 to index
      %get3A_347 = arith.index_cast %add3A_344 : i32 to index
      %get3A_348 = tpu.vector_load %arg5[%get3A_346, %get3A_347] {strides = array<i32>} : memref<1x32768xf32, #tpu.memory_space<vmem>>, vector<16xf32>,
      %broadcast_in_dim3A_349 = arith.constant true
      %broadcast_in_dim3A_350 = vector.broadcast %broadcast_in_dim3A_349 : i1 to vector<16xi1>
      %masked_cumsum3A_351 = tpu.scan <sum>, %get3A_348 masked %broadcast_in_dim3A_350 : vector<16xf32>, vector<16xi1> -> vector<16xf32>
      %add3A_352 = vector.broadcast %add3A_280 : f32 to vector<16xf32>
      %add3A_353 = arith.addf %masked_cumsum3A_351, %add3A_352 : vector<16xf32>
      %swap3A_354 = arith.constant 0 : i32
      %swap3A_355 = arith.index_cast %swap3A_354 : i32 to index
      %swap3A_356 = arith.index_cast %add3A_344 : i32 to index
      %swap3A_357 = tpu.vector_load %arg5[%swap3A_355, %swap3A_356] {strides = array<i32>} : memref<1x32768xf32, #tpu.memory_space<vmem>>, vector<16xf32>,
      tpu.vector_store %arg5[%swap3A_355, %swap3A_356], %add3A_353 {strides = array<i32>} : memref<1x32768xf32, #tpu.memory_space<vmem>>, vector<16xf32>,
      %slice3A_358 = vector.extract_strided_slice %masked_cumsum3A_351 {offsets = [15], sizes = [1], strides = [1]} : vector<16xf32> to vector<1xf32>
      %squeeze3A_359 = vector.extract %slice3A_358[0] : f32 from vector<1xf32>
      %add3A_360 = arith.addf %add3A_280, %squeeze3A_359 : f32
      %add3A_361 = arith.constant 16384 : i32
      %add3A_362 = arith.addi %add3A_361, %mul3A_166 : i32
      %add3A_363 = arith.constant 32 : i32
      %add3A_364 = arith.addi %add3A_362, %add3A_363 : i32
      %get3A_365 = arith.constant 0 : i32
      %get3A_366 = arith.index_cast %get3A_365 : i32 to index
      %get3A_367 = arith.index_cast %add3A_364 : i32 to index
      %get3A_368 = tpu.vector_load %arg5[%get3A_366, %get3A_367] {strides = array<i32>} : memref<1x32768xf32, #tpu.memory_space<vmem>>, vector<16xf32>,
      %broadcast_in_dim3A_369 = arith.constant true
      %broadcast_in_dim3A_370 = vector.broadcast %broadcast_in_dim3A_369 : i1 to vector<16xi1>
      %masked_cumsum3A_371 = tpu.scan <sum>, %get3A_368 masked %broadcast_in_dim3A_370 : vector<16xf32>, vector<16xi1> -> vector<16xf32>
      %add3A_372 = vector.broadcast %add3A_300 : f32 to vector<16xf32>
      %add3A_373 = arith.addf %masked_cumsum3A_371, %add3A_372 : vector<16xf32>
      %swap3A_374 = arith.constant 0 : i32
      %swap3A_375 = arith.index_cast %swap3A_374 : i32 to index
      %swap3A_376 = arith.index_cast %add3A_364 : i32 to index
      %swap3A_377 = tpu.vector_load %arg5[%swap3A_375, %swap3A_376] {strides = array<i32>} : memref<1x32768xf32, #tpu.memory_space<vmem>>, vector<16xf32>,
      tpu.vector_store %arg5[%swap3A_375, %swap3A_376], %add3A_373 {strides = array<i32>} : memref<1x32768xf32, #tpu.memory_space<vmem>>, vector<16xf32>,
      %slice3A_378 = vector.extract_strided_slice %masked_cumsum3A_371 {offsets = [15], sizes = [1], strides = [1]} : vector<16xf32> to vector<1xf32>
      %squeeze3A_379 = vector.extract %slice3A_378[0] : f32 from vector<1xf32>
      %add3A_380 = arith.addf %add3A_300, %squeeze3A_379 : f32
      %add3A_381 = arith.constant 24576 : i32
      %add3A_382 = arith.addi %add3A_381, %mul3A_166 : i32
      %add3A_383 = arith.constant 32 : i32
      %add3A_384 = arith.addi %add3A_382, %add3A_383 : i32
      %get3A_385 = arith.constant 0 : i32
      %get3A_386 = arith.index_cast %get3A_385 : i32 to index
      %get3A_387 = arith.index_cast %add3A_384 : i32 to index
      %get3A_388 = tpu.vector_load %arg5[%get3A_386, %get3A_387] {strides = array<i32>} : memref<1x32768xf32, #tpu.memory_space<vmem>>, vector<16xf32>,
      %broadcast_in_dim3A_389 = arith.constant true
      %broadcast_in_dim3A_390 = vector.broadcast %broadcast_in_dim3A_389 : i1 to vector<16xi1>
      %masked_cumsum3A_391 = tpu.scan <sum>, %get3A_388 masked %broadcast_in_dim3A_390 : vector<16xf32>, vector<16xi1> -> vector<16xf32>
      %add3A_392 = vector.broadcast %add3A_320 : f32 to vector<16xf32>
      %add3A_393 = arith.addf %masked_cumsum3A_391, %add3A_392 : vector<16xf32>
      %swap3A_394 = arith.constant 0 : i32
      %swap3A_395 = arith.index_cast %swap3A_394 : i32 to index
      %swap3A_396 = arith.index_cast %add3A_384 : i32 to index
      %swap3A_397 = tpu.vector_load %arg5[%swap3A_395, %swap3A_396] {strides = array<i32>} : memref<1x32768xf32, #tpu.memory_space<vmem>>, vector<16xf32>,
      tpu.vector_store %arg5[%swap3A_395, %swap3A_396], %add3A_393 {strides = array<i32>} : memref<1x32768xf32, #tpu.memory_space<vmem>>, vector<16xf32>,
      %slice3A_398 = vector.extract_strided_slice %masked_cumsum3A_391 {offsets = [15], sizes = [1], strides = [1]} : vector<16xf32> to vector<1xf32>
      %squeeze3A_399 = vector.extract %slice3A_398[0] : f32 from vector<1xf32>
      %add3A_400 = arith.addf %add3A_320, %squeeze3A_399 : f32
      %add3A_401 = arith.constant 0 : i32
      %add3A_402 = arith.addi %add3A_401, %mul3A_166 : i32
      %add3A_403 = arith.constant 48 : i32
      %add3A_404 = arith.addi %add3A_402, %add3A_403 : i32
      %get3A_405 = arith.constant 0 : i32
      %get3A_406 = arith.index_cast %get3A_405 : i32 to index
      %get3A_407 = arith.index_cast %add3A_404 : i32 to index
      %get3A_408 = tpu.vector_load %arg5[%get3A_406, %get3A_407] {strides = array<i32>} : memref<1x32768xf32, #tpu.memory_space<vmem>>, vector<16xf32>,
      %broadcast_in_dim3A_409 = arith.constant true
      %broadcast_in_dim3A_410 = vector.broadcast %broadcast_in_dim3A_409 : i1 to vector<16xi1>
      %masked_cumsum3A_411 = tpu.scan <sum>, %get3A_408 masked %broadcast_in_dim3A_410 : vector<16xf32>, vector<16xi1> -> vector<16xf32>
      %add3A_412 = vector.broadcast %add3A_340 : f32 to vector<16xf32>
      %add3A_413 = arith.addf %masked_cumsum3A_411, %add3A_412 : vector<16xf32>
      %swap3A_414 = arith.constant 0 : i32
      %swap3A_415 = arith.index_cast %swap3A_414 : i32 to index
      %swap3A_416 = arith.index_cast %add3A_404 : i32 to index
      %swap3A_417 = tpu.vector_load %arg5[%swap3A_415, %swap3A_416] {strides = array<i32>} : memref<1x32768xf32, #tpu.memory_space<vmem>>, vector<16xf32>,
      tpu.vector_store %arg5[%swap3A_415, %swap3A_416], %add3A_413 {strides = array<i32>} : memref<1x32768xf32, #tpu.memory_space<vmem>>, vector<16xf32>,
      %slice3A_418 = vector.extract_strided_slice %masked_cumsum3A_411 {offsets = [15], sizes = [1], strides = [1]} : vector<16xf32> to vector<1xf32>
      %squeeze3A_419 = vector.extract %slice3A_418[0] : f32 from vector<1xf32>
      %add3A_420 = arith.addf %add3A_340, %squeeze3A_419 : f32
      %add3A_421 = arith.constant 8192 : i32
      %add3A_422 = arith.addi %add3A_421, %mul3A_166 : i32
      %add3A_423 = arith.constant 48 : i32
      %add3A_424 = arith.addi %add3A_422, %add3A_423 : i32
      %get3A_425 = arith.constant 0 : i32
      %get3A_426 = arith.index_cast %get3A_425 : i32 to index
      %get3A_427 = arith.index_cast %add3A_424 : i32 to index
      %get3A_428 = tpu.vector_load %arg5[%get3A_426, %get3A_427] {strides = array<i32>} : memref<1x32768xf32, #tpu.memory_space<vmem>>, vector<16xf32>,
      %broadcast_in_dim3A_429 = arith.constant true
      %broadcast_in_dim3A_430 = vector.broadcast %broadcast_in_dim3A_429 : i1 to vector<16xi1>
      %masked_cumsum3A_431 = tpu.scan <sum>, %get3A_428 masked %broadcast_in_dim3A_430 : vector<16xf32>, vector<16xi1> -> vector<16xf32>
      %add3A_432 = vector.broadcast %add3A_360 : f32 to vector<16xf32>
      %add3A_433 = arith.addf %masked_cumsum3A_431, %add3A_432 : vector<16xf32>
      %swap3A_434 = arith.constant 0 : i32
      %swap3A_435 = arith.index_cast %swap3A_434 : i32 to index
      %swap3A_436 = arith.index_cast %add3A_424 : i32 to index
      %swap3A_437 = tpu.vector_load %arg5[%swap3A_435, %swap3A_436] {strides = array<i32>} : memref<1x32768xf32, #tpu.memory_space<vmem>>, vector<16xf32>,
      tpu.vector_store %arg5[%swap3A_435, %swap3A_436], %add3A_433 {strides = array<i32>} : memref<1x32768xf32, #tpu.memory_space<vmem>>, vector<16xf32>,
      %slice3A_438 = vector.extract_strided_slice %masked_cumsum3A_431 {offsets = [15], sizes = [1], strides = [1]} : vector<16xf32> to vector<1xf32>
      %squeeze3A_439 = vector.extract %slice3A_438[0] : f32 from vector<1xf32>
      %add3A_440 = arith.addf %add3A_360, %squeeze3A_439 : f32
      %add3A_441 = arith.constant 16384 : i32
      %add3A_442 = arith.addi %add3A_441, %mul3A_166 : i32
      %add3A_443 = arith.constant 48 : i32
      %add3A_444 = arith.addi %add3A_442, %add3A_443 : i32
      %get3A_445 = arith.constant 0 : i32
      %get3A_446 = arith.index_cast %get3A_445 : i32 to index
      %get3A_447 = arith.index_cast %add3A_444 : i32 to index
      %get3A_448 = tpu.vector_load %arg5[%get3A_446, %get3A_447] {strides = array<i32>} : memref<1x32768xf32, #tpu.memory_space<vmem>>, vector<16xf32>,
      %broadcast_in_dim3A_449 = arith.constant true
      %broadcast_in_dim3A_450 = vector.broadcast %broadcast_in_dim3A_449 : i1 to vector<16xi1>
      %masked_cumsum3A_451 = tpu.scan <sum>, %get3A_448 masked %broadcast_in_dim3A_450 : vector<16xf32>, vector<16xi1> -> vector<16xf32>
      %add3A_452 = vector.broadcast %add3A_380 : f32 to vector<16xf32>
      %add3A_453 = arith.addf %masked_cumsum3A_451, %add3A_452 : vector<16xf32>
      %swap3A_454 = arith.constant 0 : i32
      %swap3A_455 = arith.index_cast %swap3A_454 : i32 to index
      %swap3A_456 = arith.index_cast %add3A_444 : i32 to index
      %swap3A_457 = tpu.vector_load %arg5[%swap3A_455, %swap3A_456] {strides = array<i32>} : memref<1x32768xf32, #tpu.memory_space<vmem>>, vector<16xf32>,
      tpu.vector_store %arg5[%swap3A_455, %swap3A_456], %add3A_453 {strides = array<i32>} : memref<1x32768xf32, #tpu.memory_space<vmem>>, vector<16xf32>,
      %slice3A_458 = vector.extract_strided_slice %masked_cumsum3A_451 {offsets = [15], sizes = [1], strides = [1]} : vector<16xf32> to vector<1xf32>
      %squeeze3A_459 = vector.extract %slice3A_458[0] : f32 from vector<1xf32>
      %add3A_460 = arith.addf %add3A_380, %squeeze3A_459 : f32
      %add3A_461 = arith.constant 24576 : i32
      %add3A_462 = arith.addi %add3A_461, %mul3A_166 : i32
      %add3A_463 = arith.constant 48 : i32
      %add3A_464 = arith.addi %add3A_462, %add3A_463 : i32
      %get3A_465 = arith.constant 0 : i32
      %get3A_466 = arith.index_cast %get3A_465 : i32 to index
      %get3A_467 = arith.index_cast %add3A_464 : i32 to index
      %get3A_468 = tpu.vector_load %arg5[%get3A_466, %get3A_467] {strides = array<i32>} : memref<1x32768xf32, #tpu.memory_space<vmem>>, vector<16xf32>,
      %broadcast_in_dim3A_469 = arith.constant true
      %broadcast_in_dim3A_470 = vector.broadcast %broadcast_in_dim3A_469 : i1 to vector<16xi1>
      %masked_cumsum3A_471 = tpu.scan <sum>, %get3A_468 masked %broadcast_in_dim3A_470 : vector<16xf32>, vector<16xi1> -> vector<16xf32>
      %add3A_472 = vector.broadcast %add3A_400 : f32 to vector<16xf32>
      %add3A_473 = arith.addf %masked_cumsum3A_471, %add3A_472 : vector<16xf32>
      %swap3A_474 = arith.constant 0 : i32
      %swap3A_475 = arith.index_cast %swap3A_474 : i32 to index
      %swap3A_476 = arith.index_cast %add3A_464 : i32 to index
      %swap3A_477 = tpu.vector_load %arg5[%swap3A_475, %swap3A_476] {strides = array<i32>} : memref<1x32768xf32, #tpu.memory_space<vmem>>, vector<16xf32>,
      tpu.vector_store %arg5[%swap3A_475, %swap3A_476], %add3A_473 {strides = array<i32>} : memref<1x32768xf32, #tpu.memory_space<vmem>>, vector<16xf32>,
      %slice3A_478 = vector.extract_strided_slice %masked_cumsum3A_471 {offsets = [15], sizes = [1], strides = [1]} : vector<16xf32> to vector<1xf32>
      %squeeze3A_479 = vector.extract %slice3A_478[0] : f32 from vector<1xf32>
      %add3A_480 = arith.addf %add3A_400, %squeeze3A_479 : f32
      %add3A_481 = arith.constant 0 : i32
      %add3A_482 = arith.addi %add3A_481, %mul3A_166 : i32
      %add3A_483 = arith.constant 64 : i32
      %add3A_484 = arith.addi %add3A_482, %add3A_483 : i32
      %get3A_485 = arith.constant 0 : i32
      %get3A_486 = arith.index_cast %get3A_485 : i32 to index
      %get3A_487 = arith.index_cast %add3A_484 : i32 to index
      %get3A_488 = tpu.vector_load %arg5[%get3A_486, %get3A_487] {strides = array<i32>} : memref<1x32768xf32, #tpu.memory_space<vmem>>, vector<16xf32>,
      %broadcast_in_dim3A_489 = arith.constant true
      %broadcast_in_dim3A_490 = vector.broadcast %broadcast_in_dim3A_489 : i1 to vector<16xi1>
      %masked_cumsum3A_491 = tpu.scan <sum>, %get3A_488 masked %broadcast_in_dim3A_490 : vector<16xf32>, vector<16xi1> -> vector<16xf32>
      %add3A_492 = vector.broadcast %add3A_420 : f32 to vector<16xf32>
      %add3A_493 = arith.addf %masked_cumsum3A_491, %add3A_492 : vector<16xf32>
      %swap3A_494 = arith.constant 0 : i32
      %swap3A_495 = arith.index_cast %swap3A_494 : i32 to index
      %swap3A_496 = arith.index_cast %add3A_484 : i32 to index
      %swap3A_497 = tpu.vector_load %arg5[%swap3A_495, %swap3A_496] {strides = array<i32>} : memref<1x32768xf32, #tpu.memory_space<vmem>>, vector<16xf32>,
      tpu.vector_store %arg5[%swap3A_495, %swap3A_496], %add3A_493 {strides = array<i32>} : memref<1x32768xf32, #tpu.memory_space<vmem>>, vector<16xf32>,
      %slice3A_498 = vector.extract_strided_slice %masked_cumsum3A_491 {offsets = [15], sizes = [1], strides = [1]} : vector<16xf32> to vector<1xf32>
      %squeeze3A_499 = vector.extract %slice3A_498[0] : f32 from vector<1xf32>
      %add3A_500 = arith.addf %add3A_420, %squeeze3A_499 : f32
      %add3A_501 = arith.constant 8192 : i32
      %add3A_502 = arith.addi %add3A_501, %mul3A_166 : i32
      %add3A_503 = arith.constant 64 : i32
      %add3A_504 = arith.addi %add3A_502, %add3A_503 : i32
      %get3A_505 = arith.constant 0 : i32
      %get3A_506 = arith.index_cast %get3A_505 : i32 to index
      %get3A_507 = arith.index_cast %add3A_504 : i32 to index
      %get3A_508 = tpu.vector_load %arg5[%get3A_506, %get3A_507] {strides = array<i32>} : memref<1x32768xf32, #tpu.memory_space<vmem>>, vector<16xf32>,
      %broadcast_in_dim3A_509 = arith.constant true
      %broadcast_in_dim3A_510 = vector.broadcast %broadcast_in_dim3A_509 : i1 to vector<16xi1>
      %masked_cumsum3A_511 = tpu.scan <sum>, %get3A_508 masked %broadcast_in_dim3A_510 : vector<16xf32>, vector<16xi1> -> vector<16xf32>
      %add3A_512 = vector.broadcast %add3A_440 : f32 to vector<16xf32>
      %add3A_513 = arith.addf %masked_cumsum3A_511, %add3A_512 : vector<16xf32>
      %swap3A_514 = arith.constant 0 : i32
      %swap3A_515 = arith.index_cast %swap3A_514 : i32 to index
      %swap3A_516 = arith.index_cast %add3A_504 : i32 to index
      %swap3A_517 = tpu.vector_load %arg5[%swap3A_515, %swap3A_516] {strides = array<i32>} : memref<1x32768xf32, #tpu.memory_space<vmem>>, vector<16xf32>,
      tpu.vector_store %arg5[%swap3A_515, %swap3A_516], %add3A_513 {strides = array<i32>} : memref<1x32768xf32, #tpu.memory_space<vmem>>, vector<16xf32>,
      %slice3A_518 = vector.extract_strided_slice %masked_cumsum3A_511 {offsets = [15], sizes = [1], strides = [1]} : vector<16xf32> to vector<1xf32>
      %squeeze3A_519 = vector.extract %slice3A_518[0] : f32 from vector<1xf32>
      %add3A_520 = arith.addf %add3A_440, %squeeze3A_519 : f32
      %add3A_521 = arith.constant 16384 : i32
      %add3A_522 = arith.addi %add3A_521, %mul3A_166 : i32
      %add3A_523 = arith.constant 64 : i32
      %add3A_524 = arith.addi %add3A_522, %add3A_523 : i32
      %get3A_525 = arith.constant 0 : i32
      %get3A_526 = arith.index_cast %get3A_525 : i32 to index
      %get3A_527 = arith.index_cast %add3A_524 : i32 to index
      %get3A_528 = tpu.vector_load %arg5[%get3A_526, %get3A_527] {strides = array<i32>} : memref<1x32768xf32, #tpu.memory_space<vmem>>, vector<16xf32>,
      %broadcast_in_dim3A_529 = arith.constant true
      %broadcast_in_dim3A_530 = vector.broadcast %broadcast_in_dim3A_529 : i1 to vector<16xi1>
      %masked_cumsum3A_531 = tpu.scan <sum>, %get3A_528 masked %broadcast_in_dim3A_530 : vector<16xf32>, vector<16xi1> -> vector<16xf32>
      %add3A_532 = vector.broadcast %add3A_460 : f32 to vector<16xf32>
      %add3A_533 = arith.addf %masked_cumsum3A_531, %add3A_532 : vector<16xf32>
      %swap3A_534 = arith.constant 0 : i32
      %swap3A_535 = arith.index_cast %swap3A_534 : i32 to index
      %swap3A_536 = arith.index_cast %add3A_524 : i32 to index
      %swap3A_537 = tpu.vector_load %arg5[%swap3A_535, %swap3A_536] {strides = array<i32>} : memref<1x32768xf32, #tpu.memory_space<vmem>>, vector<16xf32>,
      tpu.vector_store %arg5[%swap3A_535, %swap3A_536], %add3A_533 {strides = array<i32>} : memref<1x32768xf32, #tpu.memory_space<vmem>>, vector<16xf32>,
      %slice3A_538 = vector.extract_strided_slice %masked_cumsum3A_531 {offsets = [15], sizes = [1], strides = [1]} : vector<16xf32> to vector<1xf32>
      %squeeze3A_539 = vector.extract %slice3A_538[0] : f32 from vector<1xf32>
      %add3A_540 = arith.addf %add3A_460, %squeeze3A_539 : f32
      %add3A_541 = arith.constant 24576 : i32
      %add3A_542 = arith.addi %add3A_541, %mul3A_166 : i32
      %add3A_543 = arith.constant 64 : i32
      %add3A_544 = arith.addi %add3A_542, %add3A_543 : i32
      %get3A_545 = arith.constant 0 : i32
      %get3A_546 = arith.index_cast %get3A_545 : i32 to index
      %get3A_547 = arith.index_cast %add3A_544 : i32 to index
      %get3A_548 = tpu.vector_load %arg5[%get3A_546, %get3A_547] {strides = array<i32>} : memref<1x32768xf32, #tpu.memory_space<vmem>>, vector<16xf32>,
      %broadcast_in_dim3A_549 = arith.constant true
      %broadcast_in_dim3A_550 = vector.broadcast %broadcast_in_dim3A_549 : i1 to vector<16xi1>
      %masked_cumsum3A_551 = tpu.scan <sum>, %get3A_548 masked %broadcast_in_dim3A_550 : vector<16xf32>, vector<16xi1> -> vector<16xf32>
      %add3A_552 = vector.broadcast %add3A_480 : f32 to vector<16xf32>
      %add3A_553 = arith.addf %masked_cumsum3A_551, %add3A_552 : vector<16xf32>
      %swap3A_554 = arith.constant 0 : i32
      %swap3A_555 = arith.index_cast %swap3A_554 : i32 to index
      %swap3A_556 = arith.index_cast %add3A_544 : i32 to index
      %swap3A_557 = tpu.vector_load %arg5[%swap3A_555, %swap3A_556] {strides = array<i32>} : memref<1x32768xf32, #tpu.memory_space<vmem>>, vector<16xf32>,
      tpu.vector_store %arg5[%swap3A_555, %swap3A_556], %add3A_553 {strides = array<i32>} : memref<1x32768xf32, #tpu.memory_space<vmem>>, vector<16xf32>,
      %slice3A_558 = vector.extract_strided_slice %masked_cumsum3A_551 {offsets = [15], sizes = [1], strides = [1]} : vector<16xf32> to vector<1xf32>
      %squeeze3A_559 = vector.extract %slice3A_558[0] : f32 from vector<1xf32>
      %add3A_560 = arith.addf %add3A_480, %squeeze3A_559 : f32
      %add3A_561 = arith.constant 0 : i32
      %add3A_562 = arith.addi %add3A_561, %mul3A_166 : i32
      %add3A_563 = arith.constant 80 : i32
      %add3A_564 = arith.addi %add3A_562, %add3A_563 : i32
      %get3A_565 = arith.constant 0 : i32
      %get3A_566 = arith.index_cast %get3A_565 : i32 to index
      %get3A_567 = arith.index_cast %add3A_564 : i32 to index
      %get3A_568 = tpu.vector_load %arg5[%get3A_566, %get3A_567] {strides = array<i32>} : memref<1x32768xf32, #tpu.memory_space<vmem>>, vector<16xf32>,
      %broadcast_in_dim3A_569 = arith.constant true
      %broadcast_in_dim3A_570 = vector.broadcast %broadcast_in_dim3A_569 : i1 to vector<16xi1>
      %masked_cumsum3A_571 = tpu.scan <sum>, %get3A_568 masked %broadcast_in_dim3A_570 : vector<16xf32>, vector<16xi1> -> vector<16xf32>
      %add3A_572 = vector.broadcast %add3A_500 : f32 to vector<16xf32>
      %add3A_573 = arith.addf %masked_cumsum3A_571, %add3A_572 : vector<16xf32>
      %swap3A_574 = arith.constant 0 : i32
      %swap3A_575 = arith.index_cast %swap3A_574 : i32 to index
      %swap3A_576 = arith.index_cast %add3A_564 : i32 to index
      %swap3A_577 = tpu.vector_load %arg5[%swap3A_575, %swap3A_576] {strides = array<i32>} : memref<1x32768xf32, #tpu.memory_space<vmem>>, vector<16xf32>,
      tpu.vector_store %arg5[%swap3A_575, %swap3A_576], %add3A_573 {strides = array<i32>} : memref<1x32768xf32, #tpu.memory_space<vmem>>, vector<16xf32>,
      %slice3A_578 = vector.extract_strided_slice %masked_cumsum3A_571 {offsets = [15], sizes = [1], strides = [1]} : vector<16xf32> to vector<1xf32>
      %squeeze3A_579 = vector.extract %slice3A_578[0] : f32 from vector<1xf32>
      %add3A_580 = arith.addf %add3A_500, %squeeze3A_579 : f32
      %add3A_581 = arith.constant 8192 : i32
      %add3A_582 = arith.addi %add3A_581, %mul3A_166 : i32
      %add3A_583 = arith.constant 80 : i32
      %add3A_584 = arith.addi %add3A_582, %add3A_583 : i32
      %get3A_585 = arith.constant 0 : i32
      %get3A_586 = arith.index_cast %get3A_585 : i32 to index
      %get3A_587 = arith.index_cast %add3A_584 : i32 to index
      %get3A_588 = tpu.vector_load %arg5[%get3A_586, %get3A_587] {strides = array<i32>} : memref<1x32768xf32, #tpu.memory_space<vmem>>, vector<16xf32>,
      %broadcast_in_dim3A_589 = arith.constant true
      %broadcast_in_dim3A_590 = vector.broadcast %broadcast_in_dim3A_589 : i1 to vector<16xi1>
      %masked_cumsum3A_591 = tpu.scan <sum>, %get3A_588 masked %broadcast_in_dim3A_590 : vector<16xf32>, vector<16xi1> -> vector<16xf32>
      %add3A_592 = vector.broadcast %add3A_520 : f32 to vector<16xf32>
      %add3A_593 = arith.addf %masked_cumsum3A_591, %add3A_592 : vector<16xf32>
      %swap3A_594 = arith.constant 0 : i32
      %swap3A_595 = arith.index_cast %swap3A_594 : i32 to index
      %swap3A_596 = arith.index_cast %add3A_584 : i32 to index
      %swap3A_597 = tpu.vector_load %arg5[%swap3A_595, %swap3A_596] {strides = array<i32>} : memref<1x32768xf32, #tpu.memory_space<vmem>>, vector<16xf32>,
      tpu.vector_store %arg5[%swap3A_595, %swap3A_596], %add3A_593 {strides = array<i32>} : memref<1x32768xf32, #tpu.memory_space<vmem>>, vector<16xf32>,
      %slice3A_598 = vector.extract_strided_slice %masked_cumsum3A_591 {offsets = [15], sizes = [1], strides = [1]} : vector<16xf32> to vector<1xf32>
      %squeeze3A_599 = vector.extract %slice3A_598[0] : f32 from vector<1xf32>
      %add3A_600 = arith.addf %add3A_520, %squeeze3A_599 : f32
      %add3A_601 = arith.constant 16384 : i32
      %add3A_602 = arith.addi %add3A_601, %mul3A_166 : i32
      %add3A_603 = arith.constant 80 : i32
      %add3A_604 = arith.addi %add3A_602, %add3A_603 : i32
      %get3A_605 = arith.constant 0 : i32
      %get3A_606 = arith.index_cast %get3A_605 : i32 to index
      %get3A_607 = arith.index_cast %add3A_604 : i32 to index
      %get3A_608 = tpu.vector_load %arg5[%get3A_606, %get3A_607] {strides = array<i32>} : memref<1x32768xf32, #tpu.memory_space<vmem>>, vector<16xf32>,
      %broadcast_in_dim3A_609 = arith.constant true
      %broadcast_in_dim3A_610 = vector.broadcast %broadcast_in_dim3A_609 : i1 to vector<16xi1>
      %masked_cumsum3A_611 = tpu.scan <sum>, %get3A_608 masked %broadcast_in_dim3A_610 : vector<16xf32>, vector<16xi1> -> vector<16xf32>
      %add3A_612 = vector.broadcast %add3A_540 : f32 to vector<16xf32>
      %add3A_613 = arith.addf %masked_cumsum3A_611, %add3A_612 : vector<16xf32>
      %swap3A_614 = arith.constant 0 : i32
      %swap3A_615 = arith.index_cast %swap3A_614 : i32 to index
      %swap3A_616 = arith.index_cast %add3A_604 : i32 to index
      %swap3A_617 = tpu.vector_load %arg5[%swap3A_615, %swap3A_616] {strides = array<i32>} : memref<1x32768xf32, #tpu.memory_space<vmem>>, vector<16xf32>,
      tpu.vector_store %arg5[%swap3A_615, %swap3A_616], %add3A_613 {strides = array<i32>} : memref<1x32768xf32, #tpu.memory_space<vmem>>, vector<16xf32>,
      %slice3A_618 = vector.extract_strided_slice %masked_cumsum3A_611 {offsets = [15], sizes = [1], strides = [1]} : vector<16xf32> to vector<1xf32>
      %squeeze3A_619 = vector.extract %slice3A_618[0] : f32 from vector<1xf32>
      %add3A_620 = arith.addf %add3A_540, %squeeze3A_619 : f32
      %add3A_621 = arith.constant 24576 : i32
      %add3A_622 = arith.addi %add3A_621, %mul3A_166 : i32
      %add3A_623 = arith.constant 80 : i32
      %add3A_624 = arith.addi %add3A_622, %add3A_623 : i32
      %get3A_625 = arith.constant 0 : i32
      %get3A_626 = arith.index_cast %get3A_625 : i32 to index
      %get3A_627 = arith.index_cast %add3A_624 : i32 to index
      %get3A_628 = tpu.vector_load %arg5[%get3A_626, %get3A_627] {strides = array<i32>} : memref<1x32768xf32, #tpu.memory_space<vmem>>, vector<16xf32>,
      %broadcast_in_dim3A_629 = arith.constant true
      %broadcast_in_dim3A_630 = vector.broadcast %broadcast_in_dim3A_629 : i1 to vector<16xi1>
      %masked_cumsum3A_631 = tpu.scan <sum>, %get3A_628 masked %broadcast_in_dim3A_630 : vector<16xf32>, vector<16xi1> -> vector<16xf32>
      %add3A_632 = vector.broadcast %add3A_560 : f32 to vector<16xf32>
      %add3A_633 = arith.addf %masked_cumsum3A_631, %add3A_632 : vector<16xf32>
      %swap3A_634 = arith.constant 0 : i32
      %swap3A_635 = arith.index_cast %swap3A_634 : i32 to index
      %swap3A_636 = arith.index_cast %add3A_624 : i32 to index
      %swap3A_637 = tpu.vector_load %arg5[%swap3A_635, %swap3A_636] {strides = array<i32>} : memref<1x32768xf32, #tpu.memory_space<vmem>>, vector<16xf32>,
      tpu.vector_store %arg5[%swap3A_635, %swap3A_636], %add3A_633 {strides = array<i32>} : memref<1x32768xf32, #tpu.memory_space<vmem>>, vector<16xf32>,
      %slice3A_638 = vector.extract_strided_slice %masked_cumsum3A_631 {offsets = [15], sizes = [1], strides = [1]} : vector<16xf32> to vector<1xf32>
      %squeeze3A_639 = vector.extract %slice3A_638[0] : f32 from vector<1xf32>
      %add3A_640 = arith.addf %add3A_560, %squeeze3A_639 : f32
      %add3A_641 = arith.constant 0 : i32
      %add3A_642 = arith.addi %add3A_641, %mul3A_166 : i32
      %add3A_643 = arith.constant 96 : i32
      %add3A_644 = arith.addi %add3A_642, %add3A_643 : i32
      %get3A_645 = arith.constant 0 : i32
      %get3A_646 = arith.index_cast %get3A_645 : i32 to index
      %get3A_647 = arith.index_cast %add3A_644 : i32 to index
      %get3A_648 = tpu.vector_load %arg5[%get3A_646, %get3A_647] {strides = array<i32>} : memref<1x32768xf32, #tpu.memory_space<vmem>>, vector<16xf32>,
      %broadcast_in_dim3A_649 = arith.constant true
      %broadcast_in_dim3A_650 = vector.broadcast %broadcast_in_dim3A_649 : i1 to vector<16xi1>
      %masked_cumsum3A_651 = tpu.scan <sum>, %get3A_648 masked %broadcast_in_dim3A_650 : vector<16xf32>, vector<16xi1> -> vector<16xf32>
      %add3A_652 = vector.broadcast %add3A_580 : f32 to vector<16xf32>
      %add3A_653 = arith.addf %masked_cumsum3A_651, %add3A_652 : vector<16xf32>
      %swap3A_654 = arith.constant 0 : i32
      %swap3A_655 = arith.index_cast %swap3A_654 : i32 to index
      %swap3A_656 = arith.index_cast %add3A_644 : i32 to index
      %swap3A_657 = tpu.vector_load %arg5[%swap3A_655, %swap3A_656] {strides = array<i32>} : memref<1x32768xf32, #tpu.memory_space<vmem>>, vector<16xf32>,
      tpu.vector_store %arg5[%swap3A_655, %swap3A_656], %add3A_653 {strides = array<i32>} : memref<1x32768xf32, #tpu.memory_space<vmem>>, vector<16xf32>,
      %slice3A_658 = vector.extract_strided_slice %masked_cumsum3A_651 {offsets = [15], sizes = [1], strides = [1]} : vector<16xf32> to vector<1xf32>
      %squeeze3A_659 = vector.extract %slice3A_658[0] : f32 from vector<1xf32>
      %add3A_660 = arith.addf %add3A_580, %squeeze3A_659 : f32
      %add3A_661 = arith.constant 8192 : i32
      %add3A_662 = arith.addi %add3A_661, %mul3A_166 : i32
      %add3A_663 = arith.constant 96 : i32
      %add3A_664 = arith.addi %add3A_662, %add3A_663 : i32
      %get3A_665 = arith.constant 0 : i32
      %get3A_666 = arith.index_cast %get3A_665 : i32 to index
      %get3A_667 = arith.index_cast %add3A_664 : i32 to index
      %get3A_668 = tpu.vector_load %arg5[%get3A_666, %get3A_667] {strides = array<i32>} : memref<1x32768xf32, #tpu.memory_space<vmem>>, vector<16xf32>,
      %broadcast_in_dim3A_669 = arith.constant true
      %broadcast_in_dim3A_670 = vector.broadcast %broadcast_in_dim3A_669 : i1 to vector<16xi1>
      %masked_cumsum3A_671 = tpu.scan <sum>, %get3A_668 masked %broadcast_in_dim3A_670 : vector<16xf32>, vector<16xi1> -> vector<16xf32>
      %add3A_672 = vector.broadcast %add3A_600 : f32 to vector<16xf32>
      %add3A_673 = arith.addf %masked_cumsum3A_671, %add3A_672 : vector<16xf32>
      %swap3A_674 = arith.constant 0 : i32
      %swap3A_675 = arith.index_cast %swap3A_674 : i32 to index
      %swap3A_676 = arith.index_cast %add3A_664 : i32 to index
      %swap3A_677 = tpu.vector_load %arg5[%swap3A_675, %swap3A_676] {strides = array<i32>} : memref<1x32768xf32, #tpu.memory_space<vmem>>, vector<16xf32>,
      tpu.vector_store %arg5[%swap3A_675, %swap3A_676], %add3A_673 {strides = array<i32>} : memref<1x32768xf32, #tpu.memory_space<vmem>>, vector<16xf32>,
      %slice3A_678 = vector.extract_strided_slice %masked_cumsum3A_671 {offsets = [15], sizes = [1], strides = [1]} : vector<16xf32> to vector<1xf32>
      %squeeze3A_679 = vector.extract %slice3A_678[0] : f32 from vector<1xf32>
      %add3A_680 = arith.addf %add3A_600, %squeeze3A_679 : f32
      %add3A_681 = arith.constant 16384 : i32
      %add3A_682 = arith.addi %add3A_681, %mul3A_166 : i32
      %add3A_683 = arith.constant 96 : i32
      %add3A_684 = arith.addi %add3A_682, %add3A_683 : i32
      %get3A_685 = arith.constant 0 : i32
      %get3A_686 = arith.index_cast %get3A_685 : i32 to index
      %get3A_687 = arith.index_cast %add3A_684 : i32 to index
      %get3A_688 = tpu.vector_load %arg5[%get3A_686, %get3A_687] {strides = array<i32>} : memref<1x32768xf32, #tpu.memory_space<vmem>>, vector<16xf32>,
      %broadcast_in_dim3A_689 = arith.constant true
      %broadcast_in_dim3A_690 = vector.broadcast %broadcast_in_dim3A_689 : i1 to vector<16xi1>
      %masked_cumsum3A_691 = tpu.scan <sum>, %get3A_688 masked %broadcast_in_dim3A_690 : vector<16xf32>, vector<16xi1> -> vector<16xf32>
      %add3A_692 = vector.broadcast %add3A_620 : f32 to vector<16xf32>
      %add3A_693 = arith.addf %masked_cumsum3A_691, %add3A_692 : vector<16xf32>
      %swap3A_694 = arith.constant 0 : i32
      %swap3A_695 = arith.index_cast %swap3A_694 : i32 to index
      %swap3A_696 = arith.index_cast %add3A_684 : i32 to index
      %swap3A_697 = tpu.vector_load %arg5[%swap3A_695, %swap3A_696] {strides = array<i32>} : memref<1x32768xf32, #tpu.memory_space<vmem>>, vector<16xf32>,
      tpu.vector_store %arg5[%swap3A_695, %swap3A_696], %add3A_693 {strides = array<i32>} : memref<1x32768xf32, #tpu.memory_space<vmem>>, vector<16xf32>,
      %slice3A_698 = vector.extract_strided_slice %masked_cumsum3A_691 {offsets = [15], sizes = [1], strides = [1]} : vector<16xf32> to vector<1xf32>
      %squeeze3A_699 = vector.extract %slice3A_698[0] : f32 from vector<1xf32>
      %add3A_700 = arith.addf %add3A_620, %squeeze3A_699 : f32
      %add3A_701 = arith.constant 24576 : i32
      %add3A_702 = arith.addi %add3A_701, %mul3A_166 : i32
      %add3A_703 = arith.constant 96 : i32
      %add3A_704 = arith.addi %add3A_702, %add3A_703 : i32
      %get3A_705 = arith.constant 0 : i32
      %get3A_706 = arith.index_cast %get3A_705 : i32 to index
      %get3A_707 = arith.index_cast %add3A_704 : i32 to index
      %get3A_708 = tpu.vector_load %arg5[%get3A_706, %get3A_707] {strides = array<i32>} : memref<1x32768xf32, #tpu.memory_space<vmem>>, vector<16xf32>,
      %broadcast_in_dim3A_709 = arith.constant true
      %broadcast_in_dim3A_710 = vector.broadcast %broadcast_in_dim3A_709 : i1 to vector<16xi1>
      %masked_cumsum3A_711 = tpu.scan <sum>, %get3A_708 masked %broadcast_in_dim3A_710 : vector<16xf32>, vector<16xi1> -> vector<16xf32>
      %add3A_712 = vector.broadcast %add3A_640 : f32 to vector<16xf32>
      %add3A_713 = arith.addf %masked_cumsum3A_711, %add3A_712 : vector<16xf32>
      %swap3A_714 = arith.constant 0 : i32
      %swap3A_715 = arith.index_cast %swap3A_714 : i32 to index
      %swap3A_716 = arith.index_cast %add3A_704 : i32 to index
      %swap3A_717 = tpu.vector_load %arg5[%swap3A_715, %swap3A_716] {strides = array<i32>} : memref<1x32768xf32, #tpu.memory_space<vmem>>, vector<16xf32>,
      tpu.vector_store %arg5[%swap3A_715, %swap3A_716], %add3A_713 {strides = array<i32>} : memref<1x32768xf32, #tpu.memory_space<vmem>>, vector<16xf32>,
      %slice3A_718 = vector.extract_strided_slice %masked_cumsum3A_711 {offsets = [15], sizes = [1], strides = [1]} : vector<16xf32> to vector<1xf32>
      %squeeze3A_719 = vector.extract %slice3A_718[0] : f32 from vector<1xf32>
      %add3A_720 = arith.addf %add3A_640, %squeeze3A_719 : f32
      %add3A_721 = arith.constant 0 : i32
      %add3A_722 = arith.addi %add3A_721, %mul3A_166 : i32
      %add3A_723 = arith.constant 112 : i32
      %add3A_724 = arith.addi %add3A_722, %add3A_723 : i32
      %get3A_725 = arith.constant 0 : i32
      %get3A_726 = arith.index_cast %get3A_725 : i32 to index
      %get3A_727 = arith.index_cast %add3A_724 : i32 to index
      %get3A_728 = tpu.vector_load %arg5[%get3A_726, %get3A_727] {strides = array<i32>} : memref<1x32768xf32, #tpu.memory_space<vmem>>, vector<16xf32>,
      %broadcast_in_dim3A_729 = arith.constant true
      %broadcast_in_dim3A_730 = vector.broadcast %broadcast_in_dim3A_729 : i1 to vector<16xi1>
      %masked_cumsum3A_731 = tpu.scan <sum>, %get3A_728 masked %broadcast_in_dim3A_730 : vector<16xf32>, vector<16xi1> -> vector<16xf32>
      %add3A_732 = vector.broadcast %add3A_660 : f32 to vector<16xf32>
      %add3A_733 = arith.addf %masked_cumsum3A_731, %add3A_732 : vector<16xf32>
      %swap3A_734 = arith.constant 0 : i32
      %swap3A_735 = arith.index_cast %swap3A_734 : i32 to index
      %swap3A_736 = arith.index_cast %add3A_724 : i32 to index
      %swap3A_737 = tpu.vector_load %arg5[%swap3A_735, %swap3A_736] {strides = array<i32>} : memref<1x32768xf32, #tpu.memory_space<vmem>>, vector<16xf32>,
      tpu.vector_store %arg5[%swap3A_735, %swap3A_736], %add3A_733 {strides = array<i32>} : memref<1x32768xf32, #tpu.memory_space<vmem>>, vector<16xf32>,
      %slice3A_738 = vector.extract_strided_slice %masked_cumsum3A_731 {offsets = [15], sizes = [1], strides = [1]} : vector<16xf32> to vector<1xf32>
      %squeeze3A_739 = vector.extract %slice3A_738[0] : f32 from vector<1xf32>
      %add3A_740 = arith.addf %add3A_660, %squeeze3A_739 : f32
      %add3A_741 = arith.constant 8192 : i32
      %add3A_742 = arith.addi %add3A_741, %mul3A_166 : i32
      %add3A_743 = arith.constant 112 : i32
      %add3A_744 = arith.addi %add3A_742, %add3A_743 : i32
      %get3A_745 = arith.constant 0 : i32
      %get3A_746 = arith.index_cast %get3A_745 : i32 to index
      %get3A_747 = arith.index_cast %add3A_744 : i32 to index
      %get3A_748 = tpu.vector_load %arg5[%get3A_746, %get3A_747] {strides = array<i32>} : memref<1x32768xf32, #tpu.memory_space<vmem>>, vector<16xf32>,
      %broadcast_in_dim3A_749 = arith.constant true
      %broadcast_in_dim3A_750 = vector.broadcast %broadcast_in_dim3A_749 : i1 to vector<16xi1>
      %masked_cumsum3A_751 = tpu.scan <sum>, %get3A_748 masked %broadcast_in_dim3A_750 : vector<16xf32>, vector<16xi1> -> vector<16xf32>
      %add3A_752 = vector.broadcast %add3A_680 : f32 to vector<16xf32>
      %add3A_753 = arith.addf %masked_cumsum3A_751, %add3A_752 : vector<16xf32>
      %swap3A_754 = arith.constant 0 : i32
      %swap3A_755 = arith.index_cast %swap3A_754 : i32 to index
      %swap3A_756 = arith.index_cast %add3A_744 : i32 to index
      %swap3A_757 = tpu.vector_load %arg5[%swap3A_755, %swap3A_756] {strides = array<i32>} : memref<1x32768xf32, #tpu.memory_space<vmem>>, vector<16xf32>,
      tpu.vector_store %arg5[%swap3A_755, %swap3A_756], %add3A_753 {strides = array<i32>} : memref<1x32768xf32, #tpu.memory_space<vmem>>, vector<16xf32>,
      %slice3A_758 = vector.extract_strided_slice %masked_cumsum3A_751 {offsets = [15], sizes = [1], strides = [1]} : vector<16xf32> to vector<1xf32>
      %squeeze3A_759 = vector.extract %slice3A_758[0] : f32 from vector<1xf32>
      %add3A_760 = arith.addf %add3A_680, %squeeze3A_759 : f32
      %add3A_761 = arith.constant 16384 : i32
      %add3A_762 = arith.addi %add3A_761, %mul3A_166 : i32
      %add3A_763 = arith.constant 112 : i32
      %add3A_764 = arith.addi %add3A_762, %add3A_763 : i32
      %get3A_765 = arith.constant 0 : i32
      %get3A_766 = arith.index_cast %get3A_765 : i32 to index
      %get3A_767 = arith.index_cast %add3A_764 : i32 to index
      %get3A_768 = tpu.vector_load %arg5[%get3A_766, %get3A_767] {strides = array<i32>} : memref<1x32768xf32, #tpu.memory_space<vmem>>, vector<16xf32>,
      %broadcast_in_dim3A_769 = arith.constant true
      %broadcast_in_dim3A_770 = vector.broadcast %broadcast_in_dim3A_769 : i1 to vector<16xi1>
      %masked_cumsum3A_771 = tpu.scan <sum>, %get3A_768 masked %broadcast_in_dim3A_770 : vector<16xf32>, vector<16xi1> -> vector<16xf32>
      %add3A_772 = vector.broadcast %add3A_700 : f32 to vector<16xf32>
      %add3A_773 = arith.addf %masked_cumsum3A_771, %add3A_772 : vector<16xf32>
      %swap3A_774 = arith.constant 0 : i32
      %swap3A_775 = arith.index_cast %swap3A_774 : i32 to index
      %swap3A_776 = arith.index_cast %add3A_764 : i32 to index
      %swap3A_777 = tpu.vector_load %arg5[%swap3A_775, %swap3A_776] {strides = array<i32>} : memref<1x32768xf32, #tpu.memory_space<vmem>>, vector<16xf32>,
      tpu.vector_store %arg5[%swap3A_775, %swap3A_776], %add3A_773 {strides = array<i32>} : memref<1x32768xf32, #tpu.memory_space<vmem>>, vector<16xf32>,
      %slice3A_778 = vector.extract_strided_slice %masked_cumsum3A_771 {offsets = [15], sizes = [1], strides = [1]} : vector<16xf32> to vector<1xf32>
      %squeeze3A_779 = vector.extract %slice3A_778[0] : f32 from vector<1xf32>
      %add3A_780 = arith.addf %add3A_700, %squeeze3A_779 : f32
      %add3A_781 = arith.constant 24576 : i32
      %add3A_782 = arith.addi %add3A_781, %mul3A_166 : i32
      %add3A_783 = arith.constant 112 : i32
      %add3A_784 = arith.addi %add3A_782, %add3A_783 : i32
      %get3A_785 = arith.constant 0 : i32
      %get3A_786 = arith.index_cast %get3A_785 : i32 to index
      %get3A_787 = arith.index_cast %add3A_784 : i32 to index
      %get3A_788 = tpu.vector_load %arg5[%get3A_786, %get3A_787] {strides = array<i32>} : memref<1x32768xf32, #tpu.memory_space<vmem>>, vector<16xf32>,
      %broadcast_in_dim3A_789 = arith.constant true
      %broadcast_in_dim3A_790 = vector.broadcast %broadcast_in_dim3A_789 : i1 to vector<16xi1>
      %masked_cumsum3A_791 = tpu.scan <sum>, %get3A_788 masked %broadcast_in_dim3A_790 : vector<16xf32>, vector<16xi1> -> vector<16xf32>
      %add3A_792 = vector.broadcast %add3A_720 : f32 to vector<16xf32>
      %add3A_793 = arith.addf %masked_cumsum3A_791, %add3A_792 : vector<16xf32>
      %swap3A_794 = arith.constant 0 : i32
      %swap3A_795 = arith.index_cast %swap3A_794 : i32 to index
      %swap3A_796 = arith.index_cast %add3A_784 : i32 to index
      %swap3A_797 = tpu.vector_load %arg5[%swap3A_795, %swap3A_796] {strides = array<i32>} : memref<1x32768xf32, #tpu.memory_space<vmem>>, vector<16xf32>,
      tpu.vector_store %arg5[%swap3A_795, %swap3A_796], %add3A_793 {strides = array<i32>} : memref<1x32768xf32, #tpu.memory_space<vmem>>, vector<16xf32>,
      %slice3A_798 = vector.extract_strided_slice %masked_cumsum3A_791 {offsets = [15], sizes = [1], strides = [1]} : vector<16xf32> to vector<1xf32>
      %squeeze3A_799 = vector.extract %slice3A_798[0] : f32 from vector<1xf32>
      %add3A_800 = arith.addf %add3A_720, %squeeze3A_799 : f32
      scf.yield %add3A_740, %add3A_760, %add3A_780, %add3A_800 : f32, f32, f32, f32
    }
    %scan3A_135 = arith.constant 64 : i32
    %add3A_136 = arith.addf %scan3A_134#0, %scan3A_134#1 : f32
    %add3A_137 = arith.addf %add3A_136, %scan3A_134#2 : f32
    %add3A_138 = arith.addf %add3A_137, %scan3A_134#3 : f32
    %scan3A_139 = arith.constant 0 : i32
    %scan3A_140 = arith.constant 0 : i32
    %scan3A_141 = arith.constant 64 : i32
    %scan3A_142 = arith.addi %scan3A_140, %scan3A_141 : i32
    %scan3A_143 = arith.constant 1 : i32
    %scan3A_144 = scf.for %scan3A_160 = %scan3A_140 to %scan3A_142 step %scan3A_143 iter_args(%scan3A_161 = %scan3A_139) -> (i32)  : i32 {
      %mul3A_162 = arith.constant 128 : i32
      %mul3A_163 = arith.muli %scan3A_160, %mul3A_162 : i32
      %add3A_164 = arith.constant 8192 : i32
      %add3A_165 = arith.addi %add3A_164, %mul3A_163 : i32
      %add3A_166 = arith.constant 0 : i32
      %add3A_167 = arith.addi %add3A_165, %add3A_166 : i32
      %get3A = arith.constant 0 : i32
      %get3A_168 = arith.index_cast %get3A : i32 to index
      %get3A_169 = arith.index_cast %add3A_167 : i32 to index
      %get3A_170 = tpu.vector_load %arg5[%get3A_168, %get3A_169] {strides = array<i32>} : memref<1x32768xf32, #tpu.memory_space<vmem>>, vector<16xf32>,
      %add3A_171 = vector.broadcast %scan3A_134#0 : f32 to vector<16xf32>
      %add3A_172 = arith.addf %get3A_170, %add3A_171 : vector<16xf32>
      %swap3A = arith.constant 0 : i32
      %swap3A_173 = arith.index_cast %swap3A : i32 to index
      %swap3A_174 = arith.index_cast %add3A_167 : i32 to index
      %swap3A_175 = tpu.vector_load %arg5[%swap3A_173, %swap3A_174] {strides = array<i32>} : memref<1x32768xf32, #tpu.memory_space<vmem>>, vector<16xf32>,
      tpu.vector_store %arg5[%swap3A_173, %swap3A_174], %add3A_172 {strides = array<i32>} : memref<1x32768xf32, #tpu.memory_space<vmem>>, vector<16xf32>,
      %add3A_176 = arith.constant 16384 : i32
      %add3A_177 = arith.addi %add3A_176, %mul3A_163 : i32
      %add3A_178 = arith.constant 0 : i32
      %add3A_179 = arith.addi %add3A_177, %add3A_178 : i32
      %get3A_180 = arith.constant 0 : i32
      %get3A_181 = arith.index_cast %get3A_180 : i32 to index
      %get3A_182 = arith.index_cast %add3A_179 : i32 to index
      %get3A_183 = tpu.vector_load %arg5[%get3A_181, %get3A_182] {strides = array<i32>} : memref<1x32768xf32, #tpu.memory_space<vmem>>, vector<16xf32>,
      %add3A_184 = vector.broadcast %add3A_136 : f32 to vector<16xf32>
      %add3A_185 = arith.addf %get3A_183, %add3A_184 : vector<16xf32>
      %swap3A_186 = arith.constant 0 : i32
      %swap3A_187 = arith.index_cast %swap3A_186 : i32 to index
      %swap3A_188 = arith.index_cast %add3A_179 : i32 to index
      %swap3A_189 = tpu.vector_load %arg5[%swap3A_187, %swap3A_188] {strides = array<i32>} : memref<1x32768xf32, #tpu.memory_space<vmem>>, vector<16xf32>,
      tpu.vector_store %arg5[%swap3A_187, %swap3A_188], %add3A_185 {strides = array<i32>} : memref<1x32768xf32, #tpu.memory_space<vmem>>, vector<16xf32>,
      %add3A_190 = arith.constant 24576 : i32
      %add3A_191 = arith.addi %add3A_190, %mul3A_163 : i32
      %add3A_192 = arith.constant 0 : i32
      %add3A_193 = arith.addi %add3A_191, %add3A_192 : i32
      %get3A_194 = arith.constant 0 : i32
      %get3A_195 = arith.index_cast %get3A_194 : i32 to index
      %get3A_196 = arith.index_cast %add3A_193 : i32 to index
      %get3A_197 = tpu.vector_load %arg5[%get3A_195, %get3A_196] {strides = array<i32>} : memref<1x32768xf32, #tpu.memory_space<vmem>>, vector<16xf32>,
      %add3A_198 = vector.broadcast %add3A_137 : f32 to vector<16xf32>
      %add3A_199 = arith.addf %get3A_197, %add3A_198 : vector<16xf32>
      %swap3A_200 = arith.constant 0 : i32
      %swap3A_201 = arith.index_cast %swap3A_200 : i32 to index
      %swap3A_202 = arith.index_cast %add3A_193 : i32 to index
      %swap3A_203 = tpu.vector_load %arg5[%swap3A_201, %swap3A_202] {strides = array<i32>} : memref<1x32768xf32, #tpu.memory_space<vmem>>, vector<16xf32>,
      tpu.vector_store %arg5[%swap3A_201, %swap3A_202], %add3A_199 {strides = array<i32>} : memref<1x32768xf32, #tpu.memory_space<vmem>>, vector<16xf32>,
      %add3A_204 = arith.constant 8192 : i32
      %add3A_205 = arith.addi %add3A_204, %mul3A_163 : i32
      %add3A_206 = arith.constant 16 : i32
      %add3A_207 = arith.addi %add3A_205, %add3A_206 : i32
      %get3A_208 = arith.constant 0 : i32
      %get3A_209 = arith.index_cast %get3A_208 : i32 to index
      %get3A_210 = arith.index_cast %add3A_207 : i32 to index
      %get3A_211 = tpu.vector_load %arg5[%get3A_209, %get3A_210] {strides = array<i32>} : memref<1x32768xf32, #tpu.memory_space<vmem>>, vector<16xf32>,
      %add3A_212 = vector.broadcast %scan3A_134#0 : f32 to vector<16xf32>
      %add3A_213 = arith.addf %get3A_211, %add3A_212 : vector<16xf32>
      %swap3A_214 = arith.constant 0 : i32
      %swap3A_215 = arith.index_cast %swap3A_214 : i32 to index
      %swap3A_216 = arith.index_cast %add3A_207 : i32 to index
      %swap3A_217 = tpu.vector_load %arg5[%swap3A_215, %swap3A_216] {strides = array<i32>} : memref<1x32768xf32, #tpu.memory_space<vmem>>, vector<16xf32>,
      tpu.vector_store %arg5[%swap3A_215, %swap3A_216], %add3A_213 {strides = array<i32>} : memref<1x32768xf32, #tpu.memory_space<vmem>>, vector<16xf32>,
      %add3A_218 = arith.constant 16384 : i32
      %add3A_219 = arith.addi %add3A_218, %mul3A_163 : i32
      %add3A_220 = arith.constant 16 : i32
      %add3A_221 = arith.addi %add3A_219, %add3A_220 : i32
      %get3A_222 = arith.constant 0 : i32
      %get3A_223 = arith.index_cast %get3A_222 : i32 to index
      %get3A_224 = arith.index_cast %add3A_221 : i32 to index
      %get3A_225 = tpu.vector_load %arg5[%get3A_223, %get3A_224] {strides = array<i32>} : memref<1x32768xf32, #tpu.memory_space<vmem>>, vector<16xf32>,
      %add3A_226 = vector.broadcast %add3A_136 : f32 to vector<16xf32>
      %add3A_227 = arith.addf %get3A_225, %add3A_226 : vector<16xf32>
      %swap3A_228 = arith.constant 0 : i32
      %swap3A_229 = arith.index_cast %swap3A_228 : i32 to index
      %swap3A_230 = arith.index_cast %add3A_221 : i32 to index
      %swap3A_231 = tpu.vector_load %arg5[%swap3A_229, %swap3A_230] {strides = array<i32>} : memref<1x32768xf32, #tpu.memory_space<vmem>>, vector<16xf32>,
      tpu.vector_store %arg5[%swap3A_229, %swap3A_230], %add3A_227 {strides = array<i32>} : memref<1x32768xf32, #tpu.memory_space<vmem>>, vector<16xf32>,
      %add3A_232 = arith.constant 24576 : i32
      %add3A_233 = arith.addi %add3A_232, %mul3A_163 : i32
      %add3A_234 = arith.constant 16 : i32
      %add3A_235 = arith.addi %add3A_233, %add3A_234 : i32
      %get3A_236 = arith.constant 0 : i32
      %get3A_237 = arith.index_cast %get3A_236 : i32 to index
      %get3A_238 = arith.index_cast %add3A_235 : i32 to index
      %get3A_239 = tpu.vector_load %arg5[%get3A_237, %get3A_238] {strides = array<i32>} : memref<1x32768xf32, #tpu.memory_space<vmem>>, vector<16xf32>,
      %add3A_240 = vector.broadcast %add3A_137 : f32 to vector<16xf32>
      %add3A_241 = arith.addf %get3A_239, %add3A_240 : vector<16xf32>
      %swap3A_242 = arith.constant 0 : i32
      %swap3A_243 = arith.index_cast %swap3A_242 : i32 to index
      %swap3A_244 = arith.index_cast %add3A_235 : i32 to index
      %swap3A_245 = tpu.vector_load %arg5[%swap3A_243, %swap3A_244] {strides = array<i32>} : memref<1x32768xf32, #tpu.memory_space<vmem>>, vector<16xf32>,
      tpu.vector_store %arg5[%swap3A_243, %swap3A_244], %add3A_241 {strides = array<i32>} : memref<1x32768xf32, #tpu.memory_space<vmem>>, vector<16xf32>,
      %add3A_246 = arith.constant 8192 : i32
      %add3A_247 = arith.addi %add3A_246, %mul3A_163 : i32
      %add3A_248 = arith.constant 32 : i32
      %add3A_249 = arith.addi %add3A_247, %add3A_248 : i32
      %get3A_250 = arith.constant 0 : i32
      %get3A_251 = arith.index_cast %get3A_250 : i32 to index
      %get3A_252 = arith.index_cast %add3A_249 : i32 to index
      %get3A_253 = tpu.vector_load %arg5[%get3A_251, %get3A_252] {strides = array<i32>} : memref<1x32768xf32, #tpu.memory_space<vmem>>, vector<16xf32>,
      %add3A_254 = vector.broadcast %scan3A_134#0 : f32 to vector<16xf32>
      %add3A_255 = arith.addf %get3A_253, %add3A_254 : vector<16xf32>
      %swap3A_256 = arith.constant 0 : i32
      %swap3A_257 = arith.index_cast %swap3A_256 : i32 to index
      %swap3A_258 = arith.index_cast %add3A_249 : i32 to index
      %swap3A_259 = tpu.vector_load %arg5[%swap3A_257, %swap3A_258] {strides = array<i32>} : memref<1x32768xf32, #tpu.memory_space<vmem>>, vector<16xf32>,
      tpu.vector_store %arg5[%swap3A_257, %swap3A_258], %add3A_255 {strides = array<i32>} : memref<1x32768xf32, #tpu.memory_space<vmem>>, vector<16xf32>,
      %add3A_260 = arith.constant 16384 : i32
      %add3A_261 = arith.addi %add3A_260, %mul3A_163 : i32
      %add3A_262 = arith.constant 32 : i32
      %add3A_263 = arith.addi %add3A_261, %add3A_262 : i32
      %get3A_264 = arith.constant 0 : i32
      %get3A_265 = arith.index_cast %get3A_264 : i32 to index
      %get3A_266 = arith.index_cast %add3A_263 : i32 to index
      %get3A_267 = tpu.vector_load %arg5[%get3A_265, %get3A_266] {strides = array<i32>} : memref<1x32768xf32, #tpu.memory_space<vmem>>, vector<16xf32>,
      %add3A_268 = vector.broadcast %add3A_136 : f32 to vector<16xf32>
      %add3A_269 = arith.addf %get3A_267, %add3A_268 : vector<16xf32>
      %swap3A_270 = arith.constant 0 : i32
      %swap3A_271 = arith.index_cast %swap3A_270 : i32 to index
      %swap3A_272 = arith.index_cast %add3A_263 : i32 to index
      %swap3A_273 = tpu.vector_load %arg5[%swap3A_271, %swap3A_272] {strides = array<i32>} : memref<1x32768xf32, #tpu.memory_space<vmem>>, vector<16xf32>,
      tpu.vector_store %arg5[%swap3A_271, %swap3A_272], %add3A_269 {strides = array<i32>} : memref<1x32768xf32, #tpu.memory_space<vmem>>, vector<16xf32>,
      %add3A_274 = arith.constant 24576 : i32
      %add3A_275 = arith.addi %add3A_274, %mul3A_163 : i32
      %add3A_276 = arith.constant 32 : i32
      %add3A_277 = arith.addi %add3A_275, %add3A_276 : i32
      %get3A_278 = arith.constant 0 : i32
      %get3A_279 = arith.index_cast %get3A_278 : i32 to index
      %get3A_280 = arith.index_cast %add3A_277 : i32 to index
      %get3A_281 = tpu.vector_load %arg5[%get3A_279, %get3A_280] {strides = array<i32>} : memref<1x32768xf32, #tpu.memory_space<vmem>>, vector<16xf32>,
      %add3A_282 = vector.broadcast %add3A_137 : f32 to vector<16xf32>
      %add3A_283 = arith.addf %get3A_281, %add3A_282 : vector<16xf32>
      %swap3A_284 = arith.constant 0 : i32
      %swap3A_285 = arith.index_cast %swap3A_284 : i32 to index
      %swap3A_286 = arith.index_cast %add3A_277 : i32 to index
      %swap3A_287 = tpu.vector_load %arg5[%swap3A_285, %swap3A_286] {strides = array<i32>} : memref<1x32768xf32, #tpu.memory_space<vmem>>, vector<16xf32>,
      tpu.vector_store %arg5[%swap3A_285, %swap3A_286], %add3A_283 {strides = array<i32>} : memref<1x32768xf32, #tpu.memory_space<vmem>>, vector<16xf32>,
      %add3A_288 = arith.constant 8192 : i32
      %add3A_289 = arith.addi %add3A_288, %mul3A_163 : i32
      %add3A_290 = arith.constant 48 : i32
      %add3A_291 = arith.addi %add3A_289, %add3A_290 : i32
      %get3A_292 = arith.constant 0 : i32
      %get3A_293 = arith.index_cast %get3A_292 : i32 to index
      %get3A_294 = arith.index_cast %add3A_291 : i32 to index
      %get3A_295 = tpu.vector_load %arg5[%get3A_293, %get3A_294] {strides = array<i32>} : memref<1x32768xf32, #tpu.memory_space<vmem>>, vector<16xf32>,
      %add3A_296 = vector.broadcast %scan3A_134#0 : f32 to vector<16xf32>
      %add3A_297 = arith.addf %get3A_295, %add3A_296 : vector<16xf32>
      %swap3A_298 = arith.constant 0 : i32
      %swap3A_299 = arith.index_cast %swap3A_298 : i32 to index
      %swap3A_300 = arith.index_cast %add3A_291 : i32 to index
      %swap3A_301 = tpu.vector_load %arg5[%swap3A_299, %swap3A_300] {strides = array<i32>} : memref<1x32768xf32, #tpu.memory_space<vmem>>, vector<16xf32>,
      tpu.vector_store %arg5[%swap3A_299, %swap3A_300], %add3A_297 {strides = array<i32>} : memref<1x32768xf32, #tpu.memory_space<vmem>>, vector<16xf32>,
      %add3A_302 = arith.constant 16384 : i32
      %add3A_303 = arith.addi %add3A_302, %mul3A_163 : i32
      %add3A_304 = arith.constant 48 : i32
      %add3A_305 = arith.addi %add3A_303, %add3A_304 : i32
      %get3A_306 = arith.constant 0 : i32
      %get3A_307 = arith.index_cast %get3A_306 : i32 to index
      %get3A_308 = arith.index_cast %add3A_305 : i32 to index
      %get3A_309 = tpu.vector_load %arg5[%get3A_307, %get3A_308] {strides = array<i32>} : memref<1x32768xf32, #tpu.memory_space<vmem>>, vector<16xf32>,
      %add3A_310 = vector.broadcast %add3A_136 : f32 to vector<16xf32>
      %add3A_311 = arith.addf %get3A_309, %add3A_310 : vector<16xf32>
      %swap3A_312 = arith.constant 0 : i32
      %swap3A_313 = arith.index_cast %swap3A_312 : i32 to index
      %swap3A_314 = arith.index_cast %add3A_305 : i32 to index
      %swap3A_315 = tpu.vector_load %arg5[%swap3A_313, %swap3A_314] {strides = array<i32>} : memref<1x32768xf32, #tpu.memory_space<vmem>>, vector<16xf32>,
      tpu.vector_store %arg5[%swap3A_313, %swap3A_314], %add3A_311 {strides = array<i32>} : memref<1x32768xf32, #tpu.memory_space<vmem>>, vector<16xf32>,
      %add3A_316 = arith.constant 24576 : i32
      %add3A_317 = arith.addi %add3A_316, %mul3A_163 : i32
      %add3A_318 = arith.constant 48 : i32
      %add3A_319 = arith.addi %add3A_317, %add3A_318 : i32
      %get3A_320 = arith.constant 0 : i32
      %get3A_321 = arith.index_cast %get3A_320 : i32 to index
      %get3A_322 = arith.index_cast %add3A_319 : i32 to index
      %get3A_323 = tpu.vector_load %arg5[%get3A_321, %get3A_322] {strides = array<i32>} : memref<1x32768xf32, #tpu.memory_space<vmem>>, vector<16xf32>,
      %add3A_324 = vector.broadcast %add3A_137 : f32 to vector<16xf32>
      %add3A_325 = arith.addf %get3A_323, %add3A_324 : vector<16xf32>
      %swap3A_326 = arith.constant 0 : i32
      %swap3A_327 = arith.index_cast %swap3A_326 : i32 to index
      %swap3A_328 = arith.index_cast %add3A_319 : i32 to index
      %swap3A_329 = tpu.vector_load %arg5[%swap3A_327, %swap3A_328] {strides = array<i32>} : memref<1x32768xf32, #tpu.memory_space<vmem>>, vector<16xf32>,
      tpu.vector_store %arg5[%swap3A_327, %swap3A_328], %add3A_325 {strides = array<i32>} : memref<1x32768xf32, #tpu.memory_space<vmem>>, vector<16xf32>,
      %add3A_330 = arith.constant 8192 : i32
      %add3A_331 = arith.addi %add3A_330, %mul3A_163 : i32
      %add3A_332 = arith.constant 64 : i32
      %add3A_333 = arith.addi %add3A_331, %add3A_332 : i32
      %get3A_334 = arith.constant 0 : i32
      %get3A_335 = arith.index_cast %get3A_334 : i32 to index
      %get3A_336 = arith.index_cast %add3A_333 : i32 to index
      %get3A_337 = tpu.vector_load %arg5[%get3A_335, %get3A_336] {strides = array<i32>} : memref<1x32768xf32, #tpu.memory_space<vmem>>, vector<16xf32>,
      %add3A_338 = vector.broadcast %scan3A_134#0 : f32 to vector<16xf32>
      %add3A_339 = arith.addf %get3A_337, %add3A_338 : vector<16xf32>
      %swap3A_340 = arith.constant 0 : i32
      %swap3A_341 = arith.index_cast %swap3A_340 : i32 to index
      %swap3A_342 = arith.index_cast %add3A_333 : i32 to index
      %swap3A_343 = tpu.vector_load %arg5[%swap3A_341, %swap3A_342] {strides = array<i32>} : memref<1x32768xf32, #tpu.memory_space<vmem>>, vector<16xf32>,
      tpu.vector_store %arg5[%swap3A_341, %swap3A_342], %add3A_339 {strides = array<i32>} : memref<1x32768xf32, #tpu.memory_space<vmem>>, vector<16xf32>,
      %add3A_344 = arith.constant 16384 : i32
      %add3A_345 = arith.addi %add3A_344, %mul3A_163 : i32
      %add3A_346 = arith.constant 64 : i32
      %add3A_347 = arith.addi %add3A_345, %add3A_346 : i32
      %get3A_348 = arith.constant 0 : i32
      %get3A_349 = arith.index_cast %get3A_348 : i32 to index
      %get3A_350 = arith.index_cast %add3A_347 : i32 to index
      %get3A_351 = tpu.vector_load %arg5[%get3A_349, %get3A_350] {strides = array<i32>} : memref<1x32768xf32, #tpu.memory_space<vmem>>, vector<16xf32>,
      %add3A_352 = vector.broadcast %add3A_136 : f32 to vector<16xf32>
      %add3A_353 = arith.addf %get3A_351, %add3A_352 : vector<16xf32>
      %swap3A_354 = arith.constant 0 : i32
      %swap3A_355 = arith.index_cast %swap3A_354 : i32 to index
      %swap3A_356 = arith.index_cast %add3A_347 : i32 to index
      %swap3A_357 = tpu.vector_load %arg5[%swap3A_355, %swap3A_356] {strides = array<i32>} : memref<1x32768xf32, #tpu.memory_space<vmem>>, vector<16xf32>,
      tpu.vector_store %arg5[%swap3A_355, %swap3A_356], %add3A_353 {strides = array<i32>} : memref<1x32768xf32, #tpu.memory_space<vmem>>, vector<16xf32>,
      %add3A_358 = arith.constant 24576 : i32
      %add3A_359 = arith.addi %add3A_358, %mul3A_163 : i32
      %add3A_360 = arith.constant 64 : i32
      %add3A_361 = arith.addi %add3A_359, %add3A_360 : i32
      %get3A_362 = arith.constant 0 : i32
      %get3A_363 = arith.index_cast %get3A_362 : i32 to index
      %get3A_364 = arith.index_cast %add3A_361 : i32 to index
      %get3A_365 = tpu.vector_load %arg5[%get3A_363, %get3A_364] {strides = array<i32>} : memref<1x32768xf32, #tpu.memory_space<vmem>>, vector<16xf32>,
      %add3A_366 = vector.broadcast %add3A_137 : f32 to vector<16xf32>
      %add3A_367 = arith.addf %get3A_365, %add3A_366 : vector<16xf32>
      %swap3A_368 = arith.constant 0 : i32
      %swap3A_369 = arith.index_cast %swap3A_368 : i32 to index
      %swap3A_370 = arith.index_cast %add3A_361 : i32 to index
      %swap3A_371 = tpu.vector_load %arg5[%swap3A_369, %swap3A_370] {strides = array<i32>} : memref<1x32768xf32, #tpu.memory_space<vmem>>, vector<16xf32>,
      tpu.vector_store %arg5[%swap3A_369, %swap3A_370], %add3A_367 {strides = array<i32>} : memref<1x32768xf32, #tpu.memory_space<vmem>>, vector<16xf32>,
      %add3A_372 = arith.constant 8192 : i32
      %add3A_373 = arith.addi %add3A_372, %mul3A_163 : i32
      %add3A_374 = arith.constant 80 : i32
      %add3A_375 = arith.addi %add3A_373, %add3A_374 : i32
      %get3A_376 = arith.constant 0 : i32
      %get3A_377 = arith.index_cast %get3A_376 : i32 to index
      %get3A_378 = arith.index_cast %add3A_375 : i32 to index
      %get3A_379 = tpu.vector_load %arg5[%get3A_377, %get3A_378] {strides = array<i32>} : memref<1x32768xf32, #tpu.memory_space<vmem>>, vector<16xf32>,
      %add3A_380 = vector.broadcast %scan3A_134#0 : f32 to vector<16xf32>
      %add3A_381 = arith.addf %get3A_379, %add3A_380 : vector<16xf32>
      %swap3A_382 = arith.constant 0 : i32
      %swap3A_383 = arith.index_cast %swap3A_382 : i32 to index
      %swap3A_384 = arith.index_cast %add3A_375 : i32 to index
      %swap3A_385 = tpu.vector_load %arg5[%swap3A_383, %swap3A_384] {strides = array<i32>} : memref<1x32768xf32, #tpu.memory_space<vmem>>, vector<16xf32>,
      tpu.vector_store %arg5[%swap3A_383, %swap3A_384], %add3A_381 {strides = array<i32>} : memref<1x32768xf32, #tpu.memory_space<vmem>>, vector<16xf32>,
      %add3A_386 = arith.constant 16384 : i32
      %add3A_387 = arith.addi %add3A_386, %mul3A_163 : i32
      %add3A_388 = arith.constant 80 : i32
      %add3A_389 = arith.addi %add3A_387, %add3A_388 : i32
      %get3A_390 = arith.constant 0 : i32
      %get3A_391 = arith.index_cast %get3A_390 : i32 to index
      %get3A_392 = arith.index_cast %add3A_389 : i32 to index
      %get3A_393 = tpu.vector_load %arg5[%get3A_391, %get3A_392] {strides = array<i32>} : memref<1x32768xf32, #tpu.memory_space<vmem>>, vector<16xf32>,
      %add3A_394 = vector.broadcast %add3A_136 : f32 to vector<16xf32>
      %add3A_395 = arith.addf %get3A_393, %add3A_394 : vector<16xf32>
      %swap3A_396 = arith.constant 0 : i32
      %swap3A_397 = arith.index_cast %swap3A_396 : i32 to index
      %swap3A_398 = arith.index_cast %add3A_389 : i32 to index
      %swap3A_399 = tpu.vector_load %arg5[%swap3A_397, %swap3A_398] {strides = array<i32>} : memref<1x32768xf32, #tpu.memory_space<vmem>>, vector<16xf32>,
      tpu.vector_store %arg5[%swap3A_397, %swap3A_398], %add3A_395 {strides = array<i32>} : memref<1x32768xf32, #tpu.memory_space<vmem>>, vector<16xf32>,
      %add3A_400 = arith.constant 24576 : i32
      %add3A_401 = arith.addi %add3A_400, %mul3A_163 : i32
      %add3A_402 = arith.constant 80 : i32
      %add3A_403 = arith.addi %add3A_401, %add3A_402 : i32
      %get3A_404 = arith.constant 0 : i32
      %get3A_405 = arith.index_cast %get3A_404 : i32 to index
      %get3A_406 = arith.index_cast %add3A_403 : i32 to index
      %get3A_407 = tpu.vector_load %arg5[%get3A_405, %get3A_406] {strides = array<i32>} : memref<1x32768xf32, #tpu.memory_space<vmem>>, vector<16xf32>,
      %add3A_408 = vector.broadcast %add3A_137 : f32 to vector<16xf32>
      %add3A_409 = arith.addf %get3A_407, %add3A_408 : vector<16xf32>
      %swap3A_410 = arith.constant 0 : i32
      %swap3A_411 = arith.index_cast %swap3A_410 : i32 to index
      %swap3A_412 = arith.index_cast %add3A_403 : i32 to index
      %swap3A_413 = tpu.vector_load %arg5[%swap3A_411, %swap3A_412] {strides = array<i32>} : memref<1x32768xf32, #tpu.memory_space<vmem>>, vector<16xf32>,
      tpu.vector_store %arg5[%swap3A_411, %swap3A_412], %add3A_409 {strides = array<i32>} : memref<1x32768xf32, #tpu.memory_space<vmem>>, vector<16xf32>,
      %add3A_414 = arith.constant 8192 : i32
      %add3A_415 = arith.addi %add3A_414, %mul3A_163 : i32
      %add3A_416 = arith.constant 96 : i32
      %add3A_417 = arith.addi %add3A_415, %add3A_416 : i32
      %get3A_418 = arith.constant 0 : i32
      %get3A_419 = arith.index_cast %get3A_418 : i32 to index
      %get3A_420 = arith.index_cast %add3A_417 : i32 to index
      %get3A_421 = tpu.vector_load %arg5[%get3A_419, %get3A_420] {strides = array<i32>} : memref<1x32768xf32, #tpu.memory_space<vmem>>, vector<16xf32>,
      %add3A_422 = vector.broadcast %scan3A_134#0 : f32 to vector<16xf32>
      %add3A_423 = arith.addf %get3A_421, %add3A_422 : vector<16xf32>
      %swap3A_424 = arith.constant 0 : i32
      %swap3A_425 = arith.index_cast %swap3A_424 : i32 to index
      %swap3A_426 = arith.index_cast %add3A_417 : i32 to index
      %swap3A_427 = tpu.vector_load %arg5[%swap3A_425, %swap3A_426] {strides = array<i32>} : memref<1x32768xf32, #tpu.memory_space<vmem>>, vector<16xf32>,
      tpu.vector_store %arg5[%swap3A_425, %swap3A_426], %add3A_423 {strides = array<i32>} : memref<1x32768xf32, #tpu.memory_space<vmem>>, vector<16xf32>,
      %add3A_428 = arith.constant 16384 : i32
      %add3A_429 = arith.addi %add3A_428, %mul3A_163 : i32
      %add3A_430 = arith.constant 96 : i32
      %add3A_431 = arith.addi %add3A_429, %add3A_430 : i32
      %get3A_432 = arith.constant 0 : i32
      %get3A_433 = arith.index_cast %get3A_432 : i32 to index
      %get3A_434 = arith.index_cast %add3A_431 : i32 to index
      %get3A_435 = tpu.vector_load %arg5[%get3A_433, %get3A_434] {strides = array<i32>} : memref<1x32768xf32, #tpu.memory_space<vmem>>, vector<16xf32>,
      %add3A_436 = vector.broadcast %add3A_136 : f32 to vector<16xf32>
      %add3A_437 = arith.addf %get3A_435, %add3A_436 : vector<16xf32>
      %swap3A_438 = arith.constant 0 : i32
      %swap3A_439 = arith.index_cast %swap3A_438 : i32 to index
      %swap3A_440 = arith.index_cast %add3A_431 : i32 to index
      %swap3A_441 = tpu.vector_load %arg5[%swap3A_439, %swap3A_440] {strides = array<i32>} : memref<1x32768xf32, #tpu.memory_space<vmem>>, vector<16xf32>,
      tpu.vector_store %arg5[%swap3A_439, %swap3A_440], %add3A_437 {strides = array<i32>} : memref<1x32768xf32, #tpu.memory_space<vmem>>, vector<16xf32>,
      %add3A_442 = arith.constant 24576 : i32
      %add3A_443 = arith.addi %add3A_442, %mul3A_163 : i32
      %add3A_444 = arith.constant 96 : i32
      %add3A_445 = arith.addi %add3A_443, %add3A_444 : i32
      %get3A_446 = arith.constant 0 : i32
      %get3A_447 = arith.index_cast %get3A_446 : i32 to index
      %get3A_448 = arith.index_cast %add3A_445 : i32 to index
      %get3A_449 = tpu.vector_load %arg5[%get3A_447, %get3A_448] {strides = array<i32>} : memref<1x32768xf32, #tpu.memory_space<vmem>>, vector<16xf32>,
      %add3A_450 = vector.broadcast %add3A_137 : f32 to vector<16xf32>
      %add3A_451 = arith.addf %get3A_449, %add3A_450 : vector<16xf32>
      %swap3A_452 = arith.constant 0 : i32
      %swap3A_453 = arith.index_cast %swap3A_452 : i32 to index
      %swap3A_454 = arith.index_cast %add3A_445 : i32 to index
      %swap3A_455 = tpu.vector_load %arg5[%swap3A_453, %swap3A_454] {strides = array<i32>} : memref<1x32768xf32, #tpu.memory_space<vmem>>, vector<16xf32>,
      tpu.vector_store %arg5[%swap3A_453, %swap3A_454], %add3A_451 {strides = array<i32>} : memref<1x32768xf32, #tpu.memory_space<vmem>>, vector<16xf32>,
      %add3A_456 = arith.constant 8192 : i32
      %add3A_457 = arith.addi %add3A_456, %mul3A_163 : i32
      %add3A_458 = arith.constant 112 : i32
      %add3A_459 = arith.addi %add3A_457, %add3A_458 : i32
      %get3A_460 = arith.constant 0 : i32
      %get3A_461 = arith.index_cast %get3A_460 : i32 to index
      %get3A_462 = arith.index_cast %add3A_459 : i32 to index
      %get3A_463 = tpu.vector_load %arg5[%get3A_461, %get3A_462] {strides = array<i32>} : memref<1x32768xf32, #tpu.memory_space<vmem>>, vector<16xf32>,
      %add3A_464 = vector.broadcast %scan3A_134#0 : f32 to vector<16xf32>
      %add3A_465 = arith.addf %get3A_463, %add3A_464 : vector<16xf32>
      %swap3A_466 = arith.constant 0 : i32
      %swap3A_467 = arith.index_cast %swap3A_466 : i32 to index
      %swap3A_468 = arith.index_cast %add3A_459 : i32 to index
      %swap3A_469 = tpu.vector_load %arg5[%swap3A_467, %swap3A_468] {strides = array<i32>} : memref<1x32768xf32, #tpu.memory_space<vmem>>, vector<16xf32>,
      tpu.vector_store %arg5[%swap3A_467, %swap3A_468], %add3A_465 {strides = array<i32>} : memref<1x32768xf32, #tpu.memory_space<vmem>>, vector<16xf32>,
      %add3A_470 = arith.constant 16384 : i32
      %add3A_471 = arith.addi %add3A_470, %mul3A_163 : i32
      %add3A_472 = arith.constant 112 : i32
      %add3A_473 = arith.addi %add3A_471, %add3A_472 : i32
      %get3A_474 = arith.constant 0 : i32
      %get3A_475 = arith.index_cast %get3A_474 : i32 to index
      %get3A_476 = arith.index_cast %add3A_473 : i32 to index
      %get3A_477 = tpu.vector_load %arg5[%get3A_475, %get3A_476] {strides = array<i32>} : memref<1x32768xf32, #tpu.memory_space<vmem>>, vector<16xf32>,
      %add3A_478 = vector.broadcast %add3A_136 : f32 to vector<16xf32>
      %add3A_479 = arith.addf %get3A_477, %add3A_478 : vector<16xf32>
      %swap3A_480 = arith.constant 0 : i32
      %swap3A_481 = arith.index_cast %swap3A_480 : i32 to index
      %swap3A_482 = arith.index_cast %add3A_473 : i32 to index
      %swap3A_483 = tpu.vector_load %arg5[%swap3A_481, %swap3A_482] {strides = array<i32>} : memref<1x32768xf32, #tpu.memory_space<vmem>>, vector<16xf32>,
      tpu.vector_store %arg5[%swap3A_481, %swap3A_482], %add3A_479 {strides = array<i32>} : memref<1x32768xf32, #tpu.memory_space<vmem>>, vector<16xf32>,
      %add3A_484 = arith.constant 24576 : i32
      %add3A_485 = arith.addi %add3A_484, %mul3A_163 : i32
      %add3A_486 = arith.constant 112 : i32
      %add3A_487 = arith.addi %add3A_485, %add3A_486 : i32
      %get3A_488 = arith.constant 0 : i32
      %get3A_489 = arith.index_cast %get3A_488 : i32 to index
      %get3A_490 = arith.index_cast %add3A_487 : i32 to index
      %get3A_491 = tpu.vector_load %arg5[%get3A_489, %get3A_490] {strides = array<i32>} : memref<1x32768xf32, #tpu.memory_space<vmem>>, vector<16xf32>,
      %add3A_492 = vector.broadcast %add3A_137 : f32 to vector<16xf32>
      %add3A_493 = arith.addf %get3A_491, %add3A_492 : vector<16xf32>
      %swap3A_494 = arith.constant 0 : i32
      %swap3A_495 = arith.index_cast %swap3A_494 : i32 to index
      %swap3A_496 = arith.index_cast %add3A_487 : i32 to index
      %swap3A_497 = tpu.vector_load %arg5[%swap3A_495, %swap3A_496] {strides = array<i32>} : memref<1x32768xf32, #tpu.memory_space<vmem>>, vector<16xf32>,
      tpu.vector_store %arg5[%swap3A_495, %swap3A_496], %add3A_493 {strides = array<i32>} : memref<1x32768xf32, #tpu.memory_space<vmem>>, vector<16xf32>,
      %scan3A_498 = arith.constant 0 : i32
      scf.yield %scan3A_498 : i32
    }
    %scan3A_145 = arith.constant 64 : i32
    %add3A_146 = arith.constant 3 : i32
    %add3A_147 = arith.addi %mul3A_2, %add3A_146 : i32
    %dma_start3A_148 = arith.constant 0 : i32
    %dma_start3A_149 = tpu.memref_slice %arg3[%add3A_147, %dma_start3A_148] : memref<128x32768xf32, #tpu.memory_space<hbm>> -> memref<1x32768xf32, #tpu.memory_space<hbm>>
    %dma_start3A_150 = arith.constant 0 : i32
    %dma_start3A_151 = tpu.memref_slice %arg3[%add3A_147, %dma_start3A_150] : memref<128x32768xf32, #tpu.memory_space<hbm>> -> memref<1x32768xf32, #tpu.memory_space<hbm>>
    tpu.enqueue_dma source(%arg5 : memref<1x32768xf32, #tpu.memory_space<vmem>>) target(%dma_start3A_151 : memref<1x32768xf32, #tpu.memory_space<hbm>>) target_semaphore(%arg9 : memref<!tpu.dma_semaphore, #tpu.memory_space<semaphore_mem>>)
    %dma_wait3A_152 = arith.constant 0 : i32
    %dma_wait3A_153 = tpu.memref_slice %arg3[%add3A_117, %dma_wait3A_152] : memref<128x32768xf32, #tpu.memory_space<hbm>> -> memref<1x32768xf32, #tpu.memory_space<hbm>>
    %dma_wait3A_154 = arith.constant 0 : i32
    %dma_wait3A_155 = tpu.memref_slice %arg3[%add3A_117, %dma_wait3A_154] : memref<128x32768xf32, #tpu.memory_space<hbm>> -> memref<1x32768xf32, #tpu.memory_space<hbm>>
    tpu.wait_dma2 semaphore(%arg8 : memref<!tpu.dma_semaphore, #tpu.memory_space<semaphore_mem>>) src(%arg4 : memref<1x32768xf32, #tpu.memory_space<vmem>>) dst(%dma_wait3A_155 : memref<1x32768xf32, #tpu.memory_space<hbm>>)
    %dma_wait3A_156 = arith.constant 0 : i32
    %dma_wait3A_157 = tpu.memref_slice %arg3[%add3A_147, %dma_wait3A_156] : memref<128x32768xf32, #tpu.memory_space<hbm>> -> memref<1x32768xf32, #tpu.memory_space<hbm>>
    %dma_wait3A_158 = arith.constant 0 : i32
    %dma_wait3A_159 = tpu.memref_slice %arg3[%add3A_147, %dma_wait3A_158] : memref<128x32768xf32, #tpu.memory_space<hbm>> -> memref<1x32768xf32, #tpu.memory_space<hbm>>
    tpu.wait_dma2 semaphore(%arg9 : memref<!tpu.dma_semaphore, #tpu.memory_space<semaphore_mem>>) src(%arg5 : memref<1x32768xf32, #tpu.memory_space<vmem>>) dst(%dma_wait3A_159 : memref<1x32768xf32, #tpu.memory_space<hbm>>)
    return
  }
}

</mosaic_0001>

<sc_bundles>
// kernel: kernel.3.cloned.1.call-start
scs
__scs_entry_jumppad:
0x0: {  	(pc) =	sbr.rel $0x88, $3  }
0x1: {  	(tag) =	ssettag $0x0;
	lr =	simm.s32 $0x1  }
0x2: {  	[smem:$0x3FA0] =	sst lr;
	_ =	strace $0xD0000000  }
0x3: {  	_ = 	snop  }
0x4: {  	_ = 	snop  }
0x5: {  	_ = 	snop  }
0x6: {  	_ = 	snop  }
0x7: {  	_ = 	snop  }
__scs_overlays_trampoline_lowered:
0x8: {  	[smem:$0x3FAF] =	sst s0  }
0x9: {  	[smem:$0x3FB0] =	sst s1  }
0xa: {  	[smem:$0x3FB1] =	sst s2  }
0xb: {  	[smem:$0x3FB2] =	sst s3  }
0xc: {  	[smem:$0x3FB3] =	sst s4  }
0xd: {  	[smem:$0x3FB4] =	sst s5  }
0xe: {  	[smem:$0x3FB5] =	sst s6  }
0xf: {  	[smem:$0x3FB6] =	sst s7  }
0x10: {  	[smem:$0x3FB7] =	sst s8  }
0x11: {  	[smem:$0x3FB8] =	sst s9;
	s0 =	simm.s32 @!p0 $0x0  }
0x12: {  	s1 =	sld [smem:$0x3F9E];
	s0 =	simm.s32 @p0 $0x1  }
0x13: {  	[smem:$0x3FB9] =	sst s0;
	s0 =	simm.s32 @!p1 $0x0  }
0x14: {  	s2 =	sld [smem:$0x3F9D];
	s0 =	simm.s32 @p1 $0x1  }
0x15: {  	[smem:$0x3FBA] =	sst s0;
	s0 =	simm.s32 @!p2 $0x0  }
0x16: {  	s3 =	sld [smem:$0x3FDB];
	s0 =	simm.s32 @p2 $0x1  }
0x17: {  	s4 =	simm.s32 $0x1BF5;
	[smem:$0x3FBC] =	sst s0  }
0x18: {  	s0 =	sld [smem:$0x3F9F];
	_ =	swait.ge [sflag:s4], $0x0  }
0x19: {  	s7 =	sld [smem:$0x3FA0]  }
0x1a: {  	s8 =	sadd.s32 $0xFFFFE003, lr  }
0x1b: {  	s9 =	sadd.s32 $0xFFFFFEF7, lr;
	s5 =	simm.s32 $0xFFFFFFFF;
	p2 =	slt.u32 s8, $0xFFFFF086  }
0x1c: {  	p1 =	slt.u32 s9, $0xF7A;
	s5 =	simm.s32 @!p2 $0x0  }
0x1d: {  	s5 =	simm.s32 @p1 $0x1;
	p0 =	seq.s32 s7, s2  }
0x1e: {  	s7 =	smul.u32 @!p0 $0xF7A, s2;
	p2 =	seq.s32 @!p0 s5, $0x0  }
0x1f: {  	s9 =	smul.u32 $0xF7A, s1;
	s8 =	simm.s32 @!p0 $0x1BF5;
	p2 =	por !p2, p0  }
0x20: {  	[sflag:s8] =	ssyncset.s32 @!p0 $0xFFFFF086;
	s6 =	sadd.s32 @!p0 s3, s7;
	s7 =	simm.s32 @!p0 $0x108  }
0x21: {  	s3 =	sadd.s32 s3, s9;
	s6 =	sadd.s32 @!p0 $0x88, s6;
	s7 =	simm.s32 @p2 $0x1082  }
0x22: {  	[simem:s7], [sflag:s8] =	dma.local @!p0 [hbm:s6], $0xF7A  }
0x23: {  	s9 =	sor.u32 $0xD0000000, s2;
	s6 =	simm.s32 $0x108;
	_ =	swait.ge @!p0 [sflag:s8], $0x0  }
0x24: {  	s3 =	sadd.s32 $0x88, s3;
	s6 =	simm.s32 @!p1 $0x1082;
	[sflag:s4] =	ssyncset.s32 $0xFFFFF086  }
0x25: {  	[simem:s6], [sflag:s4] =	dma.local [hbm:s3], $0xF7A  }
0x26: {  	[smem:$0x3FA0] =	sst s1;
	(tag) =	ssettag s2;
	_ =	strace s9  }
0x27: {  	s1 =	sld [smem:$0x3FB0]  }
0x28: {  	s2 =	sld [smem:$0x3FB1]  }
0x29: {  	s4 =	sld [smem:$0x3FB3]  }
0x2a: {  	p0 =	seq.s32 s5, $0x0;
	s5 =	sld [smem:$0x3FB4]  }
0x2b: {  	s6 =	sld [smem:$0x3FB5]  }
0x2c: {  	s7 =	sld [smem:$0x3FB6]  }
0x2d: {  	s3 =	simm.s32 $0x108;
	s8 =	sld [smem:$0x3FB7]  }
0x2e: {  	s3 =	simm.s32 @!p0 $0x1082;
	s9 =	sld [smem:$0x3FB8]  }
0x2f: {  	lr =	sadd.s32 s0, s3;
	s0 =	sld [smem:$0x3FAF]  }
0x30: {  	s3 =	sld [smem:$0x3FB2]  }
0x31: {  	[smem:$0x3FBB] =	sst s10  }
0x32: {  	s10 =	sld [smem:$0x3FB9];
	_ =	sdelay $0x3  }
0x33: {  	p0 =	seq.s32 s10, $0x1;
	s10 =	sld [smem:$0x3FBB];
	_ =	sdelay $0x3  }
0x34: {  	[smem:$0x3FBB] =	sst s10  }
0x35: {  	s10 =	sld [smem:$0x3FBA];
	_ =	sdelay $0x3  }
0x36: {  	p1 =	seq.s32 s10, $0x1;
	s10 =	sld [smem:$0x3FBB];
	_ =	sdelay $0x3  }
0x37: {  	[smem:$0x3FBB] =	sst s10  }
0x38: {  	s10 =	sld [smem:$0x3FBC]  }
0x39: {  	_ = 	snop;
	(pc) =	sbr.ind lr, $3  }
0x3a: {  	_ = 	snop  }
0x3b: {  	_ = 	snop  }
0x3c: {  	p2 =	seq.s32 s10, $0x1;
	s10 =	sld [smem:$0x3FBB]  }
0x3d: {  	_ =	shalt  }
0x3e: {  	_ =	shalt  }
0x3f: {  	_ =	shalt  }
0x40: {  	_ =	shalt  }
0x41: {  	_ =	shalt  }
0x42: {  	_ =	shalt  }
0x43: {  	_ =	shalt  }
0x44: {  	_ =	shalt  }
0x45: {  	_ =	shalt  }
0x46: {  	_ =	shalt  }
0x47: {  	_ =	shalt  }
0x48: {  	_ =	shalt  }
0x49: {  	_ =	shalt  }
0x4a: {  	_ =	shalt  }
0x4b: {  	_ =	shalt  }
0x4c: {  	_ =	shalt  }
0x4d: {  	_ =	shalt  }
0x4e: {  	_ =	shalt  }
0x4f: {  	_ =	shalt  }
0x50: {  	_ =	shalt  }
0x51: {  	_ =	shalt  }
0x52: {  	_ =	shalt  }
0x53: {  	_ =	shalt  }
0x54: {  	_ =	shalt  }
0x55: {  	_ =	shalt  }
0x56: {  	_ =	shalt  }
0x57: {  	_ =	shalt  }
0x58: {  	_ =	shalt  }
0x59: {  	_ =	shalt  }
0x5a: {  	_ =	shalt  }
0x5b: {  	_ =	shalt  }
0x5c: {  	_ =	shalt  }
0x5d: {  	_ =	shalt  }
0x5e: {  	_ =	shalt  }
0x5f: {  	_ =	shalt  }
0x60: {  	_ =	shalt  }
0x61: {  	_ =	shalt  }
0x62: {  	_ =	shalt  }
0x63: {  	_ =	shalt  }
0x64: {  	_ =	shalt  }
0x65: {  	_ =	shalt  }
0x66: {  	_ =	shalt  }
0x67: {  	_ =	shalt  }
0x68: {  	_ =	shalt  }
0x69: {  	_ =	shalt  }
0x6a: {  	_ =	shalt  }
0x6b: {  	_ =	shalt  }
0x6c: {  	_ =	shalt  }
0x6d: {  	_ =	shalt  }
0x6e: {  	_ =	shalt  }
0x6f: {  	_ =	shalt  }
0x70: {  	_ =	shalt  }
0x71: {  	_ =	shalt  }
0x72: {  	_ =	shalt  }
0x73: {  	_ =	shalt  }
0x74: {  	_ =	shalt  }
0x75: {  	_ =	shalt  }
0x76: {  	_ =	shalt  }
0x77: {  	_ =	shalt  }
0x78: {  	_ =	shalt  }
0x79: {  	_ =	shalt  }
0x7a: {  	_ =	shalt  }
0x7b: {  	_ =	shalt  }
0x7c: {  	_ =	shalt  }
0x7d: {  	_ =	shalt  }
0x7e: {  	_ =	shalt  }
0x7f: {  	_ =	shalt  }
0x80: {  	_ =	shalt  }
0x81: {  	_ =	shalt  }
0x82: {  	_ =	shalt  }
0x83: {  	_ =	shalt  }
0x84: {  	_ =	shalt  }
0x85: {  	_ =	shalt  }
0x86: {  	_ =	shalt  }
0x87: {  	_ =	shalt  }
.Lfunc_end0:
.L_simem_size_0:
called_computation_lowered:
.L_overlay_start_0:
0x88: {  	s2 =	sld [smem:$0x3FD9]  }
0x89: {  	s3 =	sld [smem:$0x3FFE];
	_ =	sdelay $0x1  }
0x8a: {  	s1 =	srdreg.scid  }
0x8b: {  	s0 =	sand.u32 $0x1, s1  }
0x8c: {  	s18 =	sshll.u32 s0, $0xA;
	s2 =	sadd.s32 s3, s2  }
0x8d: {  	s2 =	sadd.s32 s2, s18  }
0x8e: {  	[smem:$0x3FC7] =	sst s2  }
0x8f: {  	_ = 	snop  }
0x90: {  	s2 =	sld [smem:$0x3FC9]  }
0x91: {  	s19 =	sld [smem:$0x3FD0];
	(tm) =	ssettm $0x1  }
0x92: {  	s4 =	sld [smem:$0x3FFB];
	_ =	sdelay $0x3  }
0x93: {  	_ =	strace s4  }
0x94: {  	s4 =	sld [smem:$0x3FFC];
	_ =	sdelay $0x3  }
0x95: {  	_ =	strace s4  }
0x96: {  	s4 =	sld [smem:$0x3FFD];
	_ =	sdelay $0x3  }
0x97: {  	_ =	strace s4  }
0x98: {  	_ =	strace $0x8FFFFFFF  }
0x99: {  	s20 =	sld [smem:$0x3FDB];
	_ =	sdelay $0x1  }
0x9a: {  	s5 =	simm.s32 $_scs_section_size  }
0x9b: {  	s6 =	simm.s32 $_size__tile_overlayer_lowered;
	s7 =	simm.s32 $_tile_overlayer_lowered  }
0x9c: {  	s23 =	simm.s32 $0x1BFF;
	s22 =	sshll.u32 s7, $0x1;
	s4 =	sadd.s32 s5, s20  }
0x9d: {  	s8 =	simm.s32 $0x0;
	s21 =	sshll.u32 s6, $0x1;
	s6 =	sadd.s32 s22, s4  }
0x9e: {  	[timem:s8], [sflag:s23] =	dma.local [hbm:s6], s21  }
0x9f: {  	_ =	swait.ge [sflag:s23], s21  }
0xa0: {  	s5 =	ssub.s32 $0x0, s21;
	[sflag:s23] =	ssyncset.done $0x0  }
0xa1: {  	[sflag:s23] =	ssyncadd.s32 s5;
	_ =	sdelay $0x1  }
0xa2: {  	s24 =	simm.s32 $0x1B8B  }
0xa3: {  	_ =	swait.ge [sflag:s24], $0x1  }
0xa4: {  	[sflag:s24] =	ssyncset.done $0x0  }
0xa5: {  	s25 =	simm.s32 $0x1B8E;
	[sflag:s24] =	ssyncadd.s32 $0xFFFFFFFF  }
0xa6: {  	s26 =	simm.s32 $execute0_lowered;
	[smem:$0x3FD2] =	sst s25  }
0xa7: {  	s5 =	sshll.u32 s26, $0x1;
	_ =	strace $0x80000046;
	[dreg:$0x1] =	wrdreg $0xFFFFFFFF  }
0xa8: {  	s28 =	simm.s32 $_size_execute0_lowered;
	s4 =	sadd.s32 s4, s5;
	[dreg:$0x0] =	wrdreg $0x0  }
0xa9: {  	s5 =	sshll.u32 s28, $0x1;
	[dreg:$0x2] =	wrdreg s4  }
0xaa: {  	[dreg:$0x3] =	wrdreg s5  }
0xab: {  	[dreg:$0x4] =	wrdreg $0xC0  }
0xac: {  	_ =	task [dreg:s8], $0x5FFFF  }
0xad: {  	[dreg:$0x1] =	wrdreg $0xFFFFFFFF  }
0xae: {  	[dreg:$0x0] =	wrdreg $0x60  }
0xaf: {  	[dreg:$0x2] =	wrdreg s2  }
0xb0: {  	[dreg:$0x3] =	wrdreg s19  }
0xb1: {  	[dreg:$0x4] =	wrdreg $0x9  }
0xb2: {  	_ =	task.clear_ibuf [dreg:s8], $0x5FFFF;
	_ =	strace $0x90000046  }
0xb3: {  	s29 =	simm.s32 $0x9;
	_ =	strace $0x80000048  }
0xb4: {  	_ =	swait.ge [sflag:s29], $0x1  }
0xb5: {  	[sflag:s29] =	ssyncadd.s32 $0xFFFFFFFF  }
0xb6: {  	_ =	strace $0x90000048  }
0xb7: {  	_ =	sfence  }
0xb8: {  	s30 =	sld [smem:$0x0];
	_ =	sdelay $0x2  }
0xb9: {  	s31 =	sshll.u32 s1, $0xD;
	s1 =	sshrl.u32 s1, $0x2  }
0xba: {  	s3 =	sand.u32 $0x4000, s31;
	s1 =	sadd.s32 s1, s30  }
0xbb: {  	s0 =	sor.u32 s3, s0;
	s1 =	sshll.u32 s1, $0x11  }
0xbc: {  	s0 =	sor.u32 s1, s0  }
0xbd: {  	s0 =	sadd.s32 $0x8F2B, s0  }
0xbe: {  	[sflag:s0] =	ssyncadd.remote.s32 $0x1  }
0xbf: {  	_ =	sfence.sel $0xFFFF  }
0xc0: {  	[dreg:$0x0] =	wrdreg $0xFFFFFFFF;
	(pc) =	sbr.abs _section_cstart, $3  }
0xc1: {  	[dreg:$0x1] =	wrdreg $0xFFFFFFFF  }
0xc2: {  	_ =	task.clear_ibuf [dreg:s8], $0x2FFFF;
	_ =	strace $0x9FFFFFFF  }
0xc3: {  	(tm) =	ssettm $0x7FFFFFFF  }
tec
execute0_lowered:
.L_overlay_start_1:
0x0: {  	(tag) =	ssettag $0x1  }
0x1: {  	s8 =	rddreg [dreg:$0x0]  }
0x2: {  	s10 =	rddreg [dreg:$0x1]  }
0x3: {  	s0 =	rddreg [dreg:$0x2];
	s2 =	simm.s32 $0x0;
	s3 =	srdreg.scid  }
0x4: {  	s1 =	stileid.u32;
	s14 =	simm.s32 $0x1;
	s15 =	simm.s32 $0x8000  }
0x5: {  	s16 =	simm.s32 $0x2;
	s17 =	simm.s32 $0x3;
	s18 =	simm.s32 $0x4  }
0x6: {  	s19 =	simm.s32 $0x0;
	[smem:$0x7FF] =	sst s2;
	s3 =	sand.u32 $0x1, s3  }
0x7: {  	s5 =	sshll.u32 s1, $0xF;
	s4 =	ssub.s32 $0x2, s3;
	s3 =	sshll.u32 s3, $0x6  }
0x8: {  	_ =	strace $0x80000047;
	s6 =	sshrl.u32 s4, $0x1;
	s9 =	sor.u32 s3, s5  }
0x9: {  	s11 =	ssub.s32 s4, s6;
	s3 =	sadd.s32 s8, s9;
	s7 =	sor.u32 $0x10, s9  }
0xa: {  	s5 =	sadd.s32 s10, s9;
	s12 =	sor.u32 $0x20, s9;
	s13 =	sor.u32 $0x30, s9  }
0xb: {  	s4 =	sadd.s32 s8, s7;
	s6 =	sadd.s32 s8, s12;
	s7 =	sadd.s32 s10, s7  }
0xc: {  	s8 =	sadd.s32 s8, s13;
	s9 =	sadd.s32 s10, s12;
	s10 =	sadd.s32 s10, s13  }
0xd: {  	s11 =	smax.u32 s11, $0x1;
	s12 =	simm.s32 $0x80;
	s13 =	simm.s32 $0x400  }
.LBB2_1:
0xe: {  	[tilespmem:s2], [sflag:$0x1] =	stream.strided.gather [hbm4b:s3+s12], $0x8000, s13, s12, $0x38;
	[tilespmem:$0x10000] =	vst v63  }
0xf: {  	s23 =	simm.f32 $0.0e+00;
	_ =	swait.ge [sflag:s14], $0x8000  }
0x10: {  	s20 =	simm.s32 $0x0;
	s22 =	simm.f32 $0.0e+00;
	[sflag:s14] =	ssyncset.done $0x0  }
0x11: {  	s24 =	simm.f32 $0.0e+00;
	s25 =	simm.f32 $0.0e+00;
	[sflag:s14] =	ssyncadd.s32 $0xFFFF8000  }
0x12: {  	[tilespmem:s15], [sflag:$0x2] =	stream.strided.gather [hbm4b:s4+s12], $0x8000, s13, s12, $0x38;
	[tilespmem:$0x10000] =	vst v63  }
.LBB2_2:
0x13: {  	s21 =	sshra.s32 s20, $0x2  }
0x14: {  	v0 =	vld [tilespmem:s21+$0x0]  }
0x15: {  	v1 =	vld [tilespmem:s21+$0x2000]  }
0x16: {  	v2 =	vld [tilespmem:s21+$0x4000]  }
0x17: {  	v3 =	vld [tilespmem:s21+$0x6000]  }
0x18: {  	v4 =	vld [tilespmem:s21+$0x10]  }
0x19: {  	v35 =	vld [tilespmem:s21+$0x2010];
	(xrf2) =	vadd.scan.msk.f32 $0xffff, v0  }
0x1a: {  	v36 =	vld [tilespmem:s21+$0x4010];
	(xrf2) =	vadd.scan.msk.f32 $0xffff, v1  }
0x1b: {  	v37 =	vld [tilespmem:s21+$0x6010];
	(xrf2) =	vadd.scan.msk.f32 $0xffff, v2  }
0x1c: {  	v38 =	vld [tilespmem:s21+$0x20];
	(xrf2) =	vadd.scan.msk.f32 $0xffff, v3  }
0x1d: {  	v39 =	vld [tilespmem:s21+$0x2020];
	(xrf2) =	vadd.scan.msk.f32 $0xffff, v4  }
0x1e: {  	v40 =	vld [tilespmem:s21+$0x4020];
	(xrf2) =	vadd.scan.msk.f32 $0xffff, v35  }
0x1f: {  	v41 =	vld [tilespmem:s21+$0x6020];
	(xrf2) =	vadd.scan.msk.f32 $0xffff, v36  }
0x20: {  	v42 =	vld [tilespmem:s21+$0x30];
	(xrf2) =	vadd.scan.msk.f32 $0xffff, v37  }
0x21: {  	v43 =	vld [tilespmem:s21+$0x2030];
	(xrf2) =	vadd.scan.msk.f32 $0xffff, v38  }
0x22: {  	v44 =	vld [tilespmem:s21+$0x4030];
	(xrf2) =	vadd.scan.msk.f32 $0xffff, v39  }
0x23: {  	v45 =	vld [tilespmem:s21+$0x6030];
	v5, _, _ =	vpop (xrf2);
	(xrf2) =	vadd.scan.msk.f32 $0xffff, v40  }
0x24: {  	v46 =	vld [tilespmem:s21+$0x40];
	(v2sf) =	vpush v5, $0xF;
	v6, _, _ =	vpop (xrf2);
	(xrf2) =	vadd.scan.msk.f32 $0xffff, v41  }
0x25: {  	v47 =	vld [tilespmem:s21+$0x2040];
	(v2sf) =	vpush v6, $0xF;
	v7, _, _ =	vpop (xrf2);
	(xrf2) =	vadd.scan.msk.f32 $0xffff, v42  }
0x26: {  	v48 =	vld [tilespmem:s21+$0x4040];
	(v2sf) =	vpush v7, $0xF;
	v8, _, _ =	vpop (xrf2);
	(xrf2) =	vadd.scan.msk.f32 $0xffff, v43  }
0x27: {  	v49 =	vld [tilespmem:s21+$0x6040];
	(v2sf) =	vpush v8, $0xF;
	v9, _, _ =	vpop (xrf2);
	(xrf2) =	vadd.scan.msk.f32 $0xffff, v44  }
0x28: {  	v50 =	vld [tilespmem:s21+$0x50];
	(v2sf) =	vpush v9, $0xF;
	v10, _, _ =	vpop (xrf2);
	(xrf2) =	vadd.scan.msk.f32 $0xffff, v45  }
0x29: {  	v51 =	vld [tilespmem:s21+$0x2050];
	(v2sf) =	vpush v10, $0xF;
	v11, _, _ =	vpop (xrf2);
	(xrf2) =	vadd.scan.msk.f32 $0xffff, v46  }
0x2a: {  	v52 =	vld [tilespmem:s21+$0x4050];
	(v2sf) =	vpush v11, $0xF;
	v12, _, _ =	vpop (xrf2);
	(xrf2) =	vadd.scan.msk.f32 $0xffff, v47  }
0x2b: {  	v53 =	vld [tilespmem:s21+$0x6050];
	(v2sf) =	vpush v12, $0xF;
	v13, _, _ =	vpop (xrf2);
	(xrf2) =	vadd.scan.msk.f32 $0xffff, v48  }
0x2c: {  	v54 =	vld [tilespmem:s21+$0x60];
	(v2sf) =	vpush v13, $0xF;
	v14, _, _ =	vpop (xrf2);
	(xrf2) =	vadd.scan.msk.f32 $0xffff, v49  }
0x2d: {  	v55 =	vld [tilespmem:s21+$0x2060];
	(v2sf) =	vpush v14, $0xF;
	v15, _, _ =	vpop (xrf2);
	(xrf2) =	vadd.scan.msk.f32 $0xffff, v50  }
0x2e: {  	v56 =	vld [tilespmem:s21+$0x4060];
	(v2sf) =	vpush v15, $0xF;
	v16, _, _ =	vpop (xrf2);
	(xrf2) =	vadd.scan.msk.f32 $0xffff, v51  }
0x2f: {  	v57 =	vld [tilespmem:s21+$0x6060];
	(v2sf) =	vpush v16, $0xF;
	v17, _, _ =	vpop (xrf2);
	(xrf2) =	vadd.scan.msk.f32 $0xffff, v52  }
0x30: {  	(v2sf) =	vpush v17, $0xF;
	v18, _, _ =	vpop (xrf2);
	(xrf2) =	vadd.scan.msk.f32 $0xffff, v53  }
0x31: {  	v58 =	vld [tilespmem:s21+$0x70];
	(v2sf) =	vpush v18, $0xF;
	v19, _, _ =	vpop (xrf2);
	(xrf2) =	vadd.scan.msk.f32 $0xffff, v54  }
0x32: {  	v59 =	vld [tilespmem:s21+$0x2070];
	(v2sf) =	vpush v19, $0xF;
	v20, _, _ =	vpop (xrf2);
	(xrf2) =	vadd.scan.msk.f32 $0xffff, v55  }
0x33: {  	v60 =	vld [tilespmem:s21+$0x4070];
	v5 =	vadd.f32 s25, v5;
	s26 =	spop (v2sf);
	(v2sf) =	vpush v20, $0xF;
	v21, _, _ =	vpop (xrf2);
	(xrf2) =	vadd.scan.msk.f32 $0xffff, v56  }
0x34: {  	v61 =	vld [tilespmem:s21+$0x6070];
	v6 =	vadd.f32 s24, v6;
	v62, _, _ =	vpop (xrf2);
	(xrf2) =	vadd.scan.msk.f32 $0xffff, v57;
	s25 =	sadd.f32 s26, s25;
	s29 =	spop (v2sf);
	(v2sf) =	vpush v21, $0xF  }
0x35: {  	[tilespmem:s21+$0x0] =	vst v5;
	v63 =	vadd.f32 s22, v7;
	v22, _, _ =	vpop (xrf2);
	s24 =	sadd.f32 s29, s24;
	s30 =	spop (v2sf);
	(v2sf) =	vpush v62, $0xF  }
0x36: {  	[tilespmem:s21+$0x2000] =	vst v6;
	v23 =	vadd.f32 s23, v8;
	(xrf2) =	vadd.scan.msk.f32 $0xffff, v58;
	v24, _, _ =	vpop (xrf2);
	s22 =	sadd.f32 s30, s22;
	s31 =	spop (v2sf);
	(v2sf) =	vpush v22, $0xF  }
0x37: {  	[tilespmem:s21+$0x4000] =	vst v63;
	(xrf2) =	vadd.scan.msk.f32 $0xffff, v59;
	v25 =	vadd.f32 s25, v9;
	v26, _, _ =	vpop (xrf2);
	s23 =	sadd.f32 s31, s23;
	s28 =	spop (v2sf);
	(v2sf) =	vpush v24, $0xF  }
0x38: {  	[tilespmem:s21+$0x6000] =	vst v23;
	(xrf2) =	vadd.scan.msk.f32 $0xffff, v60;
	v27 =	vadd.f32 s24, v10;
	s25 =	sadd.f32 s28, s25;
	s29 =	spop (v2sf);
	(v2sf) =	vpush v26, $0xF;
	v29, _, _ =	vpop (xrf2)  }
0x39: {  	[tilespmem:s21+$0x10] =	vst v25;
	v28 =	vadd.f32 s22, v11;
	(xrf2) =	vadd.scan.msk.f32 $0xffff, v61;
	v30, _, _ =	vpop (xrf2);
	s24 =	sadd.f32 s29, s24;
	s30 =	spop (v2sf);
	(v2sf) =	vpush v29, $0xF  }
0x3a: {  	[tilespmem:s21+$0x2010] =	vst v27;
	v31 =	vadd.f32 s23, v12;
	v32, _, _ =	vpop (xrf2);
	s22 =	sadd.f32 s30, s22;
	s31 =	spop (v2sf);
	(v2sf) =	vpush v30, $0xF  }
0x3b: {  	[tilespmem:s21+$0x4010] =	vst v28;
	v33 =	vadd.f32 s25, v13;
	v34, _, _ =	vpop (xrf2);
	s23 =	sadd.f32 s31, s23;
	s28 =	spop (v2sf);
	(v2sf) =	vpush v32, $0xF  }
0x3c: {  	[tilespmem:s21+$0x6010] =	vst v31;
	v35 =	vadd.f32 s24, v14;
	v36, _, _ =	vpop (xrf2);
	s25 =	sadd.f32 s28, s25;
	s29 =	spop (v2sf);
	(v2sf) =	vpush v34, $0xF  }
0x3d: {  	[tilespmem:s21+$0x20] =	vst v33;
	v37 =	vadd.f32 s22, v15;
	v38, _, _ =	vpop (xrf2);
	s24 =	sadd.f32 s29, s24;
	s30 =	spop (v2sf);
	(v2sf) =	vpush v36, $0xF  }
0x3e: {  	[tilespmem:s21+$0x2020] =	vst v35;
	v39 =	vadd.f32 s23, v16;
	v40, _, _ =	vpop (xrf2);
	s22 =	sadd.f32 s30, s22;
	s31 =	spop (v2sf);
	(v2sf) =	vpush v38, $0xF  }
0x3f: {  	[tilespmem:s21+$0x4020] =	vst v37;
	v41 =	vadd.f32 s25, v17;
	s23 =	sadd.f32 s31, s23;
	s28 =	spop (v2sf);
	(v2sf) =	vpush v40, $0xF  }
0x40: {  	v42, _, _ =	vpop (xrf2);
	[tilespmem:s21+$0x6020] =	vst v39;
	v43 =	vadd.f32 s24, v18;
	s25 =	sadd.f32 s28, s25;
	s29 =	spop (v2sf)  }
0x41: {  	v44, _, _ =	vpop (xrf2);
	[tilespmem:s21+$0x30] =	vst v41;
	v45 =	vadd.f32 s22, v19;
	(v2sf) =	vpush v42, $0xF;
	s24 =	sadd.f32 s29, s24;
	s30 =	spop (v2sf)  }
0x42: {  	v46, _, _ =	vpop (xrf2);
	[tilespmem:s21+$0x2030] =	vst v43;
	v47 =	vadd.f32 s23, v20;
	(v2sf) =	vpush v44, $0xF;
	s22 =	sadd.f32 s30, s22;
	s31 =	spop (v2sf)  }
0x43: {  	[tilespmem:s21+$0x4030] =	vst v45;
	v48 =	vadd.f32 s25, v21;
	(v2sf) =	vpush v46, $0xF;
	v49, _, _ =	vpop (xrf2);
	s23 =	sadd.f32 s31, s23;
	s28 =	spop (v2sf)  }
0x44: {  	[tilespmem:s21+$0x6030] =	vst v47;
	v50 =	vadd.f32 s24, v62;
	(v2sf) =	vpush v49, $0xF;
	s25 =	sadd.f32 s28, s25;
	s29 =	spop (v2sf)  }
0x45: {  	[tilespmem:s21+$0x40] =	vst v48;
	v51 =	vadd.f32 s22, v22;
	s24 =	sadd.f32 s29, s24;
	s30 =	spop (v2sf)  }
0x46: {  	[tilespmem:s21+$0x2040] =	vst v50;
	v52 =	vadd.f32 s23, v24;
	s22 =	sadd.f32 s30, s22;
	s31 =	spop (v2sf)  }
0x47: {  	[tilespmem:s21+$0x4040] =	vst v51;
	v53 =	vadd.f32 s25, v26;
	s23 =	sadd.f32 s31, s23;
	s28 =	spop (v2sf)  }
0x48: {  	[tilespmem:s21+$0x6040] =	vst v52;
	v54 =	vadd.f32 s24, v29;
	s25 =	sadd.f32 s28, s25;
	s29 =	spop (v2sf)  }
0x49: {  	[tilespmem:s21+$0x50] =	vst v53;
	v1 =	vadd.f32 s22, v30;
	s24 =	sadd.f32 s29, s24;
	s30 =	spop (v2sf)  }
0x4a: {  	[tilespmem:s21+$0x2050] =	vst v54;
	v55 =	vadd.f32 s23, v32;
	s22 =	sadd.f32 s30, s22;
	s31 =	spop (v2sf)  }
0x4b: {  	[tilespmem:s21+$0x4050] =	vst v1;
	v56 =	vadd.f32 s25, v34;
	s23 =	sadd.f32 s31, s23;
	s28 =	spop (v2sf)  }
0x4c: {  	[tilespmem:s21+$0x6050] =	vst v55;
	v57 =	vadd.f32 s24, v36;
	s25 =	sadd.f32 s28, s25;
	s29 =	spop (v2sf)  }
0x4d: {  	[tilespmem:s21+$0x60] =	vst v56;
	v58 =	vadd.f32 s22, v38;
	s24 =	sadd.f32 s29, s24;
	s30 =	spop (v2sf)  }
0x4e: {  	[tilespmem:s21+$0x2060] =	vst v57;
	v59 =	vadd.f32 s23, v40;
	s22 =	sadd.f32 s30, s22;
	s31 =	spop (v2sf)  }
0x4f: {  	p0 =	sne.s32 s20, $0x7E00;
	[tilespmem:s21+$0x4060] =	vst v58;
	v60 =	vadd.f32 s25, v42;
	s23 =	sadd.f32 s31, s23  }
.Ltmp0:
0x50: {  	[tilespmem:s21+$0x6060] =	vst v59;
	s28 =	spop (v2sf);
	v61 =	vadd.f32 s24, v44;
	(pc) =	sbr.rel @p0 .LBB2_2-.Ltmp0, $4  }
0x51: {  	[tilespmem:s21+$0x70] =	vst v60;
	s25 =	sadd.f32 s28, s25;
	s29 =	spop (v2sf);
	v62 =	vadd.f32 s22, v46  }
0x52: {  	[tilespmem:s21+$0x2070] =	vst v61;
	s24 =	sadd.f32 s29, s24;
	s30 =	spop (v2sf);
	v63 =	vadd.f32 s23, v49  }
0x53: {  	[tilespmem:s21+$0x4070] =	vst v62;
	s22 =	sadd.f32 s30, s22;
	s31 =	spop (v2sf)  }
0x54: {  	s20 =	sadd.s32 $0x200, s20;
	[tilespmem:s21+$0x6070] =	vst v63;
	s23 =	sadd.f32 s31, s23  }
0x55: {  	s20 =	simm.s32 $0x0  }
0x56: {  	v1 =	vld [tilespmem:s20+$0x2000]  }
0x57: {  	v2 =	vld [tilespmem:s20+$0x4000]  }
0x58: {  	s21 =	sadd.f32 s24, s25;
	v3 =	vld [tilespmem:s20+$0x6000]  }
0x59: {  	v4 =	vld [tilespmem:s20+$0x2010]  }
0x5a: {  	v0 =	vmov s25;
	v5 =	vld [tilespmem:s20+$0x4010];
	s22 =	sadd.f32 s22, s21  }
0x5b: {  	v7 =	vld [tilespmem:s20+$0x6010];
	v6 =	vadd.f32 v1, v0;
	v1 =	vmov s21  }
0x5c: {  	v8 =	vld [tilespmem:s20+$0x2020];
	v9 =	vadd.f32 v2, v1;
	v2 =	vmov s22  }
0x5d: {  	[tilespmem:s20+$0x2000] =	vst v6;
	v6 =	vld [tilespmem:s20+$0x4020];
	v3 =	vadd.f32 v3, v2  }
0x5e: {  	v4 =	vadd.f32 v4, v0;
	[tilespmem:s20+$0x4000] =	vst v9;
	v9 =	vld [tilespmem:s20+$0x6020]  }
0x5f: {  	v5 =	vadd.f32 v5, v1;
	[tilespmem:s20+$0x6000] =	vst v3;
	v3 =	vld [tilespmem:s20+$0x2030]  }
0x60: {  	[tilespmem:s20+$0x2010] =	vst v4;
	v4 =	vld [tilespmem:s20+$0x4030];
	v7 =	vadd.f32 v7, v2  }
0x61: {  	v8 =	vadd.f32 v8, v0;
	[tilespmem:s20+$0x4010] =	vst v5;
	v5 =	vld [tilespmem:s20+$0x6030]  }
0x62: {  	[tilespmem:s20+$0x6010] =	vst v7;
	v7 =	vld [tilespmem:s20+$0x2040];
	v6 =	vadd.f32 v6, v1  }
0x63: {  	[tilespmem:s20+$0x2020] =	vst v8;
	v8 =	vld [tilespmem:s20+$0x4040];
	v9 =	vadd.f32 v9, v2  }
0x64: {  	[tilespmem:s20+$0x4020] =	vst v6;
	v6 =	vld [tilespmem:s20+$0x6040];
	v3 =	vadd.f32 v3, v0  }
0x65: {  	v4 =	vadd.f32 v4, v1;
	[tilespmem:s20+$0x6020] =	vst v9;
	v9 =	vld [tilespmem:s20+$0x2050]  }
0x66: {  	v10 =	vld [tilespmem:s20+$0x4050];
	[tilespmem:s20+$0x2030] =	vst v3;
	v3 =	vadd.f32 v5, v2  }
0x67: {  	v11 =	vld [tilespmem:s20+$0x6050];
	[tilespmem:s20+$0x4030] =	vst v4;
	v5 =	vadd.f32 v7, v0  }
0x68: {  	v4 =	vld [tilespmem:s20+$0x2060];
	v7 =	vadd.f32 v8, v1;
	[tilespmem:s20+$0x6030] =	vst v3  }
0x69: {  	[tilespmem:s20+$0x2040] =	vst v5;
	v3 =	vld [tilespmem:s20+$0x4060];
	v6 =	vadd.f32 v6, v2  }
0x6a: {  	[tilespmem:s20+$0x4040] =	vst v7;
	v5 =	vld [tilespmem:s20+$0x6060];
	v7 =	vadd.f32 v9, v0  }
0x6b: {  	v9 =	vadd.f32 v10, v1;
	[tilespmem:s20+$0x6040] =	vst v6;
	v6 =	vld [tilespmem:s20+$0x2070]  }
0x6c: {  	s21 =	simm.s32 $0x200;
	v8 =	vadd.f32 v11, v2;
	[tilespmem:s20+$0x2050] =	vst v7;
	v7 =	vld [tilespmem:s20+$0x4070]  }
.LBB2_4:
0x6d: {  	s22 =	sshra.s32 s21, $0x2;
	p0 =	sne.s32 s21, $0x7E00;
	[tilespmem:s20+$0x4050] =	vst v9;
	v4 =	vadd.f32 v4, v0;
	v9 =	vld [tilespmem:s20+$0x6070]  }
0x6e: {  	v10 =	vld [tilespmem:s22+$0x2000];
	[tilespmem:s20+$0x6050] =	vst v8;
	v3 =	vadd.f32 v3, v1  }
0x6f: {  	v8 =	vld [tilespmem:s22+$0x4000];
	[tilespmem:s20+$0x2060] =	vst v4;
	v4 =	vadd.f32 v5, v2  }
0x70: {  	v5 =	vld [tilespmem:s22+$0x6000];
	[tilespmem:s20+$0x4060] =	vst v3;
	v3 =	vadd.f32 v6, v0  }
0x71: {  	v6 =	vld [tilespmem:s22+$0x2010];
	[tilespmem:s20+$0x6060] =	vst v4;
	v4 =	vadd.f32 v7, v1  }
0x72: {  	v7 =	vld [tilespmem:s22+$0x4010];
	[tilespmem:s20+$0x2070] =	vst v3;
	v3 =	vadd.f32 v9, v2  }
0x73: {  	v9 =	vadd.f32 v10, v0;
	v10 =	vld [tilespmem:s22+$0x6010];
	[tilespmem:s20+$0x4070] =	vst v4  }
0x74: {  	v4 =	vadd.f32 v8, v1;
	v8 =	vld [tilespmem:s22+$0x2020];
	[tilespmem:s20+$0x6070] =	vst v3;
	s20 =	smov.u32 s22  }
0x75: {  	[tilespmem:s20+$0x2000] =	vst v9;
	v3 =	vadd.f32 v5, v2;
	v5 =	vld [tilespmem:s20+$0x4020]  }
0x76: {  	[tilespmem:s20+$0x4000] =	vst v4;
	v4 =	vadd.f32 v6, v0;
	v6 =	vld [tilespmem:s20+$0x6020]  }
0x77: {  	[tilespmem:s20+$0x6000] =	vst v3;
	v3 =	vadd.f32 v7, v1;
	v7 =	vld [tilespmem:s20+$0x2030]  }
0x78: {  	[tilespmem:s20+$0x2010] =	vst v4;
	v4 =	vadd.f32 v10, v2;
	v9 =	vld [tilespmem:s20+$0x4030]  }
0x79: {  	[tilespmem:s20+$0x4010] =	vst v3;
	v3 =	vadd.f32 v8, v0;
	v8 =	vld [tilespmem:s20+$0x6030]  }
0x7a: {  	[tilespmem:s20+$0x6010] =	vst v4;
	v4 =	vadd.f32 v5, v1;
	v5 =	vld [tilespmem:s20+$0x2040]  }
0x7b: {  	[tilespmem:s20+$0x2020] =	vst v3;
	v3 =	vadd.f32 v6, v2;
	v6 =	vld [tilespmem:s20+$0x4040]  }
0x7c: {  	[tilespmem:s20+$0x4020] =	vst v4;
	v4 =	vadd.f32 v7, v0;
	v7 =	vld [tilespmem:s20+$0x6040]  }
0x7d: {  	[tilespmem:s20+$0x6020] =	vst v3;
	v3 =	vadd.f32 v9, v1;
	v9 =	vld [tilespmem:s20+$0x2050]  }
0x7e: {  	[tilespmem:s20+$0x2030] =	vst v4;
	v4 =	vadd.f32 v8, v2;
	v8 =	vld [tilespmem:s20+$0x4050]  }
0x7f: {  	[tilespmem:s20+$0x4030] =	vst v3;
	v3 =	vadd.f32 v5, v0;
	v10 =	vld [tilespmem:s20+$0x6050]  }
.Ltmp1:
0x80: {  	[tilespmem:s20+$0x6030] =	vst v4;
	v5 =	vadd.f32 v6, v1;
	v4 =	vld [tilespmem:s20+$0x2060];
	(pc) =	sbr.rel @p0 .LBB2_4-.Ltmp1, $4  }
0x81: {  	[tilespmem:s20+$0x2040] =	vst v3;
	v6 =	vadd.f32 v7, v2;
	v3 =	vld [tilespmem:s20+$0x4060]  }
0x82: {  	[tilespmem:s20+$0x4040] =	vst v5;
	v7 =	vadd.f32 v9, v0;
	v5 =	vld [tilespmem:s20+$0x6060]  }
0x83: {  	[tilespmem:s20+$0x6040] =	vst v6;
	v9 =	vadd.f32 v8, v1;
	v6 =	vld [tilespmem:s20+$0x2070]  }
0x84: {  	s21 =	sadd.s32 $0x200, s21;
	[tilespmem:s20+$0x2050] =	vst v7;
	v8 =	vadd.f32 v10, v2;
	v7 =	vld [tilespmem:s20+$0x4070]  }
0x85: {  	[tilespmem:s20+$0x4050] =	vst v9;
	v4 =	vadd.f32 v4, v0;
	v59 =	vld [tilespmem:s20+$0x6070]  }
0x86: {  	[tilespmem:s20+$0x6050] =	vst v8;
	v3 =	vadd.f32 v3, v1  }
0x87: {  	[tilespmem:s20+$0x2060] =	vst v4;
	v60 =	vadd.f32 v5, v2  }
0x88: {  	[tilespmem:s20+$0x4060] =	vst v3;
	v61 =	vadd.f32 v6, v0  }
0x89: {  	[tilespmem:s20+$0x6060] =	vst v60;
	v62 =	vadd.f32 v7, v1  }
0x8a: {  	[tilespmem:s20+$0x2070] =	vst v61;
	v63 =	vadd.f32 v59, v2  }
0x8b: {  	[tilespmem:s20+$0x4070] =	vst v62  }
0x8c: {  	[tilespmem:s20+$0x6070] =	vst v63;
	s20 =	simm.s32 $0x0  }
0x8d: {  	[hbm4b:s5+s12] =	stream.strided.scatter [tilespmem:s20], [sflag:$0x3], $0x8000, s13, s12, $0x38;
	[tilespmem:$0x10000] =	vst v63  }
0x8e: {  	_ =	swait.ge [sflag:s16], $0x8000  }
0x8f: {  	[sflag:s16] =	ssyncset.done $0x0  }
0x90: {  	[sflag:s16] =	ssyncadd.s32 $0xFFFF8000  }
0x91: {  	_ =	swait.ge [sflag:s17], $0x8000  }
0x92: {  	s23 =	simm.f32 $0.0e+00;
	s22 =	simm.f32 $0.0e+00;
	[sflag:s17] =	ssyncset.done $0x0  }
0x93: {  	s24 =	simm.f32 $0.0e+00;
	s25 =	simm.f32 $0.0e+00;
	[sflag:s17] =	ssyncadd.s32 $0xFFFF8000  }
0x94: {  	[tilespmem:s20], [sflag:$0x1] =	stream.strided.gather [hbm4b:s6+s12], $0x8000, s13, s12, $0x38;
	[tilespmem:$0x10000] =	vst v63  }
.LBB2_6:
0x95: {  	s21 =	sshra.s32 s20, $0x2  }
0x96: {  	v0 =	vld [tilespmem:s21+$0x8000]  }
0x97: {  	v1 =	vld [tilespmem:s21+$0xA000]  }
0x98: {  	v2 =	vld [tilespmem:s21+$0xC000]  }
0x99: {  	v3 =	vld [tilespmem:s21+$0xE000]  }
0x9a: {  	v4 =	vld [tilespmem:s21+$0x8010]  }
0x9b: {  	v35 =	vld [tilespmem:s21+$0xA010];
	(xrf2) =	vadd.scan.msk.f32 $0xffff, v0  }
0x9c: {  	v36 =	vld [tilespmem:s21+$0xC010];
	(xrf2) =	vadd.scan.msk.f32 $0xffff, v1  }
0x9d: {  	v37 =	vld [tilespmem:s21+$0xE010];
	(xrf2) =	vadd.scan.msk.f32 $0xffff, v2  }
0x9e: {  	v38 =	vld [tilespmem:s21+$0x8020];
	(xrf2) =	vadd.scan.msk.f32 $0xffff, v3  }
0x9f: {  	v39 =	vld [tilespmem:s21+$0xA020];
	(xrf2) =	vadd.scan.msk.f32 $0xffff, v4  }
0xa0: {  	v40 =	vld [tilespmem:s21+$0xC020];
	(xrf2) =	vadd.scan.msk.f32 $0xffff, v35  }
0xa1: {  	v41 =	vld [tilespmem:s21+$0xE020];
	(xrf2) =	vadd.scan.msk.f32 $0xffff, v36  }
0xa2: {  	v42 =	vld [tilespmem:s21+$0x8030];
	(xrf2) =	vadd.scan.msk.f32 $0xffff, v37  }
0xa3: {  	v43 =	vld [tilespmem:s21+$0xA030];
	(xrf2) =	vadd.scan.msk.f32 $0xffff, v38  }
0xa4: {  	v44 =	vld [tilespmem:s21+$0xC030];
	(xrf2) =	vadd.scan.msk.f32 $0xffff, v39  }
0xa5: {  	v45 =	vld [tilespmem:s21+$0xE030];
	v5, _, _ =	vpop (xrf2);
	(xrf2) =	vadd.scan.msk.f32 $0xffff, v40  }
0xa6: {  	v46 =	vld [tilespmem:s21+$0x8040];
	(v2sf) =	vpush v5, $0xF;
	v6, _, _ =	vpop (xrf2);
	(xrf2) =	vadd.scan.msk.f32 $0xffff, v41  }
0xa7: {  	v47 =	vld [tilespmem:s21+$0xA040];
	(v2sf) =	vpush v6, $0xF;
	v7, _, _ =	vpop (xrf2);
	(xrf2) =	vadd.scan.msk.f32 $0xffff, v42  }
0xa8: {  	v48 =	vld [tilespmem:s21+$0xC040];
	(v2sf) =	vpush v7, $0xF;
	v8, _, _ =	vpop (xrf2);
	(xrf2) =	vadd.scan.msk.f32 $0xffff, v43  }
0xa9: {  	v49 =	vld [tilespmem:s21+$0xE040];
	(v2sf) =	vpush v8, $0xF;
	v9, _, _ =	vpop (xrf2);
	(xrf2) =	vadd.scan.msk.f32 $0xffff, v44  }
0xaa: {  	v50 =	vld [tilespmem:s21+$0x8050];
	(v2sf) =	vpush v9, $0xF;
	v10, _, _ =	vpop (xrf2);
	(xrf2) =	vadd.scan.msk.f32 $0xffff, v45  }
0xab: {  	v51 =	vld [tilespmem:s21+$0xA050];
	(v2sf) =	vpush v10, $0xF;
	v11, _, _ =	vpop (xrf2);
	(xrf2) =	vadd.scan.msk.f32 $0xffff, v46  }
0xac: {  	v52 =	vld [tilespmem:s21+$0xC050];
	(v2sf) =	vpush v11, $0xF;
	v12, _, _ =	vpop (xrf2);
	(xrf2) =	vadd.scan.msk.f32 $0xffff, v47  }
0xad: {  	v53 =	vld [tilespmem:s21+$0xE050];
	(v2sf) =	vpush v12, $0xF;
	v13, _, _ =	vpop (xrf2);
	(xrf2) =	vadd.scan.msk.f32 $0xffff, v48  }
0xae: {  	v54 =	vld [tilespmem:s21+$0x8060];
	(v2sf) =	vpush v13, $0xF;
	v14, _, _ =	vpop (xrf2);
	(xrf2) =	vadd.scan.msk.f32 $0xffff, v49  }
0xaf: {  	v55 =	vld [tilespmem:s21+$0xA060];
	(v2sf) =	vpush v14, $0xF;
	v15, _, _ =	vpop (xrf2);
	(xrf2) =	vadd.scan.msk.f32 $0xffff, v50  }
0xb0: {  	v56 =	vld [tilespmem:s21+$0xC060];
	(v2sf) =	vpush v15, $0xF;
	v16, _, _ =	vpop (xrf2);
	(xrf2) =	vadd.scan.msk.f32 $0xffff, v51  }
0xb1: {  	v57 =	vld [tilespmem:s21+$0xE060];
	(v2sf) =	vpush v16, $0xF;
	v17, _, _ =	vpop (xrf2);
	(xrf2) =	vadd.scan.msk.f32 $0xffff, v52  }
0xb2: {  	(v2sf) =	vpush v17, $0xF;
	v18, _, _ =	vpop (xrf2);
	(xrf2) =	vadd.scan.msk.f32 $0xffff, v53  }
0xb3: {  	v58 =	vld [tilespmem:s21+$0x8070];
	(v2sf) =	vpush v18, $0xF;
	v19, _, _ =	vpop (xrf2);
	(xrf2) =	vadd.scan.msk.f32 $0xffff, v54  }
0xb4: {  	v59 =	vld [tilespmem:s21+$0xA070];
	(v2sf) =	vpush v19, $0xF;
	v20, _, _ =	vpop (xrf2);
	(xrf2) =	vadd.scan.msk.f32 $0xffff, v55  }
0xb5: {  	v60 =	vld [tilespmem:s21+$0xC070];
	v5 =	vadd.f32 s25, v5;
	s26 =	spop (v2sf);
	(v2sf) =	vpush v20, $0xF;
	v21, _, _ =	vpop (xrf2);
	(xrf2) =	vadd.scan.msk.f32 $0xffff, v56  }
0xb6: {  	v61 =	vld [tilespmem:s21+$0xE070];
	v6 =	vadd.f32 s24, v6;
	v62, _, _ =	vpop (xrf2);
	(xrf2) =	vadd.scan.msk.f32 $0xffff, v57;
	s25 =	sadd.f32 s26, s25;
	s29 =	spop (v2sf);
	(v2sf) =	vpush v21, $0xF  }
0xb7: {  	[tilespmem:s21+$0x8000] =	vst v5;
	v63 =	vadd.f32 s22, v7;
	v22, _, _ =	vpop (xrf2);
	s24 =	sadd.f32 s29, s24;
	s30 =	spop (v2sf);
	(v2sf) =	vpush v62, $0xF  }
0xb8: {  	[tilespmem:s21+$0xA000] =	vst v6;
	v23 =	vadd.f32 s23, v8;
	(xrf2) =	vadd.scan.msk.f32 $0xffff, v58;
	v24, _, _ =	vpop (xrf2);
	s22 =	sadd.f32 s30, s22;
	s31 =	spop (v2sf);
	(v2sf) =	vpush v22, $0xF  }
0xb9: {  	[tilespmem:s21+$0xC000] =	vst v63;
	(xrf2) =	vadd.scan.msk.f32 $0xffff, v59;
	v25 =	vadd.f32 s25, v9;
	v26, _, _ =	vpop (xrf2);
	s23 =	sadd.f32 s31, s23;
	s28 =	spop (v2sf);
	(v2sf) =	vpush v24, $0xF  }
0xba: {  	[tilespmem:s21+$0xE000] =	vst v23;
	(xrf2) =	vadd.scan.msk.f32 $0xffff, v60;
	v27 =	vadd.f32 s24, v10;
	s25 =	sadd.f32 s28, s25;
	s29 =	spop (v2sf);
	(v2sf) =	vpush v26, $0xF;
	v29, _, _ =	vpop (xrf2)  }
0xbb: {  	[tilespmem:s21+$0x8010] =	vst v25;
	v28 =	vadd.f32 s22, v11;
	(xrf2) =	vadd.scan.msk.f32 $0xffff, v61;
	v30, _, _ =	vpop (xrf2);
	s24 =	sadd.f32 s29, s24;
	s30 =	spop (v2sf);
	(v2sf) =	vpush v29, $0xF  }
0xbc: {  	[tilespmem:s21+$0xA010] =	vst v27;
	v31 =	vadd.f32 s23, v12;
	v32, _, _ =	vpop (xrf2);
	s22 =	sadd.f32 s30, s22;
	s31 =	spop (v2sf);
	(v2sf) =	vpush v30, $0xF  }
0xbd: {  	[tilespmem:s21+$0xC010] =	vst v28;
	v33 =	vadd.f32 s25, v13;
	v34, _, _ =	vpop (xrf2);
	s23 =	sadd.f32 s31, s23;
	s28 =	spop (v2sf);
	(v2sf) =	vpush v32, $0xF  }
0xbe: {  	[tilespmem:s21+$0xE010] =	vst v31;
	v35 =	vadd.f32 s24, v14;
	v36, _, _ =	vpop (xrf2);
	s25 =	sadd.f32 s28, s25;
	s29 =	spop (v2sf);
	(v2sf) =	vpush v34, $0xF  }
0xbf: {  	[tilespmem:s21+$0x8020] =	vst v33;
	v37 =	vadd.f32 s22, v15;
	v38, _, _ =	vpop (xrf2);
	s24 =	sadd.f32 s29, s24;
	s30 =	spop (v2sf);
	(v2sf) =	vpush v36, $0xF  }
0xc0: {  	[tilespmem:s21+$0xA020] =	vst v35;
	v39 =	vadd.f32 s23, v16;
	v40, _, _ =	vpop (xrf2);
	s22 =	sadd.f32 s30, s22;
	s31 =	spop (v2sf);
	(v2sf) =	vpush v38, $0xF  }
0xc1: {  	[tilespmem:s21+$0xC020] =	vst v37;
	v41 =	vadd.f32 s25, v17;
	s23 =	sadd.f32 s31, s23;
	s28 =	spop (v2sf);
	(v2sf) =	vpush v40, $0xF  }
0xc2: {  	v42, _, _ =	vpop (xrf2);
	[tilespmem:s21+$0xE020] =	vst v39;
	v43 =	vadd.f32 s24, v18;
	s25 =	sadd.f32 s28, s25;
	s29 =	spop (v2sf)  }
0xc3: {  	v44, _, _ =	vpop (xrf2);
	[tilespmem:s21+$0x8030] =	vst v41;
	v45 =	vadd.f32 s22, v19;
	(v2sf) =	vpush v42, $0xF;
	s24 =	sadd.f32 s29, s24;
	s30 =	spop (v2sf)  }
0xc4: {  	v46, _, _ =	vpop (xrf2);
	[tilespmem:s21+$0xA030] =	vst v43;
	v47 =	vadd.f32 s23, v20;
	(v2sf) =	vpush v44, $0xF;
	s22 =	sadd.f32 s30, s22;
	s31 =	spop (v2sf)  }
0xc5: {  	[tilespmem:s21+$0xC030] =	vst v45;
	v48 =	vadd.f32 s25, v21;
	(v2sf) =	vpush v46, $0xF;
	v49, _, _ =	vpop (xrf2);
	s23 =	sadd.f32 s31, s23;
	s28 =	spop (v2sf)  }
0xc6: {  	[tilespmem:s21+$0xE030] =	vst v47;
	v50 =	vadd.f32 s24, v62;
	(v2sf) =	vpush v49, $0xF;
	s25 =	sadd.f32 s28, s25;
	s29 =	spop (v2sf)  }
0xc7: {  	[tilespmem:s21+$0x8040] =	vst v48;
	v51 =	vadd.f32 s22, v22;
	s24 =	sadd.f32 s29, s24;
	s30 =	spop (v2sf)  }
0xc8: {  	[tilespmem:s21+$0xA040] =	vst v50;
	v52 =	vadd.f32 s23, v24;
	s22 =	sadd.f32 s30, s22;
	s31 =	spop (v2sf)  }
0xc9: {  	[tilespmem:s21+$0xC040] =	vst v51;
	v53 =	vadd.f32 s25, v26;
	s23 =	sadd.f32 s31, s23;
	s28 =	spop (v2sf)  }
0xca: {  	[tilespmem:s21+$0xE040] =	vst v52;
	v54 =	vadd.f32 s24, v29;
	s25 =	sadd.f32 s28, s25;
	s29 =	spop (v2sf)  }
0xcb: {  	[tilespmem:s21+$0x8050] =	vst v53;
	v1 =	vadd.f32 s22, v30;
	s24 =	sadd.f32 s29, s24;
	s30 =	spop (v2sf)  }
0xcc: {  	[tilespmem:s21+$0xA050] =	vst v54;
	v55 =	vadd.f32 s23, v32;
	s22 =	sadd.f32 s30, s22;
	s31 =	spop (v2sf)  }
0xcd: {  	[tilespmem:s21+$0xC050] =	vst v1;
	v56 =	vadd.f32 s25, v34;
	s23 =	sadd.f32 s31, s23;
	s28 =	spop (v2sf)  }
0xce: {  	[tilespmem:s21+$0xE050] =	vst v55;
	v57 =	vadd.f32 s24, v36;
	s25 =	sadd.f32 s28, s25;
	s29 =	spop (v2sf)  }
0xcf: {  	[tilespmem:s21+$0x8060] =	vst v56;
	v58 =	vadd.f32 s22, v38;
	s24 =	sadd.f32 s29, s24;
	s30 =	spop (v2sf)  }
0xd0: {  	[tilespmem:s21+$0xA060] =	vst v57;
	v59 =	vadd.f32 s23, v40;
	s22 =	sadd.f32 s30, s22;
	s31 =	spop (v2sf)  }
0xd1: {  	p0 =	sne.s32 s20, $0x7E00;
	[tilespmem:s21+$0xC060] =	vst v58;
	v60 =	vadd.f32 s25, v42;
	s23 =	sadd.f32 s31, s23  }
.Ltmp2:
0xd2: {  	[tilespmem:s21+$0xE060] =	vst v59;
	s28 =	spop (v2sf);
	v61 =	vadd.f32 s24, v44;
	(pc) =	sbr.rel @p0 .LBB2_6-.Ltmp2, $4  }
0xd3: {  	[tilespmem:s21+$0x8070] =	vst v60;
	s25 =	sadd.f32 s28, s25;
	s29 =	spop (v2sf);
	v62 =	vadd.f32 s22, v46  }
0xd4: {  	[tilespmem:s21+$0xA070] =	vst v61;
	s24 =	sadd.f32 s29, s24;
	s30 =	spop (v2sf);
	v63 =	vadd.f32 s23, v49  }
0xd5: {  	[tilespmem:s21+$0xC070] =	vst v62;
	s22 =	sadd.f32 s30, s22;
	s31 =	spop (v2sf)  }
0xd6: {  	s20 =	sadd.s32 $0x200, s20;
	[tilespmem:s21+$0xE070] =	vst v63;
	s23 =	sadd.f32 s31, s23  }
0xd7: {  	s20 =	simm.s32 $0x0  }
0xd8: {  	v1 =	vld [tilespmem:s20+$0xA000]  }
0xd9: {  	v2 =	vld [tilespmem:s20+$0xC000]  }
0xda: {  	s21 =	sadd.f32 s24, s25;
	v3 =	vld [tilespmem:s20+$0xE000]  }
0xdb: {  	v4 =	vld [tilespmem:s20+$0xA010]  }
0xdc: {  	v0 =	vmov s25;
	v5 =	vld [tilespmem:s20+$0xC010];
	s22 =	sadd.f32 s22, s21  }
0xdd: {  	v7 =	vld [tilespmem:s20+$0xE010];
	v6 =	vadd.f32 v1, v0;
	v1 =	vmov s21  }
0xde: {  	v8 =	vld [tilespmem:s20+$0xA020];
	v9 =	vadd.f32 v2, v1;
	v2 =	vmov s22  }
0xdf: {  	[tilespmem:s20+$0xA000] =	vst v6;
	v6 =	vld [tilespmem:s20+$0xC020];
	v3 =	vadd.f32 v3, v2  }
0xe0: {  	v4 =	vadd.f32 v4, v0;
	[tilespmem:s20+$0xC000] =	vst v9;
	v9 =	vld [tilespmem:s20+$0xE020]  }
0xe1: {  	v5 =	vadd.f32 v5, v1;
	[tilespmem:s20+$0xE000] =	vst v3;
	v3 =	vld [tilespmem:s20+$0xA030]  }
0xe2: {  	[tilespmem:s20+$0xA010] =	vst v4;
	v4 =	vld [tilespmem:s20+$0xC030];
	v7 =	vadd.f32 v7, v2  }
0xe3: {  	v8 =	vadd.f32 v8, v0;
	[tilespmem:s20+$0xC010] =	vst v5;
	v5 =	vld [tilespmem:s20+$0xE030]  }
0xe4: {  	[tilespmem:s20+$0xE010] =	vst v7;
	v7 =	vld [tilespmem:s20+$0xA040];
	v6 =	vadd.f32 v6, v1  }
0xe5: {  	[tilespmem:s20+$0xA020] =	vst v8;
	v8 =	vld [tilespmem:s20+$0xC040];
	v9 =	vadd.f32 v9, v2  }
0xe6: {  	[tilespmem:s20+$0xC020] =	vst v6;
	v6 =	vld [tilespmem:s20+$0xE040];
	v3 =	vadd.f32 v3, v0  }
0xe7: {  	v4 =	vadd.f32 v4, v1;
	[tilespmem:s20+$0xE020] =	vst v9;
	v9 =	vld [tilespmem:s20+$0xA050]  }
0xe8: {  	v10 =	vld [tilespmem:s20+$0xC050];
	[tilespmem:s20+$0xA030] =	vst v3;
	v3 =	vadd.f32 v5, v2  }
0xe9: {  	v11 =	vld [tilespmem:s20+$0xE050];
	[tilespmem:s20+$0xC030] =	vst v4;
	v5 =	vadd.f32 v7, v0  }
0xea: {  	v4 =	vld [tilespmem:s20+$0xA060];
	v7 =	vadd.f32 v8, v1;
	[tilespmem:s20+$0xE030] =	vst v3  }
0xeb: {  	[tilespmem:s20+$0xA040] =	vst v5;
	v3 =	vld [tilespmem:s20+$0xC060];
	v6 =	vadd.f32 v6, v2  }
0xec: {  	[tilespmem:s20+$0xC040] =	vst v7;
	v5 =	vld [tilespmem:s20+$0xE060];
	v7 =	vadd.f32 v9, v0  }
0xed: {  	v9 =	vadd.f32 v10, v1;
	[tilespmem:s20+$0xE040] =	vst v6;
	v6 =	vld [tilespmem:s20+$0xA070]  }
0xee: {  	s21 =	simm.s32 $0x200;
	v8 =	vadd.f32 v11, v2;
	[tilespmem:s20+$0xA050] =	vst v7;
	v7 =	vld [tilespmem:s20+$0xC070]  }
.LBB2_8:
0xef: {  	s22 =	sshra.s32 s21, $0x2;
	p0 =	sne.s32 s21, $0x7E00;
	[tilespmem:s20+$0xC050] =	vst v9;
	v4 =	vadd.f32 v4, v0;
	v9 =	vld [tilespmem:s20+$0xE070]  }
0xf0: {  	v10 =	vld [tilespmem:s22+$0xA000];
	[tilespmem:s20+$0xE050] =	vst v8;
	v3 =	vadd.f32 v3, v1  }
0xf1: {  	v8 =	vld [tilespmem:s22+$0xC000];
	[tilespmem:s20+$0xA060] =	vst v4;
	v4 =	vadd.f32 v5, v2  }
0xf2: {  	v5 =	vld [tilespmem:s22+$0xE000];
	[tilespmem:s20+$0xC060] =	vst v3;
	v3 =	vadd.f32 v6, v0  }
0xf3: {  	v6 =	vld [tilespmem:s22+$0xA010];
	[tilespmem:s20+$0xE060] =	vst v4;
	v4 =	vadd.f32 v7, v1  }
0xf4: {  	v7 =	vld [tilespmem:s22+$0xC010];
	[tilespmem:s20+$0xA070] =	vst v3;
	v3 =	vadd.f32 v9, v2  }
0xf5: {  	v9 =	vadd.f32 v10, v0;
	v10 =	vld [tilespmem:s22+$0xE010];
	[tilespmem:s20+$0xC070] =	vst v4  }
0xf6: {  	v4 =	vadd.f32 v8, v1;
	v8 =	vld [tilespmem:s22+$0xA020];
	[tilespmem:s20+$0xE070] =	vst v3;
	s20 =	smov.u32 s22  }
0xf7: {  	[tilespmem:s20+$0xA000] =	vst v9;
	v3 =	vadd.f32 v5, v2;
	v5 =	vld [tilespmem:s20+$0xC020]  }
0xf8: {  	[tilespmem:s20+$0xC000] =	vst v4;
	v4 =	vadd.f32 v6, v0;
	v6 =	vld [tilespmem:s20+$0xE020]  }
0xf9: {  	[tilespmem:s20+$0xE000] =	vst v3;
	v3 =	vadd.f32 v7, v1;
	v7 =	vld [tilespmem:s20+$0xA030]  }
0xfa: {  	[tilespmem:s20+$0xA010] =	vst v4;
	v4 =	vadd.f32 v10, v2;
	v9 =	vld [tilespmem:s20+$0xC030]  }
0xfb: {  	[tilespmem:s20+$0xC010] =	vst v3;
	v3 =	vadd.f32 v8, v0;
	v8 =	vld [tilespmem:s20+$0xE030]  }
0xfc: {  	[tilespmem:s20+$0xE010] =	vst v4;
	v4 =	vadd.f32 v5, v1;
	v5 =	vld [tilespmem:s20+$0xA040]  }
0xfd: {  	[tilespmem:s20+$0xA020] =	vst v3;
	v3 =	vadd.f32 v6, v2;
	v6 =	vld [tilespmem:s20+$0xC040]  }
0xfe: {  	[tilespmem:s20+$0xC020] =	vst v4;
	v4 =	vadd.f32 v7, v0;
	v7 =	vld [tilespmem:s20+$0xE040]  }
0xff: {  	[tilespmem:s20+$0xE020] =	vst v3;
	v3 =	vadd.f32 v9, v1;
	v9 =	vld [tilespmem:s20+$0xA050]  }
0x100: {  	[tilespmem:s20+$0xA030] =	vst v4;
	v4 =	vadd.f32 v8, v2;
	v8 =	vld [tilespmem:s20+$0xC050]  }
0x101: {  	[tilespmem:s20+$0xC030] =	vst v3;
	v3 =	vadd.f32 v5, v0;
	v10 =	vld [tilespmem:s20+$0xE050]  }
.Ltmp3:
0x102: {  	[tilespmem:s20+$0xE030] =	vst v4;
	v5 =	vadd.f32 v6, v1;
	v4 =	vld [tilespmem:s20+$0xA060];
	(pc) =	sbr.rel @p0 .LBB2_8-.Ltmp3, $4  }
0x103: {  	[tilespmem:s20+$0xA040] =	vst v3;
	v6 =	vadd.f32 v7, v2;
	v3 =	vld [tilespmem:s20+$0xC060]  }
0x104: {  	[tilespmem:s20+$0xC040] =	vst v5;
	v7 =	vadd.f32 v9, v0;
	v5 =	vld [tilespmem:s20+$0xE060]  }
0x105: {  	[tilespmem:s20+$0xE040] =	vst v6;
	v9 =	vadd.f32 v8, v1;
	v6 =	vld [tilespmem:s20+$0xA070]  }
0x106: {  	s21 =	sadd.s32 $0x200, s21;
	[tilespmem:s20+$0xA050] =	vst v7;
	v8 =	vadd.f32 v10, v2;
	v7 =	vld [tilespmem:s20+$0xC070]  }
0x107: {  	[tilespmem:s20+$0xC050] =	vst v9;
	v4 =	vadd.f32 v4, v0;
	v59 =	vld [tilespmem:s20+$0xE070]  }
0x108: {  	[tilespmem:s20+$0xE050] =	vst v8;
	v3 =	vadd.f32 v3, v1  }
0x109: {  	[tilespmem:s20+$0xA060] =	vst v4;
	v60 =	vadd.f32 v5, v2  }
0x10a: {  	[tilespmem:s20+$0xC060] =	vst v3;
	v61 =	vadd.f32 v6, v0  }
0x10b: {  	[tilespmem:s20+$0xE060] =	vst v60;
	v62 =	vadd.f32 v7, v1  }
0x10c: {  	[tilespmem:s20+$0xA070] =	vst v61;
	v63 =	vadd.f32 v59, v2  }
0x10d: {  	[tilespmem:s20+$0xC070] =	vst v62  }
0x10e: {  	[tilespmem:s20+$0xE070] =	vst v63  }
0x10f: {  	[hbm4b:s7+s12] =	stream.strided.scatter [tilespmem:s15], [sflag:$0x4], $0x8000, s13, s12, $0x38;
	[tilespmem:$0x10000] =	vst v63  }
0x110: {  	_ =	swait.ge [sflag:s14], $0x8000  }
0x111: {  	[sflag:s14] =	ssyncset.done $0x0  }
0x112: {  	[sflag:s14] =	ssyncadd.s32 $0xFFFF8000  }
0x113: {  	s23 =	simm.f32 $0.0e+00;
	_ =	swait.ge [sflag:s18], $0x8000  }
0x114: {  	s22 =	simm.f32 $0.0e+00;
	s24 =	simm.f32 $0.0e+00;
	[sflag:s18] =	ssyncset.done $0x0  }
0x115: {  	s25 =	simm.f32 $0.0e+00;
	s20 =	simm.s32 $0x0;
	[sflag:s18] =	ssyncadd.s32 $0xFFFF8000  }
0x116: {  	[tilespmem:s15], [sflag:$0x2] =	stream.strided.gather [hbm4b:s8+s12], $0x8000, s13, s12, $0x38;
	[tilespmem:$0x10000] =	vst v63  }
.LBB2_10:
0x117: {  	s21 =	sshra.s32 s20, $0x2  }
0x118: {  	v0 =	vld [tilespmem:s21+$0x0]  }
0x119: {  	v1 =	vld [tilespmem:s21+$0x2000]  }
0x11a: {  	v2 =	vld [tilespmem:s21+$0x4000]  }
0x11b: {  	v3 =	vld [tilespmem:s21+$0x6000]  }
0x11c: {  	v4 =	vld [tilespmem:s21+$0x10]  }
0x11d: {  	v35 =	vld [tilespmem:s21+$0x2010];
	(xrf2) =	vadd.scan.msk.f32 $0xffff, v0  }
0x11e: {  	v36 =	vld [tilespmem:s21+$0x4010];
	(xrf2) =	vadd.scan.msk.f32 $0xffff, v1  }
0x11f: {  	v37 =	vld [tilespmem:s21+$0x6010];
	(xrf2) =	vadd.scan.msk.f32 $0xffff, v2  }
0x120: {  	v38 =	vld [tilespmem:s21+$0x20];
	(xrf2) =	vadd.scan.msk.f32 $0xffff, v3  }
0x121: {  	v39 =	vld [tilespmem:s21+$0x2020];
	(xrf2) =	vadd.scan.msk.f32 $0xffff, v4  }
0x122: {  	v40 =	vld [tilespmem:s21+$0x4020];
	(xrf2) =	vadd.scan.msk.f32 $0xffff, v35  }
0x123: {  	v41 =	vld [tilespmem:s21+$0x6020];
	(xrf2) =	vadd.scan.msk.f32 $0xffff, v36  }
0x124: {  	v42 =	vld [tilespmem:s21+$0x30];
	(xrf2) =	vadd.scan.msk.f32 $0xffff, v37  }
0x125: {  	v43 =	vld [tilespmem:s21+$0x2030];
	(xrf2) =	vadd.scan.msk.f32 $0xffff, v38  }
0x126: {  	v44 =	vld [tilespmem:s21+$0x4030];
	(xrf2) =	vadd.scan.msk.f32 $0xffff, v39  }
0x127: {  	v45 =	vld [tilespmem:s21+$0x6030];
	v5, _, _ =	vpop (xrf2);
	(xrf2) =	vadd.scan.msk.f32 $0xffff, v40  }
0x128: {  	v46 =	vld [tilespmem:s21+$0x40];
	(v2sf) =	vpush v5, $0xF;
	v6, _, _ =	vpop (xrf2);
	(xrf2) =	vadd.scan.msk.f32 $0xffff, v41  }
0x129: {  	v47 =	vld [tilespmem:s21+$0x2040];
	(v2sf) =	vpush v6, $0xF;
	v7, _, _ =	vpop (xrf2);
	(xrf2) =	vadd.scan.msk.f32 $0xffff, v42  }
0x12a: {  	v48 =	vld [tilespmem:s21+$0x4040];
	(v2sf) =	vpush v7, $0xF;
	v8, _, _ =	vpop (xrf2);
	(xrf2) =	vadd.scan.msk.f32 $0xffff, v43  }
0x12b: {  	v49 =	vld [tilespmem:s21+$0x6040];
	(v2sf) =	vpush v8, $0xF;
	v9, _, _ =	vpop (xrf2);
	(xrf2) =	vadd.scan.msk.f32 $0xffff, v44  }
0x12c: {  	v50 =	vld [tilespmem:s21+$0x50];
	(v2sf) =	vpush v9, $0xF;
	v10, _, _ =	vpop (xrf2);
	(xrf2) =	vadd.scan.msk.f32 $0xffff, v45  }
0x12d: {  	v51 =	vld [tilespmem:s21+$0x2050];
	(v2sf) =	vpush v10, $0xF;
	v11, _, _ =	vpop (xrf2);
	(xrf2) =	vadd.scan.msk.f32 $0xffff, v46  }
0x12e: {  	v52 =	vld [tilespmem:s21+$0x4050];
	(v2sf) =	vpush v11, $0xF;
	v12, _, _ =	vpop (xrf2);
	(xrf2) =	vadd.scan.msk.f32 $0xffff, v47  }
0x12f: {  	v53 =	vld [tilespmem:s21+$0x6050];
	(v2sf) =	vpush v12, $0xF;
	v13, _, _ =	vpop (xrf2);
	(xrf2) =	vadd.scan.msk.f32 $0xffff, v48  }
0x130: {  	v54 =	vld [tilespmem:s21+$0x60];
	(v2sf) =	vpush v13, $0xF;
	v14, _, _ =	vpop (xrf2);
	(xrf2) =	vadd.scan.msk.f32 $0xffff, v49  }
0x131: {  	v55 =	vld [tilespmem:s21+$0x2060];
	(v2sf) =	vpush v14, $0xF;
	v15, _, _ =	vpop (xrf2);
	(xrf2) =	vadd.scan.msk.f32 $0xffff, v50  }
0x132: {  	v56 =	vld [tilespmem:s21+$0x4060];
	(v2sf) =	vpush v15, $0xF;
	v16, _, _ =	vpop (xrf2);
	(xrf2) =	vadd.scan.msk.f32 $0xffff, v51  }
0x133: {  	v57 =	vld [tilespmem:s21+$0x6060];
	(v2sf) =	vpush v16, $0xF;
	v17, _, _ =	vpop (xrf2);
	(xrf2) =	vadd.scan.msk.f32 $0xffff, v52  }
0x134: {  	(v2sf) =	vpush v17, $0xF;
	v18, _, _ =	vpop (xrf2);
	(xrf2) =	vadd.scan.msk.f32 $0xffff, v53  }
0x135: {  	v58 =	vld [tilespmem:s21+$0x70];
	(v2sf) =	vpush v18, $0xF;
	v19, _, _ =	vpop (xrf2);
	(xrf2) =	vadd.scan.msk.f32 $0xffff, v54  }
0x136: {  	v59 =	vld [tilespmem:s21+$0x2070];
	(v2sf) =	vpush v19, $0xF;
	v20, _, _ =	vpop (xrf2);
	(xrf2) =	vadd.scan.msk.f32 $0xffff, v55  }
0x137: {  	v60 =	vld [tilespmem:s21+$0x4070];
	v5 =	vadd.f32 s25, v5;
	s26 =	spop (v2sf);
	(v2sf) =	vpush v20, $0xF;
	v21, _, _ =	vpop (xrf2);
	(xrf2) =	vadd.scan.msk.f32 $0xffff, v56  }
0x138: {  	v61 =	vld [tilespmem:s21+$0x6070];
	v6 =	vadd.f32 s24, v6;
	v62, _, _ =	vpop (xrf2);
	(xrf2) =	vadd.scan.msk.f32 $0xffff, v57;
	s25 =	sadd.f32 s26, s25;
	s29 =	spop (v2sf);
	(v2sf) =	vpush v21, $0xF  }
0x139: {  	[tilespmem:s21+$0x0] =	vst v5;
	v63 =	vadd.f32 s22, v7;
	v22, _, _ =	vpop (xrf2);
	s24 =	sadd.f32 s29, s24;
	s30 =	spop (v2sf);
	(v2sf) =	vpush v62, $0xF  }
0x13a: {  	[tilespmem:s21+$0x2000] =	vst v6;
	v23 =	vadd.f32 s23, v8;
	(xrf2) =	vadd.scan.msk.f32 $0xffff, v58;
	v24, _, _ =	vpop (xrf2);
	s22 =	sadd.f32 s30, s22;
	s31 =	spop (v2sf);
	(v2sf) =	vpush v22, $0xF  }
0x13b: {  	[tilespmem:s21+$0x4000] =	vst v63;
	(xrf2) =	vadd.scan.msk.f32 $0xffff, v59;
	v25 =	vadd.f32 s25, v9;
	v26, _, _ =	vpop (xrf2);
	s23 =	sadd.f32 s31, s23;
	s28 =	spop (v2sf);
	(v2sf) =	vpush v24, $0xF  }
0x13c: {  	[tilespmem:s21+$0x6000] =	vst v23;
	(xrf2) =	vadd.scan.msk.f32 $0xffff, v60;
	v27 =	vadd.f32 s24, v10;
	s25 =	sadd.f32 s28, s25;
	s29 =	spop (v2sf);
	(v2sf) =	vpush v26, $0xF;
	v29, _, _ =	vpop (xrf2)  }
0x13d: {  	[tilespmem:s21+$0x10] =	vst v25;
	v28 =	vadd.f32 s22, v11;
	(xrf2) =	vadd.scan.msk.f32 $0xffff, v61;
	v30, _, _ =	vpop (xrf2);
	s24 =	sadd.f32 s29, s24;
	s30 =	spop (v2sf);
	(v2sf) =	vpush v29, $0xF  }
0x13e: {  	[tilespmem:s21+$0x2010] =	vst v27;
	v31 =	vadd.f32 s23, v12;
	v32, _, _ =	vpop (xrf2);
	s22 =	sadd.f32 s30, s22;
	s31 =	spop (v2sf);
	(v2sf) =	vpush v30, $0xF  }
0x13f: {  	[tilespmem:s21+$0x4010] =	vst v28;
	v33 =	vadd.f32 s25, v13;
	v34, _, _ =	vpop (xrf2);
	s23 =	sadd.f32 s31, s23;
	s28 =	spop (v2sf);
	(v2sf) =	vpush v32, $0xF  }
0x140: {  	[tilespmem:s21+$0x6010] =	vst v31;
	v35 =	vadd.f32 s24, v14;
	v36, _, _ =	vpop (xrf2);
	s25 =	sadd.f32 s28, s25;
	s29 =	spop (v2sf);
	(v2sf) =	vpush v34, $0xF  }
0x141: {  	[tilespmem:s21+$0x20] =	vst v33;
	v37 =	vadd.f32 s22, v15;
	v38, _, _ =	vpop (xrf2);
	s24 =	sadd.f32 s29, s24;
	s30 =	spop (v2sf);
	(v2sf) =	vpush v36, $0xF  }
0x142: {  	[tilespmem:s21+$0x2020] =	vst v35;
	v39 =	vadd.f32 s23, v16;
	v40, _, _ =	vpop (xrf2);
	s22 =	sadd.f32 s30, s22;
	s31 =	spop (v2sf);
	(v2sf) =	vpush v38, $0xF  }
0x143: {  	[tilespmem:s21+$0x4020] =	vst v37;
	v41 =	vadd.f32 s25, v17;
	s23 =	sadd.f32 s31, s23;
	s28 =	spop (v2sf);
	(v2sf) =	vpush v40, $0xF  }
0x144: {  	v42, _, _ =	vpop (xrf2);
	[tilespmem:s21+$0x6020] =	vst v39;
	v43 =	vadd.f32 s24, v18;
	s25 =	sadd.f32 s28, s25;
	s29 =	spop (v2sf)  }
0x145: {  	v44, _, _ =	vpop (xrf2);
	[tilespmem:s21+$0x30] =	vst v41;
	v45 =	vadd.f32 s22, v19;
	(v2sf) =	vpush v42, $0xF;
	s24 =	sadd.f32 s29, s24;
	s30 =	spop (v2sf)  }
0x146: {  	v46, _, _ =	vpop (xrf2);
	[tilespmem:s21+$0x2030] =	vst v43;
	v47 =	vadd.f32 s23, v20;
	(v2sf) =	vpush v44, $0xF;
	s22 =	sadd.f32 s30, s22;
	s31 =	spop (v2sf)  }
0x147: {  	[tilespmem:s21+$0x4030] =	vst v45;
	v48 =	vadd.f32 s25, v21;
	(v2sf) =	vpush v46, $0xF;
	v49, _, _ =	vpop (xrf2);
	s23 =	sadd.f32 s31, s23;
	s28 =	spop (v2sf)  }
0x148: {  	[tilespmem:s21+$0x6030] =	vst v47;
	v50 =	vadd.f32 s24, v62;
	(v2sf) =	vpush v49, $0xF;
	s25 =	sadd.f32 s28, s25;
	s29 =	spop (v2sf)  }
0x149: {  	[tilespmem:s21+$0x40] =	vst v48;
	v51 =	vadd.f32 s22, v22;
	s24 =	sadd.f32 s29, s24;
	s30 =	spop (v2sf)  }
0x14a: {  	[tilespmem:s21+$0x2040] =	vst v50;
	v52 =	vadd.f32 s23, v24;
	s22 =	sadd.f32 s30, s22;
	s31 =	spop (v2sf)  }
0x14b: {  	[tilespmem:s21+$0x4040] =	vst v51;
	v53 =	vadd.f32 s25, v26;
	s23 =	sadd.f32 s31, s23;
	s28 =	spop (v2sf)  }
0x14c: {  	[tilespmem:s21+$0x6040] =	vst v52;
	v54 =	vadd.f32 s24, v29;
	s25 =	sadd.f32 s28, s25;
	s29 =	spop (v2sf)  }
0x14d: {  	[tilespmem:s21+$0x50] =	vst v53;
	v1 =	vadd.f32 s22, v30;
	s24 =	sadd.f32 s29, s24;
	s30 =	spop (v2sf)  }
0x14e: {  	[tilespmem:s21+$0x2050] =	vst v54;
	v55 =	vadd.f32 s23, v32;
	s22 =	sadd.f32 s30, s22;
	s31 =	spop (v2sf)  }
0x14f: {  	[tilespmem:s21+$0x4050] =	vst v1;
	v56 =	vadd.f32 s25, v34;
	s23 =	sadd.f32 s31, s23;
	s28 =	spop (v2sf)  }
0x150: {  	[tilespmem:s21+$0x6050] =	vst v55;
	v57 =	vadd.f32 s24, v36;
	s25 =	sadd.f32 s28, s25;
	s29 =	spop (v2sf)  }
0x151: {  	[tilespmem:s21+$0x60] =	vst v56;
	v58 =	vadd.f32 s22, v38;
	s24 =	sadd.f32 s29, s24;
	s30 =	spop (v2sf)  }
0x152: {  	[tilespmem:s21+$0x2060] =	vst v57;
	v59 =	vadd.f32 s23, v40;
	s22 =	sadd.f32 s30, s22;
	s31 =	spop (v2sf)  }
0x153: {  	p0 =	sne.s32 s20, $0x7E00;
	[tilespmem:s21+$0x4060] =	vst v58;
	v60 =	vadd.f32 s25, v42;
	s23 =	sadd.f32 s31, s23  }
.Ltmp4:
0x154: {  	[tilespmem:s21+$0x6060] =	vst v59;
	s28 =	spop (v2sf);
	v61 =	vadd.f32 s24, v44;
	(pc) =	sbr.rel @p0 .LBB2_10-.Ltmp4, $4  }
0x155: {  	[tilespmem:s21+$0x70] =	vst v60;
	s25 =	sadd.f32 s28, s25;
	s29 =	spop (v2sf);
	v62 =	vadd.f32 s22, v46  }
0x156: {  	[tilespmem:s21+$0x2070] =	vst v61;
	s24 =	sadd.f32 s29, s24;
	s30 =	spop (v2sf);
	v63 =	vadd.f32 s23, v49  }
0x157: {  	[tilespmem:s21+$0x4070] =	vst v62;
	s22 =	sadd.f32 s30, s22;
	s31 =	spop (v2sf)  }
0x158: {  	s20 =	sadd.s32 $0x200, s20;
	[tilespmem:s21+$0x6070] =	vst v63;
	s23 =	sadd.f32 s31, s23  }
0x159: {  	s20 =	simm.s32 $0x0  }
0x15a: {  	v1 =	vld [tilespmem:s20+$0x2000]  }
0x15b: {  	v2 =	vld [tilespmem:s20+$0x4000]  }
0x15c: {  	s21 =	sadd.f32 s24, s25;
	v3 =	vld [tilespmem:s20+$0x6000]  }
0x15d: {  	v4 =	vld [tilespmem:s20+$0x2010]  }
0x15e: {  	v0 =	vmov s25;
	v5 =	vld [tilespmem:s20+$0x4010];
	s22 =	sadd.f32 s22, s21  }
0x15f: {  	v7 =	vld [tilespmem:s20+$0x6010];
	v6 =	vadd.f32 v1, v0;
	v1 =	vmov s21  }
0x160: {  	v8 =	vld [tilespmem:s20+$0x2020];
	v9 =	vadd.f32 v2, v1;
	v2 =	vmov s22  }
0x161: {  	[tilespmem:s20+$0x2000] =	vst v6;
	v6 =	vld [tilespmem:s20+$0x4020];
	v3 =	vadd.f32 v3, v2  }
0x162: {  	v4 =	vadd.f32 v4, v0;
	[tilespmem:s20+$0x4000] =	vst v9;
	v9 =	vld [tilespmem:s20+$0x6020]  }
0x163: {  	v5 =	vadd.f32 v5, v1;
	[tilespmem:s20+$0x6000] =	vst v3;
	v3 =	vld [tilespmem:s20+$0x2030]  }
0x164: {  	[tilespmem:s20+$0x2010] =	vst v4;
	v4 =	vld [tilespmem:s20+$0x4030];
	v7 =	vadd.f32 v7, v2  }
0x165: {  	v8 =	vadd.f32 v8, v0;
	[tilespmem:s20+$0x4010] =	vst v5;
	v5 =	vld [tilespmem:s20+$0x6030]  }
0x166: {  	[tilespmem:s20+$0x6010] =	vst v7;
	v7 =	vld [tilespmem:s20+$0x2040];
	v6 =	vadd.f32 v6, v1  }
0x167: {  	[tilespmem:s20+$0x2020] =	vst v8;
	v8 =	vld [tilespmem:s20+$0x4040];
	v9 =	vadd.f32 v9, v2  }
0x168: {  	[tilespmem:s20+$0x4020] =	vst v6;
	v6 =	vld [tilespmem:s20+$0x6040];
	v3 =	vadd.f32 v3, v0  }
0x169: {  	v4 =	vadd.f32 v4, v1;
	[tilespmem:s20+$0x6020] =	vst v9;
	v9 =	vld [tilespmem:s20+$0x2050]  }
0x16a: {  	v10 =	vld [tilespmem:s20+$0x4050];
	[tilespmem:s20+$0x2030] =	vst v3;
	v3 =	vadd.f32 v5, v2  }
0x16b: {  	v11 =	vld [tilespmem:s20+$0x6050];
	[tilespmem:s20+$0x4030] =	vst v4;
	v5 =	vadd.f32 v7, v0  }
0x16c: {  	v4 =	vld [tilespmem:s20+$0x2060];
	v7 =	vadd.f32 v8, v1;
	[tilespmem:s20+$0x6030] =	vst v3  }
0x16d: {  	[tilespmem:s20+$0x2040] =	vst v5;
	v3 =	vld [tilespmem:s20+$0x4060];
	v6 =	vadd.f32 v6, v2  }
0x16e: {  	[tilespmem:s20+$0x4040] =	vst v7;
	v5 =	vld [tilespmem:s20+$0x6060];
	v7 =	vadd.f32 v9, v0  }
0x16f: {  	v9 =	vadd.f32 v10, v1;
	[tilespmem:s20+$0x6040] =	vst v6;
	v6 =	vld [tilespmem:s20+$0x2070]  }
0x170: {  	s21 =	simm.s32 $0x200;
	v8 =	vadd.f32 v11, v2;
	[tilespmem:s20+$0x2050] =	vst v7;
	v7 =	vld [tilespmem:s20+$0x4070]  }
.LBB2_12:
0x171: {  	s22 =	sshra.s32 s21, $0x2;
	p0 =	sne.s32 s21, $0x7E00;
	[tilespmem:s20+$0x4050] =	vst v9;
	v4 =	vadd.f32 v4, v0;
	v9 =	vld [tilespmem:s20+$0x6070]  }
0x172: {  	v10 =	vld [tilespmem:s22+$0x2000];
	[tilespmem:s20+$0x6050] =	vst v8;
	v3 =	vadd.f32 v3, v1  }
0x173: {  	v8 =	vld [tilespmem:s22+$0x4000];
	[tilespmem:s20+$0x2060] =	vst v4;
	v4 =	vadd.f32 v5, v2  }
0x174: {  	v5 =	vld [tilespmem:s22+$0x6000];
	[tilespmem:s20+$0x4060] =	vst v3;
	v3 =	vadd.f32 v6, v0  }
0x175: {  	v6 =	vld [tilespmem:s22+$0x2010];
	[tilespmem:s20+$0x6060] =	vst v4;
	v4 =	vadd.f32 v7, v1  }
0x176: {  	v7 =	vld [tilespmem:s22+$0x4010];
	[tilespmem:s20+$0x2070] =	vst v3;
	v3 =	vadd.f32 v9, v2  }
0x177: {  	v9 =	vadd.f32 v10, v0;
	v10 =	vld [tilespmem:s22+$0x6010];
	[tilespmem:s20+$0x4070] =	vst v4  }
0x178: {  	v4 =	vadd.f32 v8, v1;
	v8 =	vld [tilespmem:s22+$0x2020];
	[tilespmem:s20+$0x6070] =	vst v3;
	s20 =	smov.u32 s22  }
0x179: {  	[tilespmem:s20+$0x2000] =	vst v9;
	v3 =	vadd.f32 v5, v2;
	v5 =	vld [tilespmem:s20+$0x4020]  }
0x17a: {  	[tilespmem:s20+$0x4000] =	vst v4;
	v4 =	vadd.f32 v6, v0;
	v6 =	vld [tilespmem:s20+$0x6020]  }
0x17b: {  	[tilespmem:s20+$0x6000] =	vst v3;
	v3 =	vadd.f32 v7, v1;
	v7 =	vld [tilespmem:s20+$0x2030]  }
0x17c: {  	[tilespmem:s20+$0x2010] =	vst v4;
	v4 =	vadd.f32 v10, v2;
	v9 =	vld [tilespmem:s20+$0x4030]  }
0x17d: {  	[tilespmem:s20+$0x4010] =	vst v3;
	v3 =	vadd.f32 v8, v0;
	v8 =	vld [tilespmem:s20+$0x6030]  }
0x17e: {  	[tilespmem:s20+$0x6010] =	vst v4;
	v4 =	vadd.f32 v5, v1;
	v5 =	vld [tilespmem:s20+$0x2040]  }
0x17f: {  	[tilespmem:s20+$0x2020] =	vst v3;
	v3 =	vadd.f32 v6, v2;
	v6 =	vld [tilespmem:s20+$0x4040]  }
0x180: {  	[tilespmem:s20+$0x4020] =	vst v4;
	v4 =	vadd.f32 v7, v0;
	v7 =	vld [tilespmem:s20+$0x6040]  }
0x181: {  	[tilespmem:s20+$0x6020] =	vst v3;
	v3 =	vadd.f32 v9, v1;
	v9 =	vld [tilespmem:s20+$0x2050]  }
0x182: {  	[tilespmem:s20+$0x2030] =	vst v4;
	v4 =	vadd.f32 v8, v2;
	v8 =	vld [tilespmem:s20+$0x4050]  }
0x183: {  	[tilespmem:s20+$0x4030] =	vst v3;
	v3 =	vadd.f32 v5, v0;
	v10 =	vld [tilespmem:s20+$0x6050]  }
.Ltmp5:
0x184: {  	[tilespmem:s20+$0x6030] =	vst v4;
	v5 =	vadd.f32 v6, v1;
	v4 =	vld [tilespmem:s20+$0x2060];
	(pc) =	sbr.rel @p0 .LBB2_12-.Ltmp5, $4  }
0x185: {  	[tilespmem:s20+$0x2040] =	vst v3;
	v6 =	vadd.f32 v7, v2;
	v3 =	vld [tilespmem:s20+$0x4060]  }
0x186: {  	[tilespmem:s20+$0x4040] =	vst v5;
	v7 =	vadd.f32 v9, v0;
	v5 =	vld [tilespmem:s20+$0x6060]  }
0x187: {  	[tilespmem:s20+$0x6040] =	vst v6;
	v9 =	vadd.f32 v8, v1;
	v6 =	vld [tilespmem:s20+$0x2070]  }
0x188: {  	s21 =	sadd.s32 $0x200, s21;
	[tilespmem:s20+$0x2050] =	vst v7;
	v8 =	vadd.f32 v10, v2;
	v7 =	vld [tilespmem:s20+$0x4070]  }
0x189: {  	[tilespmem:s20+$0x4050] =	vst v9;
	v4 =	vadd.f32 v4, v0;
	v59 =	vld [tilespmem:s20+$0x6070]  }
0x18a: {  	[tilespmem:s20+$0x6050] =	vst v8;
	v3 =	vadd.f32 v3, v1  }
0x18b: {  	[tilespmem:s20+$0x2060] =	vst v4;
	v60 =	vadd.f32 v5, v2  }
0x18c: {  	[tilespmem:s20+$0x4060] =	vst v3;
	v61 =	vadd.f32 v6, v0  }
0x18d: {  	[tilespmem:s20+$0x6060] =	vst v60;
	v62 =	vadd.f32 v7, v1  }
0x18e: {  	[tilespmem:s20+$0x2070] =	vst v61;
	v63 =	vadd.f32 v59, v2  }
0x18f: {  	[tilespmem:s20+$0x4070] =	vst v62  }
0x190: {  	[tilespmem:s20+$0x6070] =	vst v63;
	s20 =	simm.s32 $0x0  }
0x191: {  	[hbm4b:s9+s12] =	stream.strided.scatter [tilespmem:s20], [sflag:$0x3], $0x8000, s13, s12, $0x38;
	[tilespmem:$0x10000] =	vst v63  }
0x192: {  	_ =	swait.ge [sflag:s16], $0x8000  }
0x193: {  	s23 =	simm.f32 $0.0e+00;
	s22 =	simm.f32 $0.0e+00;
	[sflag:s16] =	ssyncset.done $0x0  }
0x194: {  	s24 =	simm.f32 $0.0e+00;
	s25 =	simm.f32 $0.0e+00;
	[sflag:s16] =	ssyncadd.s32 $0xFFFF8000  }
.LBB2_14:
0x195: {  	s21 =	sshra.s32 s20, $0x2  }
0x196: {  	v0 =	vld [tilespmem:s21+$0x8000]  }
0x197: {  	v1 =	vld [tilespmem:s21+$0xA000]  }
0x198: {  	v2 =	vld [tilespmem:s21+$0xC000]  }
0x199: {  	v3 =	vld [tilespmem:s21+$0xE000]  }
0x19a: {  	v4 =	vld [tilespmem:s21+$0x8010]  }
0x19b: {  	v35 =	vld [tilespmem:s21+$0xA010];
	(xrf2) =	vadd.scan.msk.f32 $0xffff, v0  }
0x19c: {  	v36 =	vld [tilespmem:s21+$0xC010];
	(xrf2) =	vadd.scan.msk.f32 $0xffff, v1  }
0x19d: {  	v37 =	vld [tilespmem:s21+$0xE010];
	(xrf2) =	vadd.scan.msk.f32 $0xffff, v2  }
0x19e: {  	v38 =	vld [tilespmem:s21+$0x8020];
	(xrf2) =	vadd.scan.msk.f32 $0xffff, v3  }
0x19f: {  	v39 =	vld [tilespmem:s21+$0xA020];
	(xrf2) =	vadd.scan.msk.f32 $0xffff, v4  }
0x1a0: {  	v40 =	vld [tilespmem:s21+$0xC020];
	(xrf2) =	vadd.scan.msk.f32 $0xffff, v35  }
0x1a1: {  	v41 =	vld [tilespmem:s21+$0xE020];
	(xrf2) =	vadd.scan.msk.f32 $0xffff, v36  }
0x1a2: {  	v42 =	vld [tilespmem:s21+$0x8030];
	(xrf2) =	vadd.scan.msk.f32 $0xffff, v37  }
0x1a3: {  	v43 =	vld [tilespmem:s21+$0xA030];
	(xrf2) =	vadd.scan.msk.f32 $0xffff, v38  }
0x1a4: {  	v44 =	vld [tilespmem:s21+$0xC030];
	(xrf2) =	vadd.scan.msk.f32 $0xffff, v39  }
0x1a5: {  	v45 =	vld [tilespmem:s21+$0xE030];
	v5, _, _ =	vpop (xrf2);
	(xrf2) =	vadd.scan.msk.f32 $0xffff, v40  }
0x1a6: {  	v46 =	vld [tilespmem:s21+$0x8040];
	(v2sf) =	vpush v5, $0xF;
	v6, _, _ =	vpop (xrf2);
	(xrf2) =	vadd.scan.msk.f32 $0xffff, v41  }
0x1a7: {  	v47 =	vld [tilespmem:s21+$0xA040];
	(v2sf) =	vpush v6, $0xF;
	v7, _, _ =	vpop (xrf2);
	(xrf2) =	vadd.scan.msk.f32 $0xffff, v42  }
0x1a8: {  	v48 =	vld [tilespmem:s21+$0xC040];
	(v2sf) =	vpush v7, $0xF;
	v8, _, _ =	vpop (xrf2);
	(xrf2) =	vadd.scan.msk.f32 $0xffff, v43  }
0x1a9: {  	v49 =	vld [tilespmem:s21+$0xE040];
	(v2sf) =	vpush v8, $0xF;
	v9, _, _ =	vpop (xrf2);
	(xrf2) =	vadd.scan.msk.f32 $0xffff, v44  }
0x1aa: {  	v50 =	vld [tilespmem:s21+$0x8050];
	(v2sf) =	vpush v9, $0xF;
	v10, _, _ =	vpop (xrf2);
	(xrf2) =	vadd.scan.msk.f32 $0xffff, v45  }
0x1ab: {  	v51 =	vld [tilespmem:s21+$0xA050];
	(v2sf) =	vpush v10, $0xF;
	v11, _, _ =	vpop (xrf2);
	(xrf2) =	vadd.scan.msk.f32 $0xffff, v46  }
0x1ac: {  	v52 =	vld [tilespmem:s21+$0xC050];
	(v2sf) =	vpush v11, $0xF;
	v12, _, _ =	vpop (xrf2);
	(xrf2) =	vadd.scan.msk.f32 $0xffff, v47  }
0x1ad: {  	v53 =	vld [tilespmem:s21+$0xE050];
	(v2sf) =	vpush v12, $0xF;
	v13, _, _ =	vpop (xrf2);
	(xrf2) =	vadd.scan.msk.f32 $0xffff, v48  }
0x1ae: {  	v54 =	vld [tilespmem:s21+$0x8060];
	(v2sf) =	vpush v13, $0xF;
	v14, _, _ =	vpop (xrf2);
	(xrf2) =	vadd.scan.msk.f32 $0xffff, v49  }
0x1af: {  	v55 =	vld [tilespmem:s21+$0xA060];
	(v2sf) =	vpush v14, $0xF;
	v15, _, _ =	vpop (xrf2);
	(xrf2) =	vadd.scan.msk.f32 $0xffff, v50  }
0x1b0: {  	v56 =	vld [tilespmem:s21+$0xC060];
	(v2sf) =	vpush v15, $0xF;
	v16, _, _ =	vpop (xrf2);
	(xrf2) =	vadd.scan.msk.f32 $0xffff, v51  }
0x1b1: {  	v57 =	vld [tilespmem:s21+$0xE060];
	(v2sf) =	vpush v16, $0xF;
	v17, _, _ =	vpop (xrf2);
	(xrf2) =	vadd.scan.msk.f32 $0xffff, v52  }
0x1b2: {  	(v2sf) =	vpush v17, $0xF;
	v18, _, _ =	vpop (xrf2);
	(xrf2) =	vadd.scan.msk.f32 $0xffff, v53  }
0x1b3: {  	v58 =	vld [tilespmem:s21+$0x8070];
	(v2sf) =	vpush v18, $0xF;
	v19, _, _ =	vpop (xrf2);
	(xrf2) =	vadd.scan.msk.f32 $0xffff, v54  }
0x1b4: {  	v59 =	vld [tilespmem:s21+$0xA070];
	(v2sf) =	vpush v19, $0xF;
	v20, _, _ =	vpop (xrf2);
	(xrf2) =	vadd.scan.msk.f32 $0xffff, v55  }
0x1b5: {  	v60 =	vld [tilespmem:s21+$0xC070];
	v5 =	vadd.f32 s25, v5;
	s26 =	spop (v2sf);
	(v2sf) =	vpush v20, $0xF;
	v21, _, _ =	vpop (xrf2);
	(xrf2) =	vadd.scan.msk.f32 $0xffff, v56  }
0x1b6: {  	v61 =	vld [tilespmem:s21+$0xE070];
	v6 =	vadd.f32 s24, v6;
	v62, _, _ =	vpop (xrf2);
	(xrf2) =	vadd.scan.msk.f32 $0xffff, v57;
	s25 =	sadd.f32 s26, s25;
	s29 =	spop (v2sf);
	(v2sf) =	vpush v21, $0xF  }
0x1b7: {  	[tilespmem:s21+$0x8000] =	vst v5;
	v63 =	vadd.f32 s22, v7;
	v22, _, _ =	vpop (xrf2);
	s24 =	sadd.f32 s29, s24;
	s30 =	spop (v2sf);
	(v2sf) =	vpush v62, $0xF  }
0x1b8: {  	[tilespmem:s21+$0xA000] =	vst v6;
	v23 =	vadd.f32 s23, v8;
	(xrf2) =	vadd.scan.msk.f32 $0xffff, v58;
	v24, _, _ =	vpop (xrf2);
	s22 =	sadd.f32 s30, s22;
	s31 =	spop (v2sf);
	(v2sf) =	vpush v22, $0xF  }
0x1b9: {  	[tilespmem:s21+$0xC000] =	vst v63;
	(xrf2) =	vadd.scan.msk.f32 $0xffff, v59;
	v25 =	vadd.f32 s25, v9;
	v26, _, _ =	vpop (xrf2);
	s23 =	sadd.f32 s31, s23;
	s28 =	spop (v2sf);
	(v2sf) =	vpush v24, $0xF  }
0x1ba: {  	[tilespmem:s21+$0xE000] =	vst v23;
	(xrf2) =	vadd.scan.msk.f32 $0xffff, v60;
	v27 =	vadd.f32 s24, v10;
	s25 =	sadd.f32 s28, s25;
	s29 =	spop (v2sf);
	(v2sf) =	vpush v26, $0xF;
	v29, _, _ =	vpop (xrf2)  }
0x1bb: {  	[tilespmem:s21+$0x8010] =	vst v25;
	v28 =	vadd.f32 s22, v11;
	(xrf2) =	vadd.scan.msk.f32 $0xffff, v61;
	v30, _, _ =	vpop (xrf2);
	s24 =	sadd.f32 s29, s24;
	s30 =	spop (v2sf);
	(v2sf) =	vpush v29, $0xF  }
0x1bc: {  	[tilespmem:s21+$0xA010] =	vst v27;
	v31 =	vadd.f32 s23, v12;
	v32, _, _ =	vpop (xrf2);
	s22 =	sadd.f32 s30, s22;
	s31 =	spop (v2sf);
	(v2sf) =	vpush v30, $0xF  }
0x1bd: {  	[tilespmem:s21+$0xC010] =	vst v28;
	v33 =	vadd.f32 s25, v13;
	v34, _, _ =	vpop (xrf2);
	s23 =	sadd.f32 s31, s23;
	s28 =	spop (v2sf);
	(v2sf) =	vpush v32, $0xF  }
0x1be: {  	[tilespmem:s21+$0xE010] =	vst v31;
	v35 =	vadd.f32 s24, v14;
	v36, _, _ =	vpop (xrf2);
	s25 =	sadd.f32 s28, s25;
	s29 =	spop (v2sf);
	(v2sf) =	vpush v34, $0xF  }
0x1bf: {  	[tilespmem:s21+$0x8020] =	vst v33;
	v37 =	vadd.f32 s22, v15;
	v38, _, _ =	vpop (xrf2);
	s24 =	sadd.f32 s29, s24;
	s30 =	spop (v2sf);
	(v2sf) =	vpush v36, $0xF  }
0x1c0: {  	[tilespmem:s21+$0xA020] =	vst v35;
	v39 =	vadd.f32 s23, v16;
	v40, _, _ =	vpop (xrf2);
	s22 =	sadd.f32 s30, s22;
	s31 =	spop (v2sf);
	(v2sf) =	vpush v38, $0xF  }
0x1c1: {  	[tilespmem:s21+$0xC020] =	vst v37;
	v41 =	vadd.f32 s25, v17;
	s23 =	sadd.f32 s31, s23;
	s28 =	spop (v2sf);
	(v2sf) =	vpush v40, $0xF  }
0x1c2: {  	v42, _, _ =	vpop (xrf2);
	[tilespmem:s21+$0xE020] =	vst v39;
	v43 =	vadd.f32 s24, v18;
	s25 =	sadd.f32 s28, s25;
	s29 =	spop (v2sf)  }
0x1c3: {  	v44, _, _ =	vpop (xrf2);
	[tilespmem:s21+$0x8030] =	vst v41;
	v45 =	vadd.f32 s22, v19;
	(v2sf) =	vpush v42, $0xF;
	s24 =	sadd.f32 s29, s24;
	s30 =	spop (v2sf)  }
0x1c4: {  	v46, _, _ =	vpop (xrf2);
	[tilespmem:s21+$0xA030] =	vst v43;
	v47 =	vadd.f32 s23, v20;
	(v2sf) =	vpush v44, $0xF;
	s22 =	sadd.f32 s30, s22;
	s31 =	spop (v2sf)  }
0x1c5: {  	[tilespmem:s21+$0xC030] =	vst v45;
	v48 =	vadd.f32 s25, v21;
	(v2sf) =	vpush v46, $0xF;
	v49, _, _ =	vpop (xrf2);
	s23 =	sadd.f32 s31, s23;
	s28 =	spop (v2sf)  }
0x1c6: {  	[tilespmem:s21+$0xE030] =	vst v47;
	v50 =	vadd.f32 s24, v62;
	(v2sf) =	vpush v49, $0xF;
	s25 =	sadd.f32 s28, s25;
	s29 =	spop (v2sf)  }
0x1c7: {  	[tilespmem:s21+$0x8040] =	vst v48;
	v51 =	vadd.f32 s22, v22;
	s24 =	sadd.f32 s29, s24;
	s30 =	spop (v2sf)  }
0x1c8: {  	[tilespmem:s21+$0xA040] =	vst v50;
	v52 =	vadd.f32 s23, v24;
	s22 =	sadd.f32 s30, s22;
	s31 =	spop (v2sf)  }
0x1c9: {  	[tilespmem:s21+$0xC040] =	vst v51;
	v53 =	vadd.f32 s25, v26;
	s23 =	sadd.f32 s31, s23;
	s28 =	spop (v2sf)  }
0x1ca: {  	[tilespmem:s21+$0xE040] =	vst v52;
	v54 =	vadd.f32 s24, v29;
	s25 =	sadd.f32 s28, s25;
	s29 =	spop (v2sf)  }
0x1cb: {  	[tilespmem:s21+$0x8050] =	vst v53;
	v1 =	vadd.f32 s22, v30;
	s24 =	sadd.f32 s29, s24;
	s30 =	spop (v2sf)  }
0x1cc: {  	[tilespmem:s21+$0xA050] =	vst v54;
	v55 =	vadd.f32 s23, v32;
	s22 =	sadd.f32 s30, s22;
	s31 =	spop (v2sf)  }
0x1cd: {  	[tilespmem:s21+$0xC050] =	vst v1;
	v56 =	vadd.f32 s25, v34;
	s23 =	sadd.f32 s31, s23;
	s28 =	spop (v2sf)  }
0x1ce: {  	[tilespmem:s21+$0xE050] =	vst v55;
	v57 =	vadd.f32 s24, v36;
	s25 =	sadd.f32 s28, s25;
	s29 =	spop (v2sf)  }
0x1cf: {  	[tilespmem:s21+$0x8060] =	vst v56;
	v58 =	vadd.f32 s22, v38;
	s24 =	sadd.f32 s29, s24;
	s30 =	spop (v2sf)  }
0x1d0: {  	[tilespmem:s21+$0xA060] =	vst v57;
	v59 =	vadd.f32 s23, v40;
	s22 =	sadd.f32 s30, s22;
	s31 =	spop (v2sf)  }
0x1d1: {  	p0 =	sne.s32 s20, $0x7E00;
	[tilespmem:s21+$0xC060] =	vst v58;
	v60 =	vadd.f32 s25, v42;
	s23 =	sadd.f32 s31, s23  }
.Ltmp6:
0x1d2: {  	[tilespmem:s21+$0xE060] =	vst v59;
	s28 =	spop (v2sf);
	v61 =	vadd.f32 s24, v44;
	(pc) =	sbr.rel @p0 .LBB2_14-.Ltmp6, $4  }
0x1d3: {  	[tilespmem:s21+$0x8070] =	vst v60;
	s25 =	sadd.f32 s28, s25;
	s29 =	spop (v2sf);
	v62 =	vadd.f32 s22, v46  }
0x1d4: {  	[tilespmem:s21+$0xA070] =	vst v61;
	s24 =	sadd.f32 s29, s24;
	s30 =	spop (v2sf);
	v63 =	vadd.f32 s23, v49  }
0x1d5: {  	[tilespmem:s21+$0xC070] =	vst v62;
	s22 =	sadd.f32 s30, s22;
	s31 =	spop (v2sf)  }
0x1d6: {  	s20 =	sadd.s32 $0x200, s20;
	[tilespmem:s21+$0xE070] =	vst v63;
	s23 =	sadd.f32 s31, s23  }
0x1d7: {  	s20 =	simm.s32 $0x0  }
0x1d8: {  	v1 =	vld [tilespmem:s20+$0xA000]  }
0x1d9: {  	v2 =	vld [tilespmem:s20+$0xC000]  }
0x1da: {  	s21 =	sadd.f32 s24, s25;
	v3 =	vld [tilespmem:s20+$0xE000]  }
0x1db: {  	v4 =	vld [tilespmem:s20+$0xA010]  }
0x1dc: {  	v0 =	vmov s25;
	v5 =	vld [tilespmem:s20+$0xC010];
	s22 =	sadd.f32 s22, s21  }
0x1dd: {  	v7 =	vld [tilespmem:s20+$0xE010];
	v6 =	vadd.f32 v1, v0;
	v1 =	vmov s21  }
0x1de: {  	v8 =	vld [tilespmem:s20+$0xA020];
	v9 =	vadd.f32 v2, v1;
	v2 =	vmov s22  }
0x1df: {  	[tilespmem:s20+$0xA000] =	vst v6;
	v6 =	vld [tilespmem:s20+$0xC020];
	v3 =	vadd.f32 v3, v2  }
0x1e0: {  	v4 =	vadd.f32 v4, v0;
	[tilespmem:s20+$0xC000] =	vst v9;
	v9 =	vld [tilespmem:s20+$0xE020]  }
0x1e1: {  	v5 =	vadd.f32 v5, v1;
	[tilespmem:s20+$0xE000] =	vst v3;
	v3 =	vld [tilespmem:s20+$0xA030]  }
0x1e2: {  	[tilespmem:s20+$0xA010] =	vst v4;
	v4 =	vld [tilespmem:s20+$0xC030];
	v7 =	vadd.f32 v7, v2  }
0x1e3: {  	v8 =	vadd.f32 v8, v0;
	[tilespmem:s20+$0xC010] =	vst v5;
	v5 =	vld [tilespmem:s20+$0xE030]  }
0x1e4: {  	[tilespmem:s20+$0xE010] =	vst v7;
	v7 =	vld [tilespmem:s20+$0xA040];
	v6 =	vadd.f32 v6, v1  }
0x1e5: {  	[tilespmem:s20+$0xA020] =	vst v8;
	v8 =	vld [tilespmem:s20+$0xC040];
	v9 =	vadd.f32 v9, v2  }
0x1e6: {  	[tilespmem:s20+$0xC020] =	vst v6;
	v6 =	vld [tilespmem:s20+$0xE040];
	v3 =	vadd.f32 v3, v0  }
0x1e7: {  	v4 =	vadd.f32 v4, v1;
	[tilespmem:s20+$0xE020] =	vst v9;
	v9 =	vld [tilespmem:s20+$0xA050]  }
0x1e8: {  	v10 =	vld [tilespmem:s20+$0xC050];
	[tilespmem:s20+$0xA030] =	vst v3;
	v3 =	vadd.f32 v5, v2  }
0x1e9: {  	v11 =	vld [tilespmem:s20+$0xE050];
	[tilespmem:s20+$0xC030] =	vst v4;
	v5 =	vadd.f32 v7, v0  }
0x1ea: {  	v4 =	vld [tilespmem:s20+$0xA060];
	v7 =	vadd.f32 v8, v1;
	[tilespmem:s20+$0xE030] =	vst v3  }
0x1eb: {  	[tilespmem:s20+$0xA040] =	vst v5;
	v3 =	vld [tilespmem:s20+$0xC060];
	v6 =	vadd.f32 v6, v2  }
0x1ec: {  	[tilespmem:s20+$0xC040] =	vst v7;
	v5 =	vld [tilespmem:s20+$0xE060];
	v7 =	vadd.f32 v9, v0  }
0x1ed: {  	v9 =	vadd.f32 v10, v1;
	[tilespmem:s20+$0xE040] =	vst v6;
	v6 =	vld [tilespmem:s20+$0xA070]  }
0x1ee: {  	s21 =	simm.s32 $0x200;
	v8 =	vadd.f32 v11, v2;
	[tilespmem:s20+$0xA050] =	vst v7;
	v7 =	vld [tilespmem:s20+$0xC070]  }
.LBB2_16:
0x1ef: {  	s22 =	sshra.s32 s21, $0x2;
	p0 =	sne.s32 s21, $0x7E00;
	[tilespmem:s20+$0xC050] =	vst v9;
	v4 =	vadd.f32 v4, v0;
	v9 =	vld [tilespmem:s20+$0xE070]  }
0x1f0: {  	v10 =	vld [tilespmem:s22+$0xA000];
	[tilespmem:s20+$0xE050] =	vst v8;
	v3 =	vadd.f32 v3, v1  }
0x1f1: {  	v8 =	vld [tilespmem:s22+$0xC000];
	[tilespmem:s20+$0xA060] =	vst v4;
	v4 =	vadd.f32 v5, v2  }
0x1f2: {  	v5 =	vld [tilespmem:s22+$0xE000];
	[tilespmem:s20+$0xC060] =	vst v3;
	v3 =	vadd.f32 v6, v0  }
0x1f3: {  	v6 =	vld [tilespmem:s22+$0xA010];
	[tilespmem:s20+$0xE060] =	vst v4;
	v4 =	vadd.f32 v7, v1  }
0x1f4: {  	v7 =	vld [tilespmem:s22+$0xC010];
	[tilespmem:s20+$0xA070] =	vst v3;
	v3 =	vadd.f32 v9, v2  }
0x1f5: {  	v9 =	vadd.f32 v10, v0;
	v10 =	vld [tilespmem:s22+$0xE010];
	[tilespmem:s20+$0xC070] =	vst v4  }
0x1f6: {  	v4 =	vadd.f32 v8, v1;
	v8 =	vld [tilespmem:s22+$0xA020];
	[tilespmem:s20+$0xE070] =	vst v3;
	s20 =	smov.u32 s22  }
0x1f7: {  	[tilespmem:s20+$0xA000] =	vst v9;
	v3 =	vadd.f32 v5, v2;
	v5 =	vld [tilespmem:s20+$0xC020]  }
0x1f8: {  	[tilespmem:s20+$0xC000] =	vst v4;
	v4 =	vadd.f32 v6, v0;
	v6 =	vld [tilespmem:s20+$0xE020]  }
0x1f9: {  	[tilespmem:s20+$0xE000] =	vst v3;
	v3 =	vadd.f32 v7, v1;
	v7 =	vld [tilespmem:s20+$0xA030]  }
0x1fa: {  	[tilespmem:s20+$0xA010] =	vst v4;
	v4 =	vadd.f32 v10, v2;
	v9 =	vld [tilespmem:s20+$0xC030]  }
0x1fb: {  	[tilespmem:s20+$0xC010] =	vst v3;
	v3 =	vadd.f32 v8, v0;
	v8 =	vld [tilespmem:s20+$0xE030]  }
0x1fc: {  	[tilespmem:s20+$0xE010] =	vst v4;
	v4 =	vadd.f32 v5, v1;
	v5 =	vld [tilespmem:s20+$0xA040]  }
0x1fd: {  	[tilespmem:s20+$0xA020] =	vst v3;
	v3 =	vadd.f32 v6, v2;
	v6 =	vld [tilespmem:s20+$0xC040]  }
0x1fe: {  	[tilespmem:s20+$0xC020] =	vst v4;
	v4 =	vadd.f32 v7, v0;
	v7 =	vld [tilespmem:s20+$0xE040]  }
0x1ff: {  	[tilespmem:s20+$0xE020] =	vst v3;
	v3 =	vadd.f32 v9, v1;
	v9 =	vld [tilespmem:s20+$0xA050]  }
0x200: {  	[tilespmem:s20+$0xA030] =	vst v4;
	v4 =	vadd.f32 v8, v2;
	v8 =	vld [tilespmem:s20+$0xC050]  }
0x201: {  	[tilespmem:s20+$0xC030] =	vst v3;
	v3 =	vadd.f32 v5, v0;
	v10 =	vld [tilespmem:s20+$0xE050]  }
.Ltmp7:
0x202: {  	[tilespmem:s20+$0xE030] =	vst v4;
	v5 =	vadd.f32 v6, v1;
	v4 =	vld [tilespmem:s20+$0xA060];
	(pc) =	sbr.rel @p0 .LBB2_16-.Ltmp7, $4  }
0x203: {  	[tilespmem:s20+$0xA040] =	vst v3;
	v6 =	vadd.f32 v7, v2;
	v3 =	vld [tilespmem:s20+$0xC060]  }
0x204: {  	[tilespmem:s20+$0xC040] =	vst v5;
	v7 =	vadd.f32 v9, v0;
	v5 =	vld [tilespmem:s20+$0xE060]  }
0x205: {  	[tilespmem:s20+$0xE040] =	vst v6;
	v9 =	vadd.f32 v8, v1;
	v6 =	vld [tilespmem:s20+$0xA070]  }
0x206: {  	s21 =	sadd.s32 $0x200, s21;
	[tilespmem:s20+$0xA050] =	vst v7;
	v8 =	vadd.f32 v10, v2;
	v7 =	vld [tilespmem:s20+$0xC070]  }
0x207: {  	[tilespmem:s20+$0xC050] =	vst v9;
	v4 =	vadd.f32 v4, v0;
	v59 =	vld [tilespmem:s20+$0xE070]  }
0x208: {  	[tilespmem:s20+$0xE050] =	vst v8;
	v3 =	vadd.f32 v3, v1  }
0x209: {  	[tilespmem:s20+$0xA060] =	vst v4;
	v60 =	vadd.f32 v5, v2  }
0x20a: {  	[tilespmem:s20+$0xC060] =	vst v3;
	v61 =	vadd.f32 v6, v0  }
0x20b: {  	[tilespmem:s20+$0xE060] =	vst v60;
	v62 =	vadd.f32 v7, v1  }
0x20c: {  	[tilespmem:s20+$0xA070] =	vst v61;
	v63 =	vadd.f32 v59, v2  }
0x20d: {  	[tilespmem:s20+$0xC070] =	vst v62  }
0x20e: {  	s19 =	sadd.s32 $0x1, s19;
	[tilespmem:s20+$0xE070] =	vst v63  }
0x20f: {  	[hbm4b:s10+s12] =	stream.strided.scatter [tilespmem:s15], [sflag:$0x4], $0x8000, s13, s12, $0x38;
	[tilespmem:$0x10000] =	vst v63  }
0x210: {  	p0 =	sne.s32 s19, s11;
	_ =	swait.ge [sflag:s17], $0x8000  }
.Ltmp8:
0x211: {  	[sflag:s17] =	ssyncset.done $0x0;
	(pc) =	sbr.rel @p0 .LBB2_1-.Ltmp8, $4  }
0x212: {  	[sflag:s17] =	ssyncadd.s32 $0xFFFF8000  }
0x213: {  	_ =	swait.ge [sflag:s18], $0x8000  }
0x214: {  	[sflag:s18] =	ssyncset.done $0x0  }
0x215: {  	[sflag:s18] =	ssyncadd.s32 $0xFFFF8000  }
0x216: {  	_ =	sfence.sel $0x180000  }
0x217: {  	[bflag:$0x0] =	sbarrier.arrive $0xFFFF  }
0x218: {  	p0 =	sne.s32 s1, $0x0;
	_ =	strace $0x90000047  }
0x219: {  	s0 =	sadd.s32 @!p0 $0x100000, s0;
	[bflag:$0x2] =	sbarrier.arrive $0xFFFF  }
0x21a: {  	[sflag:s0] =	ssyncadd.tile.s32 @!p0 $0x1;
	_ =	shalt  }
.Lfunc_end2:
_tile_overlayer_lowered:
.L_overlay_start_2:
0x21b: {  	(tag) =	ssettag $0x2  }
0x21c: {  	s0 =	rddreg [dreg:$0x0];
	s2 =	stileid.u32  }
0x21d: {  	s1 =	rddreg [dreg:$0x1];
	p0 =	sne.s32 s2, $0x0  }
0x21e: {  	s3 =	rddreg [dreg:$0x2];
	[bflag:$0x3] =	sbarrier.arrive $0xFFFF;
	s2 =	simm.s32 @!p0 $0x1C05  }
0x21f: {  	[timem:s3], [sflag:s2] =	dma.local @!p0 [hbm:s0], s1  }
0x220: {  	s0 =	simm.s32 @!p0 $0x5  }
0x221: {  	_ =	swait.ge @!p0 [sflag:s0], s1  }
0x222: {  	s1 =	ssub.s32 @!p0 $0x0, s1;
	[sflag:s0] =	ssyncset.done @!p0 $0x0  }
0x223: {  	[sflag:s0] =	ssyncadd.s32 @!p0 s1  }
0x224: {  	[bflag:$0x3] =	sbarrier.arrive $0xFFFF  }
0x225: {  	_ =	shalt  }

</sc_bundles>
